<compile_context>
chip_gen: v7x
topology: tpu7x:2x2x1
jax: 0.10.2.dev20260603
libtpu: 0.0.44.dev20260713+nightly
codegen_flags: <defaults>
</compile_context>

<pallas_src>
import functools

import jax
import jax.numpy as jnp
from jax import lax
from jax.experimental import pallas as pl
from jax.experimental.pallas import tpu as pltpu
from jax.experimental.pallas import tpu_sc as plsc

NC = 2
NS = 16
NW = NC * NS

NBUF = 4
LAG = 2


def _sc_mesh():
    return plsc.VectorSubcoreMesh(
        core_axis_name="c", subcore_axis_name="s", num_cores=NC, num_subcores=NS
    )


def _make_deg_kernel(n, nchunks, bsz):
    fire = 25
    assert nchunks % fire == 0

    @functools.partial(
        pl.kernel,
        out_type=jax.ShapeDtypeStruct((NC * n,), jnp.float32),
        mesh=_sc_mesh(),
        scratch_types=[
            pltpu.VMEM((nchunks * bsz,), jnp.int32),
            pltpu.VMEM((bsz,), jnp.float32),
            pltpu.VMEM((n,), jnp.float32),
            pltpu.VMEM_SHARED((n,), jnp.float32),
            pltpu.SemaphoreType.DMA,
        ],
        compiler_params=pltpu.CompilerParams(use_tc_tiling_on_sc=False),
    )
    def deg_kernel(adj_hbm, out_hbm, dst_all, ones_v, deg_vmem, deg_sh, sem):
        cid = lax.axis_index("c")
        sid = lax.axis_index("s")
        wid = sid * NC + cid

        @pl.when(sid == 0)
        def _():
            def zero_rows(i, carry):
                deg_vmem[pl.ds(i * 16, 16)] = jnp.zeros((16,), jnp.float32)
                return carry

            lax.fori_loop(0, n // 16, zero_rows, 0)
            pltpu.sync_copy(deg_vmem, deg_sh)

        def init_ones(i, carry):
            ones_v[pl.ds(i * 16, 16)] = jnp.ones((16,), jnp.float32)
            return carry

        lax.fori_loop(0, (bsz + 15) // 16, init_ones, 0)
        epw = nchunks * bsz
        pltpu.sync_copy(adj_hbm.at[1, pl.ds(pl.multiple_of(wid * epw, 8), epw)],
                        dst_all)
        plsc.subcore_barrier()

        def block(t, carry):
            def chunk(i, c2):
                c = t * fire + i
                pltpu.async_copy(
                    ones_v, deg_sh.at[dst_all.at[pl.ds(c * bsz, bsz)]],
                    sem, add=True)
                return c2

            lax.fori_loop(0, fire, chunk, 0)

            def drain(i, c2):
                pltpu.make_async_copy(
                    ones_v, deg_sh.at[dst_all.at[pl.ds(0, bsz)]], sem).wait()
                return c2

            lax.fori_loop(0, fire, drain, 0)
            return carry

        lax.fori_loop(0, nchunks // fire, block, 0)
        plsc.subcore_barrier()

        @pl.when(sid == 0)
        def _():
            pltpu.sync_copy(deg_sh, deg_vmem)
            pltpu.sync_copy(deg_vmem, out_hbm.at[pl.ds(pl.multiple_of(cid * n, 8), n)])

    return deg_kernel


def _make_hop2x_kernel(n, h, nchunks, bsz, tail):
    hh = h // 2
    r_main = ((n // NS) + 7) // 8 * 8
    r_last = n - (NS - 1) * r_main
    assert r_last > 0 and r_last % 8 == 0
    def blocks(total):
        out = []
        off = 0
        while off < total:
            sz = min(bsz, total - off)
            out.append((off, sz))
            off += sz
        return out

    @functools.partial(
        pl.kernel,
        out_type=[
            jax.ShapeDtypeStruct((NC, n, hh), jnp.float32),
            jax.ShapeDtypeStruct((NC, n, hh), jnp.float32),
        ],
        mesh=_sc_mesh(),
        scratch_types=[
            pltpu.VMEM((nchunks * bsz + tail,), jnp.int32),
            pltpu.VMEM((nchunks * bsz + tail,), jnp.int32),
            pltpu.VMEM((NBUF, bsz, hh), jnp.float32),
            pltpu.VMEM((r_main + 16,), jnp.float32),
            pltpu.VMEM_SHARED((n, hh), jnp.float32),
            pltpu.SemaphoreType.DMA((NBUF,)),
            pltpu.SemaphoreType.DMA((NBUF,)),
        ],
        compiler_params=pltpu.CompilerParams(use_tc_tiling_on_sc=False),
    )
    def hop_kernel(g0_hbm, adj_hbm, zeros_hbm, d2_hbm,
                   out_hbm, g1_hbm,
                   src_all, dst_all, rows_v, d2_v, acc_sh, gsem, ssem):
        cid = lax.axis_index("c")
        sid = lax.axis_index("s")
        r0 = pl.multiple_of(sid * r_main, 8)

        ept = nchunks * bsz + tail
        t0 = pl.multiple_of(sid * ept, 8)
        pltpu.sync_copy(adj_hbm.at[0, pl.ds(t0, ept)], src_all)
        pltpu.sync_copy(adj_hbm.at[1, pl.ds(t0, ept)], dst_all)

        def zero_acc():
            @pl.when(sid < NS - 1)
            def _():
                pltpu.sync_copy(zeros_hbm.at[pl.ds(r0, r_main)],
                                acc_sh.at[pl.ds(r0, r_main)])

            @pl.when(sid == NS - 1)
            def _():
                pltpu.sync_copy(zeros_hbm.at[pl.ds((NS - 1) * r_main, r_last)],
                                acc_sh.at[pl.ds((NS - 1) * r_main, r_last)])

        @pl.when(sid < NS - 1)
        def _():
            pltpu.sync_copy(d2_hbm.at[pl.ds(r0, r_main)],
                            d2_v.at[pl.ds(0, r_main)])

        @pl.when(sid == NS - 1)
        def _():
            pltpu.sync_copy(d2_hbm.at[pl.ds((NS - 1) * r_main, r_last)],
                            d2_v.at[pl.ds(0, r_last)])

        zero_acc()
        plsc.subcore_barrier()

        def run_hop(g_hbm):
            g_mine = g_hbm.at[cid]

            def gather(chunk, slot):
                pltpu.async_copy(g_mine.at[src_all.at[pl.ds(chunk * bsz, bsz)]],
                                 rows_v.at[slot], gsem.at[slot])

            def scatter(chunk, slot):
                pltpu.async_copy(rows_v.at[slot],
                                 acc_sh.at[dst_all.at[pl.ds(chunk * bsz, bsz)]],
                                 ssem.at[slot], add=True)

            for j in range(LAG):
                gather(j, j % NBUF)

            def step(i, carry):
                g_slot = lax.rem(i + LAG, NBUF)
                s_slot = lax.rem(i, NBUF)

                @pl.when(jnp.logical_and(i + LAG < nchunks, i + LAG >= NBUF))
                def _():
                    pltpu.make_async_copy(rows_v.at[g_slot],
                                          acc_sh.at[dst_all.at[pl.ds(0, bsz)]],
                                          ssem.at[g_slot]).wait()

                @pl.when(i + LAG < nchunks)
                def _():
                    gather(i + LAG, g_slot)

                pltpu.make_async_copy(g_mine.at[src_all.at[pl.ds(0, bsz)]],
                                      rows_v.at[s_slot], gsem.at[s_slot]).wait()
                scatter(i, s_slot)
                return carry

            lax.fori_loop(0, nchunks, step, 0)

            for b in range(NBUF):
                pltpu.make_async_copy(rows_v.at[b],
                                      acc_sh.at[dst_all.at[pl.ds(0, bsz)]],
                                      ssem.at[b]).wait()

            if tail:
                toff = nchunks * bsz
                pltpu.async_copy(
                    g_mine.at[src_all.at[pl.ds(toff, tail)]],
                    rows_v.at[0, pl.ds(0, tail)], gsem.at[0]).wait()
                pltpu.async_copy(
                    rows_v.at[0, pl.ds(0, tail)],
                    acc_sh.at[dst_all.at[pl.ds(toff, tail)]],
                    ssem.at[0], add=True).wait()

            plsc.subcore_barrier()

        def writeback(dst_ref, scale, rezero):
            def do_rows(nrows):
                for off, sz in blocks(nrows):
                    base = pl.multiple_of(r0 + off, 8)
                    pltpu.sync_copy(acc_sh.at[pl.ds(base, sz)],
                                    rows_v.at[0, pl.ds(0, sz)])
                    if scale:
                        def srow(r, carry):
                            s = d2_v[pl.ds(off + r, 16)][0]
                            vec = jnp.full((16,), s, jnp.float32)
                            for q in range(hh // 16):
                                rows_v[0, r, pl.ds(q * 16, 16)] = (
                                    rows_v[0, r, pl.ds(q * 16, 16)] * vec)
                            return carry

                        lax.fori_loop(0, sz, srow, 0)
                    pltpu.sync_copy(rows_v.at[0, pl.ds(0, sz)],
                                    dst_ref.at[cid, pl.ds(base, sz)])
                    if rezero:
                        pltpu.sync_copy(zeros_hbm.at[pl.ds(base, sz)],
                                        acc_sh.at[pl.ds(base, sz)])

            @pl.when(sid < NS - 1)
            def _():
                do_rows(r_main)

            @pl.when(sid == NS - 1)
            def _():
                do_rows(r_last)

        run_hop(g0_hbm)
        writeback(g1_hbm, scale=True, rezero=True)
        plsc.subcore_barrier()
        run_hop(g1_hbm)
        writeback(out_hbm, scale=False, rezero=False)

    return hop_kernel


def _tc_input_proj(x, deg0, deg1, W1, b1):
    n, f = x.shape
    h = W1.shape[1]
    hh = h // 2
    rb = 2000

    def body(x_ref, d0_ref, d1_ref, w_ref, b_ref, g_ref, dinv_ref, d2_ref):
        d = d0_ref[...] + d1_ref[...]
        dinv = lax.rsqrt(jnp.maximum(d, 1.0))
        h0 = jnp.dot(x_ref[...], w_ref[...], preferred_element_type=jnp.float32)
        h0 = jnp.maximum(h0 + b_ref[...], 0.0) * dinv
        g_ref[0] = h0[:, :hh]
        g_ref[1] = h0[:, hh:]
        dinv_ref[...] = dinv
        d2_ref[...] = dinv * dinv

    return pl.pallas_call(
        body,
        grid=(n // rb,),
        in_specs=[
            pl.BlockSpec((rb, f), lambda i: (i, 0)),
            pl.BlockSpec((rb, 1), lambda i: (i, 0)),
            pl.BlockSpec((rb, 1), lambda i: (i, 0)),
            pl.BlockSpec((f, h), lambda i: (0, 0)),
            pl.BlockSpec((1, h), lambda i: (0, 0)),
        ],
        out_specs=[
            pl.BlockSpec((NC, rb, hh), lambda i: (0, i, 0)),
            pl.BlockSpec((rb, 1), lambda i: (i, 0)),
            pl.BlockSpec((rb, 1), lambda i: (i, 0)),
        ],
        out_shape=[
            jax.ShapeDtypeStruct((NC, n, hh), jnp.float32),
            jax.ShapeDtypeStruct((n, 1), jnp.float32),
            jax.ShapeDtypeStruct((n, 1), jnp.float32),
        ],
    )(x, deg0, deg1, W1, b1)


def _tc_merge_scale(p, dinv):
    _, n, hh = p.shape
    rb = 2000

    def body(p_ref, dinv_ref, g_ref):
        dinv = dinv_ref[...]
        d2 = dinv * dinv
        g_ref[0] = p_ref[0] * d2
        g_ref[1] = p_ref[1] * d2

    return pl.pallas_call(
        body,
        grid=(n // rb,),
        in_specs=[
            pl.BlockSpec((NC, rb, hh), lambda i: (0, i, 0)),
            pl.BlockSpec((rb, 1), lambda i: (i, 0)),
        ],
        out_specs=pl.BlockSpec((NC, rb, hh), lambda i: (0, i, 0)),
        out_shape=jax.ShapeDtypeStruct((NC, n, hh), jnp.float32),
    )(p, dinv)


def _tc_output(p, dinv, Wc, bc, W2, b2):
    _, n, hh = p.shape
    h = 2 * hh
    c = W2.shape[1]
    rb = 2000

    def body(p_ref, dinv_ref, wc_ref, bc_ref, w2_ref, b2_ref, o_ref):
        dinv = dinv_ref[...]
        lo = p_ref[0] * dinv
        hi = p_ref[1] * dinv
        t = jnp.dot(lo, wc_ref[:hh, :], preferred_element_type=jnp.float32)
        t += jnp.dot(hi, wc_ref[hh:, :], preferred_element_type=jnp.float32)
        t += bc_ref[...]
        lg = jnp.dot(t, w2_ref[...], preferred_element_type=jnp.float32) + b2_ref[...]
        m = jnp.max(lg, axis=1, keepdims=True)
        ex = jnp.exp(lg - m)
        lse = jnp.log(jnp.sum(ex, axis=1, keepdims=True)) + m
        o_ref[...] = lg - lse

    return pl.pallas_call(
        body,
        grid=(n // rb,),
        in_specs=[
            pl.BlockSpec((NC, rb, hh), lambda i: (0, i, 0)),
            pl.BlockSpec((rb, 1), lambda i: (i, 0)),
            pl.BlockSpec((h, h), lambda i: (0, 0)),
            pl.BlockSpec((1, h), lambda i: (0, 0)),
            pl.BlockSpec((h, c), lambda i: (0, 0)),
            pl.BlockSpec((1, c), lambda i: (0, 0)),
        ],
        out_specs=pl.BlockSpec((rb, c), lambda i: (i, 0)),
        out_shape=jax.ShapeDtypeStruct((n, c), jnp.float32),
    )(p, dinv, Wc, bc, W2, b2)


def kernel(x, adj, W1, b1, Wc, bc, W2, b2):
    n, f = x.shape
    e = adj.shape[1]
    h = W1.shape[1]
    c = W2.shape[1]

    assert e % NW == 0 and n % NS == 0 and h % 2 == 0
    dbsz = 80
    bsz = 128

    epw = e // NW
    assert epw % dbsz == 0
    dchunks = epw // dbsz

    ept = e // NS
    nchunks = ept // bsz
    tail = ept - nchunks * bsz
    assert tail % 8 == 0
    zeros_half = jnp.zeros((n, h // 2), jnp.float32)

    deg_parts = _make_deg_kernel(n, dchunks, dbsz)(adj)
    deg0 = deg_parts[:n].reshape(n, 1)
    deg1 = deg_parts[n:].reshape(n, 1)

    g0, dinv, d2 = _tc_input_proj(x, deg0, deg1, W1, b1.reshape(1, h))

    hop2x = _make_hop2x_kernel(n, h, nchunks, bsz, tail)
    p2, _ = hop2x(g0, adj, zeros_half, d2.reshape(n))

    return _tc_output(p2, dinv, Wc, bc.reshape(1, h), W2, b2.reshape(1, c))

# --- scband reference (transcript-rebuilt; emitter-appended) ---
"""Pipeline reference for scband-sgc-38225208934936 (READ-ONLY COPY).

The authoritative reference and input builder live on the scoring server;
editing this copy changes nothing except your own understanding.
"""

import jax, jax.numpy as jnp
import numpy as np

N = 10000
E = 320000
F_IN = 128
H = 128
C = 64
K = 2  # num_layers -> propagation hops inside SGConv


def setup_inputs(seed: int = 0) -> dict:
    key = jax.random.key(seed)
    ks = jax.random.split(key, 8)
    x = jax.random.normal(ks[0], (N, F_IN), dtype=jnp.float32)
    adj = jax.random.randint(ks[1], (2, E), 0, N, dtype=jnp.int32)
    W1 = jax.random.normal(ks[2], (F_IN, H), dtype=jnp.float32) * (1.0 / np.sqrt(F_IN))
    b1 = jnp.zeros((H,), dtype=jnp.float32)
    Wc = jax.random.normal(ks[3], (H, H), dtype=jnp.float32) * (1.0 / np.sqrt(H))
    bc = jnp.zeros((H,), dtype=jnp.float32)
    W2 = jax.random.normal(ks[4], (H, C), dtype=jnp.float32) * (1.0 / np.sqrt(H))
    b2 = jnp.zeros((C,), dtype=jnp.float32)
    return {"x": x, "adj": adj, "W1": W1, "b1": b1, "Wc": Wc, "bc": bc, "W2": W2, "b2": b2}


def reference(x, adj, W1, b1, Wc, bc, W2, b2):
    # eval-mode: dropout is identity
    src = adj[0]
    dst = adj[1]
    # symmetric degree normalization (GCN-style) for SGC propagation
    deg = jnp.zeros((N,), dtype=jnp.float32).at[dst].add(1.0)
    deg = jnp.maximum(deg, 1.0)
    dinv = jax.lax.rsqrt(deg)
    norm = dinv[src] * dinv[dst]
    # input projection fcs[0] + ReLU
    h = jax.nn.relu(x @ W1 + b1)
    # SGConv: K hops of normalized adjacency propagation, then linear
    for _ in range(K):
        msgs = h[src] * norm[:, None]
        h = jax.ops.segment_sum(msgs, dst, num_segments=N)
    h = h @ Wc + bc
    # output projection fcs[-1]
    logits = h @ W2 + b2
    return jax.nn.log_softmax(logits, axis=1)

if __name__ == "__main__":
    import jax
    _d = setup_inputs()
    print(jax.jit(kernel)(*tuple(_d.values())))

</pallas_src>

<mosaic_0001>
#map = affine_map<(d0, d1) -> (0, 0, 0)>
#map1 = affine_map<(d0, d1) -> (0, 0)>
#map2 = affine_map<(d0, d1) -> (0)>
module attributes {stable_mosaic.version = 14 : i64} {
  func.func @hop_kernel(%arg0: i32, %arg1: i32, %arg2: memref<2x10000x64xf32, #tpu.memory_space<hbm>>, %arg3: memref<2x320000xi32, #tpu.memory_space<hbm>>, %arg4: memref<10000x64xf32, #tpu.memory_space<hbm>>, %arg5: memref<10000xf32, #tpu.memory_space<hbm>>, %arg6: memref<2x10000x64xf32, #tpu.memory_space<hbm>>, %arg7: memref<2x10000x64xf32, #tpu.memory_space<hbm>>, %arg8: memref<20000xi32, #tpu.memory_space<vmem>>, %arg9: memref<20000xi32, #tpu.memory_space<vmem>>, %arg10: memref<4x128x64xf32, #tpu.memory_space<vmem>>, %arg11: memref<648xf32, #tpu.memory_space<vmem>>, %arg12: memref<10000x64xf32, #tpu.memory_space<vmem_shared>>, %arg13: memref<4x!tpu.dma_semaphore, #tpu.memory_space<semaphore_mem>>, %arg14: memref<4x!tpu.dma_semaphore, #tpu.memory_space<semaphore_mem>>) attributes {dimension_semantics = [#tpu.dimension_semantics<core_parallel>, #tpu.dimension_semantics<subcore_parallel>], iteration_bounds = array<i64: 2, 16>, scalar_prefetch = 0 : i64, scratch_operands = 7 : i64, tpu.core_type = #tpu.core_type<sc_vector_subcore>, window_params = [{transform_indices = #map}, {transform_indices = #map1}, {transform_indices = #map1}, {transform_indices = #map2}, {transform_indices = #map}, {transform_indices = #map}]} {
    %mul3A = arith.constant 632 : i32
    %mul3A_0 = arith.muli %arg1, %mul3A : i32
    %multiple_of3A = tpu.assume_multiple %mul3A_0, 8 : i32
    %mul3A_1 = arith.constant 20000 : i32
    %mul3A_2 = arith.muli %arg1, %mul3A_1 : i32
    %multiple_of3A_3 = tpu.assume_multiple %mul3A_2, 8 : i32
    %run_scoped3A = arith.constant 0 : i32
    "tpu.region"() ({
      %run_scoped3A_345 = tpu.sem_alloc : memref<!tpu.dma_semaphore, #tpu.memory_space<semaphore_mem>>
      %dma_start3A_346 = tpu.memref_slice %arg3[%run_scoped3A, %multiple_of3A_3] : memref<2x320000xi32, #tpu.memory_space<hbm>> -> memref<1x20000xi32, #tpu.memory_space<hbm>>
      %dma_start3A_347 = tpu.memref_squeeze %dma_start3A_346 : memref<1x20000xi32, #tpu.memory_space<hbm>> -> memref<20000xi32, #tpu.memory_space<hbm>>
      %dma_start3A_348 = tpu.memref_slice %arg3[%run_scoped3A, %multiple_of3A_3] : memref<2x320000xi32, #tpu.memory_space<hbm>> -> memref<1x20000xi32, #tpu.memory_space<hbm>>
      %dma_start3A_349 = tpu.memref_squeeze %dma_start3A_348 : memref<1x20000xi32, #tpu.memory_space<hbm>> -> memref<20000xi32, #tpu.memory_space<hbm>>
      tpu.enqueue_dma source(%dma_start3A_349 : memref<20000xi32, #tpu.memory_space<hbm>>) target(%arg8 : memref<20000xi32, #tpu.memory_space<vmem>>) target_semaphore(%run_scoped3A_345 : memref<!tpu.dma_semaphore, #tpu.memory_space<semaphore_mem>>)
      %dma_wait3A_350 = tpu.memref_slice %arg3[%run_scoped3A, %multiple_of3A_3] : memref<2x320000xi32, #tpu.memory_space<hbm>> -> memref<1x20000xi32, #tpu.memory_space<hbm>>
      %dma_wait3A_351 = tpu.memref_squeeze %dma_wait3A_350 : memref<1x20000xi32, #tpu.memory_space<hbm>> -> memref<20000xi32, #tpu.memory_space<hbm>>
      %dma_wait3A_352 = tpu.memref_slice %arg3[%run_scoped3A, %multiple_of3A_3] : memref<2x320000xi32, #tpu.memory_space<hbm>> -> memref<1x20000xi32, #tpu.memory_space<hbm>>
      %dma_wait3A_353 = tpu.memref_squeeze %dma_wait3A_352 : memref<1x20000xi32, #tpu.memory_space<hbm>> -> memref<20000xi32, #tpu.memory_space<hbm>>
      tpu.wait_dma2 semaphore(%run_scoped3A_345 : memref<!tpu.dma_semaphore, #tpu.memory_space<semaphore_mem>>) src(%dma_wait3A_353 : memref<20000xi32, #tpu.memory_space<hbm>>) dst(%arg8 : memref<20000xi32, #tpu.memory_space<vmem>>)
      tpu.yield
    }) : () -> ()
    %run_scoped3A_4 = arith.constant 1 : i32
    "tpu.region"() ({
      %run_scoped3A_345 = tpu.sem_alloc : memref<!tpu.dma_semaphore, #tpu.memory_space<semaphore_mem>>
      %dma_start3A_346 = tpu.memref_slice %arg3[%run_scoped3A_4, %multiple_of3A_3] : memref<2x320000xi32, #tpu.memory_space<hbm>> -> memref<1x20000xi32, #tpu.memory_space<hbm>>
      %dma_start3A_347 = tpu.memref_squeeze %dma_start3A_346 : memref<1x20000xi32, #tpu.memory_space<hbm>> -> memref<20000xi32, #tpu.memory_space<hbm>>
      %dma_start3A_348 = tpu.memref_slice %arg3[%run_scoped3A_4, %multiple_of3A_3] : memref<2x320000xi32, #tpu.memory_space<hbm>> -> memref<1x20000xi32, #tpu.memory_space<hbm>>
      %dma_start3A_349 = tpu.memref_squeeze %dma_start3A_348 : memref<1x20000xi32, #tpu.memory_space<hbm>> -> memref<20000xi32, #tpu.memory_space<hbm>>
      tpu.enqueue_dma source(%dma_start3A_349 : memref<20000xi32, #tpu.memory_space<hbm>>) target(%arg9 : memref<20000xi32, #tpu.memory_space<vmem>>) target_semaphore(%run_scoped3A_345 : memref<!tpu.dma_semaphore, #tpu.memory_space<semaphore_mem>>)
      %dma_wait3A_350 = tpu.memref_slice %arg3[%run_scoped3A_4, %multiple_of3A_3] : memref<2x320000xi32, #tpu.memory_space<hbm>> -> memref<1x20000xi32, #tpu.memory_space<hbm>>
      %dma_wait3A_351 = tpu.memref_squeeze %dma_wait3A_350 : memref<1x20000xi32, #tpu.memory_space<hbm>> -> memref<20000xi32, #tpu.memory_space<hbm>>
      %dma_wait3A_352 = tpu.memref_slice %arg3[%run_scoped3A_4, %multiple_of3A_3] : memref<2x320000xi32, #tpu.memory_space<hbm>> -> memref<1x20000xi32, #tpu.memory_space<hbm>>
      %dma_wait3A_353 = tpu.memref_squeeze %dma_wait3A_352 : memref<1x20000xi32, #tpu.memory_space<hbm>> -> memref<20000xi32, #tpu.memory_space<hbm>>
      tpu.wait_dma2 semaphore(%run_scoped3A_345 : memref<!tpu.dma_semaphore, #tpu.memory_space<semaphore_mem>>) src(%dma_wait3A_353 : memref<20000xi32, #tpu.memory_space<hbm>>) dst(%arg9 : memref<20000xi32, #tpu.memory_space<vmem>>)
      tpu.yield
    }) : () -> ()
    %lt3A = arith.constant 15 : i32
    %lt3A_5 = arith.cmpi slt, %arg1, %lt3A : i32
    %convert_element_type3A = arith.extui %lt3A_5 : i1 to i32
    %cond3A = arith.constant 0 : i32
    %cond3A_6 = arith.cmpi ne, %convert_element_type3A, %cond3A : i32
    scf.if %cond3A_6 {
      "tpu.region"() ({
        %run_scoped3A_345 = tpu.sem_alloc : memref<!tpu.dma_semaphore, #tpu.memory_space<semaphore_mem>>
        %dma_start3A_346 = arith.constant 0 : i32
        %dma_start3A_347 = tpu.memref_slice %arg11[%dma_start3A_346] : memref<648xf32, #tpu.memory_space<vmem>> -> memref<632xf32, #tpu.memory_space<vmem>>
        %dma_start3A_348 = tpu.memref_slice %arg5[%multiple_of3A] : memref<10000xf32, #tpu.memory_space<hbm>> -> memref<632xf32, #tpu.memory_space<hbm>>
        %dma_start3A_349 = arith.constant 0 : i32
        %dma_start3A_350 = tpu.memref_slice %arg11[%dma_start3A_349] : memref<648xf32, #tpu.memory_space<vmem>> -> memref<632xf32, #tpu.memory_space<vmem>>
        %dma_start3A_351 = tpu.memref_slice %arg5[%multiple_of3A] : memref<10000xf32, #tpu.memory_space<hbm>> -> memref<632xf32, #tpu.memory_space<hbm>>
        tpu.enqueue_dma source(%dma_start3A_351 : memref<632xf32, #tpu.memory_space<hbm>>) target(%dma_start3A_350 : memref<632xf32, #tpu.memory_space<vmem>>) target_semaphore(%run_scoped3A_345 : memref<!tpu.dma_semaphore, #tpu.memory_space<semaphore_mem>>)
        %dma_wait3A_352 = arith.constant 0 : i32
        %dma_wait3A_353 = tpu.memref_slice %arg11[%dma_wait3A_352] : memref<648xf32, #tpu.memory_space<vmem>> -> memref<632xf32, #tpu.memory_space<vmem>>
        %dma_wait3A_354 = tpu.memref_slice %arg5[%multiple_of3A] : memref<10000xf32, #tpu.memory_space<hbm>> -> memref<632xf32, #tpu.memory_space<hbm>>
        %dma_wait3A_355 = arith.constant 0 : i32
        %dma_wait3A_356 = tpu.memref_slice %arg11[%dma_wait3A_355] : memref<648xf32, #tpu.memory_space<vmem>> -> memref<632xf32, #tpu.memory_space<vmem>>
        %dma_wait3A_357 = tpu.memref_slice %arg5[%multiple_of3A] : memref<10000xf32, #tpu.memory_space<hbm>> -> memref<632xf32, #tpu.memory_space<hbm>>
        tpu.wait_dma2 semaphore(%run_scoped3A_345 : memref<!tpu.dma_semaphore, #tpu.memory_space<semaphore_mem>>) src(%dma_wait3A_357 : memref<632xf32, #tpu.memory_space<hbm>>) dst(%dma_wait3A_356 : memref<632xf32, #tpu.memory_space<vmem>>)
        tpu.yield
      }) : () -> ()
    } else {
    }
    %eq3A = arith.constant 15 : i32
    %eq3A_7 = arith.cmpi eq, %arg1, %eq3A : i32
    %convert_element_type3A_8 = arith.extui %eq3A_7 : i1 to i32
    %cond3A_9 = arith.constant 0 : i32
    %cond3A_10 = arith.cmpi ne, %convert_element_type3A_8, %cond3A_9 : i32
    scf.if %cond3A_10 {
      "tpu.region"() ({
        %run_scoped3A_345 = tpu.sem_alloc : memref<!tpu.dma_semaphore, #tpu.memory_space<semaphore_mem>>
        %dma_start3A_346 = arith.constant 0 : i32
        %dma_start3A_347 = tpu.memref_slice %arg11[%dma_start3A_346] : memref<648xf32, #tpu.memory_space<vmem>> -> memref<520xf32, #tpu.memory_space<vmem>>
        %dma_start3A_348 = arith.constant 9480 : i32
        %dma_start3A_349 = tpu.memref_slice %arg5[%dma_start3A_348] : memref<10000xf32, #tpu.memory_space<hbm>> -> memref<520xf32, #tpu.memory_space<hbm>>
        %dma_start3A_350 = arith.constant 0 : i32
        %dma_start3A_351 = tpu.memref_slice %arg11[%dma_start3A_350] : memref<648xf32, #tpu.memory_space<vmem>> -> memref<520xf32, #tpu.memory_space<vmem>>
        %dma_start3A_352 = arith.constant 9480 : i32
        %dma_start3A_353 = tpu.memref_slice %arg5[%dma_start3A_352] : memref<10000xf32, #tpu.memory_space<hbm>> -> memref<520xf32, #tpu.memory_space<hbm>>
        tpu.enqueue_dma source(%dma_start3A_353 : memref<520xf32, #tpu.memory_space<hbm>>) target(%dma_start3A_351 : memref<520xf32, #tpu.memory_space<vmem>>) target_semaphore(%run_scoped3A_345 : memref<!tpu.dma_semaphore, #tpu.memory_space<semaphore_mem>>)
        %dma_wait3A_354 = arith.constant 0 : i32
        %dma_wait3A_355 = tpu.memref_slice %arg11[%dma_wait3A_354] : memref<648xf32, #tpu.memory_space<vmem>> -> memref<520xf32, #tpu.memory_space<vmem>>
        %dma_wait3A_356 = arith.constant 9480 : i32
        %dma_wait3A_357 = tpu.memref_slice %arg5[%dma_wait3A_356] : memref<10000xf32, #tpu.memory_space<hbm>> -> memref<520xf32, #tpu.memory_space<hbm>>
        %dma_wait3A_358 = arith.constant 0 : i32
        %dma_wait3A_359 = tpu.memref_slice %arg11[%dma_wait3A_358] : memref<648xf32, #tpu.memory_space<vmem>> -> memref<520xf32, #tpu.memory_space<vmem>>
        %dma_wait3A_360 = arith.constant 9480 : i32
        %dma_wait3A_361 = tpu.memref_slice %arg5[%dma_wait3A_360] : memref<10000xf32, #tpu.memory_space<hbm>> -> memref<520xf32, #tpu.memory_space<hbm>>
        tpu.wait_dma2 semaphore(%run_scoped3A_345 : memref<!tpu.dma_semaphore, #tpu.memory_space<semaphore_mem>>) src(%dma_wait3A_361 : memref<520xf32, #tpu.memory_space<hbm>>) dst(%dma_wait3A_359 : memref<520xf32, #tpu.memory_space<vmem>>)
        tpu.yield
      }) : () -> ()
    } else {
    }
    %lt3A_11 = arith.constant 15 : i32
    %lt3A_12 = arith.cmpi slt, %arg1, %lt3A_11 : i32
    %convert_element_type3A_13 = arith.extui %lt3A_12 : i1 to i32
    %cond3A_14 = arith.constant 0 : i32
    %cond3A_15 = arith.cmpi ne, %convert_element_type3A_13, %cond3A_14 : i32
    scf.if %cond3A_15 {
      "tpu.region"() ({
        %run_scoped3A_345 = tpu.sem_alloc : memref<!tpu.dma_semaphore, #tpu.memory_space<semaphore_mem>>
        %dma_start3A_346 = arith.constant 0 : i32
        %dma_start3A_347 = tpu.memref_slice %arg12[%multiple_of3A, %dma_start3A_346] : memref<10000x64xf32, #tpu.memory_space<vmem_shared>> -> memref<632x64xf32, #tpu.memory_space<vmem_shared>>
        %dma_start3A_348 = arith.constant 0 : i32
        %dma_start3A_349 = tpu.memref_slice %arg4[%multiple_of3A, %dma_start3A_348] : memref<10000x64xf32, #tpu.memory_space<hbm>> -> memref<632x64xf32, #tpu.memory_space<hbm>>
        tpu.enqueue_dma source(%dma_start3A_349 : memref<632x64xf32, #tpu.memory_space<hbm>>) target(%dma_start3A_347 : memref<632x64xf32, #tpu.memory_space<vmem_shared>>) target_semaphore(%run_scoped3A_345 : memref<!tpu.dma_semaphore, #tpu.memory_space<semaphore_mem>>)
        %dma_wait3A_350 = arith.constant 0 : i32
        %dma_wait3A_351 = tpu.memref_slice %arg12[%multiple_of3A, %dma_wait3A_350] : memref<10000x64xf32, #tpu.memory_space<vmem_shared>> -> memref<632x64xf32, #tpu.memory_space<vmem_shared>>
        %dma_wait3A_352 = arith.constant 0 : i32
        %dma_wait3A_353 = tpu.memref_slice %arg4[%multiple_of3A, %dma_wait3A_352] : memref<10000x64xf32, #tpu.memory_space<hbm>> -> memref<632x64xf32, #tpu.memory_space<hbm>>
        tpu.wait_dma2 semaphore(%run_scoped3A_345 : memref<!tpu.dma_semaphore, #tpu.memory_space<semaphore_mem>>) src(%dma_wait3A_353 : memref<632x64xf32, #tpu.memory_space<hbm>>) dst(%dma_wait3A_351 : memref<632x64xf32, #tpu.memory_space<vmem_shared>>)
        tpu.yield
      }) : () -> ()
    } else {
    }
    %eq3A_16 = arith.constant 15 : i32
    %eq3A_17 = arith.cmpi eq, %arg1, %eq3A_16 : i32
    %convert_element_type3A_18 = arith.extui %eq3A_17 : i1 to i32
    %cond3A_19 = arith.constant 0 : i32
    %cond3A_20 = arith.cmpi ne, %convert_element_type3A_18, %cond3A_19 : i32
    scf.if %cond3A_20 {
      "tpu.region"() ({
        %run_scoped3A_345 = tpu.sem_alloc : memref<!tpu.dma_semaphore, #tpu.memory_space<semaphore_mem>>
        %dma_start3A_346 = arith.constant 9480 : i32
        %dma_start3A_347 = arith.constant 0 : i32
        %dma_start3A_348 = tpu.memref_slice %arg12[%dma_start3A_346, %dma_start3A_347] : memref<10000x64xf32, #tpu.memory_space<vmem_shared>> -> memref<520x64xf32, #tpu.memory_space<vmem_shared>>
        %dma_start3A_349 = arith.constant 9480 : i32
        %dma_start3A_350 = arith.constant 0 : i32
        %dma_start3A_351 = tpu.memref_slice %arg4[%dma_start3A_349, %dma_start3A_350] : memref<10000x64xf32, #tpu.memory_space<hbm>> -> memref<520x64xf32, #tpu.memory_space<hbm>>
        tpu.enqueue_dma source(%dma_start3A_351 : memref<520x64xf32, #tpu.memory_space<hbm>>) target(%dma_start3A_348 : memref<520x64xf32, #tpu.memory_space<vmem_shared>>) target_semaphore(%run_scoped3A_345 : memref<!tpu.dma_semaphore, #tpu.memory_space<semaphore_mem>>)
        %dma_wait3A_352 = arith.constant 9480 : i32
        %dma_wait3A_353 = arith.constant 0 : i32
        %dma_wait3A_354 = tpu.memref_slice %arg12[%dma_wait3A_352, %dma_wait3A_353] : memref<10000x64xf32, #tpu.memory_space<vmem_shared>> -> memref<520x64xf32, #tpu.memory_space<vmem_shared>>
        %dma_wait3A_355 = arith.constant 9480 : i32
        %dma_wait3A_356 = arith.constant 0 : i32
        %dma_wait3A_357 = tpu.memref_slice %arg4[%dma_wait3A_355, %dma_wait3A_356] : memref<10000x64xf32, #tpu.memory_space<hbm>> -> memref<520x64xf32, #tpu.memory_space<hbm>>
        tpu.wait_dma2 semaphore(%run_scoped3A_345 : memref<!tpu.dma_semaphore, #tpu.memory_space<semaphore_mem>>) src(%dma_wait3A_357 : memref<520x64xf32, #tpu.memory_space<hbm>>) dst(%dma_wait3A_354 : memref<520x64xf32, #tpu.memory_space<vmem_shared>>)
        tpu.yield
      }) : () -> ()
    } else {
    }
    %barrier3A = arith.constant 0 : index
    tpu.barrier barrier_id(%barrier3A)
    %dma_start3A = arith.constant 0 : i32
    %dma_start3A_21 = arith.constant 0 : i32
    %dma_start3A_22 = arith.constant 0 : i32
    %dma_start3A_23 = arith.constant 0 : i32
    %dma_start3A_24 = tpu.memref_slice %arg10[%dma_start3A, %dma_start3A_22, %dma_start3A_23] : memref<4x128x64xf32, #tpu.memory_space<vmem>> -> memref<1x128x64xf32, #tpu.memory_space<vmem>>
    %dma_start3A_25 = tpu.memref_squeeze %dma_start3A_24 : memref<1x128x64xf32, #tpu.memory_space<vmem>> -> memref<128x64xf32, #tpu.memory_space<vmem>>
    %dma_start3A_26 = arith.constant 0 : i32
    %dma_start3A_27 = tpu.memref_slice %arg8[%dma_start3A_26] : memref<20000xi32, #tpu.memory_space<vmem>> -> memref<128xi32, #tpu.memory_space<vmem>>
    %dma_start3A_28 = arith.constant 0 : i32
    %dma_start3A_29 = arith.constant 0 : i32
    %dma_start3A_30 = tpu.memref_slice %arg2[%arg0, %dma_start3A_28, %dma_start3A_29] : memref<2x10000x64xf32, #tpu.memory_space<hbm>> -> memref<1x10000x64xf32, #tpu.memory_space<hbm>>
    %dma_start3A_31 = tpu.memref_squeeze %dma_start3A_30 : memref<1x10000x64xf32, #tpu.memory_space<hbm>> -> memref<10000x64xf32, #tpu.memory_space<hbm>>
    %dma_start3A_32 = arith.constant 0 : i32
    %dma_start3A_33 = arith.constant 0 : i32
    %dma_start3A_34 = tpu.memref_slice %dma_start3A_31[%dma_start3A_32, %dma_start3A_33] : memref<10000x64xf32, #tpu.memory_space<hbm>> -> memref<10000x64xf32, #tpu.memory_space<hbm>>
    %dma_start3A_35 = tpu.memref_slice %arg13[%dma_start3A_21] : memref<4x!tpu.dma_semaphore, #tpu.memory_space<semaphore_mem>> -> memref<1x!tpu.dma_semaphore, #tpu.memory_space<semaphore_mem>>
    %dma_start3A_36 = tpu.memref_squeeze %dma_start3A_35 : memref<1x!tpu.dma_semaphore, #tpu.memory_space<semaphore_mem>> -> memref<!tpu.dma_semaphore, #tpu.memory_space<semaphore_mem>>
    tpu.enqueue_indirect_dma source(%dma_start3A_34 : memref<10000x64xf32, #tpu.memory_space<hbm>>) target(%dma_start3A_25 : memref<128x64xf32, #tpu.memory_space<vmem>>) offsets(%dma_start3A_27 : memref<128xi32, #tpu.memory_space<vmem>>) semaphore(%dma_start3A_36 : memref<!tpu.dma_semaphore, #tpu.memory_space<semaphore_mem>>)
    %dma_start3A_37 = arith.constant 1 : i32
    %dma_start3A_38 = arith.constant 1 : i32
    %dma_start3A_39 = arith.constant 0 : i32
    %dma_start3A_40 = arith.constant 0 : i32
    %dma_start3A_41 = tpu.memref_slice %arg10[%dma_start3A_37, %dma_start3A_39, %dma_start3A_40] : memref<4x128x64xf32, #tpu.memory_space<vmem>> -> memref<1x128x64xf32, #tpu.memory_space<vmem>>
    %dma_start3A_42 = tpu.memref_squeeze %dma_start3A_41 : memref<1x128x64xf32, #tpu.memory_space<vmem>> -> memref<128x64xf32, #tpu.memory_space<vmem>>
    %dma_start3A_43 = arith.constant 128 : i32
    %dma_start3A_44 = tpu.memref_slice %arg8[%dma_start3A_43] : memref<20000xi32, #tpu.memory_space<vmem>> -> memref<128xi32, #tpu.memory_space<vmem>>
    %dma_start3A_45 = arith.constant 0 : i32
    %dma_start3A_46 = arith.constant 0 : i32
    %dma_start3A_47 = tpu.memref_slice %arg2[%arg0, %dma_start3A_45, %dma_start3A_46] : memref<2x10000x64xf32, #tpu.memory_space<hbm>> -> memref<1x10000x64xf32, #tpu.memory_space<hbm>>
    %dma_start3A_48 = tpu.memref_squeeze %dma_start3A_47 : memref<1x10000x64xf32, #tpu.memory_space<hbm>> -> memref<10000x64xf32, #tpu.memory_space<hbm>>
    %dma_start3A_49 = arith.constant 0 : i32
    %dma_start3A_50 = arith.constant 0 : i32
    %dma_start3A_51 = tpu.memref_slice %dma_start3A_48[%dma_start3A_49, %dma_start3A_50] : memref<10000x64xf32, #tpu.memory_space<hbm>> -> memref<10000x64xf32, #tpu.memory_space<hbm>>
    %dma_start3A_52 = tpu.memref_slice %arg13[%dma_start3A_38] : memref<4x!tpu.dma_semaphore, #tpu.memory_space<semaphore_mem>> -> memref<1x!tpu.dma_semaphore, #tpu.memory_space<semaphore_mem>>
    %dma_start3A_53 = tpu.memref_squeeze %dma_start3A_52 : memref<1x!tpu.dma_semaphore, #tpu.memory_space<semaphore_mem>> -> memref<!tpu.dma_semaphore, #tpu.memory_space<semaphore_mem>>
    tpu.enqueue_indirect_dma source(%dma_start3A_51 : memref<10000x64xf32, #tpu.memory_space<hbm>>) target(%dma_start3A_42 : memref<128x64xf32, #tpu.memory_space<vmem>>) offsets(%dma_start3A_44 : memref<128xi32, #tpu.memory_space<vmem>>) semaphore(%dma_start3A_53 : memref<!tpu.dma_semaphore, #tpu.memory_space<semaphore_mem>>)
    %scan3A = arith.constant 0 : i32
    %scan3A_54 = arith.constant 0 : i32
    %scan3A_55 = arith.constant 156 : i32
    %scan3A_56 = arith.addi %scan3A_54, %scan3A_55 : i32
    %scan3A_57 = arith.constant 1 : i32
    scf.for %scan3A_345 = %scan3A_54 to %scan3A_56 step %scan3A_57  : i32 {
      %add3A = arith.constant 2 : i32
      %add3A_346 = arith.addi %scan3A_345, %add3A : i32
      %rem3A = arith.constant 4 : i32
      %rem3A_347 = arith.remsi %add3A_346, %rem3A : i32
      %rem3A_348 = arith.constant 4 : i32
      %rem3A_349 = arith.remsi %scan3A_345, %rem3A_348 : i32
      %add3A_350 = arith.constant 2 : i32
      %add3A_351 = arith.addi %scan3A_345, %add3A_350 : i32
      %lt3A_352 = arith.constant 156 : i32
      %lt3A_353 = arith.cmpi slt, %add3A_351, %lt3A_352 : i32
      %add3A_354 = arith.constant 2 : i32
      %add3A_355 = arith.addi %scan3A_345, %add3A_354 : i32
      %ge3A = arith.constant 4 : i32
      %ge3A_356 = arith.cmpi sge, %add3A_355, %ge3A : i32
      %and3A = arith.andi %lt3A_353, %ge3A_356 : i1
      %convert_element_type3A_357 = arith.extui %and3A : i1 to i32
      %cond3A_358 = arith.constant 0 : i32
      %cond3A_359 = arith.cmpi ne, %convert_element_type3A_357, %cond3A_358 : i32
      scf.if %cond3A_359 {
        %dma_wait3A_394 = arith.constant 0 : i32
        %dma_wait3A_395 = arith.constant 0 : i32
        %dma_wait3A_396 = tpu.memref_slice %arg10[%rem3A_347, %dma_wait3A_394, %dma_wait3A_395] : memref<4x128x64xf32, #tpu.memory_space<vmem>> -> memref<1x128x64xf32, #tpu.memory_space<vmem>>
        %dma_wait3A_397 = tpu.memref_squeeze %dma_wait3A_396 : memref<1x128x64xf32, #tpu.memory_space<vmem>> -> memref<128x64xf32, #tpu.memory_space<vmem>>
        %dma_wait3A_398 = arith.constant 0 : i32
        %dma_wait3A_399 = tpu.memref_slice %arg9[%dma_wait3A_398] : memref<20000xi32, #tpu.memory_space<vmem>> -> memref<128xi32, #tpu.memory_space<vmem>>
        %dma_wait3A_400 = arith.constant 0 : i32
        %dma_wait3A_401 = arith.constant 0 : i32
        %dma_wait3A_402 = tpu.memref_slice %arg12[%dma_wait3A_400, %dma_wait3A_401] : memref<10000x64xf32, #tpu.memory_space<vmem_shared>> -> memref<10000x64xf32, #tpu.memory_space<vmem_shared>>
        %dma_wait3A_403 = tpu.memref_slice %arg14[%rem3A_347] : memref<4x!tpu.dma_semaphore, #tpu.memory_space<semaphore_mem>> -> memref<1x!tpu.dma_semaphore, #tpu.memory_space<semaphore_mem>>
        %dma_wait3A_404 = tpu.memref_squeeze %dma_wait3A_403 : memref<1x!tpu.dma_semaphore, #tpu.memory_space<semaphore_mem>> -> memref<!tpu.dma_semaphore, #tpu.memory_space<semaphore_mem>>
        tpu.wait_indirect_dma semaphore(%dma_wait3A_404 : memref<!tpu.dma_semaphore, #tpu.memory_space<semaphore_mem>>) src(%dma_wait3A_397 : memref<128x64xf32, #tpu.memory_space<vmem>>) dst(%dma_wait3A_402 : memref<10000x64xf32, #tpu.memory_space<vmem_shared>>)
      } else {
      }
      %add3A_360 = arith.constant 2 : i32
      %add3A_361 = arith.addi %scan3A_345, %add3A_360 : i32
      %lt3A_362 = arith.constant 156 : i32
      %lt3A_363 = arith.cmpi slt, %add3A_361, %lt3A_362 : i32
      %convert_element_type3A_364 = arith.extui %lt3A_363 : i1 to i32
      %cond3A_365 = arith.constant 0 : i32
      %cond3A_366 = arith.cmpi ne, %convert_element_type3A_364, %cond3A_365 : i32
      scf.if %cond3A_366 {
        %add3A_394 = arith.constant 2 : i32
        %add3A_395 = arith.addi %scan3A_345, %add3A_394 : i32
        %mul3A_396 = arith.constant 128 : i32
        %mul3A_397 = arith.muli %add3A_395, %mul3A_396 : i32
        %dma_start3A_398 = arith.constant 0 : i32
        %dma_start3A_399 = arith.constant 0 : i32
        %dma_start3A_400 = tpu.memref_slice %arg10[%rem3A_347, %dma_start3A_398, %dma_start3A_399] : memref<4x128x64xf32, #tpu.memory_space<vmem>> -> memref<1x128x64xf32, #tpu.memory_space<vmem>>
        %dma_start3A_401 = tpu.memref_squeeze %dma_start3A_400 : memref<1x128x64xf32, #tpu.memory_space<vmem>> -> memref<128x64xf32, #tpu.memory_space<vmem>>
        %dma_start3A_402 = tpu.memref_slice %arg8[%mul3A_397] : memref<20000xi32, #tpu.memory_space<vmem>> -> memref<128xi32, #tpu.memory_space<vmem>>
        %dma_start3A_403 = arith.constant 0 : i32
        %dma_start3A_404 = arith.constant 0 : i32
        %dma_start3A_405 = tpu.memref_slice %arg2[%arg0, %dma_start3A_403, %dma_start3A_404] : memref<2x10000x64xf32, #tpu.memory_space<hbm>> -> memref<1x10000x64xf32, #tpu.memory_space<hbm>>
        %dma_start3A_406 = tpu.memref_squeeze %dma_start3A_405 : memref<1x10000x64xf32, #tpu.memory_space<hbm>> -> memref<10000x64xf32, #tpu.memory_space<hbm>>
        %dma_start3A_407 = arith.constant 0 : i32
        %dma_start3A_408 = arith.constant 0 : i32
        %dma_start3A_409 = tpu.memref_slice %dma_start3A_406[%dma_start3A_407, %dma_start3A_408] : memref<10000x64xf32, #tpu.memory_space<hbm>> -> memref<10000x64xf32, #tpu.memory_space<hbm>>
        %dma_start3A_410 = tpu.memref_slice %arg13[%rem3A_347] : memref<4x!tpu.dma_semaphore, #tpu.memory_space<semaphore_mem>> -> memref<1x!tpu.dma_semaphore, #tpu.memory_space<semaphore_mem>>
        %dma_start3A_411 = tpu.memref_squeeze %dma_start3A_410 : memref<1x!tpu.dma_semaphore, #tpu.memory_space<semaphore_mem>> -> memref<!tpu.dma_semaphore, #tpu.memory_space<semaphore_mem>>
        tpu.enqueue_indirect_dma source(%dma_start3A_409 : memref<10000x64xf32, #tpu.memory_space<hbm>>) target(%dma_start3A_401 : memref<128x64xf32, #tpu.memory_space<vmem>>) offsets(%dma_start3A_402 : memref<128xi32, #tpu.memory_space<vmem>>) semaphore(%dma_start3A_411 : memref<!tpu.dma_semaphore, #tpu.memory_space<semaphore_mem>>)
      } else {
      }
      %dma_wait3A_367 = arith.constant 0 : i32
      %dma_wait3A_368 = arith.constant 0 : i32
      %dma_wait3A_369 = tpu.memref_slice %arg10[%rem3A_349, %dma_wait3A_367, %dma_wait3A_368] : memref<4x128x64xf32, #tpu.memory_space<vmem>> -> memref<1x128x64xf32, #tpu.memory_space<vmem>>
      %dma_wait3A_370 = tpu.memref_squeeze %dma_wait3A_369 : memref<1x128x64xf32, #tpu.memory_space<vmem>> -> memref<128x64xf32, #tpu.memory_space<vmem>>
      %dma_wait3A_371 = arith.constant 0 : i32
      %dma_wait3A_372 = tpu.memref_slice %arg8[%dma_wait3A_371] : memref<20000xi32, #tpu.memory_space<vmem>> -> memref<128xi32, #tpu.memory_space<vmem>>
      %dma_wait3A_373 = arith.constant 0 : i32
      %dma_wait3A_374 = arith.constant 0 : i32
      %dma_wait3A_375 = tpu.memref_slice %arg2[%arg0, %dma_wait3A_373, %dma_wait3A_374] : memref<2x10000x64xf32, #tpu.memory_space<hbm>> -> memref<1x10000x64xf32, #tpu.memory_space<hbm>>
      %dma_wait3A_376 = tpu.memref_squeeze %dma_wait3A_375 : memref<1x10000x64xf32, #tpu.memory_space<hbm>> -> memref<10000x64xf32, #tpu.memory_space<hbm>>
      %dma_wait3A_377 = arith.constant 0 : i32
      %dma_wait3A_378 = arith.constant 0 : i32
      %dma_wait3A_379 = tpu.memref_slice %dma_wait3A_376[%dma_wait3A_377, %dma_wait3A_378] : memref<10000x64xf32, #tpu.memory_space<hbm>> -> memref<10000x64xf32, #tpu.memory_space<hbm>>
      %dma_wait3A_380 = tpu.memref_slice %arg13[%rem3A_349] : memref<4x!tpu.dma_semaphore, #tpu.memory_space<semaphore_mem>> -> memref<1x!tpu.dma_semaphore, #tpu.memory_space<semaphore_mem>>
      %dma_wait3A_381 = tpu.memref_squeeze %dma_wait3A_380 : memref<1x!tpu.dma_semaphore, #tpu.memory_space<semaphore_mem>> -> memref<!tpu.dma_semaphore, #tpu.memory_space<semaphore_mem>>
      tpu.wait_indirect_dma semaphore(%dma_wait3A_381 : memref<!tpu.dma_semaphore, #tpu.memory_space<semaphore_mem>>) src(%dma_wait3A_379 : memref<10000x64xf32, #tpu.memory_space<hbm>>) dst(%dma_wait3A_370 : memref<128x64xf32, #tpu.memory_space<vmem>>)
      %mul3A_382 = arith.constant 128 : i32
      %mul3A_383 = arith.muli %scan3A_345, %mul3A_382 : i32
      %dma_start3A_384 = arith.constant 0 : i32
      %dma_start3A_385 = arith.constant 0 : i32
      %dma_start3A_386 = tpu.memref_slice %arg10[%rem3A_349, %dma_start3A_384, %dma_start3A_385] : memref<4x128x64xf32, #tpu.memory_space<vmem>> -> memref<1x128x64xf32, #tpu.memory_space<vmem>>
      %dma_start3A_387 = tpu.memref_squeeze %dma_start3A_386 : memref<1x128x64xf32, #tpu.memory_space<vmem>> -> memref<128x64xf32, #tpu.memory_space<vmem>>
      %dma_start3A_388 = tpu.memref_slice %arg9[%mul3A_383] : memref<20000xi32, #tpu.memory_space<vmem>> -> memref<128xi32, #tpu.memory_space<vmem>>
      %dma_start3A_389 = arith.constant 0 : i32
      %dma_start3A_390 = arith.constant 0 : i32
      %dma_start3A_391 = tpu.memref_slice %arg12[%dma_start3A_389, %dma_start3A_390] : memref<10000x64xf32, #tpu.memory_space<vmem_shared>> -> memref<10000x64xf32, #tpu.memory_space<vmem_shared>>
      %dma_start3A_392 = tpu.memref_slice %arg14[%rem3A_349] : memref<4x!tpu.dma_semaphore, #tpu.memory_space<semaphore_mem>> -> memref<1x!tpu.dma_semaphore, #tpu.memory_space<semaphore_mem>>
      %dma_start3A_393 = tpu.memref_squeeze %dma_start3A_392 : memref<1x!tpu.dma_semaphore, #tpu.memory_space<semaphore_mem>> -> memref<!tpu.dma_semaphore, #tpu.memory_space<semaphore_mem>>
      tpu.enqueue_indirect_dma source(%dma_start3A_387 : memref<128x64xf32, #tpu.memory_space<vmem>>) target(%dma_start3A_391 : memref<10000x64xf32, #tpu.memory_space<vmem_shared>>) offsets(%dma_start3A_388 : memref<128xi32, #tpu.memory_space<vmem>>) semaphore(%dma_start3A_393 : memref<!tpu.dma_semaphore, #tpu.memory_space<semaphore_mem>>) {add = true}
    }
    %scan3A_58 = arith.constant 156 : i32
    %dma_wait3A = arith.constant 0 : i32
    %dma_wait3A_59 = arith.constant 0 : i32
    %dma_wait3A_60 = arith.constant 0 : i32
    %dma_wait3A_61 = arith.constant 0 : i32
    %dma_wait3A_62 = tpu.memref_slice %arg10[%dma_wait3A, %dma_wait3A_60, %dma_wait3A_61] : memref<4x128x64xf32, #tpu.memory_space<vmem>> -> memref<1x128x64xf32, #tpu.memory_space<vmem>>
    %dma_wait3A_63 = tpu.memref_squeeze %dma_wait3A_62 : memref<1x128x64xf32, #tpu.memory_space<vmem>> -> memref<128x64xf32, #tpu.memory_space<vmem>>
    %dma_wait3A_64 = arith.constant 0 : i32
    %dma_wait3A_65 = tpu.memref_slice %arg9[%dma_wait3A_64] : memref<20000xi32, #tpu.memory_space<vmem>> -> memref<128xi32, #tpu.memory_space<vmem>>
    %dma_wait3A_66 = arith.constant 0 : i32
    %dma_wait3A_67 = arith.constant 0 : i32
    %dma_wait3A_68 = tpu.memref_slice %arg12[%dma_wait3A_66, %dma_wait3A_67] : memref<10000x64xf32, #tpu.memory_space<vmem_shared>> -> memref<10000x64xf32, #tpu.memory_space<vmem_shared>>
    %dma_wait3A_69 = tpu.memref_slice %arg14[%dma_wait3A_59] : memref<4x!tpu.dma_semaphore, #tpu.memory_space<semaphore_mem>> -> memref<1x!tpu.dma_semaphore, #tpu.memory_space<semaphore_mem>>
    %dma_wait3A_70 = tpu.memref_squeeze %dma_wait3A_69 : memref<1x!tpu.dma_semaphore, #tpu.memory_space<semaphore_mem>> -> memref<!tpu.dma_semaphore, #tpu.memory_space<semaphore_mem>>
    tpu.wait_indirect_dma semaphore(%dma_wait3A_70 : memref<!tpu.dma_semaphore, #tpu.memory_space<semaphore_mem>>) src(%dma_wait3A_63 : memref<128x64xf32, #tpu.memory_space<vmem>>) dst(%dma_wait3A_68 : memref<10000x64xf32, #tpu.memory_space<vmem_shared>>)
    %dma_wait3A_71 = arith.constant 1 : i32
    %dma_wait3A_72 = arith.constant 1 : i32
    %dma_wait3A_73 = arith.constant 0 : i32
    %dma_wait3A_74 = arith.constant 0 : i32
    %dma_wait3A_75 = tpu.memref_slice %arg10[%dma_wait3A_71, %dma_wait3A_73, %dma_wait3A_74] : memref<4x128x64xf32, #tpu.memory_space<vmem>> -> memref<1x128x64xf32, #tpu.memory_space<vmem>>
    %dma_wait3A_76 = tpu.memref_squeeze %dma_wait3A_75 : memref<1x128x64xf32, #tpu.memory_space<vmem>> -> memref<128x64xf32, #tpu.memory_space<vmem>>
    %dma_wait3A_77 = arith.constant 0 : i32
    %dma_wait3A_78 = tpu.memref_slice %arg9[%dma_wait3A_77] : memref<20000xi32, #tpu.memory_space<vmem>> -> memref<128xi32, #tpu.memory_space<vmem>>
    %dma_wait3A_79 = arith.constant 0 : i32
    %dma_wait3A_80 = arith.constant 0 : i32
    %dma_wait3A_81 = tpu.memref_slice %arg12[%dma_wait3A_79, %dma_wait3A_80] : memref<10000x64xf32, #tpu.memory_space<vmem_shared>> -> memref<10000x64xf32, #tpu.memory_space<vmem_shared>>
    %dma_wait3A_82 = tpu.memref_slice %arg14[%dma_wait3A_72] : memref<4x!tpu.dma_semaphore, #tpu.memory_space<semaphore_mem>> -> memref<1x!tpu.dma_semaphore, #tpu.memory_space<semaphore_mem>>
    %dma_wait3A_83 = tpu.memref_squeeze %dma_wait3A_82 : memref<1x!tpu.dma_semaphore, #tpu.memory_space<semaphore_mem>> -> memref<!tpu.dma_semaphore, #tpu.memory_space<semaphore_mem>>
    tpu.wait_indirect_dma semaphore(%dma_wait3A_83 : memref<!tpu.dma_semaphore, #tpu.memory_space<semaphore_mem>>) src(%dma_wait3A_76 : memref<128x64xf32, #tpu.memory_space<vmem>>) dst(%dma_wait3A_81 : memref<10000x64xf32, #tpu.memory_space<vmem_shared>>)
    %dma_wait3A_84 = arith.constant 2 : i32
    %dma_wait3A_85 = arith.constant 2 : i32
    %dma_wait3A_86 = arith.constant 0 : i32
    %dma_wait3A_87 = arith.constant 0 : i32
    %dma_wait3A_88 = tpu.memref_slice %arg10[%dma_wait3A_84, %dma_wait3A_86, %dma_wait3A_87] : memref<4x128x64xf32, #tpu.memory_space<vmem>> -> memref<1x128x64xf32, #tpu.memory_space<vmem>>
    %dma_wait3A_89 = tpu.memref_squeeze %dma_wait3A_88 : memref<1x128x64xf32, #tpu.memory_space<vmem>> -> memref<128x64xf32, #tpu.memory_space<vmem>>
    %dma_wait3A_90 = arith.constant 0 : i32
    %dma_wait3A_91 = tpu.memref_slice %arg9[%dma_wait3A_90] : memref<20000xi32, #tpu.memory_space<vmem>> -> memref<128xi32, #tpu.memory_space<vmem>>
    %dma_wait3A_92 = arith.constant 0 : i32
    %dma_wait3A_93 = arith.constant 0 : i32
    %dma_wait3A_94 = tpu.memref_slice %arg12[%dma_wait3A_92, %dma_wait3A_93] : memref<10000x64xf32, #tpu.memory_space<vmem_shared>> -> memref<10000x64xf32, #tpu.memory_space<vmem_shared>>
    %dma_wait3A_95 = tpu.memref_slice %arg14[%dma_wait3A_85] : memref<4x!tpu.dma_semaphore, #tpu.memory_space<semaphore_mem>> -> memref<1x!tpu.dma_semaphore, #tpu.memory_space<semaphore_mem>>
    %dma_wait3A_96 = tpu.memref_squeeze %dma_wait3A_95 : memref<1x!tpu.dma_semaphore, #tpu.memory_space<semaphore_mem>> -> memref<!tpu.dma_semaphore, #tpu.memory_space<semaphore_mem>>
    tpu.wait_indirect_dma semaphore(%dma_wait3A_96 : memref<!tpu.dma_semaphore, #tpu.memory_space<semaphore_mem>>) src(%dma_wait3A_89 : memref<128x64xf32, #tpu.memory_space<vmem>>) dst(%dma_wait3A_94 : memref<10000x64xf32, #tpu.memory_space<vmem_shared>>)
    %dma_wait3A_97 = arith.constant 3 : i32
    %dma_wait3A_98 = arith.constant 3 : i32
    %dma_wait3A_99 = arith.constant 0 : i32
    %dma_wait3A_100 = arith.constant 0 : i32
    %dma_wait3A_101 = tpu.memref_slice %arg10[%dma_wait3A_97, %dma_wait3A_99, %dma_wait3A_100] : memref<4x128x64xf32, #tpu.memory_space<vmem>> -> memref<1x128x64xf32, #tpu.memory_space<vmem>>
    %dma_wait3A_102 = tpu.memref_squeeze %dma_wait3A_101 : memref<1x128x64xf32, #tpu.memory_space<vmem>> -> memref<128x64xf32, #tpu.memory_space<vmem>>
    %dma_wait3A_103 = arith.constant 0 : i32
    %dma_wait3A_104 = tpu.memref_slice %arg9[%dma_wait3A_103] : memref<20000xi32, #tpu.memory_space<vmem>> -> memref<128xi32, #tpu.memory_space<vmem>>
    %dma_wait3A_105 = arith.constant 0 : i32
    %dma_wait3A_106 = arith.constant 0 : i32
    %dma_wait3A_107 = tpu.memref_slice %arg12[%dma_wait3A_105, %dma_wait3A_106] : memref<10000x64xf32, #tpu.memory_space<vmem_shared>> -> memref<10000x64xf32, #tpu.memory_space<vmem_shared>>
    %dma_wait3A_108 = tpu.memref_slice %arg14[%dma_wait3A_98] : memref<4x!tpu.dma_semaphore, #tpu.memory_space<semaphore_mem>> -> memref<1x!tpu.dma_semaphore, #tpu.memory_space<semaphore_mem>>
    %dma_wait3A_109 = tpu.memref_squeeze %dma_wait3A_108 : memref<1x!tpu.dma_semaphore, #tpu.memory_space<semaphore_mem>> -> memref<!tpu.dma_semaphore, #tpu.memory_space<semaphore_mem>>
    tpu.wait_indirect_dma semaphore(%dma_wait3A_109 : memref<!tpu.dma_semaphore, #tpu.memory_space<semaphore_mem>>) src(%dma_wait3A_102 : memref<128x64xf32, #tpu.memory_space<vmem>>) dst(%dma_wait3A_107 : memref<10000x64xf32, #tpu.memory_space<vmem_shared>>)
    %dma_start3A_110 = arith.constant 0 : i32
    %dma_start3A_111 = arith.constant 0 : i32
    %dma_start3A_112 = arith.constant 0 : i32
    %dma_start3A_113 = arith.constant 0 : i32
    %dma_start3A_114 = tpu.memref_slice %arg10[%dma_start3A_110, %dma_start3A_112, %dma_start3A_113] : memref<4x128x64xf32, #tpu.memory_space<vmem>> -> memref<1x32x64xf32, #tpu.memory_space<vmem>>
    %dma_start3A_115 = tpu.memref_squeeze %dma_start3A_114 : memref<1x32x64xf32, #tpu.memory_space<vmem>> -> memref<32x64xf32, #tpu.memory_space<vmem>>
    %dma_start3A_116 = arith.constant 19968 : i32
    %dma_start3A_117 = tpu.memref_slice %arg8[%dma_start3A_116] : memref<20000xi32, #tpu.memory_space<vmem>> -> memref<32xi32, #tpu.memory_space<vmem>>
    %dma_start3A_118 = arith.constant 0 : i32
    %dma_start3A_119 = arith.constant 0 : i32
    %dma_start3A_120 = tpu.memref_slice %arg2[%arg0, %dma_start3A_118, %dma_start3A_119] : memref<2x10000x64xf32, #tpu.memory_space<hbm>> -> memref<1x10000x64xf32, #tpu.memory_space<hbm>>
    %dma_start3A_121 = tpu.memref_squeeze %dma_start3A_120 : memref<1x10000x64xf32, #tpu.memory_space<hbm>> -> memref<10000x64xf32, #tpu.memory_space<hbm>>
    %dma_start3A_122 = arith.constant 0 : i32
    %dma_start3A_123 = arith.constant 0 : i32
    %dma_start3A_124 = tpu.memref_slice %dma_start3A_121[%dma_start3A_122, %dma_start3A_123] : memref<10000x64xf32, #tpu.memory_space<hbm>> -> memref<10000x64xf32, #tpu.memory_space<hbm>>
    %dma_start3A_125 = tpu.memref_slice %arg13[%dma_start3A_111] : memref<4x!tpu.dma_semaphore, #tpu.memory_space<semaphore_mem>> -> memref<1x!tpu.dma_semaphore, #tpu.memory_space<semaphore_mem>>
    %dma_start3A_126 = tpu.memref_squeeze %dma_start3A_125 : memref<1x!tpu.dma_semaphore, #tpu.memory_space<semaphore_mem>> -> memref<!tpu.dma_semaphore, #tpu.memory_space<semaphore_mem>>
    tpu.enqueue_indirect_dma source(%dma_start3A_124 : memref<10000x64xf32, #tpu.memory_space<hbm>>) target(%dma_start3A_115 : memref<32x64xf32, #tpu.memory_space<vmem>>) offsets(%dma_start3A_117 : memref<32xi32, #tpu.memory_space<vmem>>) semaphore(%dma_start3A_126 : memref<!tpu.dma_semaphore, #tpu.memory_space<semaphore_mem>>)
    %dma_wait3A_127 = arith.constant 0 : i32
    %dma_wait3A_128 = arith.constant 0 : i32
    %dma_wait3A_129 = arith.constant 0 : i32
    %dma_wait3A_130 = arith.constant 0 : i32
    %dma_wait3A_131 = tpu.memref_slice %arg10[%dma_wait3A_127, %dma_wait3A_129, %dma_wait3A_130] : memref<4x128x64xf32, #tpu.memory_space<vmem>> -> memref<1x32x64xf32, #tpu.memory_space<vmem>>
    %dma_wait3A_132 = tpu.memref_squeeze %dma_wait3A_131 : memref<1x32x64xf32, #tpu.memory_space<vmem>> -> memref<32x64xf32, #tpu.memory_space<vmem>>
    %dma_wait3A_133 = arith.constant 19968 : i32
    %dma_wait3A_134 = tpu.memref_slice %arg8[%dma_wait3A_133] : memref<20000xi32, #tpu.memory_space<vmem>> -> memref<32xi32, #tpu.memory_space<vmem>>
    %dma_wait3A_135 = arith.constant 0 : i32
    %dma_wait3A_136 = arith.constant 0 : i32
    %dma_wait3A_137 = tpu.memref_slice %arg2[%arg0, %dma_wait3A_135, %dma_wait3A_136] : memref<2x10000x64xf32, #tpu.memory_space<hbm>> -> memref<1x10000x64xf32, #tpu.memory_space<hbm>>
    %dma_wait3A_138 = tpu.memref_squeeze %dma_wait3A_137 : memref<1x10000x64xf32, #tpu.memory_space<hbm>> -> memref<10000x64xf32, #tpu.memory_space<hbm>>
    %dma_wait3A_139 = arith.constant 0 : i32
    %dma_wait3A_140 = arith.constant 0 : i32
    %dma_wait3A_141 = tpu.memref_slice %dma_wait3A_138[%dma_wait3A_139, %dma_wait3A_140] : memref<10000x64xf32, #tpu.memory_space<hbm>> -> memref<10000x64xf32, #tpu.memory_space<hbm>>
    %dma_wait3A_142 = tpu.memref_slice %arg13[%dma_wait3A_128] : memref<4x!tpu.dma_semaphore, #tpu.memory_space<semaphore_mem>> -> memref<1x!tpu.dma_semaphore, #tpu.memory_space<semaphore_mem>>
    %dma_wait3A_143 = tpu.memref_squeeze %dma_wait3A_142 : memref<1x!tpu.dma_semaphore, #tpu.memory_space<semaphore_mem>> -> memref<!tpu.dma_semaphore, #tpu.memory_space<semaphore_mem>>
    tpu.wait_indirect_dma semaphore(%dma_wait3A_143 : memref<!tpu.dma_semaphore, #tpu.memory_space<semaphore_mem>>) src(%dma_wait3A_141 : memref<10000x64xf32, #tpu.memory_space<hbm>>) dst(%dma_wait3A_132 : memref<32x64xf32, #tpu.memory_space<vmem>>)
    %dma_start3A_144 = arith.constant 0 : i32
    %dma_start3A_145 = arith.constant 0 : i32
    %dma_start3A_146 = arith.constant 0 : i32
    %dma_start3A_147 = arith.constant 0 : i32
    %dma_start3A_148 = tpu.memref_slice %arg10[%dma_start3A_144, %dma_start3A_146, %dma_start3A_147] : memref<4x128x64xf32, #tpu.memory_space<vmem>> -> memref<1x32x64xf32, #tpu.memory_space<vmem>>
    %dma_start3A_149 = tpu.memref_squeeze %dma_start3A_148 : memref<1x32x64xf32, #tpu.memory_space<vmem>> -> memref<32x64xf32, #tpu.memory_space<vmem>>
    %dma_start3A_150 = arith.constant 19968 : i32
    %dma_start3A_151 = tpu.memref_slice %arg9[%dma_start3A_150] : memref<20000xi32, #tpu.memory_space<vmem>> -> memref<32xi32, #tpu.memory_space<vmem>>
    %dma_start3A_152 = arith.constant 0 : i32
    %dma_start3A_153 = arith.constant 0 : i32
    %dma_start3A_154 = tpu.memref_slice %arg12[%dma_start3A_152, %dma_start3A_153] : memref<10000x64xf32, #tpu.memory_space<vmem_shared>> -> memref<10000x64xf32, #tpu.memory_space<vmem_shared>>
    %dma_start3A_155 = tpu.memref_slice %arg14[%dma_start3A_145] : memref<4x!tpu.dma_semaphore, #tpu.memory_space<semaphore_mem>> -> memref<1x!tpu.dma_semaphore, #tpu.memory_space<semaphore_mem>>
    %dma_start3A_156 = tpu.memref_squeeze %dma_start3A_155 : memref<1x!tpu.dma_semaphore, #tpu.memory_space<semaphore_mem>> -> memref<!tpu.dma_semaphore, #tpu.memory_space<semaphore_mem>>
    tpu.enqueue_indirect_dma source(%dma_start3A_149 : memref<32x64xf32, #tpu.memory_space<vmem>>) target(%dma_start3A_154 : memref<10000x64xf32, #tpu.memory_space<vmem_shared>>) offsets(%dma_start3A_151 : memref<32xi32, #tpu.memory_space<vmem>>) semaphore(%dma_start3A_156 : memref<!tpu.dma_semaphore, #tpu.memory_space<semaphore_mem>>) {add = true}
    %dma_wait3A_157 = arith.constant 0 : i32
    %dma_wait3A_158 = arith.constant 0 : i32
    %dma_wait3A_159 = arith.constant 0 : i32
    %dma_wait3A_160 = arith.constant 0 : i32
    %dma_wait3A_161 = tpu.memref_slice %arg10[%dma_wait3A_157, %dma_wait3A_159, %dma_wait3A_160] : memref<4x128x64xf32, #tpu.memory_space<vmem>> -> memref<1x32x64xf32, #tpu.memory_space<vmem>>
    %dma_wait3A_162 = tpu.memref_squeeze %dma_wait3A_161 : memref<1x32x64xf32, #tpu.memory_space<vmem>> -> memref<32x64xf32, #tpu.memory_space<vmem>>
    %dma_wait3A_163 = arith.constant 19968 : i32
    %dma_wait3A_164 = tpu.memref_slice %arg9[%dma_wait3A_163] : memref<20000xi32, #tpu.memory_space<vmem>> -> memref<32xi32, #tpu.memory_space<vmem>>
    %dma_wait3A_165 = arith.constant 0 : i32
    %dma_wait3A_166 = arith.constant 0 : i32
    %dma_wait3A_167 = tpu.memref_slice %arg12[%dma_wait3A_165, %dma_wait3A_166] : memref<10000x64xf32, #tpu.memory_space<vmem_shared>> -> memref<10000x64xf32, #tpu.memory_space<vmem_shared>>
    %dma_wait3A_168 = tpu.memref_slice %arg14[%dma_wait3A_158] : memref<4x!tpu.dma_semaphore, #tpu.memory_space<semaphore_mem>> -> memref<1x!tpu.dma_semaphore, #tpu.memory_space<semaphore_mem>>
    %dma_wait3A_169 = tpu.memref_squeeze %dma_wait3A_168 : memref<1x!tpu.dma_semaphore, #tpu.memory_space<semaphore_mem>> -> memref<!tpu.dma_semaphore, #tpu.memory_space<semaphore_mem>>
    tpu.wait_indirect_dma semaphore(%dma_wait3A_169 : memref<!tpu.dma_semaphore, #tpu.memory_space<semaphore_mem>>) src(%dma_wait3A_162 : memref<32x64xf32, #tpu.memory_space<vmem>>) dst(%dma_wait3A_167 : memref<10000x64xf32, #tpu.memory_space<vmem_shared>>)
    %barrier3A_170 = arith.constant 0 : index
    tpu.barrier barrier_id(%barrier3A_170)
    %lt3A_171 = arith.constant 15 : i32
    %lt3A_172 = arith.cmpi slt, %arg1, %lt3A_171 : i32
    %convert_element_type3A_173 = arith.extui %lt3A_172 : i1 to i32
    %cond3A_174 = arith.constant 0 : i32
    %cond3A_175 = arith.cmpi ne, %convert_element_type3A_173, %cond3A_174 : i32
    scf.if %cond3A_175 {
      %add3A = arith.constant 0 : i32
      %add3A_345 = arith.addi %multiple_of3A, %add3A : i32
      %multiple_of3A_346 = tpu.assume_multiple %add3A_345, 8 : i32
      %run_scoped3A_347 = arith.constant 0 : i32
      "tpu.region"() ({
        %run_scoped3A_399 = tpu.sem_alloc : memref<!tpu.dma_semaphore, #tpu.memory_space<semaphore_mem>>
        %dma_start3A_400 = arith.constant 0 : i32
        %dma_start3A_401 = arith.constant 0 : i32
        %dma_start3A_402 = tpu.memref_slice %arg10[%run_scoped3A_347, %dma_start3A_400, %dma_start3A_401] : memref<4x128x64xf32, #tpu.memory_space<vmem>> -> memref<1x128x64xf32, #tpu.memory_space<vmem>>
        %dma_start3A_403 = tpu.memref_squeeze %dma_start3A_402 : memref<1x128x64xf32, #tpu.memory_space<vmem>> -> memref<128x64xf32, #tpu.memory_space<vmem>>
        %dma_start3A_404 = arith.constant 0 : i32
        %dma_start3A_405 = tpu.memref_slice %arg12[%multiple_of3A_346, %dma_start3A_404] : memref<10000x64xf32, #tpu.memory_space<vmem_shared>> -> memref<128x64xf32, #tpu.memory_space<vmem_shared>>
        %dma_start3A_406 = arith.constant 0 : i32
        %dma_start3A_407 = arith.constant 0 : i32
        %dma_start3A_408 = tpu.memref_slice %arg10[%run_scoped3A_347, %dma_start3A_406, %dma_start3A_407] : memref<4x128x64xf32, #tpu.memory_space<vmem>> -> memref<1x128x64xf32, #tpu.memory_space<vmem>>
        %dma_start3A_409 = tpu.memref_squeeze %dma_start3A_408 : memref<1x128x64xf32, #tpu.memory_space<vmem>> -> memref<128x64xf32, #tpu.memory_space<vmem>>
        %dma_start3A_410 = arith.constant 0 : i32
        %dma_start3A_411 = tpu.memref_slice %arg12[%multiple_of3A_346, %dma_start3A_410] : memref<10000x64xf32, #tpu.memory_space<vmem_shared>> -> memref<128x64xf32, #tpu.memory_space<vmem_shared>>
        tpu.enqueue_dma source(%dma_start3A_411 : memref<128x64xf32, #tpu.memory_space<vmem_shared>>) target(%dma_start3A_409 : memref<128x64xf32, #tpu.memory_space<vmem>>) target_semaphore(%run_scoped3A_399 : memref<!tpu.dma_semaphore, #tpu.memory_space<semaphore_mem>>)
        %dma_wait3A_412 = arith.constant 0 : i32
        %dma_wait3A_413 = arith.constant 0 : i32
        %dma_wait3A_414 = tpu.memref_slice %arg10[%run_scoped3A_347, %dma_wait3A_412, %dma_wait3A_413] : memref<4x128x64xf32, #tpu.memory_space<vmem>> -> memref<1x128x64xf32, #tpu.memory_space<vmem>>
        %dma_wait3A_415 = tpu.memref_squeeze %dma_wait3A_414 : memref<1x128x64xf32, #tpu.memory_space<vmem>> -> memref<128x64xf32, #tpu.memory_space<vmem>>
        %dma_wait3A_416 = arith.constant 0 : i32
        %dma_wait3A_417 = tpu.memref_slice %arg12[%multiple_of3A_346, %dma_wait3A_416] : memref<10000x64xf32, #tpu.memory_space<vmem_shared>> -> memref<128x64xf32, #tpu.memory_space<vmem_shared>>
        %dma_wait3A_418 = arith.constant 0 : i32
        %dma_wait3A_419 = arith.constant 0 : i32
        %dma_wait3A_420 = tpu.memref_slice %arg10[%run_scoped3A_347, %dma_wait3A_418, %dma_wait3A_419] : memref<4x128x64xf32, #tpu.memory_space<vmem>> -> memref<1x128x64xf32, #tpu.memory_space<vmem>>
        %dma_wait3A_421 = tpu.memref_squeeze %dma_wait3A_420 : memref<1x128x64xf32, #tpu.memory_space<vmem>> -> memref<128x64xf32, #tpu.memory_space<vmem>>
        %dma_wait3A_422 = arith.constant 0 : i32
        %dma_wait3A_423 = tpu.memref_slice %arg12[%multiple_of3A_346, %dma_wait3A_422] : memref<10000x64xf32, #tpu.memory_space<vmem_shared>> -> memref<128x64xf32, #tpu.memory_space<vmem_shared>>
        tpu.wait_dma2 semaphore(%run_scoped3A_399 : memref<!tpu.dma_semaphore, #tpu.memory_space<semaphore_mem>>) src(%dma_wait3A_423 : memref<128x64xf32, #tpu.memory_space<vmem_shared>>) dst(%dma_wait3A_421 : memref<128x64xf32, #tpu.memory_space<vmem>>)
        tpu.yield
      }) : () -> ()
      %scan3A_348 = arith.constant 0 : i32
      %scan3A_349 = arith.constant 0 : i32
      %scan3A_350 = arith.constant 128 : i32
      %scan3A_351 = arith.addi %scan3A_349, %scan3A_350 : i32
      %scan3A_352 = arith.constant 1 : i32
      scf.for %scan3A_399 = %scan3A_349 to %scan3A_351 step %scan3A_352  : i32 {
        %add3A_400 = arith.constant 0 : i32
        %add3A_401 = arith.addi %add3A_400, %scan3A_399 : i32
        %get3A = arith.index_cast %add3A_401 : i32 to index
        %get3A_402 = tpu.vector_load %arg11[%get3A] {strides = array<i32>} : memref<648xf32, #tpu.memory_space<vmem>>, vector<16xf32>,
        %get3A_403 = vector.shape_cast %get3A_402 : vector<16xf32> to vector<16xf32>
        %slice3A = vector.extract_strided_slice %get3A_403 {offsets = [0], sizes = [1], strides = [1]} : vector<16xf32> to vector<1xf32>
        %squeeze3A = vector.extract %slice3A[0] : f32 from vector<1xf32>
        %broadcast_in_dim3A = vector.broadcast %squeeze3A : f32 to vector<16xf32>
        %get3A_404 = arith.constant 0 : i32
        %get3A_405 = arith.index_cast %get3A_404 : i32 to index
        %get3A_406 = arith.index_cast %scan3A_399 : i32 to index
        %get3A_407 = arith.constant 0 : index
        %get3A_408 = tpu.vector_load %arg10[%get3A_405, %get3A_406, %get3A_407] {strides = array<i32>} : memref<4x128x64xf32, #tpu.memory_space<vmem>>, vector<1x1x16xf32>,
        %get3A_409 = vector.shape_cast %get3A_408 : vector<1x1x16xf32> to vector<16xf32>
        %mul3A_410 = arith.mulf %get3A_409, %broadcast_in_dim3A : vector<16xf32>
        %swap3A = arith.constant 0 : i32
        %swap3A_411 = arith.index_cast %swap3A : i32 to index
        %swap3A_412 = arith.index_cast %scan3A_399 : i32 to index
        %swap3A_413 = arith.constant 0 : index
        %swap3A_414 = tpu.vector_load %arg10[%swap3A_411, %swap3A_412, %swap3A_413] {strides = array<i32>} : memref<4x128x64xf32, #tpu.memory_space<vmem>>, vector<1x1x16xf32>,
        %swap3A_415 = vector.shape_cast %swap3A_414 : vector<1x1x16xf32> to vector<16xf32>
        %swap3A_416 = vector.shape_cast %mul3A_410 : vector<16xf32> to vector<1x1x16xf32>
        tpu.vector_store %arg10[%swap3A_411, %swap3A_412, %swap3A_413], %swap3A_416 {strides = array<i32>} : memref<4x128x64xf32, #tpu.memory_space<vmem>>, vector<1x1x16xf32>,
        %get3A_417 = arith.constant 0 : i32
        %get3A_418 = arith.index_cast %get3A_417 : i32 to index
        %get3A_419 = arith.index_cast %scan3A_399 : i32 to index
        %get3A_420 = arith.constant 16 : index
        %get3A_421 = tpu.vector_load %arg10[%get3A_418, %get3A_419, %get3A_420] {strides = array<i32>} : memref<4x128x64xf32, #tpu.memory_space<vmem>>, vector<1x1x16xf32>,
        %get3A_422 = vector.shape_cast %get3A_421 : vector<1x1x16xf32> to vector<16xf32>
        %mul3A_423 = arith.mulf %get3A_422, %broadcast_in_dim3A : vector<16xf32>
        %swap3A_424 = arith.constant 0 : i32
        %swap3A_425 = arith.index_cast %swap3A_424 : i32 to index
        %swap3A_426 = arith.index_cast %scan3A_399 : i32 to index
        %swap3A_427 = arith.constant 16 : index
        %swap3A_428 = tpu.vector_load %arg10[%swap3A_425, %swap3A_426, %swap3A_427] {strides = array<i32>} : memref<4x128x64xf32, #tpu.memory_space<vmem>>, vector<1x1x16xf32>,
        %swap3A_429 = vector.shape_cast %swap3A_428 : vector<1x1x16xf32> to vector<16xf32>
        %swap3A_430 = vector.shape_cast %mul3A_423 : vector<16xf32> to vector<1x1x16xf32>
        tpu.vector_store %arg10[%swap3A_425, %swap3A_426, %swap3A_427], %swap3A_430 {strides = array<i32>} : memref<4x128x64xf32, #tpu.memory_space<vmem>>, vector<1x1x16xf32>,
        %get3A_431 = arith.constant 0 : i32
        %get3A_432 = arith.index_cast %get3A_431 : i32 to index
        %get3A_433 = arith.index_cast %scan3A_399 : i32 to index
        %get3A_434 = arith.constant 32 : index
        %get3A_435 = tpu.vector_load %arg10[%get3A_432, %get3A_433, %get3A_434] {strides = array<i32>} : memref<4x128x64xf32, #tpu.memory_space<vmem>>, vector<1x1x16xf32>,
        %get3A_436 = vector.shape_cast %get3A_435 : vector<1x1x16xf32> to vector<16xf32>
        %mul3A_437 = arith.mulf %get3A_436, %broadcast_in_dim3A : vector<16xf32>
        %swap3A_438 = arith.constant 0 : i32
        %swap3A_439 = arith.index_cast %swap3A_438 : i32 to index
        %swap3A_440 = arith.index_cast %scan3A_399 : i32 to index
        %swap3A_441 = arith.constant 32 : index
        %swap3A_442 = tpu.vector_load %arg10[%swap3A_439, %swap3A_440, %swap3A_441] {strides = array<i32>} : memref<4x128x64xf32, #tpu.memory_space<vmem>>, vector<1x1x16xf32>,
        %swap3A_443 = vector.shape_cast %swap3A_442 : vector<1x1x16xf32> to vector<16xf32>
        %swap3A_444 = vector.shape_cast %mul3A_437 : vector<16xf32> to vector<1x1x16xf32>
        tpu.vector_store %arg10[%swap3A_439, %swap3A_440, %swap3A_441], %swap3A_444 {strides = array<i32>} : memref<4x128x64xf32, #tpu.memory_space<vmem>>, vector<1x1x16xf32>,
        %get3A_445 = arith.constant 0 : i32
        %get3A_446 = arith.index_cast %get3A_445 : i32 to index
        %get3A_447 = arith.index_cast %scan3A_399 : i32 to index
        %get3A_448 = arith.constant 48 : index
        %get3A_449 = tpu.vector_load %arg10[%get3A_446, %get3A_447, %get3A_448] {strides = array<i32>} : memref<4x128x64xf32, #tpu.memory_space<vmem>>, vector<1x1x16xf32>,
        %get3A_450 = vector.shape_cast %get3A_449 : vector<1x1x16xf32> to vector<16xf32>
        %mul3A_451 = arith.mulf %get3A_450, %broadcast_in_dim3A : vector<16xf32>
        %swap3A_452 = arith.constant 0 : i32
        %swap3A_453 = arith.index_cast %swap3A_452 : i32 to index
        %swap3A_454 = arith.index_cast %scan3A_399 : i32 to index
        %swap3A_455 = arith.constant 48 : index
        %swap3A_456 = tpu.vector_load %arg10[%swap3A_453, %swap3A_454, %swap3A_455] {strides = array<i32>} : memref<4x128x64xf32, #tpu.memory_space<vmem>>, vector<1x1x16xf32>,
        %swap3A_457 = vector.shape_cast %swap3A_456 : vector<1x1x16xf32> to vector<16xf32>
        %swap3A_458 = vector.shape_cast %mul3A_451 : vector<16xf32> to vector<1x1x16xf32>
        tpu.vector_store %arg10[%swap3A_453, %swap3A_454, %swap3A_455], %swap3A_458 {strides = array<i32>} : memref<4x128x64xf32, #tpu.memory_space<vmem>>, vector<1x1x16xf32>,
      }
      %scan3A_353 = arith.constant 128 : i32
      %run_scoped3A_354 = arith.constant 0 : i32
      "tpu.region"() ({
        %run_scoped3A_399 = tpu.sem_alloc : memref<!tpu.dma_semaphore, #tpu.memory_space<semaphore_mem>>
        %dma_start3A_400 = arith.constant 0 : i32
        %dma_start3A_401 = arith.constant 0 : i32
        %dma_start3A_402 = tpu.memref_slice %arg10[%run_scoped3A_354, %dma_start3A_400, %dma_start3A_401] : memref<4x128x64xf32, #tpu.memory_space<vmem>> -> memref<1x128x64xf32, #tpu.memory_space<vmem>>
        %dma_start3A_403 = tpu.memref_squeeze %dma_start3A_402 : memref<1x128x64xf32, #tpu.memory_space<vmem>> -> memref<128x64xf32, #tpu.memory_space<vmem>>
        %dma_start3A_404 = arith.constant 0 : i32
        %dma_start3A_405 = tpu.memref_slice %arg7[%arg0, %multiple_of3A_346, %dma_start3A_404] : memref<2x10000x64xf32, #tpu.memory_space<hbm>> -> memref<1x128x64xf32, #tpu.memory_space<hbm>>
        %dma_start3A_406 = tpu.memref_squeeze %dma_start3A_405 : memref<1x128x64xf32, #tpu.memory_space<hbm>> -> memref<128x64xf32, #tpu.memory_space<hbm>>
        %dma_start3A_407 = arith.constant 0 : i32
        %dma_start3A_408 = tpu.memref_slice %arg7[%arg0, %multiple_of3A_346, %dma_start3A_407] : memref<2x10000x64xf32, #tpu.memory_space<hbm>> -> memref<1x128x64xf32, #tpu.memory_space<hbm>>
        %dma_start3A_409 = tpu.memref_squeeze %dma_start3A_408 : memref<1x128x64xf32, #tpu.memory_space<hbm>> -> memref<128x64xf32, #tpu.memory_space<hbm>>
        %dma_start3A_410 = arith.constant 0 : i32
        %dma_start3A_411 = arith.constant 0 : i32
        %dma_start3A_412 = tpu.memref_slice %arg10[%run_scoped3A_354, %dma_start3A_410, %dma_start3A_411] : memref<4x128x64xf32, #tpu.memory_space<vmem>> -> memref<1x128x64xf32, #tpu.memory_space<vmem>>
        %dma_start3A_413 = tpu.memref_squeeze %dma_start3A_412 : memref<1x128x64xf32, #tpu.memory_space<vmem>> -> memref<128x64xf32, #tpu.memory_space<vmem>>
        tpu.enqueue_dma source(%dma_start3A_413 : memref<128x64xf32, #tpu.memory_space<vmem>>) target(%dma_start3A_409 : memref<128x64xf32, #tpu.memory_space<hbm>>) target_semaphore(%run_scoped3A_399 : memref<!tpu.dma_semaphore, #tpu.memory_space<semaphore_mem>>)
        %dma_wait3A_414 = arith.constant 0 : i32
        %dma_wait3A_415 = arith.constant 0 : i32
        %dma_wait3A_416 = tpu.memref_slice %arg10[%run_scoped3A_354, %dma_wait3A_414, %dma_wait3A_415] : memref<4x128x64xf32, #tpu.memory_space<vmem>> -> memref<1x128x64xf32, #tpu.memory_space<vmem>>
        %dma_wait3A_417 = tpu.memref_squeeze %dma_wait3A_416 : memref<1x128x64xf32, #tpu.memory_space<vmem>> -> memref<128x64xf32, #tpu.memory_space<vmem>>
        %dma_wait3A_418 = arith.constant 0 : i32
        %dma_wait3A_419 = tpu.memref_slice %arg7[%arg0, %multiple_of3A_346, %dma_wait3A_418] : memref<2x10000x64xf32, #tpu.memory_space<hbm>> -> memref<1x128x64xf32, #tpu.memory_space<hbm>>
        %dma_wait3A_420 = tpu.memref_squeeze %dma_wait3A_419 : memref<1x128x64xf32, #tpu.memory_space<hbm>> -> memref<128x64xf32, #tpu.memory_space<hbm>>
        %dma_wait3A_421 = arith.constant 0 : i32
        %dma_wait3A_422 = tpu.memref_slice %arg7[%arg0, %multiple_of3A_346, %dma_wait3A_421] : memref<2x10000x64xf32, #tpu.memory_space<hbm>> -> memref<1x128x64xf32, #tpu.memory_space<hbm>>
        %dma_wait3A_423 = tpu.memref_squeeze %dma_wait3A_422 : memref<1x128x64xf32, #tpu.memory_space<hbm>> -> memref<128x64xf32, #tpu.memory_space<hbm>>
        %dma_wait3A_424 = arith.constant 0 : i32
        %dma_wait3A_425 = arith.constant 0 : i32
        %dma_wait3A_426 = tpu.memref_slice %arg10[%run_scoped3A_354, %dma_wait3A_424, %dma_wait3A_425] : memref<4x128x64xf32, #tpu.memory_space<vmem>> -> memref<1x128x64xf32, #tpu.memory_space<vmem>>
        %dma_wait3A_427 = tpu.memref_squeeze %dma_wait3A_426 : memref<1x128x64xf32, #tpu.memory_space<vmem>> -> memref<128x64xf32, #tpu.memory_space<vmem>>
        tpu.wait_dma2 semaphore(%run_scoped3A_399 : memref<!tpu.dma_semaphore, #tpu.memory_space<semaphore_mem>>) src(%dma_wait3A_427 : memref<128x64xf32, #tpu.memory_space<vmem>>) dst(%dma_wait3A_423 : memref<128x64xf32, #tpu.memory_space<hbm>>)
        tpu.yield
      }) : () -> ()
      "tpu.region"() ({
        %run_scoped3A_399 = tpu.sem_alloc : memref<!tpu.dma_semaphore, #tpu.memory_space<semaphore_mem>>
        %dma_start3A_400 = arith.constant 0 : i32
        %dma_start3A_401 = tpu.memref_slice %arg12[%multiple_of3A_346, %dma_start3A_400] : memref<10000x64xf32, #tpu.memory_space<vmem_shared>> -> memref<128x64xf32, #tpu.memory_space<vmem_shared>>
        %dma_start3A_402 = arith.constant 0 : i32
        %dma_start3A_403 = tpu.memref_slice %arg4[%multiple_of3A_346, %dma_start3A_402] : memref<10000x64xf32, #tpu.memory_space<hbm>> -> memref<128x64xf32, #tpu.memory_space<hbm>>
        tpu.enqueue_dma source(%dma_start3A_403 : memref<128x64xf32, #tpu.memory_space<hbm>>) target(%dma_start3A_401 : memref<128x64xf32, #tpu.memory_space<vmem_shared>>) target_semaphore(%run_scoped3A_399 : memref<!tpu.dma_semaphore, #tpu.memory_space<semaphore_mem>>)
        %dma_wait3A_404 = arith.constant 0 : i32
        %dma_wait3A_405 = tpu.memref_slice %arg12[%multiple_of3A_346, %dma_wait3A_404] : memref<10000x64xf32, #tpu.memory_space<vmem_shared>> -> memref<128x64xf32, #tpu.memory_space<vmem_shared>>
        %dma_wait3A_406 = arith.constant 0 : i32
        %dma_wait3A_407 = tpu.memref_slice %arg4[%multiple_of3A_346, %dma_wait3A_406] : memref<10000x64xf32, #tpu.memory_space<hbm>> -> memref<128x64xf32, #tpu.memory_space<hbm>>
        tpu.wait_dma2 semaphore(%run_scoped3A_399 : memref<!tpu.dma_semaphore, #tpu.memory_space<semaphore_mem>>) src(%dma_wait3A_407 : memref<128x64xf32, #tpu.memory_space<hbm>>) dst(%dma_wait3A_405 : memref<128x64xf32, #tpu.memory_space<vmem_shared>>)
        tpu.yield
      }) : () -> ()
      %add3A_355 = arith.constant 128 : i32
      %add3A_356 = arith.addi %multiple_of3A, %add3A_355 : i32
      %multiple_of3A_357 = tpu.assume_multiple %add3A_356, 8 : i32
      %run_scoped3A_358 = arith.constant 0 : i32
      "tpu.region"() ({
        %run_scoped3A_399 = tpu.sem_alloc : memref<!tpu.dma_semaphore, #tpu.memory_space<semaphore_mem>>
        %dma_start3A_400 = arith.constant 0 : i32
        %dma_start3A_401 = arith.constant 0 : i32
        %dma_start3A_402 = tpu.memref_slice %arg10[%run_scoped3A_358, %dma_start3A_400, %dma_start3A_401] : memref<4x128x64xf32, #tpu.memory_space<vmem>> -> memref<1x128x64xf32, #tpu.memory_space<vmem>>
        %dma_start3A_403 = tpu.memref_squeeze %dma_start3A_402 : memref<1x128x64xf32, #tpu.memory_space<vmem>> -> memref<128x64xf32, #tpu.memory_space<vmem>>
        %dma_start3A_404 = arith.constant 0 : i32
        %dma_start3A_405 = tpu.memref_slice %arg12[%multiple_of3A_357, %dma_start3A_404] : memref<10000x64xf32, #tpu.memory_space<vmem_shared>> -> memref<128x64xf32, #tpu.memory_space<vmem_shared>>
        %dma_start3A_406 = arith.constant 0 : i32
        %dma_start3A_407 = arith.constant 0 : i32
        %dma_start3A_408 = tpu.memref_slice %arg10[%run_scoped3A_358, %dma_start3A_406, %dma_start3A_407] : memref<4x128x64xf32, #tpu.memory_space<vmem>> -> memref<1x128x64xf32, #tpu.memory_space<vmem>>
        %dma_start3A_409 = tpu.memref_squeeze %dma_start3A_408 : memref<1x128x64xf32, #tpu.memory_space<vmem>> -> memref<128x64xf32, #tpu.memory_space<vmem>>
        %dma_start3A_410 = arith.constant 0 : i32
        %dma_start3A_411 = tpu.memref_slice %arg12[%multiple_of3A_357, %dma_start3A_410] : memref<10000x64xf32, #tpu.memory_space<vmem_shared>> -> memref<128x64xf32, #tpu.memory_space<vmem_shared>>
        tpu.enqueue_dma source(%dma_start3A_411 : memref<128x64xf32, #tpu.memory_space<vmem_shared>>) target(%dma_start3A_409 : memref<128x64xf32, #tpu.memory_space<vmem>>) target_semaphore(%run_scoped3A_399 : memref<!tpu.dma_semaphore, #tpu.memory_space<semaphore_mem>>)
        %dma_wait3A_412 = arith.constant 0 : i32
        %dma_wait3A_413 = arith.constant 0 : i32
        %dma_wait3A_414 = tpu.memref_slice %arg10[%run_scoped3A_358, %dma_wait3A_412, %dma_wait3A_413] : memref<4x128x64xf32, #tpu.memory_space<vmem>> -> memref<1x128x64xf32, #tpu.memory_space<vmem>>
        %dma_wait3A_415 = tpu.memref_squeeze %dma_wait3A_414 : memref<1x128x64xf32, #tpu.memory_space<vmem>> -> memref<128x64xf32, #tpu.memory_space<vmem>>
        %dma_wait3A_416 = arith.constant 0 : i32
        %dma_wait3A_417 = tpu.memref_slice %arg12[%multiple_of3A_357, %dma_wait3A_416] : memref<10000x64xf32, #tpu.memory_space<vmem_shared>> -> memref<128x64xf32, #tpu.memory_space<vmem_shared>>
        %dma_wait3A_418 = arith.constant 0 : i32
        %dma_wait3A_419 = arith.constant 0 : i32
        %dma_wait3A_420 = tpu.memref_slice %arg10[%run_scoped3A_358, %dma_wait3A_418, %dma_wait3A_419] : memref<4x128x64xf32, #tpu.memory_space<vmem>> -> memref<1x128x64xf32, #tpu.memory_space<vmem>>
        %dma_wait3A_421 = tpu.memref_squeeze %dma_wait3A_420 : memref<1x128x64xf32, #tpu.memory_space<vmem>> -> memref<128x64xf32, #tpu.memory_space<vmem>>
        %dma_wait3A_422 = arith.constant 0 : i32
        %dma_wait3A_423 = tpu.memref_slice %arg12[%multiple_of3A_357, %dma_wait3A_422] : memref<10000x64xf32, #tpu.memory_space<vmem_shared>> -> memref<128x64xf32, #tpu.memory_space<vmem_shared>>
        tpu.wait_dma2 semaphore(%run_scoped3A_399 : memref<!tpu.dma_semaphore, #tpu.memory_space<semaphore_mem>>) src(%dma_wait3A_423 : memref<128x64xf32, #tpu.memory_space<vmem_shared>>) dst(%dma_wait3A_421 : memref<128x64xf32, #tpu.memory_space<vmem>>)
        tpu.yield
      }) : () -> ()
      %scan3A_359 = arith.constant 0 : i32
      %scan3A_360 = arith.constant 0 : i32
      %scan3A_361 = arith.constant 128 : i32
      %scan3A_362 = arith.addi %scan3A_360, %scan3A_361 : i32
      %scan3A_363 = arith.constant 1 : i32
      scf.for %scan3A_399 = %scan3A_360 to %scan3A_362 step %scan3A_363  : i32 {
        %add3A_400 = arith.constant 128 : i32
        %add3A_401 = arith.addi %add3A_400, %scan3A_399 : i32
        %get3A = arith.index_cast %add3A_401 : i32 to index
        %get3A_402 = tpu.vector_load %arg11[%get3A] {strides = array<i32>} : memref<648xf32, #tpu.memory_space<vmem>>, vector<16xf32>,
        %get3A_403 = vector.shape_cast %get3A_402 : vector<16xf32> to vector<16xf32>
        %slice3A = vector.extract_strided_slice %get3A_403 {offsets = [0], sizes = [1], strides = [1]} : vector<16xf32> to vector<1xf32>
        %squeeze3A = vector.extract %slice3A[0] : f32 from vector<1xf32>
        %broadcast_in_dim3A = vector.broadcast %squeeze3A : f32 to vector<16xf32>
        %get3A_404 = arith.constant 0 : i32
        %get3A_405 = arith.index_cast %get3A_404 : i32 to index
        %get3A_406 = arith.index_cast %scan3A_399 : i32 to index
        %get3A_407 = arith.constant 0 : index
        %get3A_408 = tpu.vector_load %arg10[%get3A_405, %get3A_406, %get3A_407] {strides = array<i32>} : memref<4x128x64xf32, #tpu.memory_space<vmem>>, vector<1x1x16xf32>,
        %get3A_409 = vector.shape_cast %get3A_408 : vector<1x1x16xf32> to vector<16xf32>
        %mul3A_410 = arith.mulf %get3A_409, %broadcast_in_dim3A : vector<16xf32>
        %swap3A = arith.constant 0 : i32
        %swap3A_411 = arith.index_cast %swap3A : i32 to index
        %swap3A_412 = arith.index_cast %scan3A_399 : i32 to index
        %swap3A_413 = arith.constant 0 : index
        %swap3A_414 = tpu.vector_load %arg10[%swap3A_411, %swap3A_412, %swap3A_413] {strides = array<i32>} : memref<4x128x64xf32, #tpu.memory_space<vmem>>, vector<1x1x16xf32>,
        %swap3A_415 = vector.shape_cast %swap3A_414 : vector<1x1x16xf32> to vector<16xf32>
        %swap3A_416 = vector.shape_cast %mul3A_410 : vector<16xf32> to vector<1x1x16xf32>
        tpu.vector_store %arg10[%swap3A_411, %swap3A_412, %swap3A_413], %swap3A_416 {strides = array<i32>} : memref<4x128x64xf32, #tpu.memory_space<vmem>>, vector<1x1x16xf32>,
        %get3A_417 = arith.constant 0 : i32
        %get3A_418 = arith.index_cast %get3A_417 : i32 to index
        %get3A_419 = arith.index_cast %scan3A_399 : i32 to index
        %get3A_420 = arith.constant 16 : index
        %get3A_421 = tpu.vector_load %arg10[%get3A_418, %get3A_419, %get3A_420] {strides = array<i32>} : memref<4x128x64xf32, #tpu.memory_space<vmem>>, vector<1x1x16xf32>,
        %get3A_422 = vector.shape_cast %get3A_421 : vector<1x1x16xf32> to vector<16xf32>
        %mul3A_423 = arith.mulf %get3A_422, %broadcast_in_dim3A : vector<16xf32>
        %swap3A_424 = arith.constant 0 : i32
        %swap3A_425 = arith.index_cast %swap3A_424 : i32 to index
        %swap3A_426 = arith.index_cast %scan3A_399 : i32 to index
        %swap3A_427 = arith.constant 16 : index
        %swap3A_428 = tpu.vector_load %arg10[%swap3A_425, %swap3A_426, %swap3A_427] {strides = array<i32>} : memref<4x128x64xf32, #tpu.memory_space<vmem>>, vector<1x1x16xf32>,
        %swap3A_429 = vector.shape_cast %swap3A_428 : vector<1x1x16xf32> to vector<16xf32>
        %swap3A_430 = vector.shape_cast %mul3A_423 : vector<16xf32> to vector<1x1x16xf32>
        tpu.vector_store %arg10[%swap3A_425, %swap3A_426, %swap3A_427], %swap3A_430 {strides = array<i32>} : memref<4x128x64xf32, #tpu.memory_space<vmem>>, vector<1x1x16xf32>,
        %get3A_431 = arith.constant 0 : i32
        %get3A_432 = arith.index_cast %get3A_431 : i32 to index
        %get3A_433 = arith.index_cast %scan3A_399 : i32 to index
        %get3A_434 = arith.constant 32 : index
        %get3A_435 = tpu.vector_load %arg10[%get3A_432, %get3A_433, %get3A_434] {strides = array<i32>} : memref<4x128x64xf32, #tpu.memory_space<vmem>>, vector<1x1x16xf32>,
        %get3A_436 = vector.shape_cast %get3A_435 : vector<1x1x16xf32> to vector<16xf32>
        %mul3A_437 = arith.mulf %get3A_436, %broadcast_in_dim3A : vector<16xf32>
        %swap3A_438 = arith.constant 0 : i32
        %swap3A_439 = arith.index_cast %swap3A_438 : i32 to index
        %swap3A_440 = arith.index_cast %scan3A_399 : i32 to index
        %swap3A_441 = arith.constant 32 : index
        %swap3A_442 = tpu.vector_load %arg10[%swap3A_439, %swap3A_440, %swap3A_441] {strides = array<i32>} : memref<4x128x64xf32, #tpu.memory_space<vmem>>, vector<1x1x16xf32>,
        %swap3A_443 = vector.shape_cast %swap3A_442 : vector<1x1x16xf32> to vector<16xf32>
        %swap3A_444 = vector.shape_cast %mul3A_437 : vector<16xf32> to vector<1x1x16xf32>
        tpu.vector_store %arg10[%swap3A_439, %swap3A_440, %swap3A_441], %swap3A_444 {strides = array<i32>} : memref<4x128x64xf32, #tpu.memory_space<vmem>>, vector<1x1x16xf32>,
        %get3A_445 = arith.constant 0 : i32
        %get3A_446 = arith.index_cast %get3A_445 : i32 to index
        %get3A_447 = arith.index_cast %scan3A_399 : i32 to index
        %get3A_448 = arith.constant 48 : index
        %get3A_449 = tpu.vector_load %arg10[%get3A_446, %get3A_447, %get3A_448] {strides = array<i32>} : memref<4x128x64xf32, #tpu.memory_space<vmem>>, vector<1x1x16xf32>,
        %get3A_450 = vector.shape_cast %get3A_449 : vector<1x1x16xf32> to vector<16xf32>
        %mul3A_451 = arith.mulf %get3A_450, %broadcast_in_dim3A : vector<16xf32>
        %swap3A_452 = arith.constant 0 : i32
        %swap3A_453 = arith.index_cast %swap3A_452 : i32 to index
        %swap3A_454 = arith.index_cast %scan3A_399 : i32 to index
        %swap3A_455 = arith.constant 48 : index
        %swap3A_456 = tpu.vector_load %arg10[%swap3A_453, %swap3A_454, %swap3A_455] {strides = array<i32>} : memref<4x128x64xf32, #tpu.memory_space<vmem>>, vector<1x1x16xf32>,
        %swap3A_457 = vector.shape_cast %swap3A_456 : vector<1x1x16xf32> to vector<16xf32>
        %swap3A_458 = vector.shape_cast %mul3A_451 : vector<16xf32> to vector<1x1x16xf32>
        tpu.vector_store %arg10[%swap3A_453, %swap3A_454, %swap3A_455], %swap3A_458 {strides = array<i32>} : memref<4x128x64xf32, #tpu.memory_space<vmem>>, vector<1x1x16xf32>,
      }
      %scan3A_364 = arith.constant 128 : i32
      %run_scoped3A_365 = arith.constant 0 : i32
      "tpu.region"() ({
        %run_scoped3A_399 = tpu.sem_alloc : memref<!tpu.dma_semaphore, #tpu.memory_space<semaphore_mem>>
        %dma_start3A_400 = arith.constant 0 : i32
        %dma_start3A_401 = arith.constant 0 : i32
        %dma_start3A_402 = tpu.memref_slice %arg10[%run_scoped3A_365, %dma_start3A_400, %dma_start3A_401] : memref<4x128x64xf32, #tpu.memory_space<vmem>> -> memref<1x128x64xf32, #tpu.memory_space<vmem>>
        %dma_start3A_403 = tpu.memref_squeeze %dma_start3A_402 : memref<1x128x64xf32, #tpu.memory_space<vmem>> -> memref<128x64xf32, #tpu.memory_space<vmem>>
        %dma_start3A_404 = arith.constant 0 : i32
        %dma_start3A_405 = tpu.memref_slice %arg7[%arg0, %multiple_of3A_357, %dma_start3A_404] : memref<2x10000x64xf32, #tpu.memory_space<hbm>> -> memref<1x128x64xf32, #tpu.memory_space<hbm>>
        %dma_start3A_406 = tpu.memref_squeeze %dma_start3A_405 : memref<1x128x64xf32, #tpu.memory_space<hbm>> -> memref<128x64xf32, #tpu.memory_space<hbm>>
        %dma_start3A_407 = arith.constant 0 : i32
        %dma_start3A_408 = tpu.memref_slice %arg7[%arg0, %multiple_of3A_357, %dma_start3A_407] : memref<2x10000x64xf32, #tpu.memory_space<hbm>> -> memref<1x128x64xf32, #tpu.memory_space<hbm>>
        %dma_start3A_409 = tpu.memref_squeeze %dma_start3A_408 : memref<1x128x64xf32, #tpu.memory_space<hbm>> -> memref<128x64xf32, #tpu.memory_space<hbm>>
        %dma_start3A_410 = arith.constant 0 : i32
        %dma_start3A_411 = arith.constant 0 : i32
        %dma_start3A_412 = tpu.memref_slice %arg10[%run_scoped3A_365, %dma_start3A_410, %dma_start3A_411] : memref<4x128x64xf32, #tpu.memory_space<vmem>> -> memref<1x128x64xf32, #tpu.memory_space<vmem>>
        %dma_start3A_413 = tpu.memref_squeeze %dma_start3A_412 : memref<1x128x64xf32, #tpu.memory_space<vmem>> -> memref<128x64xf32, #tpu.memory_space<vmem>>
        tpu.enqueue_dma source(%dma_start3A_413 : memref<128x64xf32, #tpu.memory_space<vmem>>) target(%dma_start3A_409 : memref<128x64xf32, #tpu.memory_space<hbm>>) target_semaphore(%run_scoped3A_399 : memref<!tpu.dma_semaphore, #tpu.memory_space<semaphore_mem>>)
        %dma_wait3A_414 = arith.constant 0 : i32
        %dma_wait3A_415 = arith.constant 0 : i32
        %dma_wait3A_416 = tpu.memref_slice %arg10[%run_scoped3A_365, %dma_wait3A_414, %dma_wait3A_415] : memref<4x128x64xf32, #tpu.memory_space<vmem>> -> memref<1x128x64xf32, #tpu.memory_space<vmem>>
        %dma_wait3A_417 = tpu.memref_squeeze %dma_wait3A_416 : memref<1x128x64xf32, #tpu.memory_space<vmem>> -> memref<128x64xf32, #tpu.memory_space<vmem>>
        %dma_wait3A_418 = arith.constant 0 : i32
        %dma_wait3A_419 = tpu.memref_slice %arg7[%arg0, %multiple_of3A_357, %dma_wait3A_418] : memref<2x10000x64xf32, #tpu.memory_space<hbm>> -> memref<1x128x64xf32, #tpu.memory_space<hbm>>
        %dma_wait3A_420 = tpu.memref_squeeze %dma_wait3A_419 : memref<1x128x64xf32, #tpu.memory_space<hbm>> -> memref<128x64xf32, #tpu.memory_space<hbm>>
        %dma_wait3A_421 = arith.constant 0 : i32
        %dma_wait3A_422 = tpu.memref_slice %arg7[%arg0, %multiple_of3A_357, %dma_wait3A_421] : memref<2x10000x64xf32, #tpu.memory_space<hbm>> -> memref<1x128x64xf32, #tpu.memory_space<hbm>>
        %dma_wait3A_423 = tpu.memref_squeeze %dma_wait3A_422 : memref<1x128x64xf32, #tpu.memory_space<hbm>> -> memref<128x64xf32, #tpu.memory_space<hbm>>
        %dma_wait3A_424 = arith.constant 0 : i32
        %dma_wait3A_425 = arith.constant 0 : i32
        %dma_wait3A_426 = tpu.memref_slice %arg10[%run_scoped3A_365, %dma_wait3A_424, %dma_wait3A_425] : memref<4x128x64xf32, #tpu.memory_space<vmem>> -> memref<1x128x64xf32, #tpu.memory_space<vmem>>
        %dma_wait3A_427 = tpu.memref_squeeze %dma_wait3A_426 : memref<1x128x64xf32, #tpu.memory_space<vmem>> -> memref<128x64xf32, #tpu.memory_space<vmem>>
        tpu.wait_dma2 semaphore(%run_scoped3A_399 : memref<!tpu.dma_semaphore, #tpu.memory_space<semaphore_mem>>) src(%dma_wait3A_427 : memref<128x64xf32, #tpu.memory_space<vmem>>) dst(%dma_wait3A_423 : memref<128x64xf32, #tpu.memory_space<hbm>>)
        tpu.yield
      }) : () -> ()
      "tpu.region"() ({
        %run_scoped3A_399 = tpu.sem_alloc : memref<!tpu.dma_semaphore, #tpu.memory_space<semaphore_mem>>
        %dma_start3A_400 = arith.constant 0 : i32
        %dma_start3A_401 = tpu.memref_slice %arg12[%multiple_of3A_357, %dma_start3A_400] : memref<10000x64xf32, #tpu.memory_space<vmem_shared>> -> memref<128x64xf32, #tpu.memory_space<vmem_shared>>
        %dma_start3A_402 = arith.constant 0 : i32
        %dma_start3A_403 = tpu.memref_slice %arg4[%multiple_of3A_357, %dma_start3A_402] : memref<10000x64xf32, #tpu.memory_space<hbm>> -> memref<128x64xf32, #tpu.memory_space<hbm>>
        tpu.enqueue_dma source(%dma_start3A_403 : memref<128x64xf32, #tpu.memory_space<hbm>>) target(%dma_start3A_401 : memref<128x64xf32, #tpu.memory_space<vmem_shared>>) target_semaphore(%run_scoped3A_399 : memref<!tpu.dma_semaphore, #tpu.memory_space<semaphore_mem>>)
        %dma_wait3A_404 = arith.constant 0 : i32
        %dma_wait3A_405 = tpu.memref_slice %arg12[%multiple_of3A_357, %dma_wait3A_404] : memref<10000x64xf32, #tpu.memory_space<vmem_shared>> -> memref<128x64xf32, #tpu.memory_space<vmem_shared>>
        %dma_wait3A_406 = arith.constant 0 : i32
        %dma_wait3A_407 = tpu.memref_slice %arg4[%multiple_of3A_357, %dma_wait3A_406] : memref<10000x64xf32, #tpu.memory_space<hbm>> -> memref<128x64xf32, #tpu.memory_space<hbm>>
        tpu.wait_dma2 semaphore(%run_scoped3A_399 : memref<!tpu.dma_semaphore, #tpu.memory_space<semaphore_mem>>) src(%dma_wait3A_407 : memref<128x64xf32, #tpu.memory_space<hbm>>) dst(%dma_wait3A_405 : memref<128x64xf32, #tpu.memory_space<vmem_shared>>)
        tpu.yield
      }) : () -> ()
      %add3A_366 = arith.constant 256 : i32
      %add3A_367 = arith.addi %multiple_of3A, %add3A_366 : i32
      %multiple_of3A_368 = tpu.assume_multiple %add3A_367, 8 : i32
      %run_scoped3A_369 = arith.constant 0 : i32
      "tpu.region"() ({
        %run_scoped3A_399 = tpu.sem_alloc : memref<!tpu.dma_semaphore, #tpu.memory_space<semaphore_mem>>
        %dma_start3A_400 = arith.constant 0 : i32
        %dma_start3A_401 = arith.constant 0 : i32
        %dma_start3A_402 = tpu.memref_slice %arg10[%run_scoped3A_369, %dma_start3A_400, %dma_start3A_401] : memref<4x128x64xf32, #tpu.memory_space<vmem>> -> memref<1x128x64xf32, #tpu.memory_space<vmem>>
        %dma_start3A_403 = tpu.memref_squeeze %dma_start3A_402 : memref<1x128x64xf32, #tpu.memory_space<vmem>> -> memref<128x64xf32, #tpu.memory_space<vmem>>
        %dma_start3A_404 = arith.constant 0 : i32
        %dma_start3A_405 = tpu.memref_slice %arg12[%multiple_of3A_368, %dma_start3A_404] : memref<10000x64xf32, #tpu.memory_space<vmem_shared>> -> memref<128x64xf32, #tpu.memory_space<vmem_shared>>
        %dma_start3A_406 = arith.constant 0 : i32
        %dma_start3A_407 = arith.constant 0 : i32
        %dma_start3A_408 = tpu.memref_slice %arg10[%run_scoped3A_369, %dma_start3A_406, %dma_start3A_407] : memref<4x128x64xf32, #tpu.memory_space<vmem>> -> memref<1x128x64xf32, #tpu.memory_space<vmem>>
        %dma_start3A_409 = tpu.memref_squeeze %dma_start3A_408 : memref<1x128x64xf32, #tpu.memory_space<vmem>> -> memref<128x64xf32, #tpu.memory_space<vmem>>
        %dma_start3A_410 = arith.constant 0 : i32
        %dma_start3A_411 = tpu.memref_slice %arg12[%multiple_of3A_368, %dma_start3A_410] : memref<10000x64xf32, #tpu.memory_space<vmem_shared>> -> memref<128x64xf32, #tpu.memory_space<vmem_shared>>
        tpu.enqueue_dma source(%dma_start3A_411 : memref<128x64xf32, #tpu.memory_space<vmem_shared>>) target(%dma_start3A_409 : memref<128x64xf32, #tpu.memory_space<vmem>>) target_semaphore(%run_scoped3A_399 : memref<!tpu.dma_semaphore, #tpu.memory_space<semaphore_mem>>)
        %dma_wait3A_412 = arith.constant 0 : i32
        %dma_wait3A_413 = arith.constant 0 : i32
        %dma_wait3A_414 = tpu.memref_slice %arg10[%run_scoped3A_369, %dma_wait3A_412, %dma_wait3A_413] : memref<4x128x64xf32, #tpu.memory_space<vmem>> -> memref<1x128x64xf32, #tpu.memory_space<vmem>>
        %dma_wait3A_415 = tpu.memref_squeeze %dma_wait3A_414 : memref<1x128x64xf32, #tpu.memory_space<vmem>> -> memref<128x64xf32, #tpu.memory_space<vmem>>
        %dma_wait3A_416 = arith.constant 0 : i32
        %dma_wait3A_417 = tpu.memref_slice %arg12[%multiple_of3A_368, %dma_wait3A_416] : memref<10000x64xf32, #tpu.memory_space<vmem_shared>> -> memref<128x64xf32, #tpu.memory_space<vmem_shared>>
        %dma_wait3A_418 = arith.constant 0 : i32
        %dma_wait3A_419 = arith.constant 0 : i32
        %dma_wait3A_420 = tpu.memref_slice %arg10[%run_scoped3A_369, %dma_wait3A_418, %dma_wait3A_419] : memref<4x128x64xf32, #tpu.memory_space<vmem>> -> memref<1x128x64xf32, #tpu.memory_space<vmem>>
        %dma_wait3A_421 = tpu.memref_squeeze %dma_wait3A_420 : memref<1x128x64xf32, #tpu.memory_space<vmem>> -> memref<128x64xf32, #tpu.memory_space<vmem>>
        %dma_wait3A_422 = arith.constant 0 : i32
        %dma_wait3A_423 = tpu.memref_slice %arg12[%multiple_of3A_368, %dma_wait3A_422] : memref<10000x64xf32, #tpu.memory_space<vmem_shared>> -> memref<128x64xf32, #tpu.memory_space<vmem_shared>>
        tpu.wait_dma2 semaphore(%run_scoped3A_399 : memref<!tpu.dma_semaphore, #tpu.memory_space<semaphore_mem>>) src(%dma_wait3A_423 : memref<128x64xf32, #tpu.memory_space<vmem_shared>>) dst(%dma_wait3A_421 : memref<128x64xf32, #tpu.memory_space<vmem>>)
        tpu.yield
      }) : () -> ()
      %scan3A_370 = arith.constant 0 : i32
      %scan3A_371 = arith.constant 0 : i32
      %scan3A_372 = arith.constant 128 : i32
      %scan3A_373 = arith.addi %scan3A_371, %scan3A_372 : i32
      %scan3A_374 = arith.constant 1 : i32
      scf.for %scan3A_399 = %scan3A_371 to %scan3A_373 step %scan3A_374  : i32 {
        %add3A_400 = arith.constant 256 : i32
        %add3A_401 = arith.addi %add3A_400, %scan3A_399 : i32
        %get3A = arith.index_cast %add3A_401 : i32 to index
        %get3A_402 = tpu.vector_load %arg11[%get3A] {strides = array<i32>} : memref<648xf32, #tpu.memory_space<vmem>>, vector<16xf32>,
        %get3A_403 = vector.shape_cast %get3A_402 : vector<16xf32> to vector<16xf32>
        %slice3A = vector.extract_strided_slice %get3A_403 {offsets = [0], sizes = [1], strides = [1]} : vector<16xf32> to vector<1xf32>
        %squeeze3A = vector.extract %slice3A[0] : f32 from vector<1xf32>
        %broadcast_in_dim3A = vector.broadcast %squeeze3A : f32 to vector<16xf32>
        %get3A_404 = arith.constant 0 : i32
        %get3A_405 = arith.index_cast %get3A_404 : i32 to index
        %get3A_406 = arith.index_cast %scan3A_399 : i32 to index
        %get3A_407 = arith.constant 0 : index
        %get3A_408 = tpu.vector_load %arg10[%get3A_405, %get3A_406, %get3A_407] {strides = array<i32>} : memref<4x128x64xf32, #tpu.memory_space<vmem>>, vector<1x1x16xf32>,
        %get3A_409 = vector.shape_cast %get3A_408 : vector<1x1x16xf32> to vector<16xf32>
        %mul3A_410 = arith.mulf %get3A_409, %broadcast_in_dim3A : vector<16xf32>
        %swap3A = arith.constant 0 : i32
        %swap3A_411 = arith.index_cast %swap3A : i32 to index
        %swap3A_412 = arith.index_cast %scan3A_399 : i32 to index
        %swap3A_413 = arith.constant 0 : index
        %swap3A_414 = tpu.vector_load %arg10[%swap3A_411, %swap3A_412, %swap3A_413] {strides = array<i32>} : memref<4x128x64xf32, #tpu.memory_space<vmem>>, vector<1x1x16xf32>,
        %swap3A_415 = vector.shape_cast %swap3A_414 : vector<1x1x16xf32> to vector<16xf32>
        %swap3A_416 = vector.shape_cast %mul3A_410 : vector<16xf32> to vector<1x1x16xf32>
        tpu.vector_store %arg10[%swap3A_411, %swap3A_412, %swap3A_413], %swap3A_416 {strides = array<i32>} : memref<4x128x64xf32, #tpu.memory_space<vmem>>, vector<1x1x16xf32>,
        %get3A_417 = arith.constant 0 : i32
        %get3A_418 = arith.index_cast %get3A_417 : i32 to index
        %get3A_419 = arith.index_cast %scan3A_399 : i32 to index
        %get3A_420 = arith.constant 16 : index
        %get3A_421 = tpu.vector_load %arg10[%get3A_418, %get3A_419, %get3A_420] {strides = array<i32>} : memref<4x128x64xf32, #tpu.memory_space<vmem>>, vector<1x1x16xf32>,
        %get3A_422 = vector.shape_cast %get3A_421 : vector<1x1x16xf32> to vector<16xf32>
        %mul3A_423 = arith.mulf %get3A_422, %broadcast_in_dim3A : vector<16xf32>
        %swap3A_424 = arith.constant 0 : i32
        %swap3A_425 = arith.index_cast %swap3A_424 : i32 to index
        %swap3A_426 = arith.index_cast %scan3A_399 : i32 to index
        %swap3A_427 = arith.constant 16 : index
        %swap3A_428 = tpu.vector_load %arg10[%swap3A_425, %swap3A_426, %swap3A_427] {strides = array<i32>} : memref<4x128x64xf32, #tpu.memory_space<vmem>>, vector<1x1x16xf32>,
        %swap3A_429 = vector.shape_cast %swap3A_428 : vector<1x1x16xf32> to vector<16xf32>
        %swap3A_430 = vector.shape_cast %mul3A_423 : vector<16xf32> to vector<1x1x16xf32>
        tpu.vector_store %arg10[%swap3A_425, %swap3A_426, %swap3A_427], %swap3A_430 {strides = array<i32>} : memref<4x128x64xf32, #tpu.memory_space<vmem>>, vector<1x1x16xf32>,
        %get3A_431 = arith.constant 0 : i32
        %get3A_432 = arith.index_cast %get3A_431 : i32 to index
        %get3A_433 = arith.index_cast %scan3A_399 : i32 to index
        %get3A_434 = arith.constant 32 : index
        %get3A_435 = tpu.vector_load %arg10[%get3A_432, %get3A_433, %get3A_434] {strides = array<i32>} : memref<4x128x64xf32, #tpu.memory_space<vmem>>, vector<1x1x16xf32>,
        %get3A_436 = vector.shape_cast %get3A_435 : vector<1x1x16xf32> to vector<16xf32>
        %mul3A_437 = arith.mulf %get3A_436, %broadcast_in_dim3A : vector<16xf32>
        %swap3A_438 = arith.constant 0 : i32
        %swap3A_439 = arith.index_cast %swap3A_438 : i32 to index
        %swap3A_440 = arith.index_cast %scan3A_399 : i32 to index
        %swap3A_441 = arith.constant 32 : index
        %swap3A_442 = tpu.vector_load %arg10[%swap3A_439, %swap3A_440, %swap3A_441] {strides = array<i32>} : memref<4x128x64xf32, #tpu.memory_space<vmem>>, vector<1x1x16xf32>,
        %swap3A_443 = vector.shape_cast %swap3A_442 : vector<1x1x16xf32> to vector<16xf32>
        %swap3A_444 = vector.shape_cast %mul3A_437 : vector<16xf32> to vector<1x1x16xf32>
        tpu.vector_store %arg10[%swap3A_439, %swap3A_440, %swap3A_441], %swap3A_444 {strides = array<i32>} : memref<4x128x64xf32, #tpu.memory_space<vmem>>, vector<1x1x16xf32>,
        %get3A_445 = arith.constant 0 : i32
        %get3A_446 = arith.index_cast %get3A_445 : i32 to index
        %get3A_447 = arith.index_cast %scan3A_399 : i32 to index
        %get3A_448 = arith.constant 48 : index
        %get3A_449 = tpu.vector_load %arg10[%get3A_446, %get3A_447, %get3A_448] {strides = array<i32>} : memref<4x128x64xf32, #tpu.memory_space<vmem>>, vector<1x1x16xf32>,
        %get3A_450 = vector.shape_cast %get3A_449 : vector<1x1x16xf32> to vector<16xf32>
        %mul3A_451 = arith.mulf %get3A_450, %broadcast_in_dim3A : vector<16xf32>
        %swap3A_452 = arith.constant 0 : i32
        %swap3A_453 = arith.index_cast %swap3A_452 : i32 to index
        %swap3A_454 = arith.index_cast %scan3A_399 : i32 to index
        %swap3A_455 = arith.constant 48 : index
        %swap3A_456 = tpu.vector_load %arg10[%swap3A_453, %swap3A_454, %swap3A_455] {strides = array<i32>} : memref<4x128x64xf32, #tpu.memory_space<vmem>>, vector<1x1x16xf32>,
        %swap3A_457 = vector.shape_cast %swap3A_456 : vector<1x1x16xf32> to vector<16xf32>
        %swap3A_458 = vector.shape_cast %mul3A_451 : vector<16xf32> to vector<1x1x16xf32>
        tpu.vector_store %arg10[%swap3A_453, %swap3A_454, %swap3A_455], %swap3A_458 {strides = array<i32>} : memref<4x128x64xf32, #tpu.memory_space<vmem>>, vector<1x1x16xf32>,
      }
      %scan3A_375 = arith.constant 128 : i32
      %run_scoped3A_376 = arith.constant 0 : i32
      "tpu.region"() ({
        %run_scoped3A_399 = tpu.sem_alloc : memref<!tpu.dma_semaphore, #tpu.memory_space<semaphore_mem>>
        %dma_start3A_400 = arith.constant 0 : i32
        %dma_start3A_401 = arith.constant 0 : i32
        %dma_start3A_402 = tpu.memref_slice %arg10[%run_scoped3A_376, %dma_start3A_400, %dma_start3A_401] : memref<4x128x64xf32, #tpu.memory_space<vmem>> -> memref<1x128x64xf32, #tpu.memory_space<vmem>>
        %dma_start3A_403 = tpu.memref_squeeze %dma_start3A_402 : memref<1x128x64xf32, #tpu.memory_space<vmem>> -> memref<128x64xf32, #tpu.memory_space<vmem>>
        %dma_start3A_404 = arith.constant 0 : i32
        %dma_start3A_405 = tpu.memref_slice %arg7[%arg0, %multiple_of3A_368, %dma_start3A_404] : memref<2x10000x64xf32, #tpu.memory_space<hbm>> -> memref<1x128x64xf32, #tpu.memory_space<hbm>>
        %dma_start3A_406 = tpu.memref_squeeze %dma_start3A_405 : memref<1x128x64xf32, #tpu.memory_space<hbm>> -> memref<128x64xf32, #tpu.memory_space<hbm>>
        %dma_start3A_407 = arith.constant 0 : i32
        %dma_start3A_408 = tpu.memref_slice %arg7[%arg0, %multiple_of3A_368, %dma_start3A_407] : memref<2x10000x64xf32, #tpu.memory_space<hbm>> -> memref<1x128x64xf32, #tpu.memory_space<hbm>>
        %dma_start3A_409 = tpu.memref_squeeze %dma_start3A_408 : memref<1x128x64xf32, #tpu.memory_space<hbm>> -> memref<128x64xf32, #tpu.memory_space<hbm>>
        %dma_start3A_410 = arith.constant 0 : i32
        %dma_start3A_411 = arith.constant 0 : i32
        %dma_start3A_412 = tpu.memref_slice %arg10[%run_scoped3A_376, %dma_start3A_410, %dma_start3A_411] : memref<4x128x64xf32, #tpu.memory_space<vmem>> -> memref<1x128x64xf32, #tpu.memory_space<vmem>>
        %dma_start3A_413 = tpu.memref_squeeze %dma_start3A_412 : memref<1x128x64xf32, #tpu.memory_space<vmem>> -> memref<128x64xf32, #tpu.memory_space<vmem>>
        tpu.enqueue_dma source(%dma_start3A_413 : memref<128x64xf32, #tpu.memory_space<vmem>>) target(%dma_start3A_409 : memref<128x64xf32, #tpu.memory_space<hbm>>) target_semaphore(%run_scoped3A_399 : memref<!tpu.dma_semaphore, #tpu.memory_space<semaphore_mem>>)
        %dma_wait3A_414 = arith.constant 0 : i32
        %dma_wait3A_415 = arith.constant 0 : i32
        %dma_wait3A_416 = tpu.memref_slice %arg10[%run_scoped3A_376, %dma_wait3A_414, %dma_wait3A_415] : memref<4x128x64xf32, #tpu.memory_space<vmem>> -> memref<1x128x64xf32, #tpu.memory_space<vmem>>
        %dma_wait3A_417 = tpu.memref_squeeze %dma_wait3A_416 : memref<1x128x64xf32, #tpu.memory_space<vmem>> -> memref<128x64xf32, #tpu.memory_space<vmem>>
        %dma_wait3A_418 = arith.constant 0 : i32
        %dma_wait3A_419 = tpu.memref_slice %arg7[%arg0, %multiple_of3A_368, %dma_wait3A_418] : memref<2x10000x64xf32, #tpu.memory_space<hbm>> -> memref<1x128x64xf32, #tpu.memory_space<hbm>>
        %dma_wait3A_420 = tpu.memref_squeeze %dma_wait3A_419 : memref<1x128x64xf32, #tpu.memory_space<hbm>> -> memref<128x64xf32, #tpu.memory_space<hbm>>
        %dma_wait3A_421 = arith.constant 0 : i32
        %dma_wait3A_422 = tpu.memref_slice %arg7[%arg0, %multiple_of3A_368, %dma_wait3A_421] : memref<2x10000x64xf32, #tpu.memory_space<hbm>> -> memref<1x128x64xf32, #tpu.memory_space<hbm>>
        %dma_wait3A_423 = tpu.memref_squeeze %dma_wait3A_422 : memref<1x128x64xf32, #tpu.memory_space<hbm>> -> memref<128x64xf32, #tpu.memory_space<hbm>>
        %dma_wait3A_424 = arith.constant 0 : i32
        %dma_wait3A_425 = arith.constant 0 : i32
        %dma_wait3A_426 = tpu.memref_slice %arg10[%run_scoped3A_376, %dma_wait3A_424, %dma_wait3A_425] : memref<4x128x64xf32, #tpu.memory_space<vmem>> -> memref<1x128x64xf32, #tpu.memory_space<vmem>>
        %dma_wait3A_427 = tpu.memref_squeeze %dma_wait3A_426 : memref<1x128x64xf32, #tpu.memory_space<vmem>> -> memref<128x64xf32, #tpu.memory_space<vmem>>
        tpu.wait_dma2 semaphore(%run_scoped3A_399 : memref<!tpu.dma_semaphore, #tpu.memory_space<semaphore_mem>>) src(%dma_wait3A_427 : memref<128x64xf32, #tpu.memory_space<vmem>>) dst(%dma_wait3A_423 : memref<128x64xf32, #tpu.memory_space<hbm>>)
        tpu.yield
      }) : () -> ()
      "tpu.region"() ({
        %run_scoped3A_399 = tpu.sem_alloc : memref<!tpu.dma_semaphore, #tpu.memory_space<semaphore_mem>>
        %dma_start3A_400 = arith.constant 0 : i32
        %dma_start3A_401 = tpu.memref_slice %arg12[%multiple_of3A_368, %dma_start3A_400] : memref<10000x64xf32, #tpu.memory_space<vmem_shared>> -> memref<128x64xf32, #tpu.memory_space<vmem_shared>>
        %dma_start3A_402 = arith.constant 0 : i32
        %dma_start3A_403 = tpu.memref_slice %arg4[%multiple_of3A_368, %dma_start3A_402] : memref<10000x64xf32, #tpu.memory_space<hbm>> -> memref<128x64xf32, #tpu.memory_space<hbm>>
        tpu.enqueue_dma source(%dma_start3A_403 : memref<128x64xf32, #tpu.memory_space<hbm>>) target(%dma_start3A_401 : memref<128x64xf32, #tpu.memory_space<vmem_shared>>) target_semaphore(%run_scoped3A_399 : memref<!tpu.dma_semaphore, #tpu.memory_space<semaphore_mem>>)
        %dma_wait3A_404 = arith.constant 0 : i32
        %dma_wait3A_405 = tpu.memref_slice %arg12[%multiple_of3A_368, %dma_wait3A_404] : memref<10000x64xf32, #tpu.memory_space<vmem_shared>> -> memref<128x64xf32, #tpu.memory_space<vmem_shared>>
        %dma_wait3A_406 = arith.constant 0 : i32
        %dma_wait3A_407 = tpu.memref_slice %arg4[%multiple_of3A_368, %dma_wait3A_406] : memref<10000x64xf32, #tpu.memory_space<hbm>> -> memref<128x64xf32, #tpu.memory_space<hbm>>
        tpu.wait_dma2 semaphore(%run_scoped3A_399 : memref<!tpu.dma_semaphore, #tpu.memory_space<semaphore_mem>>) src(%dma_wait3A_407 : memref<128x64xf32, #tpu.memory_space<hbm>>) dst(%dma_wait3A_405 : memref<128x64xf32, #tpu.memory_space<vmem_shared>>)
        tpu.yield
      }) : () -> ()
      %add3A_377 = arith.constant 384 : i32
      %add3A_378 = arith.addi %multiple_of3A, %add3A_377 : i32
      %multiple_of3A_379 = tpu.assume_multiple %add3A_378, 8 : i32
      %run_scoped3A_380 = arith.constant 0 : i32
      "tpu.region"() ({
        %run_scoped3A_399 = tpu.sem_alloc : memref<!tpu.dma_semaphore, #tpu.memory_space<semaphore_mem>>
        %dma_start3A_400 = arith.constant 0 : i32
        %dma_start3A_401 = arith.constant 0 : i32
        %dma_start3A_402 = tpu.memref_slice %arg10[%run_scoped3A_380, %dma_start3A_400, %dma_start3A_401] : memref<4x128x64xf32, #tpu.memory_space<vmem>> -> memref<1x128x64xf32, #tpu.memory_space<vmem>>
        %dma_start3A_403 = tpu.memref_squeeze %dma_start3A_402 : memref<1x128x64xf32, #tpu.memory_space<vmem>> -> memref<128x64xf32, #tpu.memory_space<vmem>>
        %dma_start3A_404 = arith.constant 0 : i32
        %dma_start3A_405 = tpu.memref_slice %arg12[%multiple_of3A_379, %dma_start3A_404] : memref<10000x64xf32, #tpu.memory_space<vmem_shared>> -> memref<128x64xf32, #tpu.memory_space<vmem_shared>>
        %dma_start3A_406 = arith.constant 0 : i32
        %dma_start3A_407 = arith.constant 0 : i32
        %dma_start3A_408 = tpu.memref_slice %arg10[%run_scoped3A_380, %dma_start3A_406, %dma_start3A_407] : memref<4x128x64xf32, #tpu.memory_space<vmem>> -> memref<1x128x64xf32, #tpu.memory_space<vmem>>
        %dma_start3A_409 = tpu.memref_squeeze %dma_start3A_408 : memref<1x128x64xf32, #tpu.memory_space<vmem>> -> memref<128x64xf32, #tpu.memory_space<vmem>>
        %dma_start3A_410 = arith.constant 0 : i32
        %dma_start3A_411 = tpu.memref_slice %arg12[%multiple_of3A_379, %dma_start3A_410] : memref<10000x64xf32, #tpu.memory_space<vmem_shared>> -> memref<128x64xf32, #tpu.memory_space<vmem_shared>>
        tpu.enqueue_dma source(%dma_start3A_411 : memref<128x64xf32, #tpu.memory_space<vmem_shared>>) target(%dma_start3A_409 : memref<128x64xf32, #tpu.memory_space<vmem>>) target_semaphore(%run_scoped3A_399 : memref<!tpu.dma_semaphore, #tpu.memory_space<semaphore_mem>>)
        %dma_wait3A_412 = arith.constant 0 : i32
        %dma_wait3A_413 = arith.constant 0 : i32
        %dma_wait3A_414 = tpu.memref_slice %arg10[%run_scoped3A_380, %dma_wait3A_412, %dma_wait3A_413] : memref<4x128x64xf32, #tpu.memory_space<vmem>> -> memref<1x128x64xf32, #tpu.memory_space<vmem>>
        %dma_wait3A_415 = tpu.memref_squeeze %dma_wait3A_414 : memref<1x128x64xf32, #tpu.memory_space<vmem>> -> memref<128x64xf32, #tpu.memory_space<vmem>>
        %dma_wait3A_416 = arith.constant 0 : i32
        %dma_wait3A_417 = tpu.memref_slice %arg12[%multiple_of3A_379, %dma_wait3A_416] : memref<10000x64xf32, #tpu.memory_space<vmem_shared>> -> memref<128x64xf32, #tpu.memory_space<vmem_shared>>
        %dma_wait3A_418 = arith.constant 0 : i32
        %dma_wait3A_419 = arith.constant 0 : i32
        %dma_wait3A_420 = tpu.memref_slice %arg10[%run_scoped3A_380, %dma_wait3A_418, %dma_wait3A_419] : memref<4x128x64xf32, #tpu.memory_space<vmem>> -> memref<1x128x64xf32, #tpu.memory_space<vmem>>
        %dma_wait3A_421 = tpu.memref_squeeze %dma_wait3A_420 : memref<1x128x64xf32, #tpu.memory_space<vmem>> -> memref<128x64xf32, #tpu.memory_space<vmem>>
        %dma_wait3A_422 = arith.constant 0 : i32
        %dma_wait3A_423 = tpu.memref_slice %arg12[%multiple_of3A_379, %dma_wait3A_422] : memref<10000x64xf32, #tpu.memory_space<vmem_shared>> -> memref<128x64xf32, #tpu.memory_space<vmem_shared>>
        tpu.wait_dma2 semaphore(%run_scoped3A_399 : memref<!tpu.dma_semaphore, #tpu.memory_space<semaphore_mem>>) src(%dma_wait3A_423 : memref<128x64xf32, #tpu.memory_space<vmem_shared>>) dst(%dma_wait3A_421 : memref<128x64xf32, #tpu.memory_space<vmem>>)
        tpu.yield
      }) : () -> ()
      %scan3A_381 = arith.constant 0 : i32
      %scan3A_382 = arith.constant 0 : i32
      %scan3A_383 = arith.constant 128 : i32
      %scan3A_384 = arith.addi %scan3A_382, %scan3A_383 : i32
      %scan3A_385 = arith.constant 1 : i32
      scf.for %scan3A_399 = %scan3A_382 to %scan3A_384 step %scan3A_385  : i32 {
        %add3A_400 = arith.constant 384 : i32
        %add3A_401 = arith.addi %add3A_400, %scan3A_399 : i32
        %get3A = arith.index_cast %add3A_401 : i32 to index
        %get3A_402 = tpu.vector_load %arg11[%get3A] {strides = array<i32>} : memref<648xf32, #tpu.memory_space<vmem>>, vector<16xf32>,
        %get3A_403 = vector.shape_cast %get3A_402 : vector<16xf32> to vector<16xf32>
        %slice3A = vector.extract_strided_slice %get3A_403 {offsets = [0], sizes = [1], strides = [1]} : vector<16xf32> to vector<1xf32>
        %squeeze3A = vector.extract %slice3A[0] : f32 from vector<1xf32>
        %broadcast_in_dim3A = vector.broadcast %squeeze3A : f32 to vector<16xf32>
        %get3A_404 = arith.constant 0 : i32
        %get3A_405 = arith.index_cast %get3A_404 : i32 to index
        %get3A_406 = arith.index_cast %scan3A_399 : i32 to index
        %get3A_407 = arith.constant 0 : index
        %get3A_408 = tpu.vector_load %arg10[%get3A_405, %get3A_406, %get3A_407] {strides = array<i32>} : memref<4x128x64xf32, #tpu.memory_space<vmem>>, vector<1x1x16xf32>,
        %get3A_409 = vector.shape_cast %get3A_408 : vector<1x1x16xf32> to vector<16xf32>
        %mul3A_410 = arith.mulf %get3A_409, %broadcast_in_dim3A : vector<16xf32>
        %swap3A = arith.constant 0 : i32
        %swap3A_411 = arith.index_cast %swap3A : i32 to index
        %swap3A_412 = arith.index_cast %scan3A_399 : i32 to index
        %swap3A_413 = arith.constant 0 : index
        %swap3A_414 = tpu.vector_load %arg10[%swap3A_411, %swap3A_412, %swap3A_413] {strides = array<i32>} : memref<4x128x64xf32, #tpu.memory_space<vmem>>, vector<1x1x16xf32>,
        %swap3A_415 = vector.shape_cast %swap3A_414 : vector<1x1x16xf32> to vector<16xf32>
        %swap3A_416 = vector.shape_cast %mul3A_410 : vector<16xf32> to vector<1x1x16xf32>
        tpu.vector_store %arg10[%swap3A_411, %swap3A_412, %swap3A_413], %swap3A_416 {strides = array<i32>} : memref<4x128x64xf32, #tpu.memory_space<vmem>>, vector<1x1x16xf32>,
        %get3A_417 = arith.constant 0 : i32
        %get3A_418 = arith.index_cast %get3A_417 : i32 to index
        %get3A_419 = arith.index_cast %scan3A_399 : i32 to index
        %get3A_420 = arith.constant 16 : index
        %get3A_421 = tpu.vector_load %arg10[%get3A_418, %get3A_419, %get3A_420] {strides = array<i32>} : memref<4x128x64xf32, #tpu.memory_space<vmem>>, vector<1x1x16xf32>,
        %get3A_422 = vector.shape_cast %get3A_421 : vector<1x1x16xf32> to vector<16xf32>
        %mul3A_423 = arith.mulf %get3A_422, %broadcast_in_dim3A : vector<16xf32>
        %swap3A_424 = arith.constant 0 : i32
        %swap3A_425 = arith.index_cast %swap3A_424 : i32 to index
        %swap3A_426 = arith.index_cast %scan3A_399 : i32 to index
        %swap3A_427 = arith.constant 16 : index
        %swap3A_428 = tpu.vector_load %arg10[%swap3A_425, %swap3A_426, %swap3A_427] {strides = array<i32>} : memref<4x128x64xf32, #tpu.memory_space<vmem>>, vector<1x1x16xf32>,
        %swap3A_429 = vector.shape_cast %swap3A_428 : vector<1x1x16xf32> to vector<16xf32>
        %swap3A_430 = vector.shape_cast %mul3A_423 : vector<16xf32> to vector<1x1x16xf32>
        tpu.vector_store %arg10[%swap3A_425, %swap3A_426, %swap3A_427], %swap3A_430 {strides = array<i32>} : memref<4x128x64xf32, #tpu.memory_space<vmem>>, vector<1x1x16xf32>,
        %get3A_431 = arith.constant 0 : i32
        %get3A_432 = arith.index_cast %get3A_431 : i32 to index
        %get3A_433 = arith.index_cast %scan3A_399 : i32 to index
        %get3A_434 = arith.constant 32 : index
        %get3A_435 = tpu.vector_load %arg10[%get3A_432, %get3A_433, %get3A_434] {strides = array<i32>} : memref<4x128x64xf32, #tpu.memory_space<vmem>>, vector<1x1x16xf32>,
        %get3A_436 = vector.shape_cast %get3A_435 : vector<1x1x16xf32> to vector<16xf32>
        %mul3A_437 = arith.mulf %get3A_436, %broadcast_in_dim3A : vector<16xf32>
        %swap3A_438 = arith.constant 0 : i32
        %swap3A_439 = arith.index_cast %swap3A_438 : i32 to index
        %swap3A_440 = arith.index_cast %scan3A_399 : i32 to index
        %swap3A_441 = arith.constant 32 : index
        %swap3A_442 = tpu.vector_load %arg10[%swap3A_439, %swap3A_440, %swap3A_441] {strides = array<i32>} : memref<4x128x64xf32, #tpu.memory_space<vmem>>, vector<1x1x16xf32>,
        %swap3A_443 = vector.shape_cast %swap3A_442 : vector<1x1x16xf32> to vector<16xf32>
        %swap3A_444 = vector.shape_cast %mul3A_437 : vector<16xf32> to vector<1x1x16xf32>
        tpu.vector_store %arg10[%swap3A_439, %swap3A_440, %swap3A_441], %swap3A_444 {strides = array<i32>} : memref<4x128x64xf32, #tpu.memory_space<vmem>>, vector<1x1x16xf32>,
        %get3A_445 = arith.constant 0 : i32
        %get3A_446 = arith.index_cast %get3A_445 : i32 to index
        %get3A_447 = arith.index_cast %scan3A_399 : i32 to index
        %get3A_448 = arith.constant 48 : index
        %get3A_449 = tpu.vector_load %arg10[%get3A_446, %get3A_447, %get3A_448] {strides = array<i32>} : memref<4x128x64xf32, #tpu.memory_space<vmem>>, vector<1x1x16xf32>,
        %get3A_450 = vector.shape_cast %get3A_449 : vector<1x1x16xf32> to vector<16xf32>
        %mul3A_451 = arith.mulf %get3A_450, %broadcast_in_dim3A : vector<16xf32>
        %swap3A_452 = arith.constant 0 : i32
        %swap3A_453 = arith.index_cast %swap3A_452 : i32 to index
        %swap3A_454 = arith.index_cast %scan3A_399 : i32 to index
        %swap3A_455 = arith.constant 48 : index
        %swap3A_456 = tpu.vector_load %arg10[%swap3A_453, %swap3A_454, %swap3A_455] {strides = array<i32>} : memref<4x128x64xf32, #tpu.memory_space<vmem>>, vector<1x1x16xf32>,
        %swap3A_457 = vector.shape_cast %swap3A_456 : vector<1x1x16xf32> to vector<16xf32>
        %swap3A_458 = vector.shape_cast %mul3A_451 : vector<16xf32> to vector<1x1x16xf32>
        tpu.vector_store %arg10[%swap3A_453, %swap3A_454, %swap3A_455], %swap3A_458 {strides = array<i32>} : memref<4x128x64xf32, #tpu.memory_space<vmem>>, vector<1x1x16xf32>,
      }
      %scan3A_386 = arith.constant 128 : i32
      %run_scoped3A_387 = arith.constant 0 : i32
      "tpu.region"() ({
        %run_scoped3A_399 = tpu.sem_alloc : memref<!tpu.dma_semaphore, #tpu.memory_space<semaphore_mem>>
        %dma_start3A_400 = arith.constant 0 : i32
        %dma_start3A_401 = arith.constant 0 : i32
        %dma_start3A_402 = tpu.memref_slice %arg10[%run_scoped3A_387, %dma_start3A_400, %dma_start3A_401] : memref<4x128x64xf32, #tpu.memory_space<vmem>> -> memref<1x128x64xf32, #tpu.memory_space<vmem>>
        %dma_start3A_403 = tpu.memref_squeeze %dma_start3A_402 : memref<1x128x64xf32, #tpu.memory_space<vmem>> -> memref<128x64xf32, #tpu.memory_space<vmem>>
        %dma_start3A_404 = arith.constant 0 : i32
        %dma_start3A_405 = tpu.memref_slice %arg7[%arg0, %multiple_of3A_379, %dma_start3A_404] : memref<2x10000x64xf32, #tpu.memory_space<hbm>> -> memref<1x128x64xf32, #tpu.memory_space<hbm>>
        %dma_start3A_406 = tpu.memref_squeeze %dma_start3A_405 : memref<1x128x64xf32, #tpu.memory_space<hbm>> -> memref<128x64xf32, #tpu.memory_space<hbm>>
        %dma_start3A_407 = arith.constant 0 : i32
        %dma_start3A_408 = tpu.memref_slice %arg7[%arg0, %multiple_of3A_379, %dma_start3A_407] : memref<2x10000x64xf32, #tpu.memory_space<hbm>> -> memref<1x128x64xf32, #tpu.memory_space<hbm>>
        %dma_start3A_409 = tpu.memref_squeeze %dma_start3A_408 : memref<1x128x64xf32, #tpu.memory_space<hbm>> -> memref<128x64xf32, #tpu.memory_space<hbm>>
        %dma_start3A_410 = arith.constant 0 : i32
        %dma_start3A_411 = arith.constant 0 : i32
        %dma_start3A_412 = tpu.memref_slice %arg10[%run_scoped3A_387, %dma_start3A_410, %dma_start3A_411] : memref<4x128x64xf32, #tpu.memory_space<vmem>> -> memref<1x128x64xf32, #tpu.memory_space<vmem>>
        %dma_start3A_413 = tpu.memref_squeeze %dma_start3A_412 : memref<1x128x64xf32, #tpu.memory_space<vmem>> -> memref<128x64xf32, #tpu.memory_space<vmem>>
        tpu.enqueue_dma source(%dma_start3A_413 : memref<128x64xf32, #tpu.memory_space<vmem>>) target(%dma_start3A_409 : memref<128x64xf32, #tpu.memory_space<hbm>>) target_semaphore(%run_scoped3A_399 : memref<!tpu.dma_semaphore, #tpu.memory_space<semaphore_mem>>)
        %dma_wait3A_414 = arith.constant 0 : i32
        %dma_wait3A_415 = arith.constant 0 : i32
        %dma_wait3A_416 = tpu.memref_slice %arg10[%run_scoped3A_387, %dma_wait3A_414, %dma_wait3A_415] : memref<4x128x64xf32, #tpu.memory_space<vmem>> -> memref<1x128x64xf32, #tpu.memory_space<vmem>>
        %dma_wait3A_417 = tpu.memref_squeeze %dma_wait3A_416 : memref<1x128x64xf32, #tpu.memory_space<vmem>> -> memref<128x64xf32, #tpu.memory_space<vmem>>
        %dma_wait3A_418 = arith.constant 0 : i32
        %dma_wait3A_419 = tpu.memref_slice %arg7[%arg0, %multiple_of3A_379, %dma_wait3A_418] : memref<2x10000x64xf32, #tpu.memory_space<hbm>> -> memref<1x128x64xf32, #tpu.memory_space<hbm>>
        %dma_wait3A_420 = tpu.memref_squeeze %dma_wait3A_419 : memref<1x128x64xf32, #tpu.memory_space<hbm>> -> memref<128x64xf32, #tpu.memory_space<hbm>>
        %dma_wait3A_421 = arith.constant 0 : i32
        %dma_wait3A_422 = tpu.memref_slice %arg7[%arg0, %multiple_of3A_379, %dma_wait3A_421] : memref<2x10000x64xf32, #tpu.memory_space<hbm>> -> memref<1x128x64xf32, #tpu.memory_space<hbm>>
        %dma_wait3A_423 = tpu.memref_squeeze %dma_wait3A_422 : memref<1x128x64xf32, #tpu.memory_space<hbm>> -> memref<128x64xf32, #tpu.memory_space<hbm>>
        %dma_wait3A_424 = arith.constant 0 : i32
        %dma_wait3A_425 = arith.constant 0 : i32
        %dma_wait3A_426 = tpu.memref_slice %arg10[%run_scoped3A_387, %dma_wait3A_424, %dma_wait3A_425] : memref<4x128x64xf32, #tpu.memory_space<vmem>> -> memref<1x128x64xf32, #tpu.memory_space<vmem>>
        %dma_wait3A_427 = tpu.memref_squeeze %dma_wait3A_426 : memref<1x128x64xf32, #tpu.memory_space<vmem>> -> memref<128x64xf32, #tpu.memory_space<vmem>>
        tpu.wait_dma2 semaphore(%run_scoped3A_399 : memref<!tpu.dma_semaphore, #tpu.memory_space<semaphore_mem>>) src(%dma_wait3A_427 : memref<128x64xf32, #tpu.memory_space<vmem>>) dst(%dma_wait3A_423 : memref<128x64xf32, #tpu.memory_space<hbm>>)
        tpu.yield
      }) : () -> ()
      "tpu.region"() ({
        %run_scoped3A_399 = tpu.sem_alloc : memref<!tpu.dma_semaphore, #tpu.memory_space<semaphore_mem>>
        %dma_start3A_400 = arith.constant 0 : i32
        %dma_start3A_401 = tpu.memref_slice %arg12[%multiple_of3A_379, %dma_start3A_400] : memref<10000x64xf32, #tpu.memory_space<vmem_shared>> -> memref<128x64xf32, #tpu.memory_space<vmem_shared>>
        %dma_start3A_402 = arith.constant 0 : i32
        %dma_start3A_403 = tpu.memref_slice %arg4[%multiple_of3A_379, %dma_start3A_402] : memref<10000x64xf32, #tpu.memory_space<hbm>> -> memref<128x64xf32, #tpu.memory_space<hbm>>
        tpu.enqueue_dma source(%dma_start3A_403 : memref<128x64xf32, #tpu.memory_space<hbm>>) target(%dma_start3A_401 : memref<128x64xf32, #tpu.memory_space<vmem_shared>>) target_semaphore(%run_scoped3A_399 : memref<!tpu.dma_semaphore, #tpu.memory_space<semaphore_mem>>)
        %dma_wait3A_404 = arith.constant 0 : i32
        %dma_wait3A_405 = tpu.memref_slice %arg12[%multiple_of3A_379, %dma_wait3A_404] : memref<10000x64xf32, #tpu.memory_space<vmem_shared>> -> memref<128x64xf32, #tpu.memory_space<vmem_shared>>
        %dma_wait3A_406 = arith.constant 0 : i32
        %dma_wait3A_407 = tpu.memref_slice %arg4[%multiple_of3A_379, %dma_wait3A_406] : memref<10000x64xf32, #tpu.memory_space<hbm>> -> memref<128x64xf32, #tpu.memory_space<hbm>>
        tpu.wait_dma2 semaphore(%run_scoped3A_399 : memref<!tpu.dma_semaphore, #tpu.memory_space<semaphore_mem>>) src(%dma_wait3A_407 : memref<128x64xf32, #tpu.memory_space<hbm>>) dst(%dma_wait3A_405 : memref<128x64xf32, #tpu.memory_space<vmem_shared>>)
        tpu.yield
      }) : () -> ()
      %add3A_388 = arith.constant 512 : i32
      %add3A_389 = arith.addi %multiple_of3A, %add3A_388 : i32
      %multiple_of3A_390 = tpu.assume_multiple %add3A_389, 8 : i32
      %run_scoped3A_391 = arith.constant 0 : i32
      "tpu.region"() ({
        %run_scoped3A_399 = tpu.sem_alloc : memref<!tpu.dma_semaphore, #tpu.memory_space<semaphore_mem>>
        %dma_start3A_400 = arith.constant 0 : i32
        %dma_start3A_401 = arith.constant 0 : i32
        %dma_start3A_402 = tpu.memref_slice %arg10[%run_scoped3A_391, %dma_start3A_400, %dma_start3A_401] : memref<4x128x64xf32, #tpu.memory_space<vmem>> -> memref<1x120x64xf32, #tpu.memory_space<vmem>>
        %dma_start3A_403 = tpu.memref_squeeze %dma_start3A_402 : memref<1x120x64xf32, #tpu.memory_space<vmem>> -> memref<120x64xf32, #tpu.memory_space<vmem>>
        %dma_start3A_404 = arith.constant 0 : i32
        %dma_start3A_405 = tpu.memref_slice %arg12[%multiple_of3A_390, %dma_start3A_404] : memref<10000x64xf32, #tpu.memory_space<vmem_shared>> -> memref<120x64xf32, #tpu.memory_space<vmem_shared>>
        %dma_start3A_406 = arith.constant 0 : i32
        %dma_start3A_407 = arith.constant 0 : i32
        %dma_start3A_408 = tpu.memref_slice %arg10[%run_scoped3A_391, %dma_start3A_406, %dma_start3A_407] : memref<4x128x64xf32, #tpu.memory_space<vmem>> -> memref<1x120x64xf32, #tpu.memory_space<vmem>>
        %dma_start3A_409 = tpu.memref_squeeze %dma_start3A_408 : memref<1x120x64xf32, #tpu.memory_space<vmem>> -> memref<120x64xf32, #tpu.memory_space<vmem>>
        %dma_start3A_410 = arith.constant 0 : i32
        %dma_start3A_411 = tpu.memref_slice %arg12[%multiple_of3A_390, %dma_start3A_410] : memref<10000x64xf32, #tpu.memory_space<vmem_shared>> -> memref<120x64xf32, #tpu.memory_space<vmem_shared>>
        tpu.enqueue_dma source(%dma_start3A_411 : memref<120x64xf32, #tpu.memory_space<vmem_shared>>) target(%dma_start3A_409 : memref<120x64xf32, #tpu.memory_space<vmem>>) target_semaphore(%run_scoped3A_399 : memref<!tpu.dma_semaphore, #tpu.memory_space<semaphore_mem>>)
        %dma_wait3A_412 = arith.constant 0 : i32
        %dma_wait3A_413 = arith.constant 0 : i32
        %dma_wait3A_414 = tpu.memref_slice %arg10[%run_scoped3A_391, %dma_wait3A_412, %dma_wait3A_413] : memref<4x128x64xf32, #tpu.memory_space<vmem>> -> memref<1x120x64xf32, #tpu.memory_space<vmem>>
        %dma_wait3A_415 = tpu.memref_squeeze %dma_wait3A_414 : memref<1x120x64xf32, #tpu.memory_space<vmem>> -> memref<120x64xf32, #tpu.memory_space<vmem>>
        %dma_wait3A_416 = arith.constant 0 : i32
        %dma_wait3A_417 = tpu.memref_slice %arg12[%multiple_of3A_390, %dma_wait3A_416] : memref<10000x64xf32, #tpu.memory_space<vmem_shared>> -> memref<120x64xf32, #tpu.memory_space<vmem_shared>>
        %dma_wait3A_418 = arith.constant 0 : i32
        %dma_wait3A_419 = arith.constant 0 : i32
        %dma_wait3A_420 = tpu.memref_slice %arg10[%run_scoped3A_391, %dma_wait3A_418, %dma_wait3A_419] : memref<4x128x64xf32, #tpu.memory_space<vmem>> -> memref<1x120x64xf32, #tpu.memory_space<vmem>>
        %dma_wait3A_421 = tpu.memref_squeeze %dma_wait3A_420 : memref<1x120x64xf32, #tpu.memory_space<vmem>> -> memref<120x64xf32, #tpu.memory_space<vmem>>
        %dma_wait3A_422 = arith.constant 0 : i32
        %dma_wait3A_423 = tpu.memref_slice %arg12[%multiple_of3A_390, %dma_wait3A_422] : memref<10000x64xf32, #tpu.memory_space<vmem_shared>> -> memref<120x64xf32, #tpu.memory_space<vmem_shared>>
        tpu.wait_dma2 semaphore(%run_scoped3A_399 : memref<!tpu.dma_semaphore, #tpu.memory_space<semaphore_mem>>) src(%dma_wait3A_423 : memref<120x64xf32, #tpu.memory_space<vmem_shared>>) dst(%dma_wait3A_421 : memref<120x64xf32, #tpu.memory_space<vmem>>)
        tpu.yield
      }) : () -> ()
      %scan3A_392 = arith.constant 0 : i32
      %scan3A_393 = arith.constant 0 : i32
      %scan3A_394 = arith.constant 120 : i32
      %scan3A_395 = arith.addi %scan3A_393, %scan3A_394 : i32
      %scan3A_396 = arith.constant 1 : i32
      scf.for %scan3A_399 = %scan3A_393 to %scan3A_395 step %scan3A_396  : i32 {
        %add3A_400 = arith.constant 512 : i32
        %add3A_401 = arith.addi %add3A_400, %scan3A_399 : i32
        %get3A = arith.index_cast %add3A_401 : i32 to index
        %get3A_402 = tpu.vector_load %arg11[%get3A] {strides = array<i32>} : memref<648xf32, #tpu.memory_space<vmem>>, vector<16xf32>,
        %get3A_403 = vector.shape_cast %get3A_402 : vector<16xf32> to vector<16xf32>
        %slice3A = vector.extract_strided_slice %get3A_403 {offsets = [0], sizes = [1], strides = [1]} : vector<16xf32> to vector<1xf32>
        %squeeze3A = vector.extract %slice3A[0] : f32 from vector<1xf32>
        %broadcast_in_dim3A = vector.broadcast %squeeze3A : f32 to vector<16xf32>
        %get3A_404 = arith.constant 0 : i32
        %get3A_405 = arith.index_cast %get3A_404 : i32 to index
        %get3A_406 = arith.index_cast %scan3A_399 : i32 to index
        %get3A_407 = arith.constant 0 : index
        %get3A_408 = tpu.vector_load %arg10[%get3A_405, %get3A_406, %get3A_407] {strides = array<i32>} : memref<4x128x64xf32, #tpu.memory_space<vmem>>, vector<1x1x16xf32>,
        %get3A_409 = vector.shape_cast %get3A_408 : vector<1x1x16xf32> to vector<16xf32>
        %mul3A_410 = arith.mulf %get3A_409, %broadcast_in_dim3A : vector<16xf32>
        %swap3A = arith.constant 0 : i32
        %swap3A_411 = arith.index_cast %swap3A : i32 to index
        %swap3A_412 = arith.index_cast %scan3A_399 : i32 to index
        %swap3A_413 = arith.constant 0 : index
        %swap3A_414 = tpu.vector_load %arg10[%swap3A_411, %swap3A_412, %swap3A_413] {strides = array<i32>} : memref<4x128x64xf32, #tpu.memory_space<vmem>>, vector<1x1x16xf32>,
        %swap3A_415 = vector.shape_cast %swap3A_414 : vector<1x1x16xf32> to vector<16xf32>
        %swap3A_416 = vector.shape_cast %mul3A_410 : vector<16xf32> to vector<1x1x16xf32>
        tpu.vector_store %arg10[%swap3A_411, %swap3A_412, %swap3A_413], %swap3A_416 {strides = array<i32>} : memref<4x128x64xf32, #tpu.memory_space<vmem>>, vector<1x1x16xf32>,
        %get3A_417 = arith.constant 0 : i32
        %get3A_418 = arith.index_cast %get3A_417 : i32 to index
        %get3A_419 = arith.index_cast %scan3A_399 : i32 to index
        %get3A_420 = arith.constant 16 : index
        %get3A_421 = tpu.vector_load %arg10[%get3A_418, %get3A_419, %get3A_420] {strides = array<i32>} : memref<4x128x64xf32, #tpu.memory_space<vmem>>, vector<1x1x16xf32>,
        %get3A_422 = vector.shape_cast %get3A_421 : vector<1x1x16xf32> to vector<16xf32>
        %mul3A_423 = arith.mulf %get3A_422, %broadcast_in_dim3A : vector<16xf32>
        %swap3A_424 = arith.constant 0 : i32
        %swap3A_425 = arith.index_cast %swap3A_424 : i32 to index
        %swap3A_426 = arith.index_cast %scan3A_399 : i32 to index
        %swap3A_427 = arith.constant 16 : index
        %swap3A_428 = tpu.vector_load %arg10[%swap3A_425, %swap3A_426, %swap3A_427] {strides = array<i32>} : memref<4x128x64xf32, #tpu.memory_space<vmem>>, vector<1x1x16xf32>,
        %swap3A_429 = vector.shape_cast %swap3A_428 : vector<1x1x16xf32> to vector<16xf32>
        %swap3A_430 = vector.shape_cast %mul3A_423 : vector<16xf32> to vector<1x1x16xf32>
        tpu.vector_store %arg10[%swap3A_425, %swap3A_426, %swap3A_427], %swap3A_430 {strides = array<i32>} : memref<4x128x64xf32, #tpu.memory_space<vmem>>, vector<1x1x16xf32>,
        %get3A_431 = arith.constant 0 : i32
        %get3A_432 = arith.index_cast %get3A_431 : i32 to index
        %get3A_433 = arith.index_cast %scan3A_399 : i32 to index
        %get3A_434 = arith.constant 32 : index
        %get3A_435 = tpu.vector_load %arg10[%get3A_432, %get3A_433, %get3A_434] {strides = array<i32>} : memref<4x128x64xf32, #tpu.memory_space<vmem>>, vector<1x1x16xf32>,
        %get3A_436 = vector.shape_cast %get3A_435 : vector<1x1x16xf32> to vector<16xf32>
        %mul3A_437 = arith.mulf %get3A_436, %broadcast_in_dim3A : vector<16xf32>
        %swap3A_438 = arith.constant 0 : i32
        %swap3A_439 = arith.index_cast %swap3A_438 : i32 to index
        %swap3A_440 = arith.index_cast %scan3A_399 : i32 to index
        %swap3A_441 = arith.constant 32 : index
        %swap3A_442 = tpu.vector_load %arg10[%swap3A_439, %swap3A_440, %swap3A_441] {strides = array<i32>} : memref<4x128x64xf32, #tpu.memory_space<vmem>>, vector<1x1x16xf32>,
        %swap3A_443 = vector.shape_cast %swap3A_442 : vector<1x1x16xf32> to vector<16xf32>
        %swap3A_444 = vector.shape_cast %mul3A_437 : vector<16xf32> to vector<1x1x16xf32>
        tpu.vector_store %arg10[%swap3A_439, %swap3A_440, %swap3A_441], %swap3A_444 {strides = array<i32>} : memref<4x128x64xf32, #tpu.memory_space<vmem>>, vector<1x1x16xf32>,
        %get3A_445 = arith.constant 0 : i32
        %get3A_446 = arith.index_cast %get3A_445 : i32 to index
        %get3A_447 = arith.index_cast %scan3A_399 : i32 to index
        %get3A_448 = arith.constant 48 : index
        %get3A_449 = tpu.vector_load %arg10[%get3A_446, %get3A_447, %get3A_448] {strides = array<i32>} : memref<4x128x64xf32, #tpu.memory_space<vmem>>, vector<1x1x16xf32>,
        %get3A_450 = vector.shape_cast %get3A_449 : vector<1x1x16xf32> to vector<16xf32>
        %mul3A_451 = arith.mulf %get3A_450, %broadcast_in_dim3A : vector<16xf32>
        %swap3A_452 = arith.constant 0 : i32
        %swap3A_453 = arith.index_cast %swap3A_452 : i32 to index
        %swap3A_454 = arith.index_cast %scan3A_399 : i32 to index
        %swap3A_455 = arith.constant 48 : index
        %swap3A_456 = tpu.vector_load %arg10[%swap3A_453, %swap3A_454, %swap3A_455] {strides = array<i32>} : memref<4x128x64xf32, #tpu.memory_space<vmem>>, vector<1x1x16xf32>,
        %swap3A_457 = vector.shape_cast %swap3A_456 : vector<1x1x16xf32> to vector<16xf32>
        %swap3A_458 = vector.shape_cast %mul3A_451 : vector<16xf32> to vector<1x1x16xf32>
        tpu.vector_store %arg10[%swap3A_453, %swap3A_454, %swap3A_455], %swap3A_458 {strides = array<i32>} : memref<4x128x64xf32, #tpu.memory_space<vmem>>, vector<1x1x16xf32>,
      }
      %scan3A_397 = arith.constant 120 : i32
      %run_scoped3A_398 = arith.constant 0 : i32
      "tpu.region"() ({
        %run_scoped3A_399 = tpu.sem_alloc : memref<!tpu.dma_semaphore, #tpu.memory_space<semaphore_mem>>
        %dma_start3A_400 = arith.constant 0 : i32
        %dma_start3A_401 = arith.constant 0 : i32
        %dma_start3A_402 = tpu.memref_slice %arg10[%run_scoped3A_398, %dma_start3A_400, %dma_start3A_401] : memref<4x128x64xf32, #tpu.memory_space<vmem>> -> memref<1x120x64xf32, #tpu.memory_space<vmem>>
        %dma_start3A_403 = tpu.memref_squeeze %dma_start3A_402 : memref<1x120x64xf32, #tpu.memory_space<vmem>> -> memref<120x64xf32, #tpu.memory_space<vmem>>
        %dma_start3A_404 = arith.constant 0 : i32
        %dma_start3A_405 = tpu.memref_slice %arg7[%arg0, %multiple_of3A_390, %dma_start3A_404] : memref<2x10000x64xf32, #tpu.memory_space<hbm>> -> memref<1x120x64xf32, #tpu.memory_space<hbm>>
        %dma_start3A_406 = tpu.memref_squeeze %dma_start3A_405 : memref<1x120x64xf32, #tpu.memory_space<hbm>> -> memref<120x64xf32, #tpu.memory_space<hbm>>
        %dma_start3A_407 = arith.constant 0 : i32
        %dma_start3A_408 = tpu.memref_slice %arg7[%arg0, %multiple_of3A_390, %dma_start3A_407] : memref<2x10000x64xf32, #tpu.memory_space<hbm>> -> memref<1x120x64xf32, #tpu.memory_space<hbm>>
        %dma_start3A_409 = tpu.memref_squeeze %dma_start3A_408 : memref<1x120x64xf32, #tpu.memory_space<hbm>> -> memref<120x64xf32, #tpu.memory_space<hbm>>
        %dma_start3A_410 = arith.constant 0 : i32
        %dma_start3A_411 = arith.constant 0 : i32
        %dma_start3A_412 = tpu.memref_slice %arg10[%run_scoped3A_398, %dma_start3A_410, %dma_start3A_411] : memref<4x128x64xf32, #tpu.memory_space<vmem>> -> memref<1x120x64xf32, #tpu.memory_space<vmem>>
        %dma_start3A_413 = tpu.memref_squeeze %dma_start3A_412 : memref<1x120x64xf32, #tpu.memory_space<vmem>> -> memref<120x64xf32, #tpu.memory_space<vmem>>
        tpu.enqueue_dma source(%dma_start3A_413 : memref<120x64xf32, #tpu.memory_space<vmem>>) target(%dma_start3A_409 : memref<120x64xf32, #tpu.memory_space<hbm>>) target_semaphore(%run_scoped3A_399 : memref<!tpu.dma_semaphore, #tpu.memory_space<semaphore_mem>>)
        %dma_wait3A_414 = arith.constant 0 : i32
        %dma_wait3A_415 = arith.constant 0 : i32
        %dma_wait3A_416 = tpu.memref_slice %arg10[%run_scoped3A_398, %dma_wait3A_414, %dma_wait3A_415] : memref<4x128x64xf32, #tpu.memory_space<vmem>> -> memref<1x120x64xf32, #tpu.memory_space<vmem>>
        %dma_wait3A_417 = tpu.memref_squeeze %dma_wait3A_416 : memref<1x120x64xf32, #tpu.memory_space<vmem>> -> memref<120x64xf32, #tpu.memory_space<vmem>>
        %dma_wait3A_418 = arith.constant 0 : i32
        %dma_wait3A_419 = tpu.memref_slice %arg7[%arg0, %multiple_of3A_390, %dma_wait3A_418] : memref<2x10000x64xf32, #tpu.memory_space<hbm>> -> memref<1x120x64xf32, #tpu.memory_space<hbm>>
        %dma_wait3A_420 = tpu.memref_squeeze %dma_wait3A_419 : memref<1x120x64xf32, #tpu.memory_space<hbm>> -> memref<120x64xf32, #tpu.memory_space<hbm>>
        %dma_wait3A_421 = arith.constant 0 : i32
        %dma_wait3A_422 = tpu.memref_slice %arg7[%arg0, %multiple_of3A_390, %dma_wait3A_421] : memref<2x10000x64xf32, #tpu.memory_space<hbm>> -> memref<1x120x64xf32, #tpu.memory_space<hbm>>
        %dma_wait3A_423 = tpu.memref_squeeze %dma_wait3A_422 : memref<1x120x64xf32, #tpu.memory_space<hbm>> -> memref<120x64xf32, #tpu.memory_space<hbm>>
        %dma_wait3A_424 = arith.constant 0 : i32
        %dma_wait3A_425 = arith.constant 0 : i32
        %dma_wait3A_426 = tpu.memref_slice %arg10[%run_scoped3A_398, %dma_wait3A_424, %dma_wait3A_425] : memref<4x128x64xf32, #tpu.memory_space<vmem>> -> memref<1x120x64xf32, #tpu.memory_space<vmem>>
        %dma_wait3A_427 = tpu.memref_squeeze %dma_wait3A_426 : memref<1x120x64xf32, #tpu.memory_space<vmem>> -> memref<120x64xf32, #tpu.memory_space<vmem>>
        tpu.wait_dma2 semaphore(%run_scoped3A_399 : memref<!tpu.dma_semaphore, #tpu.memory_space<semaphore_mem>>) src(%dma_wait3A_427 : memref<120x64xf32, #tpu.memory_space<vmem>>) dst(%dma_wait3A_423 : memref<120x64xf32, #tpu.memory_space<hbm>>)
        tpu.yield
      }) : () -> ()
      "tpu.region"() ({
        %run_scoped3A_399 = tpu.sem_alloc : memref<!tpu.dma_semaphore, #tpu.memory_space<semaphore_mem>>
        %dma_start3A_400 = arith.constant 0 : i32
        %dma_start3A_401 = tpu.memref_slice %arg12[%multiple_of3A_390, %dma_start3A_400] : memref<10000x64xf32, #tpu.memory_space<vmem_shared>> -> memref<120x64xf32, #tpu.memory_space<vmem_shared>>
        %dma_start3A_402 = arith.constant 0 : i32
        %dma_start3A_403 = tpu.memref_slice %arg4[%multiple_of3A_390, %dma_start3A_402] : memref<10000x64xf32, #tpu.memory_space<hbm>> -> memref<120x64xf32, #tpu.memory_space<hbm>>
        tpu.enqueue_dma source(%dma_start3A_403 : memref<120x64xf32, #tpu.memory_space<hbm>>) target(%dma_start3A_401 : memref<120x64xf32, #tpu.memory_space<vmem_shared>>) target_semaphore(%run_scoped3A_399 : memref<!tpu.dma_semaphore, #tpu.memory_space<semaphore_mem>>)
        %dma_wait3A_404 = arith.constant 0 : i32
        %dma_wait3A_405 = tpu.memref_slice %arg12[%multiple_of3A_390, %dma_wait3A_404] : memref<10000x64xf32, #tpu.memory_space<vmem_shared>> -> memref<120x64xf32, #tpu.memory_space<vmem_shared>>
        %dma_wait3A_406 = arith.constant 0 : i32
        %dma_wait3A_407 = tpu.memref_slice %arg4[%multiple_of3A_390, %dma_wait3A_406] : memref<10000x64xf32, #tpu.memory_space<hbm>> -> memref<120x64xf32, #tpu.memory_space<hbm>>
        tpu.wait_dma2 semaphore(%run_scoped3A_399 : memref<!tpu.dma_semaphore, #tpu.memory_space<semaphore_mem>>) src(%dma_wait3A_407 : memref<120x64xf32, #tpu.memory_space<hbm>>) dst(%dma_wait3A_405 : memref<120x64xf32, #tpu.memory_space<vmem_shared>>)
        tpu.yield
      }) : () -> ()
    } else {
    }
    %eq3A_176 = arith.constant 15 : i32
    %eq3A_177 = arith.cmpi eq, %arg1, %eq3A_176 : i32
    %convert_element_type3A_178 = arith.extui %eq3A_177 : i1 to i32
    %cond3A_179 = arith.constant 0 : i32
    %cond3A_180 = arith.cmpi ne, %convert_element_type3A_178, %cond3A_179 : i32
    scf.if %cond3A_180 {
      %add3A = arith.constant 0 : i32
      %add3A_345 = arith.addi %multiple_of3A, %add3A : i32
      %multiple_of3A_346 = tpu.assume_multiple %add3A_345, 8 : i32
      %run_scoped3A_347 = arith.constant 0 : i32
      "tpu.region"() ({
        %run_scoped3A_399 = tpu.sem_alloc : memref<!tpu.dma_semaphore, #tpu.memory_space<semaphore_mem>>
        %dma_start3A_400 = arith.constant 0 : i32
        %dma_start3A_401 = arith.constant 0 : i32
        %dma_start3A_402 = tpu.memref_slice %arg10[%run_scoped3A_347, %dma_start3A_400, %dma_start3A_401] : memref<4x128x64xf32, #tpu.memory_space<vmem>> -> memref<1x128x64xf32, #tpu.memory_space<vmem>>
        %dma_start3A_403 = tpu.memref_squeeze %dma_start3A_402 : memref<1x128x64xf32, #tpu.memory_space<vmem>> -> memref<128x64xf32, #tpu.memory_space<vmem>>
        %dma_start3A_404 = arith.constant 0 : i32
        %dma_start3A_405 = tpu.memref_slice %arg12[%multiple_of3A_346, %dma_start3A_404] : memref<10000x64xf32, #tpu.memory_space<vmem_shared>> -> memref<128x64xf32, #tpu.memory_space<vmem_shared>>
        %dma_start3A_406 = arith.constant 0 : i32
        %dma_start3A_407 = arith.constant 0 : i32
        %dma_start3A_408 = tpu.memref_slice %arg10[%run_scoped3A_347, %dma_start3A_406, %dma_start3A_407] : memref<4x128x64xf32, #tpu.memory_space<vmem>> -> memref<1x128x64xf32, #tpu.memory_space<vmem>>
        %dma_start3A_409 = tpu.memref_squeeze %dma_start3A_408 : memref<1x128x64xf32, #tpu.memory_space<vmem>> -> memref<128x64xf32, #tpu.memory_space<vmem>>
        %dma_start3A_410 = arith.constant 0 : i32
        %dma_start3A_411 = tpu.memref_slice %arg12[%multiple_of3A_346, %dma_start3A_410] : memref<10000x64xf32, #tpu.memory_space<vmem_shared>> -> memref<128x64xf32, #tpu.memory_space<vmem_shared>>
        tpu.enqueue_dma source(%dma_start3A_411 : memref<128x64xf32, #tpu.memory_space<vmem_shared>>) target(%dma_start3A_409 : memref<128x64xf32, #tpu.memory_space<vmem>>) target_semaphore(%run_scoped3A_399 : memref<!tpu.dma_semaphore, #tpu.memory_space<semaphore_mem>>)
        %dma_wait3A_412 = arith.constant 0 : i32
        %dma_wait3A_413 = arith.constant 0 : i32
        %dma_wait3A_414 = tpu.memref_slice %arg10[%run_scoped3A_347, %dma_wait3A_412, %dma_wait3A_413] : memref<4x128x64xf32, #tpu.memory_space<vmem>> -> memref<1x128x64xf32, #tpu.memory_space<vmem>>
        %dma_wait3A_415 = tpu.memref_squeeze %dma_wait3A_414 : memref<1x128x64xf32, #tpu.memory_space<vmem>> -> memref<128x64xf32, #tpu.memory_space<vmem>>
        %dma_wait3A_416 = arith.constant 0 : i32
        %dma_wait3A_417 = tpu.memref_slice %arg12[%multiple_of3A_346, %dma_wait3A_416] : memref<10000x64xf32, #tpu.memory_space<vmem_shared>> -> memref<128x64xf32, #tpu.memory_space<vmem_shared>>
        %dma_wait3A_418 = arith.constant 0 : i32
        %dma_wait3A_419 = arith.constant 0 : i32
        %dma_wait3A_420 = tpu.memref_slice %arg10[%run_scoped3A_347, %dma_wait3A_418, %dma_wait3A_419] : memref<4x128x64xf32, #tpu.memory_space<vmem>> -> memref<1x128x64xf32, #tpu.memory_space<vmem>>
        %dma_wait3A_421 = tpu.memref_squeeze %dma_wait3A_420 : memref<1x128x64xf32, #tpu.memory_space<vmem>> -> memref<128x64xf32, #tpu.memory_space<vmem>>
        %dma_wait3A_422 = arith.constant 0 : i32
        %dma_wait3A_423 = tpu.memref_slice %arg12[%multiple_of3A_346, %dma_wait3A_422] : memref<10000x64xf32, #tpu.memory_space<vmem_shared>> -> memref<128x64xf32, #tpu.memory_space<vmem_shared>>
        tpu.wait_dma2 semaphore(%run_scoped3A_399 : memref<!tpu.dma_semaphore, #tpu.memory_space<semaphore_mem>>) src(%dma_wait3A_423 : memref<128x64xf32, #tpu.memory_space<vmem_shared>>) dst(%dma_wait3A_421 : memref<128x64xf32, #tpu.memory_space<vmem>>)
        tpu.yield
      }) : () -> ()
      %scan3A_348 = arith.constant 0 : i32
      %scan3A_349 = arith.constant 0 : i32
      %scan3A_350 = arith.constant 128 : i32
      %scan3A_351 = arith.addi %scan3A_349, %scan3A_350 : i32
      %scan3A_352 = arith.constant 1 : i32
      scf.for %scan3A_399 = %scan3A_349 to %scan3A_351 step %scan3A_352  : i32 {
        %add3A_400 = arith.constant 0 : i32
        %add3A_401 = arith.addi %add3A_400, %scan3A_399 : i32
        %get3A = arith.index_cast %add3A_401 : i32 to index
        %get3A_402 = tpu.vector_load %arg11[%get3A] {strides = array<i32>} : memref<648xf32, #tpu.memory_space<vmem>>, vector<16xf32>,
        %get3A_403 = vector.shape_cast %get3A_402 : vector<16xf32> to vector<16xf32>
        %slice3A = vector.extract_strided_slice %get3A_403 {offsets = [0], sizes = [1], strides = [1]} : vector<16xf32> to vector<1xf32>
        %squeeze3A = vector.extract %slice3A[0] : f32 from vector<1xf32>
        %broadcast_in_dim3A = vector.broadcast %squeeze3A : f32 to vector<16xf32>
        %get3A_404 = arith.constant 0 : i32
        %get3A_405 = arith.index_cast %get3A_404 : i32 to index
        %get3A_406 = arith.index_cast %scan3A_399 : i32 to index
        %get3A_407 = arith.constant 0 : index
        %get3A_408 = tpu.vector_load %arg10[%get3A_405, %get3A_406, %get3A_407] {strides = array<i32>} : memref<4x128x64xf32, #tpu.memory_space<vmem>>, vector<1x1x16xf32>,
        %get3A_409 = vector.shape_cast %get3A_408 : vector<1x1x16xf32> to vector<16xf32>
        %mul3A_410 = arith.mulf %get3A_409, %broadcast_in_dim3A : vector<16xf32>
        %swap3A = arith.constant 0 : i32
        %swap3A_411 = arith.index_cast %swap3A : i32 to index
        %swap3A_412 = arith.index_cast %scan3A_399 : i32 to index
        %swap3A_413 = arith.constant 0 : index
        %swap3A_414 = tpu.vector_load %arg10[%swap3A_411, %swap3A_412, %swap3A_413] {strides = array<i32>} : memref<4x128x64xf32, #tpu.memory_space<vmem>>, vector<1x1x16xf32>,
        %swap3A_415 = vector.shape_cast %swap3A_414 : vector<1x1x16xf32> to vector<16xf32>
        %swap3A_416 = vector.shape_cast %mul3A_410 : vector<16xf32> to vector<1x1x16xf32>
        tpu.vector_store %arg10[%swap3A_411, %swap3A_412, %swap3A_413], %swap3A_416 {strides = array<i32>} : memref<4x128x64xf32, #tpu.memory_space<vmem>>, vector<1x1x16xf32>,
        %get3A_417 = arith.constant 0 : i32
        %get3A_418 = arith.index_cast %get3A_417 : i32 to index
        %get3A_419 = arith.index_cast %scan3A_399 : i32 to index
        %get3A_420 = arith.constant 16 : index
        %get3A_421 = tpu.vector_load %arg10[%get3A_418, %get3A_419, %get3A_420] {strides = array<i32>} : memref<4x128x64xf32, #tpu.memory_space<vmem>>, vector<1x1x16xf32>,
        %get3A_422 = vector.shape_cast %get3A_421 : vector<1x1x16xf32> to vector<16xf32>
        %mul3A_423 = arith.mulf %get3A_422, %broadcast_in_dim3A : vector<16xf32>
        %swap3A_424 = arith.constant 0 : i32
        %swap3A_425 = arith.index_cast %swap3A_424 : i32 to index
        %swap3A_426 = arith.index_cast %scan3A_399 : i32 to index
        %swap3A_427 = arith.constant 16 : index
        %swap3A_428 = tpu.vector_load %arg10[%swap3A_425, %swap3A_426, %swap3A_427] {strides = array<i32>} : memref<4x128x64xf32, #tpu.memory_space<vmem>>, vector<1x1x16xf32>,
        %swap3A_429 = vector.shape_cast %swap3A_428 : vector<1x1x16xf32> to vector<16xf32>
        %swap3A_430 = vector.shape_cast %mul3A_423 : vector<16xf32> to vector<1x1x16xf32>
        tpu.vector_store %arg10[%swap3A_425, %swap3A_426, %swap3A_427], %swap3A_430 {strides = array<i32>} : memref<4x128x64xf32, #tpu.memory_space<vmem>>, vector<1x1x16xf32>,
        %get3A_431 = arith.constant 0 : i32
        %get3A_432 = arith.index_cast %get3A_431 : i32 to index
        %get3A_433 = arith.index_cast %scan3A_399 : i32 to index
        %get3A_434 = arith.constant 32 : index
        %get3A_435 = tpu.vector_load %arg10[%get3A_432, %get3A_433, %get3A_434] {strides = array<i32>} : memref<4x128x64xf32, #tpu.memory_space<vmem>>, vector<1x1x16xf32>,
        %get3A_436 = vector.shape_cast %get3A_435 : vector<1x1x16xf32> to vector<16xf32>
        %mul3A_437 = arith.mulf %get3A_436, %broadcast_in_dim3A : vector<16xf32>
        %swap3A_438 = arith.constant 0 : i32
        %swap3A_439 = arith.index_cast %swap3A_438 : i32 to index
        %swap3A_440 = arith.index_cast %scan3A_399 : i32 to index
        %swap3A_441 = arith.constant 32 : index
        %swap3A_442 = tpu.vector_load %arg10[%swap3A_439, %swap3A_440, %swap3A_441] {strides = array<i32>} : memref<4x128x64xf32, #tpu.memory_space<vmem>>, vector<1x1x16xf32>,
        %swap3A_443 = vector.shape_cast %swap3A_442 : vector<1x1x16xf32> to vector<16xf32>
        %swap3A_444 = vector.shape_cast %mul3A_437 : vector<16xf32> to vector<1x1x16xf32>
        tpu.vector_store %arg10[%swap3A_439, %swap3A_440, %swap3A_441], %swap3A_444 {strides = array<i32>} : memref<4x128x64xf32, #tpu.memory_space<vmem>>, vector<1x1x16xf32>,
        %get3A_445 = arith.constant 0 : i32
        %get3A_446 = arith.index_cast %get3A_445 : i32 to index
        %get3A_447 = arith.index_cast %scan3A_399 : i32 to index
        %get3A_448 = arith.constant 48 : index
        %get3A_449 = tpu.vector_load %arg10[%get3A_446, %get3A_447, %get3A_448] {strides = array<i32>} : memref<4x128x64xf32, #tpu.memory_space<vmem>>, vector<1x1x16xf32>,
        %get3A_450 = vector.shape_cast %get3A_449 : vector<1x1x16xf32> to vector<16xf32>
        %mul3A_451 = arith.mulf %get3A_450, %broadcast_in_dim3A : vector<16xf32>
        %swap3A_452 = arith.constant 0 : i32
        %swap3A_453 = arith.index_cast %swap3A_452 : i32 to index
        %swap3A_454 = arith.index_cast %scan3A_399 : i32 to index
        %swap3A_455 = arith.constant 48 : index
        %swap3A_456 = tpu.vector_load %arg10[%swap3A_453, %swap3A_454, %swap3A_455] {strides = array<i32>} : memref<4x128x64xf32, #tpu.memory_space<vmem>>, vector<1x1x16xf32>,
        %swap3A_457 = vector.shape_cast %swap3A_456 : vector<1x1x16xf32> to vector<16xf32>
        %swap3A_458 = vector.shape_cast %mul3A_451 : vector<16xf32> to vector<1x1x16xf32>
        tpu.vector_store %arg10[%swap3A_453, %swap3A_454, %swap3A_455], %swap3A_458 {strides = array<i32>} : memref<4x128x64xf32, #tpu.memory_space<vmem>>, vector<1x1x16xf32>,
      }
      %scan3A_353 = arith.constant 128 : i32
      %run_scoped3A_354 = arith.constant 0 : i32
      "tpu.region"() ({
        %run_scoped3A_399 = tpu.sem_alloc : memref<!tpu.dma_semaphore, #tpu.memory_space<semaphore_mem>>
        %dma_start3A_400 = arith.constant 0 : i32
        %dma_start3A_401 = arith.constant 0 : i32
        %dma_start3A_402 = tpu.memref_slice %arg10[%run_scoped3A_354, %dma_start3A_400, %dma_start3A_401] : memref<4x128x64xf32, #tpu.memory_space<vmem>> -> memref<1x128x64xf32, #tpu.memory_space<vmem>>
        %dma_start3A_403 = tpu.memref_squeeze %dma_start3A_402 : memref<1x128x64xf32, #tpu.memory_space<vmem>> -> memref<128x64xf32, #tpu.memory_space<vmem>>
        %dma_start3A_404 = arith.constant 0 : i32
        %dma_start3A_405 = tpu.memref_slice %arg7[%arg0, %multiple_of3A_346, %dma_start3A_404] : memref<2x10000x64xf32, #tpu.memory_space<hbm>> -> memref<1x128x64xf32, #tpu.memory_space<hbm>>
        %dma_start3A_406 = tpu.memref_squeeze %dma_start3A_405 : memref<1x128x64xf32, #tpu.memory_space<hbm>> -> memref<128x64xf32, #tpu.memory_space<hbm>>
        %dma_start3A_407 = arith.constant 0 : i32
        %dma_start3A_408 = tpu.memref_slice %arg7[%arg0, %multiple_of3A_346, %dma_start3A_407] : memref<2x10000x64xf32, #tpu.memory_space<hbm>> -> memref<1x128x64xf32, #tpu.memory_space<hbm>>
        %dma_start3A_409 = tpu.memref_squeeze %dma_start3A_408 : memref<1x128x64xf32, #tpu.memory_space<hbm>> -> memref<128x64xf32, #tpu.memory_space<hbm>>
        %dma_start3A_410 = arith.constant 0 : i32
        %dma_start3A_411 = arith.constant 0 : i32
        %dma_start3A_412 = tpu.memref_slice %arg10[%run_scoped3A_354, %dma_start3A_410, %dma_start3A_411] : memref<4x128x64xf32, #tpu.memory_space<vmem>> -> memref<1x128x64xf32, #tpu.memory_space<vmem>>
        %dma_start3A_413 = tpu.memref_squeeze %dma_start3A_412 : memref<1x128x64xf32, #tpu.memory_space<vmem>> -> memref<128x64xf32, #tpu.memory_space<vmem>>
        tpu.enqueue_dma source(%dma_start3A_413 : memref<128x64xf32, #tpu.memory_space<vmem>>) target(%dma_start3A_409 : memref<128x64xf32, #tpu.memory_space<hbm>>) target_semaphore(%run_scoped3A_399 : memref<!tpu.dma_semaphore, #tpu.memory_space<semaphore_mem>>)
        %dma_wait3A_414 = arith.constant 0 : i32
        %dma_wait3A_415 = arith.constant 0 : i32
        %dma_wait3A_416 = tpu.memref_slice %arg10[%run_scoped3A_354, %dma_wait3A_414, %dma_wait3A_415] : memref<4x128x64xf32, #tpu.memory_space<vmem>> -> memref<1x128x64xf32, #tpu.memory_space<vmem>>
        %dma_wait3A_417 = tpu.memref_squeeze %dma_wait3A_416 : memref<1x128x64xf32, #tpu.memory_space<vmem>> -> memref<128x64xf32, #tpu.memory_space<vmem>>
        %dma_wait3A_418 = arith.constant 0 : i32
        %dma_wait3A_419 = tpu.memref_slice %arg7[%arg0, %multiple_of3A_346, %dma_wait3A_418] : memref<2x10000x64xf32, #tpu.memory_space<hbm>> -> memref<1x128x64xf32, #tpu.memory_space<hbm>>
        %dma_wait3A_420 = tpu.memref_squeeze %dma_wait3A_419 : memref<1x128x64xf32, #tpu.memory_space<hbm>> -> memref<128x64xf32, #tpu.memory_space<hbm>>
        %dma_wait3A_421 = arith.constant 0 : i32
        %dma_wait3A_422 = tpu.memref_slice %arg7[%arg0, %multiple_of3A_346, %dma_wait3A_421] : memref<2x10000x64xf32, #tpu.memory_space<hbm>> -> memref<1x128x64xf32, #tpu.memory_space<hbm>>
        %dma_wait3A_423 = tpu.memref_squeeze %dma_wait3A_422 : memref<1x128x64xf32, #tpu.memory_space<hbm>> -> memref<128x64xf32, #tpu.memory_space<hbm>>
        %dma_wait3A_424 = arith.constant 0 : i32
        %dma_wait3A_425 = arith.constant 0 : i32
        %dma_wait3A_426 = tpu.memref_slice %arg10[%run_scoped3A_354, %dma_wait3A_424, %dma_wait3A_425] : memref<4x128x64xf32, #tpu.memory_space<vmem>> -> memref<1x128x64xf32, #tpu.memory_space<vmem>>
        %dma_wait3A_427 = tpu.memref_squeeze %dma_wait3A_426 : memref<1x128x64xf32, #tpu.memory_space<vmem>> -> memref<128x64xf32, #tpu.memory_space<vmem>>
        tpu.wait_dma2 semaphore(%run_scoped3A_399 : memref<!tpu.dma_semaphore, #tpu.memory_space<semaphore_mem>>) src(%dma_wait3A_427 : memref<128x64xf32, #tpu.memory_space<vmem>>) dst(%dma_wait3A_423 : memref<128x64xf32, #tpu.memory_space<hbm>>)
        tpu.yield
      }) : () -> ()
      "tpu.region"() ({
        %run_scoped3A_399 = tpu.sem_alloc : memref<!tpu.dma_semaphore, #tpu.memory_space<semaphore_mem>>
        %dma_start3A_400 = arith.constant 0 : i32
        %dma_start3A_401 = tpu.memref_slice %arg12[%multiple_of3A_346, %dma_start3A_400] : memref<10000x64xf32, #tpu.memory_space<vmem_shared>> -> memref<128x64xf32, #tpu.memory_space<vmem_shared>>
        %dma_start3A_402 = arith.constant 0 : i32
        %dma_start3A_403 = tpu.memref_slice %arg4[%multiple_of3A_346, %dma_start3A_402] : memref<10000x64xf32, #tpu.memory_space<hbm>> -> memref<128x64xf32, #tpu.memory_space<hbm>>
        tpu.enqueue_dma source(%dma_start3A_403 : memref<128x64xf32, #tpu.memory_space<hbm>>) target(%dma_start3A_401 : memref<128x64xf32, #tpu.memory_space<vmem_shared>>) target_semaphore(%run_scoped3A_399 : memref<!tpu.dma_semaphore, #tpu.memory_space<semaphore_mem>>)
        %dma_wait3A_404 = arith.constant 0 : i32
        %dma_wait3A_405 = tpu.memref_slice %arg12[%multiple_of3A_346, %dma_wait3A_404] : memref<10000x64xf32, #tpu.memory_space<vmem_shared>> -> memref<128x64xf32, #tpu.memory_space<vmem_shared>>
        %dma_wait3A_406 = arith.constant 0 : i32
        %dma_wait3A_407 = tpu.memref_slice %arg4[%multiple_of3A_346, %dma_wait3A_406] : memref<10000x64xf32, #tpu.memory_space<hbm>> -> memref<128x64xf32, #tpu.memory_space<hbm>>
        tpu.wait_dma2 semaphore(%run_scoped3A_399 : memref<!tpu.dma_semaphore, #tpu.memory_space<semaphore_mem>>) src(%dma_wait3A_407 : memref<128x64xf32, #tpu.memory_space<hbm>>) dst(%dma_wait3A_405 : memref<128x64xf32, #tpu.memory_space<vmem_shared>>)
        tpu.yield
      }) : () -> ()
      %add3A_355 = arith.constant 128 : i32
      %add3A_356 = arith.addi %multiple_of3A, %add3A_355 : i32
      %multiple_of3A_357 = tpu.assume_multiple %add3A_356, 8 : i32
      %run_scoped3A_358 = arith.constant 0 : i32
      "tpu.region"() ({
        %run_scoped3A_399 = tpu.sem_alloc : memref<!tpu.dma_semaphore, #tpu.memory_space<semaphore_mem>>
        %dma_start3A_400 = arith.constant 0 : i32
        %dma_start3A_401 = arith.constant 0 : i32
        %dma_start3A_402 = tpu.memref_slice %arg10[%run_scoped3A_358, %dma_start3A_400, %dma_start3A_401] : memref<4x128x64xf32, #tpu.memory_space<vmem>> -> memref<1x128x64xf32, #tpu.memory_space<vmem>>
        %dma_start3A_403 = tpu.memref_squeeze %dma_start3A_402 : memref<1x128x64xf32, #tpu.memory_space<vmem>> -> memref<128x64xf32, #tpu.memory_space<vmem>>
        %dma_start3A_404 = arith.constant 0 : i32
        %dma_start3A_405 = tpu.memref_slice %arg12[%multiple_of3A_357, %dma_start3A_404] : memref<10000x64xf32, #tpu.memory_space<vmem_shared>> -> memref<128x64xf32, #tpu.memory_space<vmem_shared>>
        %dma_start3A_406 = arith.constant 0 : i32
        %dma_start3A_407 = arith.constant 0 : i32
        %dma_start3A_408 = tpu.memref_slice %arg10[%run_scoped3A_358, %dma_start3A_406, %dma_start3A_407] : memref<4x128x64xf32, #tpu.memory_space<vmem>> -> memref<1x128x64xf32, #tpu.memory_space<vmem>>
        %dma_start3A_409 = tpu.memref_squeeze %dma_start3A_408 : memref<1x128x64xf32, #tpu.memory_space<vmem>> -> memref<128x64xf32, #tpu.memory_space<vmem>>
        %dma_start3A_410 = arith.constant 0 : i32
        %dma_start3A_411 = tpu.memref_slice %arg12[%multiple_of3A_357, %dma_start3A_410] : memref<10000x64xf32, #tpu.memory_space<vmem_shared>> -> memref<128x64xf32, #tpu.memory_space<vmem_shared>>
        tpu.enqueue_dma source(%dma_start3A_411 : memref<128x64xf32, #tpu.memory_space<vmem_shared>>) target(%dma_start3A_409 : memref<128x64xf32, #tpu.memory_space<vmem>>) target_semaphore(%run_scoped3A_399 : memref<!tpu.dma_semaphore, #tpu.memory_space<semaphore_mem>>)
        %dma_wait3A_412 = arith.constant 0 : i32
        %dma_wait3A_413 = arith.constant 0 : i32
        %dma_wait3A_414 = tpu.memref_slice %arg10[%run_scoped3A_358, %dma_wait3A_412, %dma_wait3A_413] : memref<4x128x64xf32, #tpu.memory_space<vmem>> -> memref<1x128x64xf32, #tpu.memory_space<vmem>>
        %dma_wait3A_415 = tpu.memref_squeeze %dma_wait3A_414 : memref<1x128x64xf32, #tpu.memory_space<vmem>> -> memref<128x64xf32, #tpu.memory_space<vmem>>
        %dma_wait3A_416 = arith.constant 0 : i32
        %dma_wait3A_417 = tpu.memref_slice %arg12[%multiple_of3A_357, %dma_wait3A_416] : memref<10000x64xf32, #tpu.memory_space<vmem_shared>> -> memref<128x64xf32, #tpu.memory_space<vmem_shared>>
        %dma_wait3A_418 = arith.constant 0 : i32
        %dma_wait3A_419 = arith.constant 0 : i32
        %dma_wait3A_420 = tpu.memref_slice %arg10[%run_scoped3A_358, %dma_wait3A_418, %dma_wait3A_419] : memref<4x128x64xf32, #tpu.memory_space<vmem>> -> memref<1x128x64xf32, #tpu.memory_space<vmem>>
        %dma_wait3A_421 = tpu.memref_squeeze %dma_wait3A_420 : memref<1x128x64xf32, #tpu.memory_space<vmem>> -> memref<128x64xf32, #tpu.memory_space<vmem>>
        %dma_wait3A_422 = arith.constant 0 : i32
        %dma_wait3A_423 = tpu.memref_slice %arg12[%multiple_of3A_357, %dma_wait3A_422] : memref<10000x64xf32, #tpu.memory_space<vmem_shared>> -> memref<128x64xf32, #tpu.memory_space<vmem_shared>>
        tpu.wait_dma2 semaphore(%run_scoped3A_399 : memref<!tpu.dma_semaphore, #tpu.memory_space<semaphore_mem>>) src(%dma_wait3A_423 : memref<128x64xf32, #tpu.memory_space<vmem_shared>>) dst(%dma_wait3A_421 : memref<128x64xf32, #tpu.memory_space<vmem>>)
        tpu.yield
      }) : () -> ()
      %scan3A_359 = arith.constant 0 : i32
      %scan3A_360 = arith.constant 0 : i32
      %scan3A_361 = arith.constant 128 : i32
      %scan3A_362 = arith.addi %scan3A_360, %scan3A_361 : i32
      %scan3A_363 = arith.constant 1 : i32
      scf.for %scan3A_399 = %scan3A_360 to %scan3A_362 step %scan3A_363  : i32 {
        %add3A_400 = arith.constant 128 : i32
        %add3A_401 = arith.addi %add3A_400, %scan3A_399 : i32
        %get3A = arith.index_cast %add3A_401 : i32 to index
        %get3A_402 = tpu.vector_load %arg11[%get3A] {strides = array<i32>} : memref<648xf32, #tpu.memory_space<vmem>>, vector<16xf32>,
        %get3A_403 = vector.shape_cast %get3A_402 : vector<16xf32> to vector<16xf32>
        %slice3A = vector.extract_strided_slice %get3A_403 {offsets = [0], sizes = [1], strides = [1]} : vector<16xf32> to vector<1xf32>
        %squeeze3A = vector.extract %slice3A[0] : f32 from vector<1xf32>
        %broadcast_in_dim3A = vector.broadcast %squeeze3A : f32 to vector<16xf32>
        %get3A_404 = arith.constant 0 : i32
        %get3A_405 = arith.index_cast %get3A_404 : i32 to index
        %get3A_406 = arith.index_cast %scan3A_399 : i32 to index
        %get3A_407 = arith.constant 0 : index
        %get3A_408 = tpu.vector_load %arg10[%get3A_405, %get3A_406, %get3A_407] {strides = array<i32>} : memref<4x128x64xf32, #tpu.memory_space<vmem>>, vector<1x1x16xf32>,
        %get3A_409 = vector.shape_cast %get3A_408 : vector<1x1x16xf32> to vector<16xf32>
        %mul3A_410 = arith.mulf %get3A_409, %broadcast_in_dim3A : vector<16xf32>
        %swap3A = arith.constant 0 : i32
        %swap3A_411 = arith.index_cast %swap3A : i32 to index
        %swap3A_412 = arith.index_cast %scan3A_399 : i32 to index
        %swap3A_413 = arith.constant 0 : index
        %swap3A_414 = tpu.vector_load %arg10[%swap3A_411, %swap3A_412, %swap3A_413] {strides = array<i32>} : memref<4x128x64xf32, #tpu.memory_space<vmem>>, vector<1x1x16xf32>,
        %swap3A_415 = vector.shape_cast %swap3A_414 : vector<1x1x16xf32> to vector<16xf32>
        %swap3A_416 = vector.shape_cast %mul3A_410 : vector<16xf32> to vector<1x1x16xf32>
        tpu.vector_store %arg10[%swap3A_411, %swap3A_412, %swap3A_413], %swap3A_416 {strides = array<i32>} : memref<4x128x64xf32, #tpu.memory_space<vmem>>, vector<1x1x16xf32>,
        %get3A_417 = arith.constant 0 : i32
        %get3A_418 = arith.index_cast %get3A_417 : i32 to index
        %get3A_419 = arith.index_cast %scan3A_399 : i32 to index
        %get3A_420 = arith.constant 16 : index
        %get3A_421 = tpu.vector_load %arg10[%get3A_418, %get3A_419, %get3A_420] {strides = array<i32>} : memref<4x128x64xf32, #tpu.memory_space<vmem>>, vector<1x1x16xf32>,
        %get3A_422 = vector.shape_cast %get3A_421 : vector<1x1x16xf32> to vector<16xf32>
        %mul3A_423 = arith.mulf %get3A_422, %broadcast_in_dim3A : vector<16xf32>
        %swap3A_424 = arith.constant 0 : i32
        %swap3A_425 = arith.index_cast %swap3A_424 : i32 to index
        %swap3A_426 = arith.index_cast %scan3A_399 : i32 to index
        %swap3A_427 = arith.constant 16 : index
        %swap3A_428 = tpu.vector_load %arg10[%swap3A_425, %swap3A_426, %swap3A_427] {strides = array<i32>} : memref<4x128x64xf32, #tpu.memory_space<vmem>>, vector<1x1x16xf32>,
        %swap3A_429 = vector.shape_cast %swap3A_428 : vector<1x1x16xf32> to vector<16xf32>
        %swap3A_430 = vector.shape_cast %mul3A_423 : vector<16xf32> to vector<1x1x16xf32>
        tpu.vector_store %arg10[%swap3A_425, %swap3A_426, %swap3A_427], %swap3A_430 {strides = array<i32>} : memref<4x128x64xf32, #tpu.memory_space<vmem>>, vector<1x1x16xf32>,
        %get3A_431 = arith.constant 0 : i32
        %get3A_432 = arith.index_cast %get3A_431 : i32 to index
        %get3A_433 = arith.index_cast %scan3A_399 : i32 to index
        %get3A_434 = arith.constant 32 : index
        %get3A_435 = tpu.vector_load %arg10[%get3A_432, %get3A_433, %get3A_434] {strides = array<i32>} : memref<4x128x64xf32, #tpu.memory_space<vmem>>, vector<1x1x16xf32>,
        %get3A_436 = vector.shape_cast %get3A_435 : vector<1x1x16xf32> to vector<16xf32>
        %mul3A_437 = arith.mulf %get3A_436, %broadcast_in_dim3A : vector<16xf32>
        %swap3A_438 = arith.constant 0 : i32
        %swap3A_439 = arith.index_cast %swap3A_438 : i32 to index
        %swap3A_440 = arith.index_cast %scan3A_399 : i32 to index
        %swap3A_441 = arith.constant 32 : index
        %swap3A_442 = tpu.vector_load %arg10[%swap3A_439, %swap3A_440, %swap3A_441] {strides = array<i32>} : memref<4x128x64xf32, #tpu.memory_space<vmem>>, vector<1x1x16xf32>,
        %swap3A_443 = vector.shape_cast %swap3A_442 : vector<1x1x16xf32> to vector<16xf32>
        %swap3A_444 = vector.shape_cast %mul3A_437 : vector<16xf32> to vector<1x1x16xf32>
        tpu.vector_store %arg10[%swap3A_439, %swap3A_440, %swap3A_441], %swap3A_444 {strides = array<i32>} : memref<4x128x64xf32, #tpu.memory_space<vmem>>, vector<1x1x16xf32>,
        %get3A_445 = arith.constant 0 : i32
        %get3A_446 = arith.index_cast %get3A_445 : i32 to index
        %get3A_447 = arith.index_cast %scan3A_399 : i32 to index
        %get3A_448 = arith.constant 48 : index
        %get3A_449 = tpu.vector_load %arg10[%get3A_446, %get3A_447, %get3A_448] {strides = array<i32>} : memref<4x128x64xf32, #tpu.memory_space<vmem>>, vector<1x1x16xf32>,
        %get3A_450 = vector.shape_cast %get3A_449 : vector<1x1x16xf32> to vector<16xf32>
        %mul3A_451 = arith.mulf %get3A_450, %broadcast_in_dim3A : vector<16xf32>
        %swap3A_452 = arith.constant 0 : i32
        %swap3A_453 = arith.index_cast %swap3A_452 : i32 to index
        %swap3A_454 = arith.index_cast %scan3A_399 : i32 to index
        %swap3A_455 = arith.constant 48 : index
        %swap3A_456 = tpu.vector_load %arg10[%swap3A_453, %swap3A_454, %swap3A_455] {strides = array<i32>} : memref<4x128x64xf32, #tpu.memory_space<vmem>>, vector<1x1x16xf32>,
        %swap3A_457 = vector.shape_cast %swap3A_456 : vector<1x1x16xf32> to vector<16xf32>
        %swap3A_458 = vector.shape_cast %mul3A_451 : vector<16xf32> to vector<1x1x16xf32>
        tpu.vector_store %arg10[%swap3A_453, %swap3A_454, %swap3A_455], %swap3A_458 {strides = array<i32>} : memref<4x128x64xf32, #tpu.memory_space<vmem>>, vector<1x1x16xf32>,
      }
      %scan3A_364 = arith.constant 128 : i32
      %run_scoped3A_365 = arith.constant 0 : i32
      "tpu.region"() ({
        %run_scoped3A_399 = tpu.sem_alloc : memref<!tpu.dma_semaphore, #tpu.memory_space<semaphore_mem>>
        %dma_start3A_400 = arith.constant 0 : i32
        %dma_start3A_401 = arith.constant 0 : i32
        %dma_start3A_402 = tpu.memref_slice %arg10[%run_scoped3A_365, %dma_start3A_400, %dma_start3A_401] : memref<4x128x64xf32, #tpu.memory_space<vmem>> -> memref<1x128x64xf32, #tpu.memory_space<vmem>>
        %dma_start3A_403 = tpu.memref_squeeze %dma_start3A_402 : memref<1x128x64xf32, #tpu.memory_space<vmem>> -> memref<128x64xf32, #tpu.memory_space<vmem>>
        %dma_start3A_404 = arith.constant 0 : i32
        %dma_start3A_405 = tpu.memref_slice %arg7[%arg0, %multiple_of3A_357, %dma_start3A_404] : memref<2x10000x64xf32, #tpu.memory_space<hbm>> -> memref<1x128x64xf32, #tpu.memory_space<hbm>>
        %dma_start3A_406 = tpu.memref_squeeze %dma_start3A_405 : memref<1x128x64xf32, #tpu.memory_space<hbm>> -> memref<128x64xf32, #tpu.memory_space<hbm>>
        %dma_start3A_407 = arith.constant 0 : i32
        %dma_start3A_408 = tpu.memref_slice %arg7[%arg0, %multiple_of3A_357, %dma_start3A_407] : memref<2x10000x64xf32, #tpu.memory_space<hbm>> -> memref<1x128x64xf32, #tpu.memory_space<hbm>>
        %dma_start3A_409 = tpu.memref_squeeze %dma_start3A_408 : memref<1x128x64xf32, #tpu.memory_space<hbm>> -> memref<128x64xf32, #tpu.memory_space<hbm>>
        %dma_start3A_410 = arith.constant 0 : i32
        %dma_start3A_411 = arith.constant 0 : i32
        %dma_start3A_412 = tpu.memref_slice %arg10[%run_scoped3A_365, %dma_start3A_410, %dma_start3A_411] : memref<4x128x64xf32, #tpu.memory_space<vmem>> -> memref<1x128x64xf32, #tpu.memory_space<vmem>>
        %dma_start3A_413 = tpu.memref_squeeze %dma_start3A_412 : memref<1x128x64xf32, #tpu.memory_space<vmem>> -> memref<128x64xf32, #tpu.memory_space<vmem>>
        tpu.enqueue_dma source(%dma_start3A_413 : memref<128x64xf32, #tpu.memory_space<vmem>>) target(%dma_start3A_409 : memref<128x64xf32, #tpu.memory_space<hbm>>) target_semaphore(%run_scoped3A_399 : memref<!tpu.dma_semaphore, #tpu.memory_space<semaphore_mem>>)
        %dma_wait3A_414 = arith.constant 0 : i32
        %dma_wait3A_415 = arith.constant 0 : i32
        %dma_wait3A_416 = tpu.memref_slice %arg10[%run_scoped3A_365, %dma_wait3A_414, %dma_wait3A_415] : memref<4x128x64xf32, #tpu.memory_space<vmem>> -> memref<1x128x64xf32, #tpu.memory_space<vmem>>
        %dma_wait3A_417 = tpu.memref_squeeze %dma_wait3A_416 : memref<1x128x64xf32, #tpu.memory_space<vmem>> -> memref<128x64xf32, #tpu.memory_space<vmem>>
        %dma_wait3A_418 = arith.constant 0 : i32
        %dma_wait3A_419 = tpu.memref_slice %arg7[%arg0, %multiple_of3A_357, %dma_wait3A_418] : memref<2x10000x64xf32, #tpu.memory_space<hbm>> -> memref<1x128x64xf32, #tpu.memory_space<hbm>>
        %dma_wait3A_420 = tpu.memref_squeeze %dma_wait3A_419 : memref<1x128x64xf32, #tpu.memory_space<hbm>> -> memref<128x64xf32, #tpu.memory_space<hbm>>
        %dma_wait3A_421 = arith.constant 0 : i32
        %dma_wait3A_422 = tpu.memref_slice %arg7[%arg0, %multiple_of3A_357, %dma_wait3A_421] : memref<2x10000x64xf32, #tpu.memory_space<hbm>> -> memref<1x128x64xf32, #tpu.memory_space<hbm>>
        %dma_wait3A_423 = tpu.memref_squeeze %dma_wait3A_422 : memref<1x128x64xf32, #tpu.memory_space<hbm>> -> memref<128x64xf32, #tpu.memory_space<hbm>>
        %dma_wait3A_424 = arith.constant 0 : i32
        %dma_wait3A_425 = arith.constant 0 : i32
        %dma_wait3A_426 = tpu.memref_slice %arg10[%run_scoped3A_365, %dma_wait3A_424, %dma_wait3A_425] : memref<4x128x64xf32, #tpu.memory_space<vmem>> -> memref<1x128x64xf32, #tpu.memory_space<vmem>>
        %dma_wait3A_427 = tpu.memref_squeeze %dma_wait3A_426 : memref<1x128x64xf32, #tpu.memory_space<vmem>> -> memref<128x64xf32, #tpu.memory_space<vmem>>
        tpu.wait_dma2 semaphore(%run_scoped3A_399 : memref<!tpu.dma_semaphore, #tpu.memory_space<semaphore_mem>>) src(%dma_wait3A_427 : memref<128x64xf32, #tpu.memory_space<vmem>>) dst(%dma_wait3A_423 : memref<128x64xf32, #tpu.memory_space<hbm>>)
        tpu.yield
      }) : () -> ()
      "tpu.region"() ({
        %run_scoped3A_399 = tpu.sem_alloc : memref<!tpu.dma_semaphore, #tpu.memory_space<semaphore_mem>>
        %dma_start3A_400 = arith.constant 0 : i32
        %dma_start3A_401 = tpu.memref_slice %arg12[%multiple_of3A_357, %dma_start3A_400] : memref<10000x64xf32, #tpu.memory_space<vmem_shared>> -> memref<128x64xf32, #tpu.memory_space<vmem_shared>>
        %dma_start3A_402 = arith.constant 0 : i32
        %dma_start3A_403 = tpu.memref_slice %arg4[%multiple_of3A_357, %dma_start3A_402] : memref<10000x64xf32, #tpu.memory_space<hbm>> -> memref<128x64xf32, #tpu.memory_space<hbm>>
        tpu.enqueue_dma source(%dma_start3A_403 : memref<128x64xf32, #tpu.memory_space<hbm>>) target(%dma_start3A_401 : memref<128x64xf32, #tpu.memory_space<vmem_shared>>) target_semaphore(%run_scoped3A_399 : memref<!tpu.dma_semaphore, #tpu.memory_space<semaphore_mem>>)
        %dma_wait3A_404 = arith.constant 0 : i32
        %dma_wait3A_405 = tpu.memref_slice %arg12[%multiple_of3A_357, %dma_wait3A_404] : memref<10000x64xf32, #tpu.memory_space<vmem_shared>> -> memref<128x64xf32, #tpu.memory_space<vmem_shared>>
        %dma_wait3A_406 = arith.constant 0 : i32
        %dma_wait3A_407 = tpu.memref_slice %arg4[%multiple_of3A_357, %dma_wait3A_406] : memref<10000x64xf32, #tpu.memory_space<hbm>> -> memref<128x64xf32, #tpu.memory_space<hbm>>
        tpu.wait_dma2 semaphore(%run_scoped3A_399 : memref<!tpu.dma_semaphore, #tpu.memory_space<semaphore_mem>>) src(%dma_wait3A_407 : memref<128x64xf32, #tpu.memory_space<hbm>>) dst(%dma_wait3A_405 : memref<128x64xf32, #tpu.memory_space<vmem_shared>>)
        tpu.yield
      }) : () -> ()
      %add3A_366 = arith.constant 256 : i32
      %add3A_367 = arith.addi %multiple_of3A, %add3A_366 : i32
      %multiple_of3A_368 = tpu.assume_multiple %add3A_367, 8 : i32
      %run_scoped3A_369 = arith.constant 0 : i32
      "tpu.region"() ({
        %run_scoped3A_399 = tpu.sem_alloc : memref<!tpu.dma_semaphore, #tpu.memory_space<semaphore_mem>>
        %dma_start3A_400 = arith.constant 0 : i32
        %dma_start3A_401 = arith.constant 0 : i32
        %dma_start3A_402 = tpu.memref_slice %arg10[%run_scoped3A_369, %dma_start3A_400, %dma_start3A_401] : memref<4x128x64xf32, #tpu.memory_space<vmem>> -> memref<1x128x64xf32, #tpu.memory_space<vmem>>
        %dma_start3A_403 = tpu.memref_squeeze %dma_start3A_402 : memref<1x128x64xf32, #tpu.memory_space<vmem>> -> memref<128x64xf32, #tpu.memory_space<vmem>>
        %dma_start3A_404 = arith.constant 0 : i32
        %dma_start3A_405 = tpu.memref_slice %arg12[%multiple_of3A_368, %dma_start3A_404] : memref<10000x64xf32, #tpu.memory_space<vmem_shared>> -> memref<128x64xf32, #tpu.memory_space<vmem_shared>>
        %dma_start3A_406 = arith.constant 0 : i32
        %dma_start3A_407 = arith.constant 0 : i32
        %dma_start3A_408 = tpu.memref_slice %arg10[%run_scoped3A_369, %dma_start3A_406, %dma_start3A_407] : memref<4x128x64xf32, #tpu.memory_space<vmem>> -> memref<1x128x64xf32, #tpu.memory_space<vmem>>
        %dma_start3A_409 = tpu.memref_squeeze %dma_start3A_408 : memref<1x128x64xf32, #tpu.memory_space<vmem>> -> memref<128x64xf32, #tpu.memory_space<vmem>>
        %dma_start3A_410 = arith.constant 0 : i32
        %dma_start3A_411 = tpu.memref_slice %arg12[%multiple_of3A_368, %dma_start3A_410] : memref<10000x64xf32, #tpu.memory_space<vmem_shared>> -> memref<128x64xf32, #tpu.memory_space<vmem_shared>>
        tpu.enqueue_dma source(%dma_start3A_411 : memref<128x64xf32, #tpu.memory_space<vmem_shared>>) target(%dma_start3A_409 : memref<128x64xf32, #tpu.memory_space<vmem>>) target_semaphore(%run_scoped3A_399 : memref<!tpu.dma_semaphore, #tpu.memory_space<semaphore_mem>>)
        %dma_wait3A_412 = arith.constant 0 : i32
        %dma_wait3A_413 = arith.constant 0 : i32
        %dma_wait3A_414 = tpu.memref_slice %arg10[%run_scoped3A_369, %dma_wait3A_412, %dma_wait3A_413] : memref<4x128x64xf32, #tpu.memory_space<vmem>> -> memref<1x128x64xf32, #tpu.memory_space<vmem>>
        %dma_wait3A_415 = tpu.memref_squeeze %dma_wait3A_414 : memref<1x128x64xf32, #tpu.memory_space<vmem>> -> memref<128x64xf32, #tpu.memory_space<vmem>>
        %dma_wait3A_416 = arith.constant 0 : i32
        %dma_wait3A_417 = tpu.memref_slice %arg12[%multiple_of3A_368, %dma_wait3A_416] : memref<10000x64xf32, #tpu.memory_space<vmem_shared>> -> memref<128x64xf32, #tpu.memory_space<vmem_shared>>
        %dma_wait3A_418 = arith.constant 0 : i32
        %dma_wait3A_419 = arith.constant 0 : i32
        %dma_wait3A_420 = tpu.memref_slice %arg10[%run_scoped3A_369, %dma_wait3A_418, %dma_wait3A_419] : memref<4x128x64xf32, #tpu.memory_space<vmem>> -> memref<1x128x64xf32, #tpu.memory_space<vmem>>
        %dma_wait3A_421 = tpu.memref_squeeze %dma_wait3A_420 : memref<1x128x64xf32, #tpu.memory_space<vmem>> -> memref<128x64xf32, #tpu.memory_space<vmem>>
        %dma_wait3A_422 = arith.constant 0 : i32
        %dma_wait3A_423 = tpu.memref_slice %arg12[%multiple_of3A_368, %dma_wait3A_422] : memref<10000x64xf32, #tpu.memory_space<vmem_shared>> -> memref<128x64xf32, #tpu.memory_space<vmem_shared>>
        tpu.wait_dma2 semaphore(%run_scoped3A_399 : memref<!tpu.dma_semaphore, #tpu.memory_space<semaphore_mem>>) src(%dma_wait3A_423 : memref<128x64xf32, #tpu.memory_space<vmem_shared>>) dst(%dma_wait3A_421 : memref<128x64xf32, #tpu.memory_space<vmem>>)
        tpu.yield
      }) : () -> ()
      %scan3A_370 = arith.constant 0 : i32
      %scan3A_371 = arith.constant 0 : i32
      %scan3A_372 = arith.constant 128 : i32
      %scan3A_373 = arith.addi %scan3A_371, %scan3A_372 : i32
      %scan3A_374 = arith.constant 1 : i32
      scf.for %scan3A_399 = %scan3A_371 to %scan3A_373 step %scan3A_374  : i32 {
        %add3A_400 = arith.constant 256 : i32
        %add3A_401 = arith.addi %add3A_400, %scan3A_399 : i32
        %get3A = arith.index_cast %add3A_401 : i32 to index
        %get3A_402 = tpu.vector_load %arg11[%get3A] {strides = array<i32>} : memref<648xf32, #tpu.memory_space<vmem>>, vector<16xf32>,
        %get3A_403 = vector.shape_cast %get3A_402 : vector<16xf32> to vector<16xf32>
        %slice3A = vector.extract_strided_slice %get3A_403 {offsets = [0], sizes = [1], strides = [1]} : vector<16xf32> to vector<1xf32>
        %squeeze3A = vector.extract %slice3A[0] : f32 from vector<1xf32>
        %broadcast_in_dim3A = vector.broadcast %squeeze3A : f32 to vector<16xf32>
        %get3A_404 = arith.constant 0 : i32
        %get3A_405 = arith.index_cast %get3A_404 : i32 to index
        %get3A_406 = arith.index_cast %scan3A_399 : i32 to index
        %get3A_407 = arith.constant 0 : index
        %get3A_408 = tpu.vector_load %arg10[%get3A_405, %get3A_406, %get3A_407] {strides = array<i32>} : memref<4x128x64xf32, #tpu.memory_space<vmem>>, vector<1x1x16xf32>,
        %get3A_409 = vector.shape_cast %get3A_408 : vector<1x1x16xf32> to vector<16xf32>
        %mul3A_410 = arith.mulf %get3A_409, %broadcast_in_dim3A : vector<16xf32>
        %swap3A = arith.constant 0 : i32
        %swap3A_411 = arith.index_cast %swap3A : i32 to index
        %swap3A_412 = arith.index_cast %scan3A_399 : i32 to index
        %swap3A_413 = arith.constant 0 : index
        %swap3A_414 = tpu.vector_load %arg10[%swap3A_411, %swap3A_412, %swap3A_413] {strides = array<i32>} : memref<4x128x64xf32, #tpu.memory_space<vmem>>, vector<1x1x16xf32>,
        %swap3A_415 = vector.shape_cast %swap3A_414 : vector<1x1x16xf32> to vector<16xf32>
        %swap3A_416 = vector.shape_cast %mul3A_410 : vector<16xf32> to vector<1x1x16xf32>
        tpu.vector_store %arg10[%swap3A_411, %swap3A_412, %swap3A_413], %swap3A_416 {strides = array<i32>} : memref<4x128x64xf32, #tpu.memory_space<vmem>>, vector<1x1x16xf32>,
        %get3A_417 = arith.constant 0 : i32
        %get3A_418 = arith.index_cast %get3A_417 : i32 to index
        %get3A_419 = arith.index_cast %scan3A_399 : i32 to index
        %get3A_420 = arith.constant 16 : index
        %get3A_421 = tpu.vector_load %arg10[%get3A_418, %get3A_419, %get3A_420] {strides = array<i32>} : memref<4x128x64xf32, #tpu.memory_space<vmem>>, vector<1x1x16xf32>,
        %get3A_422 = vector.shape_cast %get3A_421 : vector<1x1x16xf32> to vector<16xf32>
        %mul3A_423 = arith.mulf %get3A_422, %broadcast_in_dim3A : vector<16xf32>
        %swap3A_424 = arith.constant 0 : i32
        %swap3A_425 = arith.index_cast %swap3A_424 : i32 to index
        %swap3A_426 = arith.index_cast %scan3A_399 : i32 to index
        %swap3A_427 = arith.constant 16 : index
        %swap3A_428 = tpu.vector_load %arg10[%swap3A_425, %swap3A_426, %swap3A_427] {strides = array<i32>} : memref<4x128x64xf32, #tpu.memory_space<vmem>>, vector<1x1x16xf32>,
        %swap3A_429 = vector.shape_cast %swap3A_428 : vector<1x1x16xf32> to vector<16xf32>
        %swap3A_430 = vector.shape_cast %mul3A_423 : vector<16xf32> to vector<1x1x16xf32>
        tpu.vector_store %arg10[%swap3A_425, %swap3A_426, %swap3A_427], %swap3A_430 {strides = array<i32>} : memref<4x128x64xf32, #tpu.memory_space<vmem>>, vector<1x1x16xf32>,
        %get3A_431 = arith.constant 0 : i32
        %get3A_432 = arith.index_cast %get3A_431 : i32 to index
        %get3A_433 = arith.index_cast %scan3A_399 : i32 to index
        %get3A_434 = arith.constant 32 : index
        %get3A_435 = tpu.vector_load %arg10[%get3A_432, %get3A_433, %get3A_434] {strides = array<i32>} : memref<4x128x64xf32, #tpu.memory_space<vmem>>, vector<1x1x16xf32>,
        %get3A_436 = vector.shape_cast %get3A_435 : vector<1x1x16xf32> to vector<16xf32>
        %mul3A_437 = arith.mulf %get3A_436, %broadcast_in_dim3A : vector<16xf32>
        %swap3A_438 = arith.constant 0 : i32
        %swap3A_439 = arith.index_cast %swap3A_438 : i32 to index
        %swap3A_440 = arith.index_cast %scan3A_399 : i32 to index
        %swap3A_441 = arith.constant 32 : index
        %swap3A_442 = tpu.vector_load %arg10[%swap3A_439, %swap3A_440, %swap3A_441] {strides = array<i32>} : memref<4x128x64xf32, #tpu.memory_space<vmem>>, vector<1x1x16xf32>,
        %swap3A_443 = vector.shape_cast %swap3A_442 : vector<1x1x16xf32> to vector<16xf32>
        %swap3A_444 = vector.shape_cast %mul3A_437 : vector<16xf32> to vector<1x1x16xf32>
        tpu.vector_store %arg10[%swap3A_439, %swap3A_440, %swap3A_441], %swap3A_444 {strides = array<i32>} : memref<4x128x64xf32, #tpu.memory_space<vmem>>, vector<1x1x16xf32>,
        %get3A_445 = arith.constant 0 : i32
        %get3A_446 = arith.index_cast %get3A_445 : i32 to index
        %get3A_447 = arith.index_cast %scan3A_399 : i32 to index
        %get3A_448 = arith.constant 48 : index
        %get3A_449 = tpu.vector_load %arg10[%get3A_446, %get3A_447, %get3A_448] {strides = array<i32>} : memref<4x128x64xf32, #tpu.memory_space<vmem>>, vector<1x1x16xf32>,
        %get3A_450 = vector.shape_cast %get3A_449 : vector<1x1x16xf32> to vector<16xf32>
        %mul3A_451 = arith.mulf %get3A_450, %broadcast_in_dim3A : vector<16xf32>
        %swap3A_452 = arith.constant 0 : i32
        %swap3A_453 = arith.index_cast %swap3A_452 : i32 to index
        %swap3A_454 = arith.index_cast %scan3A_399 : i32 to index
        %swap3A_455 = arith.constant 48 : index
        %swap3A_456 = tpu.vector_load %arg10[%swap3A_453, %swap3A_454, %swap3A_455] {strides = array<i32>} : memref<4x128x64xf32, #tpu.memory_space<vmem>>, vector<1x1x16xf32>,
        %swap3A_457 = vector.shape_cast %swap3A_456 : vector<1x1x16xf32> to vector<16xf32>
        %swap3A_458 = vector.shape_cast %mul3A_451 : vector<16xf32> to vector<1x1x16xf32>
        tpu.vector_store %arg10[%swap3A_453, %swap3A_454, %swap3A_455], %swap3A_458 {strides = array<i32>} : memref<4x128x64xf32, #tpu.memory_space<vmem>>, vector<1x1x16xf32>,
      }
      %scan3A_375 = arith.constant 128 : i32
      %run_scoped3A_376 = arith.constant 0 : i32
      "tpu.region"() ({
        %run_scoped3A_399 = tpu.sem_alloc : memref<!tpu.dma_semaphore, #tpu.memory_space<semaphore_mem>>
        %dma_start3A_400 = arith.constant 0 : i32
        %dma_start3A_401 = arith.constant 0 : i32
        %dma_start3A_402 = tpu.memref_slice %arg10[%run_scoped3A_376, %dma_start3A_400, %dma_start3A_401] : memref<4x128x64xf32, #tpu.memory_space<vmem>> -> memref<1x128x64xf32, #tpu.memory_space<vmem>>
        %dma_start3A_403 = tpu.memref_squeeze %dma_start3A_402 : memref<1x128x64xf32, #tpu.memory_space<vmem>> -> memref<128x64xf32, #tpu.memory_space<vmem>>
        %dma_start3A_404 = arith.constant 0 : i32
        %dma_start3A_405 = tpu.memref_slice %arg7[%arg0, %multiple_of3A_368, %dma_start3A_404] : memref<2x10000x64xf32, #tpu.memory_space<hbm>> -> memref<1x128x64xf32, #tpu.memory_space<hbm>>
        %dma_start3A_406 = tpu.memref_squeeze %dma_start3A_405 : memref<1x128x64xf32, #tpu.memory_space<hbm>> -> memref<128x64xf32, #tpu.memory_space<hbm>>
        %dma_start3A_407 = arith.constant 0 : i32
        %dma_start3A_408 = tpu.memref_slice %arg7[%arg0, %multiple_of3A_368, %dma_start3A_407] : memref<2x10000x64xf32, #tpu.memory_space<hbm>> -> memref<1x128x64xf32, #tpu.memory_space<hbm>>
        %dma_start3A_409 = tpu.memref_squeeze %dma_start3A_408 : memref<1x128x64xf32, #tpu.memory_space<hbm>> -> memref<128x64xf32, #tpu.memory_space<hbm>>
        %dma_start3A_410 = arith.constant 0 : i32
        %dma_start3A_411 = arith.constant 0 : i32
        %dma_start3A_412 = tpu.memref_slice %arg10[%run_scoped3A_376, %dma_start3A_410, %dma_start3A_411] : memref<4x128x64xf32, #tpu.memory_space<vmem>> -> memref<1x128x64xf32, #tpu.memory_space<vmem>>
        %dma_start3A_413 = tpu.memref_squeeze %dma_start3A_412 : memref<1x128x64xf32, #tpu.memory_space<vmem>> -> memref<128x64xf32, #tpu.memory_space<vmem>>
        tpu.enqueue_dma source(%dma_start3A_413 : memref<128x64xf32, #tpu.memory_space<vmem>>) target(%dma_start3A_409 : memref<128x64xf32, #tpu.memory_space<hbm>>) target_semaphore(%run_scoped3A_399 : memref<!tpu.dma_semaphore, #tpu.memory_space<semaphore_mem>>)
        %dma_wait3A_414 = arith.constant 0 : i32
        %dma_wait3A_415 = arith.constant 0 : i32
        %dma_wait3A_416 = tpu.memref_slice %arg10[%run_scoped3A_376, %dma_wait3A_414, %dma_wait3A_415] : memref<4x128x64xf32, #tpu.memory_space<vmem>> -> memref<1x128x64xf32, #tpu.memory_space<vmem>>
        %dma_wait3A_417 = tpu.memref_squeeze %dma_wait3A_416 : memref<1x128x64xf32, #tpu.memory_space<vmem>> -> memref<128x64xf32, #tpu.memory_space<vmem>>
        %dma_wait3A_418 = arith.constant 0 : i32
        %dma_wait3A_419 = tpu.memref_slice %arg7[%arg0, %multiple_of3A_368, %dma_wait3A_418] : memref<2x10000x64xf32, #tpu.memory_space<hbm>> -> memref<1x128x64xf32, #tpu.memory_space<hbm>>
        %dma_wait3A_420 = tpu.memref_squeeze %dma_wait3A_419 : memref<1x128x64xf32, #tpu.memory_space<hbm>> -> memref<128x64xf32, #tpu.memory_space<hbm>>
        %dma_wait3A_421 = arith.constant 0 : i32
        %dma_wait3A_422 = tpu.memref_slice %arg7[%arg0, %multiple_of3A_368, %dma_wait3A_421] : memref<2x10000x64xf32, #tpu.memory_space<hbm>> -> memref<1x128x64xf32, #tpu.memory_space<hbm>>
        %dma_wait3A_423 = tpu.memref_squeeze %dma_wait3A_422 : memref<1x128x64xf32, #tpu.memory_space<hbm>> -> memref<128x64xf32, #tpu.memory_space<hbm>>
        %dma_wait3A_424 = arith.constant 0 : i32
        %dma_wait3A_425 = arith.constant 0 : i32
        %dma_wait3A_426 = tpu.memref_slice %arg10[%run_scoped3A_376, %dma_wait3A_424, %dma_wait3A_425] : memref<4x128x64xf32, #tpu.memory_space<vmem>> -> memref<1x128x64xf32, #tpu.memory_space<vmem>>
        %dma_wait3A_427 = tpu.memref_squeeze %dma_wait3A_426 : memref<1x128x64xf32, #tpu.memory_space<vmem>> -> memref<128x64xf32, #tpu.memory_space<vmem>>
        tpu.wait_dma2 semaphore(%run_scoped3A_399 : memref<!tpu.dma_semaphore, #tpu.memory_space<semaphore_mem>>) src(%dma_wait3A_427 : memref<128x64xf32, #tpu.memory_space<vmem>>) dst(%dma_wait3A_423 : memref<128x64xf32, #tpu.memory_space<hbm>>)
        tpu.yield
      }) : () -> ()
      "tpu.region"() ({
        %run_scoped3A_399 = tpu.sem_alloc : memref<!tpu.dma_semaphore, #tpu.memory_space<semaphore_mem>>
        %dma_start3A_400 = arith.constant 0 : i32
        %dma_start3A_401 = tpu.memref_slice %arg12[%multiple_of3A_368, %dma_start3A_400] : memref<10000x64xf32, #tpu.memory_space<vmem_shared>> -> memref<128x64xf32, #tpu.memory_space<vmem_shared>>
        %dma_start3A_402 = arith.constant 0 : i32
        %dma_start3A_403 = tpu.memref_slice %arg4[%multiple_of3A_368, %dma_start3A_402] : memref<10000x64xf32, #tpu.memory_space<hbm>> -> memref<128x64xf32, #tpu.memory_space<hbm>>
        tpu.enqueue_dma source(%dma_start3A_403 : memref<128x64xf32, #tpu.memory_space<hbm>>) target(%dma_start3A_401 : memref<128x64xf32, #tpu.memory_space<vmem_shared>>) target_semaphore(%run_scoped3A_399 : memref<!tpu.dma_semaphore, #tpu.memory_space<semaphore_mem>>)
        %dma_wait3A_404 = arith.constant 0 : i32
        %dma_wait3A_405 = tpu.memref_slice %arg12[%multiple_of3A_368, %dma_wait3A_404] : memref<10000x64xf32, #tpu.memory_space<vmem_shared>> -> memref<128x64xf32, #tpu.memory_space<vmem_shared>>
        %dma_wait3A_406 = arith.constant 0 : i32
        %dma_wait3A_407 = tpu.memref_slice %arg4[%multiple_of3A_368, %dma_wait3A_406] : memref<10000x64xf32, #tpu.memory_space<hbm>> -> memref<128x64xf32, #tpu.memory_space<hbm>>
        tpu.wait_dma2 semaphore(%run_scoped3A_399 : memref<!tpu.dma_semaphore, #tpu.memory_space<semaphore_mem>>) src(%dma_wait3A_407 : memref<128x64xf32, #tpu.memory_space<hbm>>) dst(%dma_wait3A_405 : memref<128x64xf32, #tpu.memory_space<vmem_shared>>)
        tpu.yield
      }) : () -> ()
      %add3A_377 = arith.constant 384 : i32
      %add3A_378 = arith.addi %multiple_of3A, %add3A_377 : i32
      %multiple_of3A_379 = tpu.assume_multiple %add3A_378, 8 : i32
      %run_scoped3A_380 = arith.constant 0 : i32
      "tpu.region"() ({
        %run_scoped3A_399 = tpu.sem_alloc : memref<!tpu.dma_semaphore, #tpu.memory_space<semaphore_mem>>
        %dma_start3A_400 = arith.constant 0 : i32
        %dma_start3A_401 = arith.constant 0 : i32
        %dma_start3A_402 = tpu.memref_slice %arg10[%run_scoped3A_380, %dma_start3A_400, %dma_start3A_401] : memref<4x128x64xf32, #tpu.memory_space<vmem>> -> memref<1x128x64xf32, #tpu.memory_space<vmem>>
        %dma_start3A_403 = tpu.memref_squeeze %dma_start3A_402 : memref<1x128x64xf32, #tpu.memory_space<vmem>> -> memref<128x64xf32, #tpu.memory_space<vmem>>
        %dma_start3A_404 = arith.constant 0 : i32
        %dma_start3A_405 = tpu.memref_slice %arg12[%multiple_of3A_379, %dma_start3A_404] : memref<10000x64xf32, #tpu.memory_space<vmem_shared>> -> memref<128x64xf32, #tpu.memory_space<vmem_shared>>
        %dma_start3A_406 = arith.constant 0 : i32
        %dma_start3A_407 = arith.constant 0 : i32
        %dma_start3A_408 = tpu.memref_slice %arg10[%run_scoped3A_380, %dma_start3A_406, %dma_start3A_407] : memref<4x128x64xf32, #tpu.memory_space<vmem>> -> memref<1x128x64xf32, #tpu.memory_space<vmem>>
        %dma_start3A_409 = tpu.memref_squeeze %dma_start3A_408 : memref<1x128x64xf32, #tpu.memory_space<vmem>> -> memref<128x64xf32, #tpu.memory_space<vmem>>
        %dma_start3A_410 = arith.constant 0 : i32
        %dma_start3A_411 = tpu.memref_slice %arg12[%multiple_of3A_379, %dma_start3A_410] : memref<10000x64xf32, #tpu.memory_space<vmem_shared>> -> memref<128x64xf32, #tpu.memory_space<vmem_shared>>
        tpu.enqueue_dma source(%dma_start3A_411 : memref<128x64xf32, #tpu.memory_space<vmem_shared>>) target(%dma_start3A_409 : memref<128x64xf32, #tpu.memory_space<vmem>>) target_semaphore(%run_scoped3A_399 : memref<!tpu.dma_semaphore, #tpu.memory_space<semaphore_mem>>)
        %dma_wait3A_412 = arith.constant 0 : i32
        %dma_wait3A_413 = arith.constant 0 : i32
        %dma_wait3A_414 = tpu.memref_slice %arg10[%run_scoped3A_380, %dma_wait3A_412, %dma_wait3A_413] : memref<4x128x64xf32, #tpu.memory_space<vmem>> -> memref<1x128x64xf32, #tpu.memory_space<vmem>>
        %dma_wait3A_415 = tpu.memref_squeeze %dma_wait3A_414 : memref<1x128x64xf32, #tpu.memory_space<vmem>> -> memref<128x64xf32, #tpu.memory_space<vmem>>
        %dma_wait3A_416 = arith.constant 0 : i32
        %dma_wait3A_417 = tpu.memref_slice %arg12[%multiple_of3A_379, %dma_wait3A_416] : memref<10000x64xf32, #tpu.memory_space<vmem_shared>> -> memref<128x64xf32, #tpu.memory_space<vmem_shared>>
        %dma_wait3A_418 = arith.constant 0 : i32
        %dma_wait3A_419 = arith.constant 0 : i32
        %dma_wait3A_420 = tpu.memref_slice %arg10[%run_scoped3A_380, %dma_wait3A_418, %dma_wait3A_419] : memref<4x128x64xf32, #tpu.memory_space<vmem>> -> memref<1x128x64xf32, #tpu.memory_space<vmem>>
        %dma_wait3A_421 = tpu.memref_squeeze %dma_wait3A_420 : memref<1x128x64xf32, #tpu.memory_space<vmem>> -> memref<128x64xf32, #tpu.memory_space<vmem>>
        %dma_wait3A_422 = arith.constant 0 : i32
        %dma_wait3A_423 = tpu.memref_slice %arg12[%multiple_of3A_379, %dma_wait3A_422] : memref<10000x64xf32, #tpu.memory_space<vmem_shared>> -> memref<128x64xf32, #tpu.memory_space<vmem_shared>>
        tpu.wait_dma2 semaphore(%run_scoped3A_399 : memref<!tpu.dma_semaphore, #tpu.memory_space<semaphore_mem>>) src(%dma_wait3A_423 : memref<128x64xf32, #tpu.memory_space<vmem_shared>>) dst(%dma_wait3A_421 : memref<128x64xf32, #tpu.memory_space<vmem>>)
        tpu.yield
      }) : () -> ()
      %scan3A_381 = arith.constant 0 : i32
      %scan3A_382 = arith.constant 0 : i32
      %scan3A_383 = arith.constant 128 : i32
      %scan3A_384 = arith.addi %scan3A_382, %scan3A_383 : i32
      %scan3A_385 = arith.constant 1 : i32
      scf.for %scan3A_399 = %scan3A_382 to %scan3A_384 step %scan3A_385  : i32 {
        %add3A_400 = arith.constant 384 : i32
        %add3A_401 = arith.addi %add3A_400, %scan3A_399 : i32
        %get3A = arith.index_cast %add3A_401 : i32 to index
        %get3A_402 = tpu.vector_load %arg11[%get3A] {strides = array<i32>} : memref<648xf32, #tpu.memory_space<vmem>>, vector<16xf32>,
        %get3A_403 = vector.shape_cast %get3A_402 : vector<16xf32> to vector<16xf32>
        %slice3A = vector.extract_strided_slice %get3A_403 {offsets = [0], sizes = [1], strides = [1]} : vector<16xf32> to vector<1xf32>
        %squeeze3A = vector.extract %slice3A[0] : f32 from vector<1xf32>
        %broadcast_in_dim3A = vector.broadcast %squeeze3A : f32 to vector<16xf32>
        %get3A_404 = arith.constant 0 : i32
        %get3A_405 = arith.index_cast %get3A_404 : i32 to index
        %get3A_406 = arith.index_cast %scan3A_399 : i32 to index
        %get3A_407 = arith.constant 0 : index
        %get3A_408 = tpu.vector_load %arg10[%get3A_405, %get3A_406, %get3A_407] {strides = array<i32>} : memref<4x128x64xf32, #tpu.memory_space<vmem>>, vector<1x1x16xf32>,
        %get3A_409 = vector.shape_cast %get3A_408 : vector<1x1x16xf32> to vector<16xf32>
        %mul3A_410 = arith.mulf %get3A_409, %broadcast_in_dim3A : vector<16xf32>
        %swap3A = arith.constant 0 : i32
        %swap3A_411 = arith.index_cast %swap3A : i32 to index
        %swap3A_412 = arith.index_cast %scan3A_399 : i32 to index
        %swap3A_413 = arith.constant 0 : index
        %swap3A_414 = tpu.vector_load %arg10[%swap3A_411, %swap3A_412, %swap3A_413] {strides = array<i32>} : memref<4x128x64xf32, #tpu.memory_space<vmem>>, vector<1x1x16xf32>,
        %swap3A_415 = vector.shape_cast %swap3A_414 : vector<1x1x16xf32> to vector<16xf32>
        %swap3A_416 = vector.shape_cast %mul3A_410 : vector<16xf32> to vector<1x1x16xf32>
        tpu.vector_store %arg10[%swap3A_411, %swap3A_412, %swap3A_413], %swap3A_416 {strides = array<i32>} : memref<4x128x64xf32, #tpu.memory_space<vmem>>, vector<1x1x16xf32>,
        %get3A_417 = arith.constant 0 : i32
        %get3A_418 = arith.index_cast %get3A_417 : i32 to index
        %get3A_419 = arith.index_cast %scan3A_399 : i32 to index
        %get3A_420 = arith.constant 16 : index
        %get3A_421 = tpu.vector_load %arg10[%get3A_418, %get3A_419, %get3A_420] {strides = array<i32>} : memref<4x128x64xf32, #tpu.memory_space<vmem>>, vector<1x1x16xf32>,
        %get3A_422 = vector.shape_cast %get3A_421 : vector<1x1x16xf32> to vector<16xf32>
        %mul3A_423 = arith.mulf %get3A_422, %broadcast_in_dim3A : vector<16xf32>
        %swap3A_424 = arith.constant 0 : i32
        %swap3A_425 = arith.index_cast %swap3A_424 : i32 to index
        %swap3A_426 = arith.index_cast %scan3A_399 : i32 to index
        %swap3A_427 = arith.constant 16 : index
        %swap3A_428 = tpu.vector_load %arg10[%swap3A_425, %swap3A_426, %swap3A_427] {strides = array<i32>} : memref<4x128x64xf32, #tpu.memory_space<vmem>>, vector<1x1x16xf32>,
        %swap3A_429 = vector.shape_cast %swap3A_428 : vector<1x1x16xf32> to vector<16xf32>
        %swap3A_430 = vector.shape_cast %mul3A_423 : vector<16xf32> to vector<1x1x16xf32>
        tpu.vector_store %arg10[%swap3A_425, %swap3A_426, %swap3A_427], %swap3A_430 {strides = array<i32>} : memref<4x128x64xf32, #tpu.memory_space<vmem>>, vector<1x1x16xf32>,
        %get3A_431 = arith.constant 0 : i32
        %get3A_432 = arith.index_cast %get3A_431 : i32 to index
        %get3A_433 = arith.index_cast %scan3A_399 : i32 to index
        %get3A_434 = arith.constant 32 : index
        %get3A_435 = tpu.vector_load %arg10[%get3A_432, %get3A_433, %get3A_434] {strides = array<i32>} : memref<4x128x64xf32, #tpu.memory_space<vmem>>, vector<1x1x16xf32>,
        %get3A_436 = vector.shape_cast %get3A_435 : vector<1x1x16xf32> to vector<16xf32>
        %mul3A_437 = arith.mulf %get3A_436, %broadcast_in_dim3A : vector<16xf32>
        %swap3A_438 = arith.constant 0 : i32
        %swap3A_439 = arith.index_cast %swap3A_438 : i32 to index
        %swap3A_440 = arith.index_cast %scan3A_399 : i32 to index
        %swap3A_441 = arith.constant 32 : index
        %swap3A_442 = tpu.vector_load %arg10[%swap3A_439, %swap3A_440, %swap3A_441] {strides = array<i32>} : memref<4x128x64xf32, #tpu.memory_space<vmem>>, vector<1x1x16xf32>,
        %swap3A_443 = vector.shape_cast %swap3A_442 : vector<1x1x16xf32> to vector<16xf32>
        %swap3A_444 = vector.shape_cast %mul3A_437 : vector<16xf32> to vector<1x1x16xf32>
        tpu.vector_store %arg10[%swap3A_439, %swap3A_440, %swap3A_441], %swap3A_444 {strides = array<i32>} : memref<4x128x64xf32, #tpu.memory_space<vmem>>, vector<1x1x16xf32>,
        %get3A_445 = arith.constant 0 : i32
        %get3A_446 = arith.index_cast %get3A_445 : i32 to index
        %get3A_447 = arith.index_cast %scan3A_399 : i32 to index
        %get3A_448 = arith.constant 48 : index
        %get3A_449 = tpu.vector_load %arg10[%get3A_446, %get3A_447, %get3A_448] {strides = array<i32>} : memref<4x128x64xf32, #tpu.memory_space<vmem>>, vector<1x1x16xf32>,
        %get3A_450 = vector.shape_cast %get3A_449 : vector<1x1x16xf32> to vector<16xf32>
        %mul3A_451 = arith.mulf %get3A_450, %broadcast_in_dim3A : vector<16xf32>
        %swap3A_452 = arith.constant 0 : i32
        %swap3A_453 = arith.index_cast %swap3A_452 : i32 to index
        %swap3A_454 = arith.index_cast %scan3A_399 : i32 to index
        %swap3A_455 = arith.constant 48 : index
        %swap3A_456 = tpu.vector_load %arg10[%swap3A_453, %swap3A_454, %swap3A_455] {strides = array<i32>} : memref<4x128x64xf32, #tpu.memory_space<vmem>>, vector<1x1x16xf32>,
        %swap3A_457 = vector.shape_cast %swap3A_456 : vector<1x1x16xf32> to vector<16xf32>
        %swap3A_458 = vector.shape_cast %mul3A_451 : vector<16xf32> to vector<1x1x16xf32>
        tpu.vector_store %arg10[%swap3A_453, %swap3A_454, %swap3A_455], %swap3A_458 {strides = array<i32>} : memref<4x128x64xf32, #tpu.memory_space<vmem>>, vector<1x1x16xf32>,
      }
      %scan3A_386 = arith.constant 128 : i32
      %run_scoped3A_387 = arith.constant 0 : i32
      "tpu.region"() ({
        %run_scoped3A_399 = tpu.sem_alloc : memref<!tpu.dma_semaphore, #tpu.memory_space<semaphore_mem>>
        %dma_start3A_400 = arith.constant 0 : i32
        %dma_start3A_401 = arith.constant 0 : i32
        %dma_start3A_402 = tpu.memref_slice %arg10[%run_scoped3A_387, %dma_start3A_400, %dma_start3A_401] : memref<4x128x64xf32, #tpu.memory_space<vmem>> -> memref<1x128x64xf32, #tpu.memory_space<vmem>>
        %dma_start3A_403 = tpu.memref_squeeze %dma_start3A_402 : memref<1x128x64xf32, #tpu.memory_space<vmem>> -> memref<128x64xf32, #tpu.memory_space<vmem>>
        %dma_start3A_404 = arith.constant 0 : i32
        %dma_start3A_405 = tpu.memref_slice %arg7[%arg0, %multiple_of3A_379, %dma_start3A_404] : memref<2x10000x64xf32, #tpu.memory_space<hbm>> -> memref<1x128x64xf32, #tpu.memory_space<hbm>>
        %dma_start3A_406 = tpu.memref_squeeze %dma_start3A_405 : memref<1x128x64xf32, #tpu.memory_space<hbm>> -> memref<128x64xf32, #tpu.memory_space<hbm>>
        %dma_start3A_407 = arith.constant 0 : i32
        %dma_start3A_408 = tpu.memref_slice %arg7[%arg0, %multiple_of3A_379, %dma_start3A_407] : memref<2x10000x64xf32, #tpu.memory_space<hbm>> -> memref<1x128x64xf32, #tpu.memory_space<hbm>>
        %dma_start3A_409 = tpu.memref_squeeze %dma_start3A_408 : memref<1x128x64xf32, #tpu.memory_space<hbm>> -> memref<128x64xf32, #tpu.memory_space<hbm>>
        %dma_start3A_410 = arith.constant 0 : i32
        %dma_start3A_411 = arith.constant 0 : i32
        %dma_start3A_412 = tpu.memref_slice %arg10[%run_scoped3A_387, %dma_start3A_410, %dma_start3A_411] : memref<4x128x64xf32, #tpu.memory_space<vmem>> -> memref<1x128x64xf32, #tpu.memory_space<vmem>>
        %dma_start3A_413 = tpu.memref_squeeze %dma_start3A_412 : memref<1x128x64xf32, #tpu.memory_space<vmem>> -> memref<128x64xf32, #tpu.memory_space<vmem>>
        tpu.enqueue_dma source(%dma_start3A_413 : memref<128x64xf32, #tpu.memory_space<vmem>>) target(%dma_start3A_409 : memref<128x64xf32, #tpu.memory_space<hbm>>) target_semaphore(%run_scoped3A_399 : memref<!tpu.dma_semaphore, #tpu.memory_space<semaphore_mem>>)
        %dma_wait3A_414 = arith.constant 0 : i32
        %dma_wait3A_415 = arith.constant 0 : i32
        %dma_wait3A_416 = tpu.memref_slice %arg10[%run_scoped3A_387, %dma_wait3A_414, %dma_wait3A_415] : memref<4x128x64xf32, #tpu.memory_space<vmem>> -> memref<1x128x64xf32, #tpu.memory_space<vmem>>
        %dma_wait3A_417 = tpu.memref_squeeze %dma_wait3A_416 : memref<1x128x64xf32, #tpu.memory_space<vmem>> -> memref<128x64xf32, #tpu.memory_space<vmem>>
        %dma_wait3A_418 = arith.constant 0 : i32
        %dma_wait3A_419 = tpu.memref_slice %arg7[%arg0, %multiple_of3A_379, %dma_wait3A_418] : memref<2x10000x64xf32, #tpu.memory_space<hbm>> -> memref<1x128x64xf32, #tpu.memory_space<hbm>>
        %dma_wait3A_420 = tpu.memref_squeeze %dma_wait3A_419 : memref<1x128x64xf32, #tpu.memory_space<hbm>> -> memref<128x64xf32, #tpu.memory_space<hbm>>
        %dma_wait3A_421 = arith.constant 0 : i32
        %dma_wait3A_422 = tpu.memref_slice %arg7[%arg0, %multiple_of3A_379, %dma_wait3A_421] : memref<2x10000x64xf32, #tpu.memory_space<hbm>> -> memref<1x128x64xf32, #tpu.memory_space<hbm>>
        %dma_wait3A_423 = tpu.memref_squeeze %dma_wait3A_422 : memref<1x128x64xf32, #tpu.memory_space<hbm>> -> memref<128x64xf32, #tpu.memory_space<hbm>>
        %dma_wait3A_424 = arith.constant 0 : i32
        %dma_wait3A_425 = arith.constant 0 : i32
        %dma_wait3A_426 = tpu.memref_slice %arg10[%run_scoped3A_387, %dma_wait3A_424, %dma_wait3A_425] : memref<4x128x64xf32, #tpu.memory_space<vmem>> -> memref<1x128x64xf32, #tpu.memory_space<vmem>>
        %dma_wait3A_427 = tpu.memref_squeeze %dma_wait3A_426 : memref<1x128x64xf32, #tpu.memory_space<vmem>> -> memref<128x64xf32, #tpu.memory_space<vmem>>
        tpu.wait_dma2 semaphore(%run_scoped3A_399 : memref<!tpu.dma_semaphore, #tpu.memory_space<semaphore_mem>>) src(%dma_wait3A_427 : memref<128x64xf32, #tpu.memory_space<vmem>>) dst(%dma_wait3A_423 : memref<128x64xf32, #tpu.memory_space<hbm>>)
        tpu.yield
      }) : () -> ()
      "tpu.region"() ({
        %run_scoped3A_399 = tpu.sem_alloc : memref<!tpu.dma_semaphore, #tpu.memory_space<semaphore_mem>>
        %dma_start3A_400 = arith.constant 0 : i32
        %dma_start3A_401 = tpu.memref_slice %arg12[%multiple_of3A_379, %dma_start3A_400] : memref<10000x64xf32, #tpu.memory_space<vmem_shared>> -> memref<128x64xf32, #tpu.memory_space<vmem_shared>>
        %dma_start3A_402 = arith.constant 0 : i32
        %dma_start3A_403 = tpu.memref_slice %arg4[%multiple_of3A_379, %dma_start3A_402] : memref<10000x64xf32, #tpu.memory_space<hbm>> -> memref<128x64xf32, #tpu.memory_space<hbm>>
        tpu.enqueue_dma source(%dma_start3A_403 : memref<128x64xf32, #tpu.memory_space<hbm>>) target(%dma_start3A_401 : memref<128x64xf32, #tpu.memory_space<vmem_shared>>) target_semaphore(%run_scoped3A_399 : memref<!tpu.dma_semaphore, #tpu.memory_space<semaphore_mem>>)
        %dma_wait3A_404 = arith.constant 0 : i32
        %dma_wait3A_405 = tpu.memref_slice %arg12[%multiple_of3A_379, %dma_wait3A_404] : memref<10000x64xf32, #tpu.memory_space<vmem_shared>> -> memref<128x64xf32, #tpu.memory_space<vmem_shared>>
        %dma_wait3A_406 = arith.constant 0 : i32
        %dma_wait3A_407 = tpu.memref_slice %arg4[%multiple_of3A_379, %dma_wait3A_406] : memref<10000x64xf32, #tpu.memory_space<hbm>> -> memref<128x64xf32, #tpu.memory_space<hbm>>
        tpu.wait_dma2 semaphore(%run_scoped3A_399 : memref<!tpu.dma_semaphore, #tpu.memory_space<semaphore_mem>>) src(%dma_wait3A_407 : memref<128x64xf32, #tpu.memory_space<hbm>>) dst(%dma_wait3A_405 : memref<128x64xf32, #tpu.memory_space<vmem_shared>>)
        tpu.yield
      }) : () -> ()
      %add3A_388 = arith.constant 512 : i32
      %add3A_389 = arith.addi %multiple_of3A, %add3A_388 : i32
      %multiple_of3A_390 = tpu.assume_multiple %add3A_389, 8 : i32
      %run_scoped3A_391 = arith.constant 0 : i32
      "tpu.region"() ({
        %run_scoped3A_399 = tpu.sem_alloc : memref<!tpu.dma_semaphore, #tpu.memory_space<semaphore_mem>>
        %dma_start3A_400 = arith.constant 0 : i32
        %dma_start3A_401 = arith.constant 0 : i32
        %dma_start3A_402 = tpu.memref_slice %arg10[%run_scoped3A_391, %dma_start3A_400, %dma_start3A_401] : memref<4x128x64xf32, #tpu.memory_space<vmem>> -> memref<1x8x64xf32, #tpu.memory_space<vmem>>
        %dma_start3A_403 = tpu.memref_squeeze %dma_start3A_402 : memref<1x8x64xf32, #tpu.memory_space<vmem>> -> memref<8x64xf32, #tpu.memory_space<vmem>>
        %dma_start3A_404 = arith.constant 0 : i32
        %dma_start3A_405 = tpu.memref_slice %arg12[%multiple_of3A_390, %dma_start3A_404] : memref<10000x64xf32, #tpu.memory_space<vmem_shared>> -> memref<8x64xf32, #tpu.memory_space<vmem_shared>>
        %dma_start3A_406 = arith.constant 0 : i32
        %dma_start3A_407 = arith.constant 0 : i32
        %dma_start3A_408 = tpu.memref_slice %arg10[%run_scoped3A_391, %dma_start3A_406, %dma_start3A_407] : memref<4x128x64xf32, #tpu.memory_space<vmem>> -> memref<1x8x64xf32, #tpu.memory_space<vmem>>
        %dma_start3A_409 = tpu.memref_squeeze %dma_start3A_408 : memref<1x8x64xf32, #tpu.memory_space<vmem>> -> memref<8x64xf32, #tpu.memory_space<vmem>>
        %dma_start3A_410 = arith.constant 0 : i32
        %dma_start3A_411 = tpu.memref_slice %arg12[%multiple_of3A_390, %dma_start3A_410] : memref<10000x64xf32, #tpu.memory_space<vmem_shared>> -> memref<8x64xf32, #tpu.memory_space<vmem_shared>>
        tpu.enqueue_dma source(%dma_start3A_411 : memref<8x64xf32, #tpu.memory_space<vmem_shared>>) target(%dma_start3A_409 : memref<8x64xf32, #tpu.memory_space<vmem>>) target_semaphore(%run_scoped3A_399 : memref<!tpu.dma_semaphore, #tpu.memory_space<semaphore_mem>>)
        %dma_wait3A_412 = arith.constant 0 : i32
        %dma_wait3A_413 = arith.constant 0 : i32
        %dma_wait3A_414 = tpu.memref_slice %arg10[%run_scoped3A_391, %dma_wait3A_412, %dma_wait3A_413] : memref<4x128x64xf32, #tpu.memory_space<vmem>> -> memref<1x8x64xf32, #tpu.memory_space<vmem>>
        %dma_wait3A_415 = tpu.memref_squeeze %dma_wait3A_414 : memref<1x8x64xf32, #tpu.memory_space<vmem>> -> memref<8x64xf32, #tpu.memory_space<vmem>>
        %dma_wait3A_416 = arith.constant 0 : i32
        %dma_wait3A_417 = tpu.memref_slice %arg12[%multiple_of3A_390, %dma_wait3A_416] : memref<10000x64xf32, #tpu.memory_space<vmem_shared>> -> memref<8x64xf32, #tpu.memory_space<vmem_shared>>
        %dma_wait3A_418 = arith.constant 0 : i32
        %dma_wait3A_419 = arith.constant 0 : i32
        %dma_wait3A_420 = tpu.memref_slice %arg10[%run_scoped3A_391, %dma_wait3A_418, %dma_wait3A_419] : memref<4x128x64xf32, #tpu.memory_space<vmem>> -> memref<1x8x64xf32, #tpu.memory_space<vmem>>
        %dma_wait3A_421 = tpu.memref_squeeze %dma_wait3A_420 : memref<1x8x64xf32, #tpu.memory_space<vmem>> -> memref<8x64xf32, #tpu.memory_space<vmem>>
        %dma_wait3A_422 = arith.constant 0 : i32
        %dma_wait3A_423 = tpu.memref_slice %arg12[%multiple_of3A_390, %dma_wait3A_422] : memref<10000x64xf32, #tpu.memory_space<vmem_shared>> -> memref<8x64xf32, #tpu.memory_space<vmem_shared>>
        tpu.wait_dma2 semaphore(%run_scoped3A_399 : memref<!tpu.dma_semaphore, #tpu.memory_space<semaphore_mem>>) src(%dma_wait3A_423 : memref<8x64xf32, #tpu.memory_space<vmem_shared>>) dst(%dma_wait3A_421 : memref<8x64xf32, #tpu.memory_space<vmem>>)
        tpu.yield
      }) : () -> ()
      %scan3A_392 = arith.constant 0 : i32
      %scan3A_393 = arith.constant 0 : i32
      %scan3A_394 = arith.constant 8 : i32
      %scan3A_395 = arith.addi %scan3A_393, %scan3A_394 : i32
      %scan3A_396 = arith.constant 1 : i32
      scf.for %scan3A_399 = %scan3A_393 to %scan3A_395 step %scan3A_396  : i32 {
        %add3A_400 = arith.constant 512 : i32
        %add3A_401 = arith.addi %add3A_400, %scan3A_399 : i32
        %get3A = arith.index_cast %add3A_401 : i32 to index
        %get3A_402 = tpu.vector_load %arg11[%get3A] {strides = array<i32>} : memref<648xf32, #tpu.memory_space<vmem>>, vector<16xf32>,
        %get3A_403 = vector.shape_cast %get3A_402 : vector<16xf32> to vector<16xf32>
        %slice3A = vector.extract_strided_slice %get3A_403 {offsets = [0], sizes = [1], strides = [1]} : vector<16xf32> to vector<1xf32>
        %squeeze3A = vector.extract %slice3A[0] : f32 from vector<1xf32>
        %broadcast_in_dim3A = vector.broadcast %squeeze3A : f32 to vector<16xf32>
        %get3A_404 = arith.constant 0 : i32
        %get3A_405 = arith.index_cast %get3A_404 : i32 to index
        %get3A_406 = arith.index_cast %scan3A_399 : i32 to index
        %get3A_407 = arith.constant 0 : index
        %get3A_408 = tpu.vector_load %arg10[%get3A_405, %get3A_406, %get3A_407] {strides = array<i32>} : memref<4x128x64xf32, #tpu.memory_space<vmem>>, vector<1x1x16xf32>,
        %get3A_409 = vector.shape_cast %get3A_408 : vector<1x1x16xf32> to vector<16xf32>
        %mul3A_410 = arith.mulf %get3A_409, %broadcast_in_dim3A : vector<16xf32>
        %swap3A = arith.constant 0 : i32
        %swap3A_411 = arith.index_cast %swap3A : i32 to index
        %swap3A_412 = arith.index_cast %scan3A_399 : i32 to index
        %swap3A_413 = arith.constant 0 : index
        %swap3A_414 = tpu.vector_load %arg10[%swap3A_411, %swap3A_412, %swap3A_413] {strides = array<i32>} : memref<4x128x64xf32, #tpu.memory_space<vmem>>, vector<1x1x16xf32>,
        %swap3A_415 = vector.shape_cast %swap3A_414 : vector<1x1x16xf32> to vector<16xf32>
        %swap3A_416 = vector.shape_cast %mul3A_410 : vector<16xf32> to vector<1x1x16xf32>
        tpu.vector_store %arg10[%swap3A_411, %swap3A_412, %swap3A_413], %swap3A_416 {strides = array<i32>} : memref<4x128x64xf32, #tpu.memory_space<vmem>>, vector<1x1x16xf32>,
        %get3A_417 = arith.constant 0 : i32
        %get3A_418 = arith.index_cast %get3A_417 : i32 to index
        %get3A_419 = arith.index_cast %scan3A_399 : i32 to index
        %get3A_420 = arith.constant 16 : index
        %get3A_421 = tpu.vector_load %arg10[%get3A_418, %get3A_419, %get3A_420] {strides = array<i32>} : memref<4x128x64xf32, #tpu.memory_space<vmem>>, vector<1x1x16xf32>,
        %get3A_422 = vector.shape_cast %get3A_421 : vector<1x1x16xf32> to vector<16xf32>
        %mul3A_423 = arith.mulf %get3A_422, %broadcast_in_dim3A : vector<16xf32>
        %swap3A_424 = arith.constant 0 : i32
        %swap3A_425 = arith.index_cast %swap3A_424 : i32 to index
        %swap3A_426 = arith.index_cast %scan3A_399 : i32 to index
        %swap3A_427 = arith.constant 16 : index
        %swap3A_428 = tpu.vector_load %arg10[%swap3A_425, %swap3A_426, %swap3A_427] {strides = array<i32>} : memref<4x128x64xf32, #tpu.memory_space<vmem>>, vector<1x1x16xf32>,
        %swap3A_429 = vector.shape_cast %swap3A_428 : vector<1x1x16xf32> to vector<16xf32>
        %swap3A_430 = vector.shape_cast %mul3A_423 : vector<16xf32> to vector<1x1x16xf32>
        tpu.vector_store %arg10[%swap3A_425, %swap3A_426, %swap3A_427], %swap3A_430 {strides = array<i32>} : memref<4x128x64xf32, #tpu.memory_space<vmem>>, vector<1x1x16xf32>,
        %get3A_431 = arith.constant 0 : i32
        %get3A_432 = arith.index_cast %get3A_431 : i32 to index
        %get3A_433 = arith.index_cast %scan3A_399 : i32 to index
        %get3A_434 = arith.constant 32 : index
        %get3A_435 = tpu.vector_load %arg10[%get3A_432, %get3A_433, %get3A_434] {strides = array<i32>} : memref<4x128x64xf32, #tpu.memory_space<vmem>>, vector<1x1x16xf32>,
        %get3A_436 = vector.shape_cast %get3A_435 : vector<1x1x16xf32> to vector<16xf32>
        %mul3A_437 = arith.mulf %get3A_436, %broadcast_in_dim3A : vector<16xf32>
        %swap3A_438 = arith.constant 0 : i32
        %swap3A_439 = arith.index_cast %swap3A_438 : i32 to index
        %swap3A_440 = arith.index_cast %scan3A_399 : i32 to index
        %swap3A_441 = arith.constant 32 : index
        %swap3A_442 = tpu.vector_load %arg10[%swap3A_439, %swap3A_440, %swap3A_441] {strides = array<i32>} : memref<4x128x64xf32, #tpu.memory_space<vmem>>, vector<1x1x16xf32>,
        %swap3A_443 = vector.shape_cast %swap3A_442 : vector<1x1x16xf32> to vector<16xf32>
        %swap3A_444 = vector.shape_cast %mul3A_437 : vector<16xf32> to vector<1x1x16xf32>
        tpu.vector_store %arg10[%swap3A_439, %swap3A_440, %swap3A_441], %swap3A_444 {strides = array<i32>} : memref<4x128x64xf32, #tpu.memory_space<vmem>>, vector<1x1x16xf32>,
        %get3A_445 = arith.constant 0 : i32
        %get3A_446 = arith.index_cast %get3A_445 : i32 to index
        %get3A_447 = arith.index_cast %scan3A_399 : i32 to index
        %get3A_448 = arith.constant 48 : index
        %get3A_449 = tpu.vector_load %arg10[%get3A_446, %get3A_447, %get3A_448] {strides = array<i32>} : memref<4x128x64xf32, #tpu.memory_space<vmem>>, vector<1x1x16xf32>,
        %get3A_450 = vector.shape_cast %get3A_449 : vector<1x1x16xf32> to vector<16xf32>
        %mul3A_451 = arith.mulf %get3A_450, %broadcast_in_dim3A : vector<16xf32>
        %swap3A_452 = arith.constant 0 : i32
        %swap3A_453 = arith.index_cast %swap3A_452 : i32 to index
        %swap3A_454 = arith.index_cast %scan3A_399 : i32 to index
        %swap3A_455 = arith.constant 48 : index
        %swap3A_456 = tpu.vector_load %arg10[%swap3A_453, %swap3A_454, %swap3A_455] {strides = array<i32>} : memref<4x128x64xf32, #tpu.memory_space<vmem>>, vector<1x1x16xf32>,
        %swap3A_457 = vector.shape_cast %swap3A_456 : vector<1x1x16xf32> to vector<16xf32>
        %swap3A_458 = vector.shape_cast %mul3A_451 : vector<16xf32> to vector<1x1x16xf32>
        tpu.vector_store %arg10[%swap3A_453, %swap3A_454, %swap3A_455], %swap3A_458 {strides = array<i32>} : memref<4x128x64xf32, #tpu.memory_space<vmem>>, vector<1x1x16xf32>,
      }
      %scan3A_397 = arith.constant 8 : i32
      %run_scoped3A_398 = arith.constant 0 : i32
      "tpu.region"() ({
        %run_scoped3A_399 = tpu.sem_alloc : memref<!tpu.dma_semaphore, #tpu.memory_space<semaphore_mem>>
        %dma_start3A_400 = arith.constant 0 : i32
        %dma_start3A_401 = arith.constant 0 : i32
        %dma_start3A_402 = tpu.memref_slice %arg10[%run_scoped3A_398, %dma_start3A_400, %dma_start3A_401] : memref<4x128x64xf32, #tpu.memory_space<vmem>> -> memref<1x8x64xf32, #tpu.memory_space<vmem>>
        %dma_start3A_403 = tpu.memref_squeeze %dma_start3A_402 : memref<1x8x64xf32, #tpu.memory_space<vmem>> -> memref<8x64xf32, #tpu.memory_space<vmem>>
        %dma_start3A_404 = arith.constant 0 : i32
        %dma_start3A_405 = tpu.memref_slice %arg7[%arg0, %multiple_of3A_390, %dma_start3A_404] : memref<2x10000x64xf32, #tpu.memory_space<hbm>> -> memref<1x8x64xf32, #tpu.memory_space<hbm>>
        %dma_start3A_406 = tpu.memref_squeeze %dma_start3A_405 : memref<1x8x64xf32, #tpu.memory_space<hbm>> -> memref<8x64xf32, #tpu.memory_space<hbm>>
        %dma_start3A_407 = arith.constant 0 : i32
        %dma_start3A_408 = tpu.memref_slice %arg7[%arg0, %multiple_of3A_390, %dma_start3A_407] : memref<2x10000x64xf32, #tpu.memory_space<hbm>> -> memref<1x8x64xf32, #tpu.memory_space<hbm>>
        %dma_start3A_409 = tpu.memref_squeeze %dma_start3A_408 : memref<1x8x64xf32, #tpu.memory_space<hbm>> -> memref<8x64xf32, #tpu.memory_space<hbm>>
        %dma_start3A_410 = arith.constant 0 : i32
        %dma_start3A_411 = arith.constant 0 : i32
        %dma_start3A_412 = tpu.memref_slice %arg10[%run_scoped3A_398, %dma_start3A_410, %dma_start3A_411] : memref<4x128x64xf32, #tpu.memory_space<vmem>> -> memref<1x8x64xf32, #tpu.memory_space<vmem>>
        %dma_start3A_413 = tpu.memref_squeeze %dma_start3A_412 : memref<1x8x64xf32, #tpu.memory_space<vmem>> -> memref<8x64xf32, #tpu.memory_space<vmem>>
        tpu.enqueue_dma source(%dma_start3A_413 : memref<8x64xf32, #tpu.memory_space<vmem>>) target(%dma_start3A_409 : memref<8x64xf32, #tpu.memory_space<hbm>>) target_semaphore(%run_scoped3A_399 : memref<!tpu.dma_semaphore, #tpu.memory_space<semaphore_mem>>)
        %dma_wait3A_414 = arith.constant 0 : i32
        %dma_wait3A_415 = arith.constant 0 : i32
        %dma_wait3A_416 = tpu.memref_slice %arg10[%run_scoped3A_398, %dma_wait3A_414, %dma_wait3A_415] : memref<4x128x64xf32, #tpu.memory_space<vmem>> -> memref<1x8x64xf32, #tpu.memory_space<vmem>>
        %dma_wait3A_417 = tpu.memref_squeeze %dma_wait3A_416 : memref<1x8x64xf32, #tpu.memory_space<vmem>> -> memref<8x64xf32, #tpu.memory_space<vmem>>
        %dma_wait3A_418 = arith.constant 0 : i32
        %dma_wait3A_419 = tpu.memref_slice %arg7[%arg0, %multiple_of3A_390, %dma_wait3A_418] : memref<2x10000x64xf32, #tpu.memory_space<hbm>> -> memref<1x8x64xf32, #tpu.memory_space<hbm>>
        %dma_wait3A_420 = tpu.memref_squeeze %dma_wait3A_419 : memref<1x8x64xf32, #tpu.memory_space<hbm>> -> memref<8x64xf32, #tpu.memory_space<hbm>>
        %dma_wait3A_421 = arith.constant 0 : i32
        %dma_wait3A_422 = tpu.memref_slice %arg7[%arg0, %multiple_of3A_390, %dma_wait3A_421] : memref<2x10000x64xf32, #tpu.memory_space<hbm>> -> memref<1x8x64xf32, #tpu.memory_space<hbm>>
        %dma_wait3A_423 = tpu.memref_squeeze %dma_wait3A_422 : memref<1x8x64xf32, #tpu.memory_space<hbm>> -> memref<8x64xf32, #tpu.memory_space<hbm>>
        %dma_wait3A_424 = arith.constant 0 : i32
        %dma_wait3A_425 = arith.constant 0 : i32
        %dma_wait3A_426 = tpu.memref_slice %arg10[%run_scoped3A_398, %dma_wait3A_424, %dma_wait3A_425] : memref<4x128x64xf32, #tpu.memory_space<vmem>> -> memref<1x8x64xf32, #tpu.memory_space<vmem>>
        %dma_wait3A_427 = tpu.memref_squeeze %dma_wait3A_426 : memref<1x8x64xf32, #tpu.memory_space<vmem>> -> memref<8x64xf32, #tpu.memory_space<vmem>>
        tpu.wait_dma2 semaphore(%run_scoped3A_399 : memref<!tpu.dma_semaphore, #tpu.memory_space<semaphore_mem>>) src(%dma_wait3A_427 : memref<8x64xf32, #tpu.memory_space<vmem>>) dst(%dma_wait3A_423 : memref<8x64xf32, #tpu.memory_space<hbm>>)
        tpu.yield
      }) : () -> ()
      "tpu.region"() ({
        %run_scoped3A_399 = tpu.sem_alloc : memref<!tpu.dma_semaphore, #tpu.memory_space<semaphore_mem>>
        %dma_start3A_400 = arith.constant 0 : i32
        %dma_start3A_401 = tpu.memref_slice %arg12[%multiple_of3A_390, %dma_start3A_400] : memref<10000x64xf32, #tpu.memory_space<vmem_shared>> -> memref<8x64xf32, #tpu.memory_space<vmem_shared>>
        %dma_start3A_402 = arith.constant 0 : i32
        %dma_start3A_403 = tpu.memref_slice %arg4[%multiple_of3A_390, %dma_start3A_402] : memref<10000x64xf32, #tpu.memory_space<hbm>> -> memref<8x64xf32, #tpu.memory_space<hbm>>
        tpu.enqueue_dma source(%dma_start3A_403 : memref<8x64xf32, #tpu.memory_space<hbm>>) target(%dma_start3A_401 : memref<8x64xf32, #tpu.memory_space<vmem_shared>>) target_semaphore(%run_scoped3A_399 : memref<!tpu.dma_semaphore, #tpu.memory_space<semaphore_mem>>)
        %dma_wait3A_404 = arith.constant 0 : i32
        %dma_wait3A_405 = tpu.memref_slice %arg12[%multiple_of3A_390, %dma_wait3A_404] : memref<10000x64xf32, #tpu.memory_space<vmem_shared>> -> memref<8x64xf32, #tpu.memory_space<vmem_shared>>
        %dma_wait3A_406 = arith.constant 0 : i32
        %dma_wait3A_407 = tpu.memref_slice %arg4[%multiple_of3A_390, %dma_wait3A_406] : memref<10000x64xf32, #tpu.memory_space<hbm>> -> memref<8x64xf32, #tpu.memory_space<hbm>>
        tpu.wait_dma2 semaphore(%run_scoped3A_399 : memref<!tpu.dma_semaphore, #tpu.memory_space<semaphore_mem>>) src(%dma_wait3A_407 : memref<8x64xf32, #tpu.memory_space<hbm>>) dst(%dma_wait3A_405 : memref<8x64xf32, #tpu.memory_space<vmem_shared>>)
        tpu.yield
      }) : () -> ()
    } else {
    }
    %barrier3A_181 = arith.constant 0 : index
    tpu.barrier barrier_id(%barrier3A_181)
    %dma_start3A_182 = arith.constant 0 : i32
    %dma_start3A_183 = arith.constant 0 : i32
    %dma_start3A_184 = arith.constant 0 : i32
    %dma_start3A_185 = arith.constant 0 : i32
    %dma_start3A_186 = tpu.memref_slice %arg10[%dma_start3A_182, %dma_start3A_184, %dma_start3A_185] : memref<4x128x64xf32, #tpu.memory_space<vmem>> -> memref<1x128x64xf32, #tpu.memory_space<vmem>>
    %dma_start3A_187 = tpu.memref_squeeze %dma_start3A_186 : memref<1x128x64xf32, #tpu.memory_space<vmem>> -> memref<128x64xf32, #tpu.memory_space<vmem>>
    %dma_start3A_188 = arith.constant 0 : i32
    %dma_start3A_189 = tpu.memref_slice %arg8[%dma_start3A_188] : memref<20000xi32, #tpu.memory_space<vmem>> -> memref<128xi32, #tpu.memory_space<vmem>>
    %dma_start3A_190 = arith.constant 0 : i32
    %dma_start3A_191 = arith.constant 0 : i32
    %dma_start3A_192 = tpu.memref_slice %arg7[%arg0, %dma_start3A_190, %dma_start3A_191] : memref<2x10000x64xf32, #tpu.memory_space<hbm>> -> memref<1x10000x64xf32, #tpu.memory_space<hbm>>
    %dma_start3A_193 = tpu.memref_squeeze %dma_start3A_192 : memref<1x10000x64xf32, #tpu.memory_space<hbm>> -> memref<10000x64xf32, #tpu.memory_space<hbm>>
    %dma_start3A_194 = arith.constant 0 : i32
    %dma_start3A_195 = arith.constant 0 : i32
    %dma_start3A_196 = tpu.memref_slice %dma_start3A_193[%dma_start3A_194, %dma_start3A_195] : memref<10000x64xf32, #tpu.memory_space<hbm>> -> memref<10000x64xf32, #tpu.memory_space<hbm>>
    %dma_start3A_197 = tpu.memref_slice %arg13[%dma_start3A_183] : memref<4x!tpu.dma_semaphore, #tpu.memory_space<semaphore_mem>> -> memref<1x!tpu.dma_semaphore, #tpu.memory_space<semaphore_mem>>
    %dma_start3A_198 = tpu.memref_squeeze %dma_start3A_197 : memref<1x!tpu.dma_semaphore, #tpu.memory_space<semaphore_mem>> -> memref<!tpu.dma_semaphore, #tpu.memory_space<semaphore_mem>>
    tpu.enqueue_indirect_dma source(%dma_start3A_196 : memref<10000x64xf32, #tpu.memory_space<hbm>>) target(%dma_start3A_187 : memref<128x64xf32, #tpu.memory_space<vmem>>) offsets(%dma_start3A_189 : memref<128xi32, #tpu.memory_space<vmem>>) semaphore(%dma_start3A_198 : memref<!tpu.dma_semaphore, #tpu.memory_space<semaphore_mem>>)
    %dma_start3A_199 = arith.constant 1 : i32
    %dma_start3A_200 = arith.constant 1 : i32
    %dma_start3A_201 = arith.constant 0 : i32
    %dma_start3A_202 = arith.constant 0 : i32
    %dma_start3A_203 = tpu.memref_slice %arg10[%dma_start3A_199, %dma_start3A_201, %dma_start3A_202] : memref<4x128x64xf32, #tpu.memory_space<vmem>> -> memref<1x128x64xf32, #tpu.memory_space<vmem>>
    %dma_start3A_204 = tpu.memref_squeeze %dma_start3A_203 : memref<1x128x64xf32, #tpu.memory_space<vmem>> -> memref<128x64xf32, #tpu.memory_space<vmem>>
    %dma_start3A_205 = arith.constant 128 : i32
    %dma_start3A_206 = tpu.memref_slice %arg8[%dma_start3A_205] : memref<20000xi32, #tpu.memory_space<vmem>> -> memref<128xi32, #tpu.memory_space<vmem>>
    %dma_start3A_207 = arith.constant 0 : i32
    %dma_start3A_208 = arith.constant 0 : i32
    %dma_start3A_209 = tpu.memref_slice %arg7[%arg0, %dma_start3A_207, %dma_start3A_208] : memref<2x10000x64xf32, #tpu.memory_space<hbm>> -> memref<1x10000x64xf32, #tpu.memory_space<hbm>>
    %dma_start3A_210 = tpu.memref_squeeze %dma_start3A_209 : memref<1x10000x64xf32, #tpu.memory_space<hbm>> -> memref<10000x64xf32, #tpu.memory_space<hbm>>
    %dma_start3A_211 = arith.constant 0 : i32
    %dma_start3A_212 = arith.constant 0 : i32
    %dma_start3A_213 = tpu.memref_slice %dma_start3A_210[%dma_start3A_211, %dma_start3A_212] : memref<10000x64xf32, #tpu.memory_space<hbm>> -> memref<10000x64xf32, #tpu.memory_space<hbm>>
    %dma_start3A_214 = tpu.memref_slice %arg13[%dma_start3A_200] : memref<4x!tpu.dma_semaphore, #tpu.memory_space<semaphore_mem>> -> memref<1x!tpu.dma_semaphore, #tpu.memory_space<semaphore_mem>>
    %dma_start3A_215 = tpu.memref_squeeze %dma_start3A_214 : memref<1x!tpu.dma_semaphore, #tpu.memory_space<semaphore_mem>> -> memref<!tpu.dma_semaphore, #tpu.memory_space<semaphore_mem>>
    tpu.enqueue_indirect_dma source(%dma_start3A_213 : memref<10000x64xf32, #tpu.memory_space<hbm>>) target(%dma_start3A_204 : memref<128x64xf32, #tpu.memory_space<vmem>>) offsets(%dma_start3A_206 : memref<128xi32, #tpu.memory_space<vmem>>) semaphore(%dma_start3A_215 : memref<!tpu.dma_semaphore, #tpu.memory_space<semaphore_mem>>)
    %scan3A_216 = arith.constant 0 : i32
    %scan3A_217 = arith.constant 0 : i32
    %scan3A_218 = arith.constant 156 : i32
    %scan3A_219 = arith.addi %scan3A_217, %scan3A_218 : i32
    %scan3A_220 = arith.constant 1 : i32
    scf.for %scan3A_345 = %scan3A_217 to %scan3A_219 step %scan3A_220  : i32 {
      %add3A = arith.constant 2 : i32
      %add3A_346 = arith.addi %scan3A_345, %add3A : i32
      %rem3A = arith.constant 4 : i32
      %rem3A_347 = arith.remsi %add3A_346, %rem3A : i32
      %rem3A_348 = arith.constant 4 : i32
      %rem3A_349 = arith.remsi %scan3A_345, %rem3A_348 : i32
      %add3A_350 = arith.constant 2 : i32
      %add3A_351 = arith.addi %scan3A_345, %add3A_350 : i32
      %lt3A_352 = arith.constant 156 : i32
      %lt3A_353 = arith.cmpi slt, %add3A_351, %lt3A_352 : i32
      %add3A_354 = arith.constant 2 : i32
      %add3A_355 = arith.addi %scan3A_345, %add3A_354 : i32
      %ge3A = arith.constant 4 : i32
      %ge3A_356 = arith.cmpi sge, %add3A_355, %ge3A : i32
      %and3A = arith.andi %lt3A_353, %ge3A_356 : i1
      %convert_element_type3A_357 = arith.extui %and3A : i1 to i32
      %cond3A_358 = arith.constant 0 : i32
      %cond3A_359 = arith.cmpi ne, %convert_element_type3A_357, %cond3A_358 : i32
      scf.if %cond3A_359 {
        %dma_wait3A_394 = arith.constant 0 : i32
        %dma_wait3A_395 = arith.constant 0 : i32
        %dma_wait3A_396 = tpu.memref_slice %arg10[%rem3A_347, %dma_wait3A_394, %dma_wait3A_395] : memref<4x128x64xf32, #tpu.memory_space<vmem>> -> memref<1x128x64xf32, #tpu.memory_space<vmem>>
        %dma_wait3A_397 = tpu.memref_squeeze %dma_wait3A_396 : memref<1x128x64xf32, #tpu.memory_space<vmem>> -> memref<128x64xf32, #tpu.memory_space<vmem>>
        %dma_wait3A_398 = arith.constant 0 : i32
        %dma_wait3A_399 = tpu.memref_slice %arg9[%dma_wait3A_398] : memref<20000xi32, #tpu.memory_space<vmem>> -> memref<128xi32, #tpu.memory_space<vmem>>
        %dma_wait3A_400 = arith.constant 0 : i32
        %dma_wait3A_401 = arith.constant 0 : i32
        %dma_wait3A_402 = tpu.memref_slice %arg12[%dma_wait3A_400, %dma_wait3A_401] : memref<10000x64xf32, #tpu.memory_space<vmem_shared>> -> memref<10000x64xf32, #tpu.memory_space<vmem_shared>>
        %dma_wait3A_403 = tpu.memref_slice %arg14[%rem3A_347] : memref<4x!tpu.dma_semaphore, #tpu.memory_space<semaphore_mem>> -> memref<1x!tpu.dma_semaphore, #tpu.memory_space<semaphore_mem>>
        %dma_wait3A_404 = tpu.memref_squeeze %dma_wait3A_403 : memref<1x!tpu.dma_semaphore, #tpu.memory_space<semaphore_mem>> -> memref<!tpu.dma_semaphore, #tpu.memory_space<semaphore_mem>>
        tpu.wait_indirect_dma semaphore(%dma_wait3A_404 : memref<!tpu.dma_semaphore, #tpu.memory_space<semaphore_mem>>) src(%dma_wait3A_397 : memref<128x64xf32, #tpu.memory_space<vmem>>) dst(%dma_wait3A_402 : memref<10000x64xf32, #tpu.memory_space<vmem_shared>>)
      } else {
      }
      %add3A_360 = arith.constant 2 : i32
      %add3A_361 = arith.addi %scan3A_345, %add3A_360 : i32
      %lt3A_362 = arith.constant 156 : i32
      %lt3A_363 = arith.cmpi slt, %add3A_361, %lt3A_362 : i32
      %convert_element_type3A_364 = arith.extui %lt3A_363 : i1 to i32
      %cond3A_365 = arith.constant 0 : i32
      %cond3A_366 = arith.cmpi ne, %convert_element_type3A_364, %cond3A_365 : i32
      scf.if %cond3A_366 {
        %add3A_394 = arith.constant 2 : i32
        %add3A_395 = arith.addi %scan3A_345, %add3A_394 : i32
        %mul3A_396 = arith.constant 128 : i32
        %mul3A_397 = arith.muli %add3A_395, %mul3A_396 : i32
        %dma_start3A_398 = arith.constant 0 : i32
        %dma_start3A_399 = arith.constant 0 : i32
        %dma_start3A_400 = tpu.memref_slice %arg10[%rem3A_347, %dma_start3A_398, %dma_start3A_399] : memref<4x128x64xf32, #tpu.memory_space<vmem>> -> memref<1x128x64xf32, #tpu.memory_space<vmem>>
        %dma_start3A_401 = tpu.memref_squeeze %dma_start3A_400 : memref<1x128x64xf32, #tpu.memory_space<vmem>> -> memref<128x64xf32, #tpu.memory_space<vmem>>
        %dma_start3A_402 = tpu.memref_slice %arg8[%mul3A_397] : memref<20000xi32, #tpu.memory_space<vmem>> -> memref<128xi32, #tpu.memory_space<vmem>>
        %dma_start3A_403 = arith.constant 0 : i32
        %dma_start3A_404 = arith.constant 0 : i32
        %dma_start3A_405 = tpu.memref_slice %arg7[%arg0, %dma_start3A_403, %dma_start3A_404] : memref<2x10000x64xf32, #tpu.memory_space<hbm>> -> memref<1x10000x64xf32, #tpu.memory_space<hbm>>
        %dma_start3A_406 = tpu.memref_squeeze %dma_start3A_405 : memref<1x10000x64xf32, #tpu.memory_space<hbm>> -> memref<10000x64xf32, #tpu.memory_space<hbm>>
        %dma_start3A_407 = arith.constant 0 : i32
        %dma_start3A_408 = arith.constant 0 : i32
        %dma_start3A_409 = tpu.memref_slice %dma_start3A_406[%dma_start3A_407, %dma_start3A_408] : memref<10000x64xf32, #tpu.memory_space<hbm>> -> memref<10000x64xf32, #tpu.memory_space<hbm>>
        %dma_start3A_410 = tpu.memref_slice %arg13[%rem3A_347] : memref<4x!tpu.dma_semaphore, #tpu.memory_space<semaphore_mem>> -> memref<1x!tpu.dma_semaphore, #tpu.memory_space<semaphore_mem>>
        %dma_start3A_411 = tpu.memref_squeeze %dma_start3A_410 : memref<1x!tpu.dma_semaphore, #tpu.memory_space<semaphore_mem>> -> memref<!tpu.dma_semaphore, #tpu.memory_space<semaphore_mem>>
        tpu.enqueue_indirect_dma source(%dma_start3A_409 : memref<10000x64xf32, #tpu.memory_space<hbm>>) target(%dma_start3A_401 : memref<128x64xf32, #tpu.memory_space<vmem>>) offsets(%dma_start3A_402 : memref<128xi32, #tpu.memory_space<vmem>>) semaphore(%dma_start3A_411 : memref<!tpu.dma_semaphore, #tpu.memory_space<semaphore_mem>>)
      } else {
      }
      %dma_wait3A_367 = arith.constant 0 : i32
      %dma_wait3A_368 = arith.constant 0 : i32
      %dma_wait3A_369 = tpu.memref_slice %arg10[%rem3A_349, %dma_wait3A_367, %dma_wait3A_368] : memref<4x128x64xf32, #tpu.memory_space<vmem>> -> memref<1x128x64xf32, #tpu.memory_space<vmem>>
      %dma_wait3A_370 = tpu.memref_squeeze %dma_wait3A_369 : memref<1x128x64xf32, #tpu.memory_space<vmem>> -> memref<128x64xf32, #tpu.memory_space<vmem>>
      %dma_wait3A_371 = arith.constant 0 : i32
      %dma_wait3A_372 = tpu.memref_slice %arg8[%dma_wait3A_371] : memref<20000xi32, #tpu.memory_space<vmem>> -> memref<128xi32, #tpu.memory_space<vmem>>
      %dma_wait3A_373 = arith.constant 0 : i32
      %dma_wait3A_374 = arith.constant 0 : i32
      %dma_wait3A_375 = tpu.memref_slice %arg7[%arg0, %dma_wait3A_373, %dma_wait3A_374] : memref<2x10000x64xf32, #tpu.memory_space<hbm>> -> memref<1x10000x64xf32, #tpu.memory_space<hbm>>
      %dma_wait3A_376 = tpu.memref_squeeze %dma_wait3A_375 : memref<1x10000x64xf32, #tpu.memory_space<hbm>> -> memref<10000x64xf32, #tpu.memory_space<hbm>>
      %dma_wait3A_377 = arith.constant 0 : i32
      %dma_wait3A_378 = arith.constant 0 : i32
      %dma_wait3A_379 = tpu.memref_slice %dma_wait3A_376[%dma_wait3A_377, %dma_wait3A_378] : memref<10000x64xf32, #tpu.memory_space<hbm>> -> memref<10000x64xf32, #tpu.memory_space<hbm>>
      %dma_wait3A_380 = tpu.memref_slice %arg13[%rem3A_349] : memref<4x!tpu.dma_semaphore, #tpu.memory_space<semaphore_mem>> -> memref<1x!tpu.dma_semaphore, #tpu.memory_space<semaphore_mem>>
      %dma_wait3A_381 = tpu.memref_squeeze %dma_wait3A_380 : memref<1x!tpu.dma_semaphore, #tpu.memory_space<semaphore_mem>> -> memref<!tpu.dma_semaphore, #tpu.memory_space<semaphore_mem>>
      tpu.wait_indirect_dma semaphore(%dma_wait3A_381 : memref<!tpu.dma_semaphore, #tpu.memory_space<semaphore_mem>>) src(%dma_wait3A_379 : memref<10000x64xf32, #tpu.memory_space<hbm>>) dst(%dma_wait3A_370 : memref<128x64xf32, #tpu.memory_space<vmem>>)
      %mul3A_382 = arith.constant 128 : i32
      %mul3A_383 = arith.muli %scan3A_345, %mul3A_382 : i32
      %dma_start3A_384 = arith.constant 0 : i32
      %dma_start3A_385 = arith.constant 0 : i32
      %dma_start3A_386 = tpu.memref_slice %arg10[%rem3A_349, %dma_start3A_384, %dma_start3A_385] : memref<4x128x64xf32, #tpu.memory_space<vmem>> -> memref<1x128x64xf32, #tpu.memory_space<vmem>>
      %dma_start3A_387 = tpu.memref_squeeze %dma_start3A_386 : memref<1x128x64xf32, #tpu.memory_space<vmem>> -> memref<128x64xf32, #tpu.memory_space<vmem>>
      %dma_start3A_388 = tpu.memref_slice %arg9[%mul3A_383] : memref<20000xi32, #tpu.memory_space<vmem>> -> memref<128xi32, #tpu.memory_space<vmem>>
      %dma_start3A_389 = arith.constant 0 : i32
      %dma_start3A_390 = arith.constant 0 : i32
      %dma_start3A_391 = tpu.memref_slice %arg12[%dma_start3A_389, %dma_start3A_390] : memref<10000x64xf32, #tpu.memory_space<vmem_shared>> -> memref<10000x64xf32, #tpu.memory_space<vmem_shared>>
      %dma_start3A_392 = tpu.memref_slice %arg14[%rem3A_349] : memref<4x!tpu.dma_semaphore, #tpu.memory_space<semaphore_mem>> -> memref<1x!tpu.dma_semaphore, #tpu.memory_space<semaphore_mem>>
      %dma_start3A_393 = tpu.memref_squeeze %dma_start3A_392 : memref<1x!tpu.dma_semaphore, #tpu.memory_space<semaphore_mem>> -> memref<!tpu.dma_semaphore, #tpu.memory_space<semaphore_mem>>
      tpu.enqueue_indirect_dma source(%dma_start3A_387 : memref<128x64xf32, #tpu.memory_space<vmem>>) target(%dma_start3A_391 : memref<10000x64xf32, #tpu.memory_space<vmem_shared>>) offsets(%dma_start3A_388 : memref<128xi32, #tpu.memory_space<vmem>>) semaphore(%dma_start3A_393 : memref<!tpu.dma_semaphore, #tpu.memory_space<semaphore_mem>>) {add = true}
    }
    %scan3A_221 = arith.constant 156 : i32
    %dma_wait3A_222 = arith.constant 0 : i32
    %dma_wait3A_223 = arith.constant 0 : i32
    %dma_wait3A_224 = arith.constant 0 : i32
    %dma_wait3A_225 = arith.constant 0 : i32
    %dma_wait3A_226 = tpu.memref_slice %arg10[%dma_wait3A_222, %dma_wait3A_224, %dma_wait3A_225] : memref<4x128x64xf32, #tpu.memory_space<vmem>> -> memref<1x128x64xf32, #tpu.memory_space<vmem>>
    %dma_wait3A_227 = tpu.memref_squeeze %dma_wait3A_226 : memref<1x128x64xf32, #tpu.memory_space<vmem>> -> memref<128x64xf32, #tpu.memory_space<vmem>>
    %dma_wait3A_228 = arith.constant 0 : i32
    %dma_wait3A_229 = tpu.memref_slice %arg9[%dma_wait3A_228] : memref<20000xi32, #tpu.memory_space<vmem>> -> memref<128xi32, #tpu.memory_space<vmem>>
    %dma_wait3A_230 = arith.constant 0 : i32
    %dma_wait3A_231 = arith.constant 0 : i32
    %dma_wait3A_232 = tpu.memref_slice %arg12[%dma_wait3A_230, %dma_wait3A_231] : memref<10000x64xf32, #tpu.memory_space<vmem_shared>> -> memref<10000x64xf32, #tpu.memory_space<vmem_shared>>
    %dma_wait3A_233 = tpu.memref_slice %arg14[%dma_wait3A_223] : memref<4x!tpu.dma_semaphore, #tpu.memory_space<semaphore_mem>> -> memref<1x!tpu.dma_semaphore, #tpu.memory_space<semaphore_mem>>
    %dma_wait3A_234 = tpu.memref_squeeze %dma_wait3A_233 : memref<1x!tpu.dma_semaphore, #tpu.memory_space<semaphore_mem>> -> memref<!tpu.dma_semaphore, #tpu.memory_space<semaphore_mem>>
    tpu.wait_indirect_dma semaphore(%dma_wait3A_234 : memref<!tpu.dma_semaphore, #tpu.memory_space<semaphore_mem>>) src(%dma_wait3A_227 : memref<128x64xf32, #tpu.memory_space<vmem>>) dst(%dma_wait3A_232 : memref<10000x64xf32, #tpu.memory_space<vmem_shared>>)
    %dma_wait3A_235 = arith.constant 1 : i32
    %dma_wait3A_236 = arith.constant 1 : i32
    %dma_wait3A_237 = arith.constant 0 : i32
    %dma_wait3A_238 = arith.constant 0 : i32
    %dma_wait3A_239 = tpu.memref_slice %arg10[%dma_wait3A_235, %dma_wait3A_237, %dma_wait3A_238] : memref<4x128x64xf32, #tpu.memory_space<vmem>> -> memref<1x128x64xf32, #tpu.memory_space<vmem>>
    %dma_wait3A_240 = tpu.memref_squeeze %dma_wait3A_239 : memref<1x128x64xf32, #tpu.memory_space<vmem>> -> memref<128x64xf32, #tpu.memory_space<vmem>>
    %dma_wait3A_241 = arith.constant 0 : i32
    %dma_wait3A_242 = tpu.memref_slice %arg9[%dma_wait3A_241] : memref<20000xi32, #tpu.memory_space<vmem>> -> memref<128xi32, #tpu.memory_space<vmem>>
    %dma_wait3A_243 = arith.constant 0 : i32
    %dma_wait3A_244 = arith.constant 0 : i32
    %dma_wait3A_245 = tpu.memref_slice %arg12[%dma_wait3A_243, %dma_wait3A_244] : memref<10000x64xf32, #tpu.memory_space<vmem_shared>> -> memref<10000x64xf32, #tpu.memory_space<vmem_shared>>
    %dma_wait3A_246 = tpu.memref_slice %arg14[%dma_wait3A_236] : memref<4x!tpu.dma_semaphore, #tpu.memory_space<semaphore_mem>> -> memref<1x!tpu.dma_semaphore, #tpu.memory_space<semaphore_mem>>
    %dma_wait3A_247 = tpu.memref_squeeze %dma_wait3A_246 : memref<1x!tpu.dma_semaphore, #tpu.memory_space<semaphore_mem>> -> memref<!tpu.dma_semaphore, #tpu.memory_space<semaphore_mem>>
    tpu.wait_indirect_dma semaphore(%dma_wait3A_247 : memref<!tpu.dma_semaphore, #tpu.memory_space<semaphore_mem>>) src(%dma_wait3A_240 : memref<128x64xf32, #tpu.memory_space<vmem>>) dst(%dma_wait3A_245 : memref<10000x64xf32, #tpu.memory_space<vmem_shared>>)
    %dma_wait3A_248 = arith.constant 2 : i32
    %dma_wait3A_249 = arith.constant 2 : i32
    %dma_wait3A_250 = arith.constant 0 : i32
    %dma_wait3A_251 = arith.constant 0 : i32
    %dma_wait3A_252 = tpu.memref_slice %arg10[%dma_wait3A_248, %dma_wait3A_250, %dma_wait3A_251] : memref<4x128x64xf32, #tpu.memory_space<vmem>> -> memref<1x128x64xf32, #tpu.memory_space<vmem>>
    %dma_wait3A_253 = tpu.memref_squeeze %dma_wait3A_252 : memref<1x128x64xf32, #tpu.memory_space<vmem>> -> memref<128x64xf32, #tpu.memory_space<vmem>>
    %dma_wait3A_254 = arith.constant 0 : i32
    %dma_wait3A_255 = tpu.memref_slice %arg9[%dma_wait3A_254] : memref<20000xi32, #tpu.memory_space<vmem>> -> memref<128xi32, #tpu.memory_space<vmem>>
    %dma_wait3A_256 = arith.constant 0 : i32
    %dma_wait3A_257 = arith.constant 0 : i32
    %dma_wait3A_258 = tpu.memref_slice %arg12[%dma_wait3A_256, %dma_wait3A_257] : memref<10000x64xf32, #tpu.memory_space<vmem_shared>> -> memref<10000x64xf32, #tpu.memory_space<vmem_shared>>
    %dma_wait3A_259 = tpu.memref_slice %arg14[%dma_wait3A_249] : memref<4x!tpu.dma_semaphore, #tpu.memory_space<semaphore_mem>> -> memref<1x!tpu.dma_semaphore, #tpu.memory_space<semaphore_mem>>
    %dma_wait3A_260 = tpu.memref_squeeze %dma_wait3A_259 : memref<1x!tpu.dma_semaphore, #tpu.memory_space<semaphore_mem>> -> memref<!tpu.dma_semaphore, #tpu.memory_space<semaphore_mem>>
    tpu.wait_indirect_dma semaphore(%dma_wait3A_260 : memref<!tpu.dma_semaphore, #tpu.memory_space<semaphore_mem>>) src(%dma_wait3A_253 : memref<128x64xf32, #tpu.memory_space<vmem>>) dst(%dma_wait3A_258 : memref<10000x64xf32, #tpu.memory_space<vmem_shared>>)
    %dma_wait3A_261 = arith.constant 3 : i32
    %dma_wait3A_262 = arith.constant 3 : i32
    %dma_wait3A_263 = arith.constant 0 : i32
    %dma_wait3A_264 = arith.constant 0 : i32
    %dma_wait3A_265 = tpu.memref_slice %arg10[%dma_wait3A_261, %dma_wait3A_263, %dma_wait3A_264] : memref<4x128x64xf32, #tpu.memory_space<vmem>> -> memref<1x128x64xf32, #tpu.memory_space<vmem>>
    %dma_wait3A_266 = tpu.memref_squeeze %dma_wait3A_265 : memref<1x128x64xf32, #tpu.memory_space<vmem>> -> memref<128x64xf32, #tpu.memory_space<vmem>>
    %dma_wait3A_267 = arith.constant 0 : i32
    %dma_wait3A_268 = tpu.memref_slice %arg9[%dma_wait3A_267] : memref<20000xi32, #tpu.memory_space<vmem>> -> memref<128xi32, #tpu.memory_space<vmem>>
    %dma_wait3A_269 = arith.constant 0 : i32
    %dma_wait3A_270 = arith.constant 0 : i32
    %dma_wait3A_271 = tpu.memref_slice %arg12[%dma_wait3A_269, %dma_wait3A_270] : memref<10000x64xf32, #tpu.memory_space<vmem_shared>> -> memref<10000x64xf32, #tpu.memory_space<vmem_shared>>
    %dma_wait3A_272 = tpu.memref_slice %arg14[%dma_wait3A_262] : memref<4x!tpu.dma_semaphore, #tpu.memory_space<semaphore_mem>> -> memref<1x!tpu.dma_semaphore, #tpu.memory_space<semaphore_mem>>
    %dma_wait3A_273 = tpu.memref_squeeze %dma_wait3A_272 : memref<1x!tpu.dma_semaphore, #tpu.memory_space<semaphore_mem>> -> memref<!tpu.dma_semaphore, #tpu.memory_space<semaphore_mem>>
    tpu.wait_indirect_dma semaphore(%dma_wait3A_273 : memref<!tpu.dma_semaphore, #tpu.memory_space<semaphore_mem>>) src(%dma_wait3A_266 : memref<128x64xf32, #tpu.memory_space<vmem>>) dst(%dma_wait3A_271 : memref<10000x64xf32, #tpu.memory_space<vmem_shared>>)
    %dma_start3A_274 = arith.constant 0 : i32
    %dma_start3A_275 = arith.constant 0 : i32
    %dma_start3A_276 = arith.constant 0 : i32
    %dma_start3A_277 = arith.constant 0 : i32
    %dma_start3A_278 = tpu.memref_slice %arg10[%dma_start3A_274, %dma_start3A_276, %dma_start3A_277] : memref<4x128x64xf32, #tpu.memory_space<vmem>> -> memref<1x32x64xf32, #tpu.memory_space<vmem>>
    %dma_start3A_279 = tpu.memref_squeeze %dma_start3A_278 : memref<1x32x64xf32, #tpu.memory_space<vmem>> -> memref<32x64xf32, #tpu.memory_space<vmem>>
    %dma_start3A_280 = arith.constant 19968 : i32
    %dma_start3A_281 = tpu.memref_slice %arg8[%dma_start3A_280] : memref<20000xi32, #tpu.memory_space<vmem>> -> memref<32xi32, #tpu.memory_space<vmem>>
    %dma_start3A_282 = arith.constant 0 : i32
    %dma_start3A_283 = arith.constant 0 : i32
    %dma_start3A_284 = tpu.memref_slice %arg7[%arg0, %dma_start3A_282, %dma_start3A_283] : memref<2x10000x64xf32, #tpu.memory_space<hbm>> -> memref<1x10000x64xf32, #tpu.memory_space<hbm>>
    %dma_start3A_285 = tpu.memref_squeeze %dma_start3A_284 : memref<1x10000x64xf32, #tpu.memory_space<hbm>> -> memref<10000x64xf32, #tpu.memory_space<hbm>>
    %dma_start3A_286 = arith.constant 0 : i32
    %dma_start3A_287 = arith.constant 0 : i32
    %dma_start3A_288 = tpu.memref_slice %dma_start3A_285[%dma_start3A_286, %dma_start3A_287] : memref<10000x64xf32, #tpu.memory_space<hbm>> -> memref<10000x64xf32, #tpu.memory_space<hbm>>
    %dma_start3A_289 = tpu.memref_slice %arg13[%dma_start3A_275] : memref<4x!tpu.dma_semaphore, #tpu.memory_space<semaphore_mem>> -> memref<1x!tpu.dma_semaphore, #tpu.memory_space<semaphore_mem>>
    %dma_start3A_290 = tpu.memref_squeeze %dma_start3A_289 : memref<1x!tpu.dma_semaphore, #tpu.memory_space<semaphore_mem>> -> memref<!tpu.dma_semaphore, #tpu.memory_space<semaphore_mem>>
    tpu.enqueue_indirect_dma source(%dma_start3A_288 : memref<10000x64xf32, #tpu.memory_space<hbm>>) target(%dma_start3A_279 : memref<32x64xf32, #tpu.memory_space<vmem>>) offsets(%dma_start3A_281 : memref<32xi32, #tpu.memory_space<vmem>>) semaphore(%dma_start3A_290 : memref<!tpu.dma_semaphore, #tpu.memory_space<semaphore_mem>>)
    %dma_wait3A_291 = arith.constant 0 : i32
    %dma_wait3A_292 = arith.constant 0 : i32
    %dma_wait3A_293 = arith.constant 0 : i32
    %dma_wait3A_294 = arith.constant 0 : i32
    %dma_wait3A_295 = tpu.memref_slice %arg10[%dma_wait3A_291, %dma_wait3A_293, %dma_wait3A_294] : memref<4x128x64xf32, #tpu.memory_space<vmem>> -> memref<1x32x64xf32, #tpu.memory_space<vmem>>
    %dma_wait3A_296 = tpu.memref_squeeze %dma_wait3A_295 : memref<1x32x64xf32, #tpu.memory_space<vmem>> -> memref<32x64xf32, #tpu.memory_space<vmem>>
    %dma_wait3A_297 = arith.constant 19968 : i32
    %dma_wait3A_298 = tpu.memref_slice %arg8[%dma_wait3A_297] : memref<20000xi32, #tpu.memory_space<vmem>> -> memref<32xi32, #tpu.memory_space<vmem>>
    %dma_wait3A_299 = arith.constant 0 : i32
    %dma_wait3A_300 = arith.constant 0 : i32
    %dma_wait3A_301 = tpu.memref_slice %arg7[%arg0, %dma_wait3A_299, %dma_wait3A_300] : memref<2x10000x64xf32, #tpu.memory_space<hbm>> -> memref<1x10000x64xf32, #tpu.memory_space<hbm>>
    %dma_wait3A_302 = tpu.memref_squeeze %dma_wait3A_301 : memref<1x10000x64xf32, #tpu.memory_space<hbm>> -> memref<10000x64xf32, #tpu.memory_space<hbm>>
    %dma_wait3A_303 = arith.constant 0 : i32
    %dma_wait3A_304 = arith.constant 0 : i32
    %dma_wait3A_305 = tpu.memref_slice %dma_wait3A_302[%dma_wait3A_303, %dma_wait3A_304] : memref<10000x64xf32, #tpu.memory_space<hbm>> -> memref<10000x64xf32, #tpu.memory_space<hbm>>
    %dma_wait3A_306 = tpu.memref_slice %arg13[%dma_wait3A_292] : memref<4x!tpu.dma_semaphore, #tpu.memory_space<semaphore_mem>> -> memref<1x!tpu.dma_semaphore, #tpu.memory_space<semaphore_mem>>
    %dma_wait3A_307 = tpu.memref_squeeze %dma_wait3A_306 : memref<1x!tpu.dma_semaphore, #tpu.memory_space<semaphore_mem>> -> memref<!tpu.dma_semaphore, #tpu.memory_space<semaphore_mem>>
    tpu.wait_indirect_dma semaphore(%dma_wait3A_307 : memref<!tpu.dma_semaphore, #tpu.memory_space<semaphore_mem>>) src(%dma_wait3A_305 : memref<10000x64xf32, #tpu.memory_space<hbm>>) dst(%dma_wait3A_296 : memref<32x64xf32, #tpu.memory_space<vmem>>)
    %dma_start3A_308 = arith.constant 0 : i32
    %dma_start3A_309 = arith.constant 0 : i32
    %dma_start3A_310 = arith.constant 0 : i32
    %dma_start3A_311 = arith.constant 0 : i32
    %dma_start3A_312 = tpu.memref_slice %arg10[%dma_start3A_308, %dma_start3A_310, %dma_start3A_311] : memref<4x128x64xf32, #tpu.memory_space<vmem>> -> memref<1x32x64xf32, #tpu.memory_space<vmem>>
    %dma_start3A_313 = tpu.memref_squeeze %dma_start3A_312 : memref<1x32x64xf32, #tpu.memory_space<vmem>> -> memref<32x64xf32, #tpu.memory_space<vmem>>
    %dma_start3A_314 = arith.constant 19968 : i32
    %dma_start3A_315 = tpu.memref_slice %arg9[%dma_start3A_314] : memref<20000xi32, #tpu.memory_space<vmem>> -> memref<32xi32, #tpu.memory_space<vmem>>
    %dma_start3A_316 = arith.constant 0 : i32
    %dma_start3A_317 = arith.constant 0 : i32
    %dma_start3A_318 = tpu.memref_slice %arg12[%dma_start3A_316, %dma_start3A_317] : memref<10000x64xf32, #tpu.memory_space<vmem_shared>> -> memref<10000x64xf32, #tpu.memory_space<vmem_shared>>
    %dma_start3A_319 = tpu.memref_slice %arg14[%dma_start3A_309] : memref<4x!tpu.dma_semaphore, #tpu.memory_space<semaphore_mem>> -> memref<1x!tpu.dma_semaphore, #tpu.memory_space<semaphore_mem>>
    %dma_start3A_320 = tpu.memref_squeeze %dma_start3A_319 : memref<1x!tpu.dma_semaphore, #tpu.memory_space<semaphore_mem>> -> memref<!tpu.dma_semaphore, #tpu.memory_space<semaphore_mem>>
    tpu.enqueue_indirect_dma source(%dma_start3A_313 : memref<32x64xf32, #tpu.memory_space<vmem>>) target(%dma_start3A_318 : memref<10000x64xf32, #tpu.memory_space<vmem_shared>>) offsets(%dma_start3A_315 : memref<32xi32, #tpu.memory_space<vmem>>) semaphore(%dma_start3A_320 : memref<!tpu.dma_semaphore, #tpu.memory_space<semaphore_mem>>) {add = true}
    %dma_wait3A_321 = arith.constant 0 : i32
    %dma_wait3A_322 = arith.constant 0 : i32
    %dma_wait3A_323 = arith.constant 0 : i32
    %dma_wait3A_324 = arith.constant 0 : i32
    %dma_wait3A_325 = tpu.memref_slice %arg10[%dma_wait3A_321, %dma_wait3A_323, %dma_wait3A_324] : memref<4x128x64xf32, #tpu.memory_space<vmem>> -> memref<1x32x64xf32, #tpu.memory_space<vmem>>
    %dma_wait3A_326 = tpu.memref_squeeze %dma_wait3A_325 : memref<1x32x64xf32, #tpu.memory_space<vmem>> -> memref<32x64xf32, #tpu.memory_space<vmem>>
    %dma_wait3A_327 = arith.constant 19968 : i32
    %dma_wait3A_328 = tpu.memref_slice %arg9[%dma_wait3A_327] : memref<20000xi32, #tpu.memory_space<vmem>> -> memref<32xi32, #tpu.memory_space<vmem>>
    %dma_wait3A_329 = arith.constant 0 : i32
    %dma_wait3A_330 = arith.constant 0 : i32
    %dma_wait3A_331 = tpu.memref_slice %arg12[%dma_wait3A_329, %dma_wait3A_330] : memref<10000x64xf32, #tpu.memory_space<vmem_shared>> -> memref<10000x64xf32, #tpu.memory_space<vmem_shared>>
    %dma_wait3A_332 = tpu.memref_slice %arg14[%dma_wait3A_322] : memref<4x!tpu.dma_semaphore, #tpu.memory_space<semaphore_mem>> -> memref<1x!tpu.dma_semaphore, #tpu.memory_space<semaphore_mem>>
    %dma_wait3A_333 = tpu.memref_squeeze %dma_wait3A_332 : memref<1x!tpu.dma_semaphore, #tpu.memory_space<semaphore_mem>> -> memref<!tpu.dma_semaphore, #tpu.memory_space<semaphore_mem>>
    tpu.wait_indirect_dma semaphore(%dma_wait3A_333 : memref<!tpu.dma_semaphore, #tpu.memory_space<semaphore_mem>>) src(%dma_wait3A_326 : memref<32x64xf32, #tpu.memory_space<vmem>>) dst(%dma_wait3A_331 : memref<10000x64xf32, #tpu.memory_space<vmem_shared>>)
    %barrier3A_334 = arith.constant 0 : index
    tpu.barrier barrier_id(%barrier3A_334)
    %lt3A_335 = arith.constant 15 : i32
    %lt3A_336 = arith.cmpi slt, %arg1, %lt3A_335 : i32
    %convert_element_type3A_337 = arith.extui %lt3A_336 : i1 to i32
    %cond3A_338 = arith.constant 0 : i32
    %cond3A_339 = arith.cmpi ne, %convert_element_type3A_337, %cond3A_338 : i32
    scf.if %cond3A_339 {
      %add3A = arith.constant 0 : i32
      %add3A_345 = arith.addi %multiple_of3A, %add3A : i32
      %multiple_of3A_346 = tpu.assume_multiple %add3A_345, 8 : i32
      %run_scoped3A_347 = arith.constant 0 : i32
      "tpu.region"() ({
        %run_scoped3A_369 = tpu.sem_alloc : memref<!tpu.dma_semaphore, #tpu.memory_space<semaphore_mem>>
        %dma_start3A_370 = arith.constant 0 : i32
        %dma_start3A_371 = arith.constant 0 : i32
        %dma_start3A_372 = tpu.memref_slice %arg10[%run_scoped3A_347, %dma_start3A_370, %dma_start3A_371] : memref<4x128x64xf32, #tpu.memory_space<vmem>> -> memref<1x128x64xf32, #tpu.memory_space<vmem>>
        %dma_start3A_373 = tpu.memref_squeeze %dma_start3A_372 : memref<1x128x64xf32, #tpu.memory_space<vmem>> -> memref<128x64xf32, #tpu.memory_space<vmem>>
        %dma_start3A_374 = arith.constant 0 : i32
        %dma_start3A_375 = tpu.memref_slice %arg12[%multiple_of3A_346, %dma_start3A_374] : memref<10000x64xf32, #tpu.memory_space<vmem_shared>> -> memref<128x64xf32, #tpu.memory_space<vmem_shared>>
        %dma_start3A_376 = arith.constant 0 : i32
        %dma_start3A_377 = arith.constant 0 : i32
        %dma_start3A_378 = tpu.memref_slice %arg10[%run_scoped3A_347, %dma_start3A_376, %dma_start3A_377] : memref<4x128x64xf32, #tpu.memory_space<vmem>> -> memref<1x128x64xf32, #tpu.memory_space<vmem>>
        %dma_start3A_379 = tpu.memref_squeeze %dma_start3A_378 : memref<1x128x64xf32, #tpu.memory_space<vmem>> -> memref<128x64xf32, #tpu.memory_space<vmem>>
        %dma_start3A_380 = arith.constant 0 : i32
        %dma_start3A_381 = tpu.memref_slice %arg12[%multiple_of3A_346, %dma_start3A_380] : memref<10000x64xf32, #tpu.memory_space<vmem_shared>> -> memref<128x64xf32, #tpu.memory_space<vmem_shared>>
        tpu.enqueue_dma source(%dma_start3A_381 : memref<128x64xf32, #tpu.memory_space<vmem_shared>>) target(%dma_start3A_379 : memref<128x64xf32, #tpu.memory_space<vmem>>) target_semaphore(%run_scoped3A_369 : memref<!tpu.dma_semaphore, #tpu.memory_space<semaphore_mem>>)
        %dma_wait3A_382 = arith.constant 0 : i32
        %dma_wait3A_383 = arith.constant 0 : i32
        %dma_wait3A_384 = tpu.memref_slice %arg10[%run_scoped3A_347, %dma_wait3A_382, %dma_wait3A_383] : memref<4x128x64xf32, #tpu.memory_space<vmem>> -> memref<1x128x64xf32, #tpu.memory_space<vmem>>
        %dma_wait3A_385 = tpu.memref_squeeze %dma_wait3A_384 : memref<1x128x64xf32, #tpu.memory_space<vmem>> -> memref<128x64xf32, #tpu.memory_space<vmem>>
        %dma_wait3A_386 = arith.constant 0 : i32
        %dma_wait3A_387 = tpu.memref_slice %arg12[%multiple_of3A_346, %dma_wait3A_386] : memref<10000x64xf32, #tpu.memory_space<vmem_shared>> -> memref<128x64xf32, #tpu.memory_space<vmem_shared>>
        %dma_wait3A_388 = arith.constant 0 : i32
        %dma_wait3A_389 = arith.constant 0 : i32
        %dma_wait3A_390 = tpu.memref_slice %arg10[%run_scoped3A_347, %dma_wait3A_388, %dma_wait3A_389] : memref<4x128x64xf32, #tpu.memory_space<vmem>> -> memref<1x128x64xf32, #tpu.memory_space<vmem>>
        %dma_wait3A_391 = tpu.memref_squeeze %dma_wait3A_390 : memref<1x128x64xf32, #tpu.memory_space<vmem>> -> memref<128x64xf32, #tpu.memory_space<vmem>>
        %dma_wait3A_392 = arith.constant 0 : i32
        %dma_wait3A_393 = tpu.memref_slice %arg12[%multiple_of3A_346, %dma_wait3A_392] : memref<10000x64xf32, #tpu.memory_space<vmem_shared>> -> memref<128x64xf32, #tpu.memory_space<vmem_shared>>
        tpu.wait_dma2 semaphore(%run_scoped3A_369 : memref<!tpu.dma_semaphore, #tpu.memory_space<semaphore_mem>>) src(%dma_wait3A_393 : memref<128x64xf32, #tpu.memory_space<vmem_shared>>) dst(%dma_wait3A_391 : memref<128x64xf32, #tpu.memory_space<vmem>>)
        tpu.yield
      }) : () -> ()
      %run_scoped3A_348 = arith.constant 0 : i32
      "tpu.region"() ({
        %run_scoped3A_369 = tpu.sem_alloc : memref<!tpu.dma_semaphore, #tpu.memory_space<semaphore_mem>>
        %dma_start3A_370 = arith.constant 0 : i32
        %dma_start3A_371 = arith.constant 0 : i32
        %dma_start3A_372 = tpu.memref_slice %arg10[%run_scoped3A_348, %dma_start3A_370, %dma_start3A_371] : memref<4x128x64xf32, #tpu.memory_space<vmem>> -> memref<1x128x64xf32, #tpu.memory_space<vmem>>
        %dma_start3A_373 = tpu.memref_squeeze %dma_start3A_372 : memref<1x128x64xf32, #tpu.memory_space<vmem>> -> memref<128x64xf32, #tpu.memory_space<vmem>>
        %dma_start3A_374 = arith.constant 0 : i32
        %dma_start3A_375 = tpu.memref_slice %arg6[%arg0, %multiple_of3A_346, %dma_start3A_374] : memref<2x10000x64xf32, #tpu.memory_space<hbm>> -> memref<1x128x64xf32, #tpu.memory_space<hbm>>
        %dma_start3A_376 = tpu.memref_squeeze %dma_start3A_375 : memref<1x128x64xf32, #tpu.memory_space<hbm>> -> memref<128x64xf32, #tpu.memory_space<hbm>>
        %dma_start3A_377 = arith.constant 0 : i32
        %dma_start3A_378 = tpu.memref_slice %arg6[%arg0, %multiple_of3A_346, %dma_start3A_377] : memref<2x10000x64xf32, #tpu.memory_space<hbm>> -> memref<1x128x64xf32, #tpu.memory_space<hbm>>
        %dma_start3A_379 = tpu.memref_squeeze %dma_start3A_378 : memref<1x128x64xf32, #tpu.memory_space<hbm>> -> memref<128x64xf32, #tpu.memory_space<hbm>>
        %dma_start3A_380 = arith.constant 0 : i32
        %dma_start3A_381 = arith.constant 0 : i32
        %dma_start3A_382 = tpu.memref_slice %arg10[%run_scoped3A_348, %dma_start3A_380, %dma_start3A_381] : memref<4x128x64xf32, #tpu.memory_space<vmem>> -> memref<1x128x64xf32, #tpu.memory_space<vmem>>
        %dma_start3A_383 = tpu.memref_squeeze %dma_start3A_382 : memref<1x128x64xf32, #tpu.memory_space<vmem>> -> memref<128x64xf32, #tpu.memory_space<vmem>>
        tpu.enqueue_dma source(%dma_start3A_383 : memref<128x64xf32, #tpu.memory_space<vmem>>) target(%dma_start3A_379 : memref<128x64xf32, #tpu.memory_space<hbm>>) target_semaphore(%run_scoped3A_369 : memref<!tpu.dma_semaphore, #tpu.memory_space<semaphore_mem>>)
        %dma_wait3A_384 = arith.constant 0 : i32
        %dma_wait3A_385 = arith.constant 0 : i32
        %dma_wait3A_386 = tpu.memref_slice %arg10[%run_scoped3A_348, %dma_wait3A_384, %dma_wait3A_385] : memref<4x128x64xf32, #tpu.memory_space<vmem>> -> memref<1x128x64xf32, #tpu.memory_space<vmem>>
        %dma_wait3A_387 = tpu.memref_squeeze %dma_wait3A_386 : memref<1x128x64xf32, #tpu.memory_space<vmem>> -> memref<128x64xf32, #tpu.memory_space<vmem>>
        %dma_wait3A_388 = arith.constant 0 : i32
        %dma_wait3A_389 = tpu.memref_slice %arg6[%arg0, %multiple_of3A_346, %dma_wait3A_388] : memref<2x10000x64xf32, #tpu.memory_space<hbm>> -> memref<1x128x64xf32, #tpu.memory_space<hbm>>
        %dma_wait3A_390 = tpu.memref_squeeze %dma_wait3A_389 : memref<1x128x64xf32, #tpu.memory_space<hbm>> -> memref<128x64xf32, #tpu.memory_space<hbm>>
        %dma_wait3A_391 = arith.constant 0 : i32
        %dma_wait3A_392 = tpu.memref_slice %arg6[%arg0, %multiple_of3A_346, %dma_wait3A_391] : memref<2x10000x64xf32, #tpu.memory_space<hbm>> -> memref<1x128x64xf32, #tpu.memory_space<hbm>>
        %dma_wait3A_393 = tpu.memref_squeeze %dma_wait3A_392 : memref<1x128x64xf32, #tpu.memory_space<hbm>> -> memref<128x64xf32, #tpu.memory_space<hbm>>
        %dma_wait3A_394 = arith.constant 0 : i32
        %dma_wait3A_395 = arith.constant 0 : i32
        %dma_wait3A_396 = tpu.memref_slice %arg10[%run_scoped3A_348, %dma_wait3A_394, %dma_wait3A_395] : memref<4x128x64xf32, #tpu.memory_space<vmem>> -> memref<1x128x64xf32, #tpu.memory_space<vmem>>
        %dma_wait3A_397 = tpu.memref_squeeze %dma_wait3A_396 : memref<1x128x64xf32, #tpu.memory_space<vmem>> -> memref<128x64xf32, #tpu.memory_space<vmem>>
        tpu.wait_dma2 semaphore(%run_scoped3A_369 : memref<!tpu.dma_semaphore, #tpu.memory_space<semaphore_mem>>) src(%dma_wait3A_397 : memref<128x64xf32, #tpu.memory_space<vmem>>) dst(%dma_wait3A_393 : memref<128x64xf32, #tpu.memory_space<hbm>>)
        tpu.yield
      }) : () -> ()
      %add3A_349 = arith.constant 128 : i32
      %add3A_350 = arith.addi %multiple_of3A, %add3A_349 : i32
      %multiple_of3A_351 = tpu.assume_multiple %add3A_350, 8 : i32
      %run_scoped3A_352 = arith.constant 0 : i32
      "tpu.region"() ({
        %run_scoped3A_369 = tpu.sem_alloc : memref<!tpu.dma_semaphore, #tpu.memory_space<semaphore_mem>>
        %dma_start3A_370 = arith.constant 0 : i32
        %dma_start3A_371 = arith.constant 0 : i32
        %dma_start3A_372 = tpu.memref_slice %arg10[%run_scoped3A_352, %dma_start3A_370, %dma_start3A_371] : memref<4x128x64xf32, #tpu.memory_space<vmem>> -> memref<1x128x64xf32, #tpu.memory_space<vmem>>
        %dma_start3A_373 = tpu.memref_squeeze %dma_start3A_372 : memref<1x128x64xf32, #tpu.memory_space<vmem>> -> memref<128x64xf32, #tpu.memory_space<vmem>>
        %dma_start3A_374 = arith.constant 0 : i32
        %dma_start3A_375 = tpu.memref_slice %arg12[%multiple_of3A_351, %dma_start3A_374] : memref<10000x64xf32, #tpu.memory_space<vmem_shared>> -> memref<128x64xf32, #tpu.memory_space<vmem_shared>>
        %dma_start3A_376 = arith.constant 0 : i32
        %dma_start3A_377 = arith.constant 0 : i32
        %dma_start3A_378 = tpu.memref_slice %arg10[%run_scoped3A_352, %dma_start3A_376, %dma_start3A_377] : memref<4x128x64xf32, #tpu.memory_space<vmem>> -> memref<1x128x64xf32, #tpu.memory_space<vmem>>
        %dma_start3A_379 = tpu.memref_squeeze %dma_start3A_378 : memref<1x128x64xf32, #tpu.memory_space<vmem>> -> memref<128x64xf32, #tpu.memory_space<vmem>>
        %dma_start3A_380 = arith.constant 0 : i32
        %dma_start3A_381 = tpu.memref_slice %arg12[%multiple_of3A_351, %dma_start3A_380] : memref<10000x64xf32, #tpu.memory_space<vmem_shared>> -> memref<128x64xf32, #tpu.memory_space<vmem_shared>>
        tpu.enqueue_dma source(%dma_start3A_381 : memref<128x64xf32, #tpu.memory_space<vmem_shared>>) target(%dma_start3A_379 : memref<128x64xf32, #tpu.memory_space<vmem>>) target_semaphore(%run_scoped3A_369 : memref<!tpu.dma_semaphore, #tpu.memory_space<semaphore_mem>>)
        %dma_wait3A_382 = arith.constant 0 : i32
        %dma_wait3A_383 = arith.constant 0 : i32
        %dma_wait3A_384 = tpu.memref_slice %arg10[%run_scoped3A_352, %dma_wait3A_382, %dma_wait3A_383] : memref<4x128x64xf32, #tpu.memory_space<vmem>> -> memref<1x128x64xf32, #tpu.memory_space<vmem>>
        %dma_wait3A_385 = tpu.memref_squeeze %dma_wait3A_384 : memref<1x128x64xf32, #tpu.memory_space<vmem>> -> memref<128x64xf32, #tpu.memory_space<vmem>>
        %dma_wait3A_386 = arith.constant 0 : i32
        %dma_wait3A_387 = tpu.memref_slice %arg12[%multiple_of3A_351, %dma_wait3A_386] : memref<10000x64xf32, #tpu.memory_space<vmem_shared>> -> memref<128x64xf32, #tpu.memory_space<vmem_shared>>
        %dma_wait3A_388 = arith.constant 0 : i32
        %dma_wait3A_389 = arith.constant 0 : i32
        %dma_wait3A_390 = tpu.memref_slice %arg10[%run_scoped3A_352, %dma_wait3A_388, %dma_wait3A_389] : memref<4x128x64xf32, #tpu.memory_space<vmem>> -> memref<1x128x64xf32, #tpu.memory_space<vmem>>
        %dma_wait3A_391 = tpu.memref_squeeze %dma_wait3A_390 : memref<1x128x64xf32, #tpu.memory_space<vmem>> -> memref<128x64xf32, #tpu.memory_space<vmem>>
        %dma_wait3A_392 = arith.constant 0 : i32
        %dma_wait3A_393 = tpu.memref_slice %arg12[%multiple_of3A_351, %dma_wait3A_392] : memref<10000x64xf32, #tpu.memory_space<vmem_shared>> -> memref<128x64xf32, #tpu.memory_space<vmem_shared>>
        tpu.wait_dma2 semaphore(%run_scoped3A_369 : memref<!tpu.dma_semaphore, #tpu.memory_space<semaphore_mem>>) src(%dma_wait3A_393 : memref<128x64xf32, #tpu.memory_space<vmem_shared>>) dst(%dma_wait3A_391 : memref<128x64xf32, #tpu.memory_space<vmem>>)
        tpu.yield
      }) : () -> ()
      %run_scoped3A_353 = arith.constant 0 : i32
      "tpu.region"() ({
        %run_scoped3A_369 = tpu.sem_alloc : memref<!tpu.dma_semaphore, #tpu.memory_space<semaphore_mem>>
        %dma_start3A_370 = arith.constant 0 : i32
        %dma_start3A_371 = arith.constant 0 : i32
        %dma_start3A_372 = tpu.memref_slice %arg10[%run_scoped3A_353, %dma_start3A_370, %dma_start3A_371] : memref<4x128x64xf32, #tpu.memory_space<vmem>> -> memref<1x128x64xf32, #tpu.memory_space<vmem>>
        %dma_start3A_373 = tpu.memref_squeeze %dma_start3A_372 : memref<1x128x64xf32, #tpu.memory_space<vmem>> -> memref<128x64xf32, #tpu.memory_space<vmem>>
        %dma_start3A_374 = arith.constant 0 : i32
        %dma_start3A_375 = tpu.memref_slice %arg6[%arg0, %multiple_of3A_351, %dma_start3A_374] : memref<2x10000x64xf32, #tpu.memory_space<hbm>> -> memref<1x128x64xf32, #tpu.memory_space<hbm>>
        %dma_start3A_376 = tpu.memref_squeeze %dma_start3A_375 : memref<1x128x64xf32, #tpu.memory_space<hbm>> -> memref<128x64xf32, #tpu.memory_space<hbm>>
        %dma_start3A_377 = arith.constant 0 : i32
        %dma_start3A_378 = tpu.memref_slice %arg6[%arg0, %multiple_of3A_351, %dma_start3A_377] : memref<2x10000x64xf32, #tpu.memory_space<hbm>> -> memref<1x128x64xf32, #tpu.memory_space<hbm>>
        %dma_start3A_379 = tpu.memref_squeeze %dma_start3A_378 : memref<1x128x64xf32, #tpu.memory_space<hbm>> -> memref<128x64xf32, #tpu.memory_space<hbm>>
        %dma_start3A_380 = arith.constant 0 : i32
        %dma_start3A_381 = arith.constant 0 : i32
        %dma_start3A_382 = tpu.memref_slice %arg10[%run_scoped3A_353, %dma_start3A_380, %dma_start3A_381] : memref<4x128x64xf32, #tpu.memory_space<vmem>> -> memref<1x128x64xf32, #tpu.memory_space<vmem>>
        %dma_start3A_383 = tpu.memref_squeeze %dma_start3A_382 : memref<1x128x64xf32, #tpu.memory_space<vmem>> -> memref<128x64xf32, #tpu.memory_space<vmem>>
        tpu.enqueue_dma source(%dma_start3A_383 : memref<128x64xf32, #tpu.memory_space<vmem>>) target(%dma_start3A_379 : memref<128x64xf32, #tpu.memory_space<hbm>>) target_semaphore(%run_scoped3A_369 : memref<!tpu.dma_semaphore, #tpu.memory_space<semaphore_mem>>)
        %dma_wait3A_384 = arith.constant 0 : i32
        %dma_wait3A_385 = arith.constant 0 : i32
        %dma_wait3A_386 = tpu.memref_slice %arg10[%run_scoped3A_353, %dma_wait3A_384, %dma_wait3A_385] : memref<4x128x64xf32, #tpu.memory_space<vmem>> -> memref<1x128x64xf32, #tpu.memory_space<vmem>>
        %dma_wait3A_387 = tpu.memref_squeeze %dma_wait3A_386 : memref<1x128x64xf32, #tpu.memory_space<vmem>> -> memref<128x64xf32, #tpu.memory_space<vmem>>
        %dma_wait3A_388 = arith.constant 0 : i32
        %dma_wait3A_389 = tpu.memref_slice %arg6[%arg0, %multiple_of3A_351, %dma_wait3A_388] : memref<2x10000x64xf32, #tpu.memory_space<hbm>> -> memref<1x128x64xf32, #tpu.memory_space<hbm>>
        %dma_wait3A_390 = tpu.memref_squeeze %dma_wait3A_389 : memref<1x128x64xf32, #tpu.memory_space<hbm>> -> memref<128x64xf32, #tpu.memory_space<hbm>>
        %dma_wait3A_391 = arith.constant 0 : i32
        %dma_wait3A_392 = tpu.memref_slice %arg6[%arg0, %multiple_of3A_351, %dma_wait3A_391] : memref<2x10000x64xf32, #tpu.memory_space<hbm>> -> memref<1x128x64xf32, #tpu.memory_space<hbm>>
        %dma_wait3A_393 = tpu.memref_squeeze %dma_wait3A_392 : memref<1x128x64xf32, #tpu.memory_space<hbm>> -> memref<128x64xf32, #tpu.memory_space<hbm>>
        %dma_wait3A_394 = arith.constant 0 : i32
        %dma_wait3A_395 = arith.constant 0 : i32
        %dma_wait3A_396 = tpu.memref_slice %arg10[%run_scoped3A_353, %dma_wait3A_394, %dma_wait3A_395] : memref<4x128x64xf32, #tpu.memory_space<vmem>> -> memref<1x128x64xf32, #tpu.memory_space<vmem>>
        %dma_wait3A_397 = tpu.memref_squeeze %dma_wait3A_396 : memref<1x128x64xf32, #tpu.memory_space<vmem>> -> memref<128x64xf32, #tpu.memory_space<vmem>>
        tpu.wait_dma2 semaphore(%run_scoped3A_369 : memref<!tpu.dma_semaphore, #tpu.memory_space<semaphore_mem>>) src(%dma_wait3A_397 : memref<128x64xf32, #tpu.memory_space<vmem>>) dst(%dma_wait3A_393 : memref<128x64xf32, #tpu.memory_space<hbm>>)
        tpu.yield
      }) : () -> ()
      %add3A_354 = arith.constant 256 : i32
      %add3A_355 = arith.addi %multiple_of3A, %add3A_354 : i32
      %multiple_of3A_356 = tpu.assume_multiple %add3A_355, 8 : i32
      %run_scoped3A_357 = arith.constant 0 : i32
      "tpu.region"() ({
        %run_scoped3A_369 = tpu.sem_alloc : memref<!tpu.dma_semaphore, #tpu.memory_space<semaphore_mem>>
        %dma_start3A_370 = arith.constant 0 : i32
        %dma_start3A_371 = arith.constant 0 : i32
        %dma_start3A_372 = tpu.memref_slice %arg10[%run_scoped3A_357, %dma_start3A_370, %dma_start3A_371] : memref<4x128x64xf32, #tpu.memory_space<vmem>> -> memref<1x128x64xf32, #tpu.memory_space<vmem>>
        %dma_start3A_373 = tpu.memref_squeeze %dma_start3A_372 : memref<1x128x64xf32, #tpu.memory_space<vmem>> -> memref<128x64xf32, #tpu.memory_space<vmem>>
        %dma_start3A_374 = arith.constant 0 : i32
        %dma_start3A_375 = tpu.memref_slice %arg12[%multiple_of3A_356, %dma_start3A_374] : memref<10000x64xf32, #tpu.memory_space<vmem_shared>> -> memref<128x64xf32, #tpu.memory_space<vmem_shared>>
        %dma_start3A_376 = arith.constant 0 : i32
        %dma_start3A_377 = arith.constant 0 : i32
        %dma_start3A_378 = tpu.memref_slice %arg10[%run_scoped3A_357, %dma_start3A_376, %dma_start3A_377] : memref<4x128x64xf32, #tpu.memory_space<vmem>> -> memref<1x128x64xf32, #tpu.memory_space<vmem>>
        %dma_start3A_379 = tpu.memref_squeeze %dma_start3A_378 : memref<1x128x64xf32, #tpu.memory_space<vmem>> -> memref<128x64xf32, #tpu.memory_space<vmem>>
        %dma_start3A_380 = arith.constant 0 : i32
        %dma_start3A_381 = tpu.memref_slice %arg12[%multiple_of3A_356, %dma_start3A_380] : memref<10000x64xf32, #tpu.memory_space<vmem_shared>> -> memref<128x64xf32, #tpu.memory_space<vmem_shared>>
        tpu.enqueue_dma source(%dma_start3A_381 : memref<128x64xf32, #tpu.memory_space<vmem_shared>>) target(%dma_start3A_379 : memref<128x64xf32, #tpu.memory_space<vmem>>) target_semaphore(%run_scoped3A_369 : memref<!tpu.dma_semaphore, #tpu.memory_space<semaphore_mem>>)
        %dma_wait3A_382 = arith.constant 0 : i32
        %dma_wait3A_383 = arith.constant 0 : i32
        %dma_wait3A_384 = tpu.memref_slice %arg10[%run_scoped3A_357, %dma_wait3A_382, %dma_wait3A_383] : memref<4x128x64xf32, #tpu.memory_space<vmem>> -> memref<1x128x64xf32, #tpu.memory_space<vmem>>
        %dma_wait3A_385 = tpu.memref_squeeze %dma_wait3A_384 : memref<1x128x64xf32, #tpu.memory_space<vmem>> -> memref<128x64xf32, #tpu.memory_space<vmem>>
        %dma_wait3A_386 = arith.constant 0 : i32
        %dma_wait3A_387 = tpu.memref_slice %arg12[%multiple_of3A_356, %dma_wait3A_386] : memref<10000x64xf32, #tpu.memory_space<vmem_shared>> -> memref<128x64xf32, #tpu.memory_space<vmem_shared>>
        %dma_wait3A_388 = arith.constant 0 : i32
        %dma_wait3A_389 = arith.constant 0 : i32
        %dma_wait3A_390 = tpu.memref_slice %arg10[%run_scoped3A_357, %dma_wait3A_388, %dma_wait3A_389] : memref<4x128x64xf32, #tpu.memory_space<vmem>> -> memref<1x128x64xf32, #tpu.memory_space<vmem>>
        %dma_wait3A_391 = tpu.memref_squeeze %dma_wait3A_390 : memref<1x128x64xf32, #tpu.memory_space<vmem>> -> memref<128x64xf32, #tpu.memory_space<vmem>>
        %dma_wait3A_392 = arith.constant 0 : i32
        %dma_wait3A_393 = tpu.memref_slice %arg12[%multiple_of3A_356, %dma_wait3A_392] : memref<10000x64xf32, #tpu.memory_space<vmem_shared>> -> memref<128x64xf32, #tpu.memory_space<vmem_shared>>
        tpu.wait_dma2 semaphore(%run_scoped3A_369 : memref<!tpu.dma_semaphore, #tpu.memory_space<semaphore_mem>>) src(%dma_wait3A_393 : memref<128x64xf32, #tpu.memory_space<vmem_shared>>) dst(%dma_wait3A_391 : memref<128x64xf32, #tpu.memory_space<vmem>>)
        tpu.yield
      }) : () -> ()
      %run_scoped3A_358 = arith.constant 0 : i32
      "tpu.region"() ({
        %run_scoped3A_369 = tpu.sem_alloc : memref<!tpu.dma_semaphore, #tpu.memory_space<semaphore_mem>>
        %dma_start3A_370 = arith.constant 0 : i32
        %dma_start3A_371 = arith.constant 0 : i32
        %dma_start3A_372 = tpu.memref_slice %arg10[%run_scoped3A_358, %dma_start3A_370, %dma_start3A_371] : memref<4x128x64xf32, #tpu.memory_space<vmem>> -> memref<1x128x64xf32, #tpu.memory_space<vmem>>
        %dma_start3A_373 = tpu.memref_squeeze %dma_start3A_372 : memref<1x128x64xf32, #tpu.memory_space<vmem>> -> memref<128x64xf32, #tpu.memory_space<vmem>>
        %dma_start3A_374 = arith.constant 0 : i32
        %dma_start3A_375 = tpu.memref_slice %arg6[%arg0, %multiple_of3A_356, %dma_start3A_374] : memref<2x10000x64xf32, #tpu.memory_space<hbm>> -> memref<1x128x64xf32, #tpu.memory_space<hbm>>
        %dma_start3A_376 = tpu.memref_squeeze %dma_start3A_375 : memref<1x128x64xf32, #tpu.memory_space<hbm>> -> memref<128x64xf32, #tpu.memory_space<hbm>>
        %dma_start3A_377 = arith.constant 0 : i32
        %dma_start3A_378 = tpu.memref_slice %arg6[%arg0, %multiple_of3A_356, %dma_start3A_377] : memref<2x10000x64xf32, #tpu.memory_space<hbm>> -> memref<1x128x64xf32, #tpu.memory_space<hbm>>
        %dma_start3A_379 = tpu.memref_squeeze %dma_start3A_378 : memref<1x128x64xf32, #tpu.memory_space<hbm>> -> memref<128x64xf32, #tpu.memory_space<hbm>>
        %dma_start3A_380 = arith.constant 0 : i32
        %dma_start3A_381 = arith.constant 0 : i32
        %dma_start3A_382 = tpu.memref_slice %arg10[%run_scoped3A_358, %dma_start3A_380, %dma_start3A_381] : memref<4x128x64xf32, #tpu.memory_space<vmem>> -> memref<1x128x64xf32, #tpu.memory_space<vmem>>
        %dma_start3A_383 = tpu.memref_squeeze %dma_start3A_382 : memref<1x128x64xf32, #tpu.memory_space<vmem>> -> memref<128x64xf32, #tpu.memory_space<vmem>>
        tpu.enqueue_dma source(%dma_start3A_383 : memref<128x64xf32, #tpu.memory_space<vmem>>) target(%dma_start3A_379 : memref<128x64xf32, #tpu.memory_space<hbm>>) target_semaphore(%run_scoped3A_369 : memref<!tpu.dma_semaphore, #tpu.memory_space<semaphore_mem>>)
        %dma_wait3A_384 = arith.constant 0 : i32
        %dma_wait3A_385 = arith.constant 0 : i32
        %dma_wait3A_386 = tpu.memref_slice %arg10[%run_scoped3A_358, %dma_wait3A_384, %dma_wait3A_385] : memref<4x128x64xf32, #tpu.memory_space<vmem>> -> memref<1x128x64xf32, #tpu.memory_space<vmem>>
        %dma_wait3A_387 = tpu.memref_squeeze %dma_wait3A_386 : memref<1x128x64xf32, #tpu.memory_space<vmem>> -> memref<128x64xf32, #tpu.memory_space<vmem>>
        %dma_wait3A_388 = arith.constant 0 : i32
        %dma_wait3A_389 = tpu.memref_slice %arg6[%arg0, %multiple_of3A_356, %dma_wait3A_388] : memref<2x10000x64xf32, #tpu.memory_space<hbm>> -> memref<1x128x64xf32, #tpu.memory_space<hbm>>
        %dma_wait3A_390 = tpu.memref_squeeze %dma_wait3A_389 : memref<1x128x64xf32, #tpu.memory_space<hbm>> -> memref<128x64xf32, #tpu.memory_space<hbm>>
        %dma_wait3A_391 = arith.constant 0 : i32
        %dma_wait3A_392 = tpu.memref_slice %arg6[%arg0, %multiple_of3A_356, %dma_wait3A_391] : memref<2x10000x64xf32, #tpu.memory_space<hbm>> -> memref<1x128x64xf32, #tpu.memory_space<hbm>>
        %dma_wait3A_393 = tpu.memref_squeeze %dma_wait3A_392 : memref<1x128x64xf32, #tpu.memory_space<hbm>> -> memref<128x64xf32, #tpu.memory_space<hbm>>
        %dma_wait3A_394 = arith.constant 0 : i32
        %dma_wait3A_395 = arith.constant 0 : i32
        %dma_wait3A_396 = tpu.memref_slice %arg10[%run_scoped3A_358, %dma_wait3A_394, %dma_wait3A_395] : memref<4x128x64xf32, #tpu.memory_space<vmem>> -> memref<1x128x64xf32, #tpu.memory_space<vmem>>
        %dma_wait3A_397 = tpu.memref_squeeze %dma_wait3A_396 : memref<1x128x64xf32, #tpu.memory_space<vmem>> -> memref<128x64xf32, #tpu.memory_space<vmem>>
        tpu.wait_dma2 semaphore(%run_scoped3A_369 : memref<!tpu.dma_semaphore, #tpu.memory_space<semaphore_mem>>) src(%dma_wait3A_397 : memref<128x64xf32, #tpu.memory_space<vmem>>) dst(%dma_wait3A_393 : memref<128x64xf32, #tpu.memory_space<hbm>>)
        tpu.yield
      }) : () -> ()
      %add3A_359 = arith.constant 384 : i32
      %add3A_360 = arith.addi %multiple_of3A, %add3A_359 : i32
      %multiple_of3A_361 = tpu.assume_multiple %add3A_360, 8 : i32
      %run_scoped3A_362 = arith.constant 0 : i32
      "tpu.region"() ({
        %run_scoped3A_369 = tpu.sem_alloc : memref<!tpu.dma_semaphore, #tpu.memory_space<semaphore_mem>>
        %dma_start3A_370 = arith.constant 0 : i32
        %dma_start3A_371 = arith.constant 0 : i32
        %dma_start3A_372 = tpu.memref_slice %arg10[%run_scoped3A_362, %dma_start3A_370, %dma_start3A_371] : memref<4x128x64xf32, #tpu.memory_space<vmem>> -> memref<1x128x64xf32, #tpu.memory_space<vmem>>
        %dma_start3A_373 = tpu.memref_squeeze %dma_start3A_372 : memref<1x128x64xf32, #tpu.memory_space<vmem>> -> memref<128x64xf32, #tpu.memory_space<vmem>>
        %dma_start3A_374 = arith.constant 0 : i32
        %dma_start3A_375 = tpu.memref_slice %arg12[%multiple_of3A_361, %dma_start3A_374] : memref<10000x64xf32, #tpu.memory_space<vmem_shared>> -> memref<128x64xf32, #tpu.memory_space<vmem_shared>>
        %dma_start3A_376 = arith.constant 0 : i32
        %dma_start3A_377 = arith.constant 0 : i32
        %dma_start3A_378 = tpu.memref_slice %arg10[%run_scoped3A_362, %dma_start3A_376, %dma_start3A_377] : memref<4x128x64xf32, #tpu.memory_space<vmem>> -> memref<1x128x64xf32, #tpu.memory_space<vmem>>
        %dma_start3A_379 = tpu.memref_squeeze %dma_start3A_378 : memref<1x128x64xf32, #tpu.memory_space<vmem>> -> memref<128x64xf32, #tpu.memory_space<vmem>>
        %dma_start3A_380 = arith.constant 0 : i32
        %dma_start3A_381 = tpu.memref_slice %arg12[%multiple_of3A_361, %dma_start3A_380] : memref<10000x64xf32, #tpu.memory_space<vmem_shared>> -> memref<128x64xf32, #tpu.memory_space<vmem_shared>>
        tpu.enqueue_dma source(%dma_start3A_381 : memref<128x64xf32, #tpu.memory_space<vmem_shared>>) target(%dma_start3A_379 : memref<128x64xf32, #tpu.memory_space<vmem>>) target_semaphore(%run_scoped3A_369 : memref<!tpu.dma_semaphore, #tpu.memory_space<semaphore_mem>>)
        %dma_wait3A_382 = arith.constant 0 : i32
        %dma_wait3A_383 = arith.constant 0 : i32
        %dma_wait3A_384 = tpu.memref_slice %arg10[%run_scoped3A_362, %dma_wait3A_382, %dma_wait3A_383] : memref<4x128x64xf32, #tpu.memory_space<vmem>> -> memref<1x128x64xf32, #tpu.memory_space<vmem>>
        %dma_wait3A_385 = tpu.memref_squeeze %dma_wait3A_384 : memref<1x128x64xf32, #tpu.memory_space<vmem>> -> memref<128x64xf32, #tpu.memory_space<vmem>>
        %dma_wait3A_386 = arith.constant 0 : i32
        %dma_wait3A_387 = tpu.memref_slice %arg12[%multiple_of3A_361, %dma_wait3A_386] : memref<10000x64xf32, #tpu.memory_space<vmem_shared>> -> memref<128x64xf32, #tpu.memory_space<vmem_shared>>
        %dma_wait3A_388 = arith.constant 0 : i32
        %dma_wait3A_389 = arith.constant 0 : i32
        %dma_wait3A_390 = tpu.memref_slice %arg10[%run_scoped3A_362, %dma_wait3A_388, %dma_wait3A_389] : memref<4x128x64xf32, #tpu.memory_space<vmem>> -> memref<1x128x64xf32, #tpu.memory_space<vmem>>
        %dma_wait3A_391 = tpu.memref_squeeze %dma_wait3A_390 : memref<1x128x64xf32, #tpu.memory_space<vmem>> -> memref<128x64xf32, #tpu.memory_space<vmem>>
        %dma_wait3A_392 = arith.constant 0 : i32
        %dma_wait3A_393 = tpu.memref_slice %arg12[%multiple_of3A_361, %dma_wait3A_392] : memref<10000x64xf32, #tpu.memory_space<vmem_shared>> -> memref<128x64xf32, #tpu.memory_space<vmem_shared>>
        tpu.wait_dma2 semaphore(%run_scoped3A_369 : memref<!tpu.dma_semaphore, #tpu.memory_space<semaphore_mem>>) src(%dma_wait3A_393 : memref<128x64xf32, #tpu.memory_space<vmem_shared>>) dst(%dma_wait3A_391 : memref<128x64xf32, #tpu.memory_space<vmem>>)
        tpu.yield
      }) : () -> ()
      %run_scoped3A_363 = arith.constant 0 : i32
      "tpu.region"() ({
        %run_scoped3A_369 = tpu.sem_alloc : memref<!tpu.dma_semaphore, #tpu.memory_space<semaphore_mem>>
        %dma_start3A_370 = arith.constant 0 : i32
        %dma_start3A_371 = arith.constant 0 : i32
        %dma_start3A_372 = tpu.memref_slice %arg10[%run_scoped3A_363, %dma_start3A_370, %dma_start3A_371] : memref<4x128x64xf32, #tpu.memory_space<vmem>> -> memref<1x128x64xf32, #tpu.memory_space<vmem>>
        %dma_start3A_373 = tpu.memref_squeeze %dma_start3A_372 : memref<1x128x64xf32, #tpu.memory_space<vmem>> -> memref<128x64xf32, #tpu.memory_space<vmem>>
        %dma_start3A_374 = arith.constant 0 : i32
        %dma_start3A_375 = tpu.memref_slice %arg6[%arg0, %multiple_of3A_361, %dma_start3A_374] : memref<2x10000x64xf32, #tpu.memory_space<hbm>> -> memref<1x128x64xf32, #tpu.memory_space<hbm>>
        %dma_start3A_376 = tpu.memref_squeeze %dma_start3A_375 : memref<1x128x64xf32, #tpu.memory_space<hbm>> -> memref<128x64xf32, #tpu.memory_space<hbm>>
        %dma_start3A_377 = arith.constant 0 : i32
        %dma_start3A_378 = tpu.memref_slice %arg6[%arg0, %multiple_of3A_361, %dma_start3A_377] : memref<2x10000x64xf32, #tpu.memory_space<hbm>> -> memref<1x128x64xf32, #tpu.memory_space<hbm>>
        %dma_start3A_379 = tpu.memref_squeeze %dma_start3A_378 : memref<1x128x64xf32, #tpu.memory_space<hbm>> -> memref<128x64xf32, #tpu.memory_space<hbm>>
        %dma_start3A_380 = arith.constant 0 : i32
        %dma_start3A_381 = arith.constant 0 : i32
        %dma_start3A_382 = tpu.memref_slice %arg10[%run_scoped3A_363, %dma_start3A_380, %dma_start3A_381] : memref<4x128x64xf32, #tpu.memory_space<vmem>> -> memref<1x128x64xf32, #tpu.memory_space<vmem>>
        %dma_start3A_383 = tpu.memref_squeeze %dma_start3A_382 : memref<1x128x64xf32, #tpu.memory_space<vmem>> -> memref<128x64xf32, #tpu.memory_space<vmem>>
        tpu.enqueue_dma source(%dma_start3A_383 : memref<128x64xf32, #tpu.memory_space<vmem>>) target(%dma_start3A_379 : memref<128x64xf32, #tpu.memory_space<hbm>>) target_semaphore(%run_scoped3A_369 : memref<!tpu.dma_semaphore, #tpu.memory_space<semaphore_mem>>)
        %dma_wait3A_384 = arith.constant 0 : i32
        %dma_wait3A_385 = arith.constant 0 : i32
        %dma_wait3A_386 = tpu.memref_slice %arg10[%run_scoped3A_363, %dma_wait3A_384, %dma_wait3A_385] : memref<4x128x64xf32, #tpu.memory_space<vmem>> -> memref<1x128x64xf32, #tpu.memory_space<vmem>>
        %dma_wait3A_387 = tpu.memref_squeeze %dma_wait3A_386 : memref<1x128x64xf32, #tpu.memory_space<vmem>> -> memref<128x64xf32, #tpu.memory_space<vmem>>
        %dma_wait3A_388 = arith.constant 0 : i32
        %dma_wait3A_389 = tpu.memref_slice %arg6[%arg0, %multiple_of3A_361, %dma_wait3A_388] : memref<2x10000x64xf32, #tpu.memory_space<hbm>> -> memref<1x128x64xf32, #tpu.memory_space<hbm>>
        %dma_wait3A_390 = tpu.memref_squeeze %dma_wait3A_389 : memref<1x128x64xf32, #tpu.memory_space<hbm>> -> memref<128x64xf32, #tpu.memory_space<hbm>>
        %dma_wait3A_391 = arith.constant 0 : i32
        %dma_wait3A_392 = tpu.memref_slice %arg6[%arg0, %multiple_of3A_361, %dma_wait3A_391] : memref<2x10000x64xf32, #tpu.memory_space<hbm>> -> memref<1x128x64xf32, #tpu.memory_space<hbm>>
        %dma_wait3A_393 = tpu.memref_squeeze %dma_wait3A_392 : memref<1x128x64xf32, #tpu.memory_space<hbm>> -> memref<128x64xf32, #tpu.memory_space<hbm>>
        %dma_wait3A_394 = arith.constant 0 : i32
        %dma_wait3A_395 = arith.constant 0 : i32
        %dma_wait3A_396 = tpu.memref_slice %arg10[%run_scoped3A_363, %dma_wait3A_394, %dma_wait3A_395] : memref<4x128x64xf32, #tpu.memory_space<vmem>> -> memref<1x128x64xf32, #tpu.memory_space<vmem>>
        %dma_wait3A_397 = tpu.memref_squeeze %dma_wait3A_396 : memref<1x128x64xf32, #tpu.memory_space<vmem>> -> memref<128x64xf32, #tpu.memory_space<vmem>>
        tpu.wait_dma2 semaphore(%run_scoped3A_369 : memref<!tpu.dma_semaphore, #tpu.memory_space<semaphore_mem>>) src(%dma_wait3A_397 : memref<128x64xf32, #tpu.memory_space<vmem>>) dst(%dma_wait3A_393 : memref<128x64xf32, #tpu.memory_space<hbm>>)
        tpu.yield
      }) : () -> ()
      %add3A_364 = arith.constant 512 : i32
      %add3A_365 = arith.addi %multiple_of3A, %add3A_364 : i32
      %multiple_of3A_366 = tpu.assume_multiple %add3A_365, 8 : i32
      %run_scoped3A_367 = arith.constant 0 : i32
      "tpu.region"() ({
        %run_scoped3A_369 = tpu.sem_alloc : memref<!tpu.dma_semaphore, #tpu.memory_space<semaphore_mem>>
        %dma_start3A_370 = arith.constant 0 : i32
        %dma_start3A_371 = arith.constant 0 : i32
        %dma_start3A_372 = tpu.memref_slice %arg10[%run_scoped3A_367, %dma_start3A_370, %dma_start3A_371] : memref<4x128x64xf32, #tpu.memory_space<vmem>> -> memref<1x120x64xf32, #tpu.memory_space<vmem>>
        %dma_start3A_373 = tpu.memref_squeeze %dma_start3A_372 : memref<1x120x64xf32, #tpu.memory_space<vmem>> -> memref<120x64xf32, #tpu.memory_space<vmem>>
        %dma_start3A_374 = arith.constant 0 : i32
        %dma_start3A_375 = tpu.memref_slice %arg12[%multiple_of3A_366, %dma_start3A_374] : memref<10000x64xf32, #tpu.memory_space<vmem_shared>> -> memref<120x64xf32, #tpu.memory_space<vmem_shared>>
        %dma_start3A_376 = arith.constant 0 : i32
        %dma_start3A_377 = arith.constant 0 : i32
        %dma_start3A_378 = tpu.memref_slice %arg10[%run_scoped3A_367, %dma_start3A_376, %dma_start3A_377] : memref<4x128x64xf32, #tpu.memory_space<vmem>> -> memref<1x120x64xf32, #tpu.memory_space<vmem>>
        %dma_start3A_379 = tpu.memref_squeeze %dma_start3A_378 : memref<1x120x64xf32, #tpu.memory_space<vmem>> -> memref<120x64xf32, #tpu.memory_space<vmem>>
        %dma_start3A_380 = arith.constant 0 : i32
        %dma_start3A_381 = tpu.memref_slice %arg12[%multiple_of3A_366, %dma_start3A_380] : memref<10000x64xf32, #tpu.memory_space<vmem_shared>> -> memref<120x64xf32, #tpu.memory_space<vmem_shared>>
        tpu.enqueue_dma source(%dma_start3A_381 : memref<120x64xf32, #tpu.memory_space<vmem_shared>>) target(%dma_start3A_379 : memref<120x64xf32, #tpu.memory_space<vmem>>) target_semaphore(%run_scoped3A_369 : memref<!tpu.dma_semaphore, #tpu.memory_space<semaphore_mem>>)
        %dma_wait3A_382 = arith.constant 0 : i32
        %dma_wait3A_383 = arith.constant 0 : i32
        %dma_wait3A_384 = tpu.memref_slice %arg10[%run_scoped3A_367, %dma_wait3A_382, %dma_wait3A_383] : memref<4x128x64xf32, #tpu.memory_space<vmem>> -> memref<1x120x64xf32, #tpu.memory_space<vmem>>
        %dma_wait3A_385 = tpu.memref_squeeze %dma_wait3A_384 : memref<1x120x64xf32, #tpu.memory_space<vmem>> -> memref<120x64xf32, #tpu.memory_space<vmem>>
        %dma_wait3A_386 = arith.constant 0 : i32
        %dma_wait3A_387 = tpu.memref_slice %arg12[%multiple_of3A_366, %dma_wait3A_386] : memref<10000x64xf32, #tpu.memory_space<vmem_shared>> -> memref<120x64xf32, #tpu.memory_space<vmem_shared>>
        %dma_wait3A_388 = arith.constant 0 : i32
        %dma_wait3A_389 = arith.constant 0 : i32
        %dma_wait3A_390 = tpu.memref_slice %arg10[%run_scoped3A_367, %dma_wait3A_388, %dma_wait3A_389] : memref<4x128x64xf32, #tpu.memory_space<vmem>> -> memref<1x120x64xf32, #tpu.memory_space<vmem>>
        %dma_wait3A_391 = tpu.memref_squeeze %dma_wait3A_390 : memref<1x120x64xf32, #tpu.memory_space<vmem>> -> memref<120x64xf32, #tpu.memory_space<vmem>>
        %dma_wait3A_392 = arith.constant 0 : i32
        %dma_wait3A_393 = tpu.memref_slice %arg12[%multiple_of3A_366, %dma_wait3A_392] : memref<10000x64xf32, #tpu.memory_space<vmem_shared>> -> memref<120x64xf32, #tpu.memory_space<vmem_shared>>
        tpu.wait_dma2 semaphore(%run_scoped3A_369 : memref<!tpu.dma_semaphore, #tpu.memory_space<semaphore_mem>>) src(%dma_wait3A_393 : memref<120x64xf32, #tpu.memory_space<vmem_shared>>) dst(%dma_wait3A_391 : memref<120x64xf32, #tpu.memory_space<vmem>>)
        tpu.yield
      }) : () -> ()
      %run_scoped3A_368 = arith.constant 0 : i32
      "tpu.region"() ({
        %run_scoped3A_369 = tpu.sem_alloc : memref<!tpu.dma_semaphore, #tpu.memory_space<semaphore_mem>>
        %dma_start3A_370 = arith.constant 0 : i32
        %dma_start3A_371 = arith.constant 0 : i32
        %dma_start3A_372 = tpu.memref_slice %arg10[%run_scoped3A_368, %dma_start3A_370, %dma_start3A_371] : memref<4x128x64xf32, #tpu.memory_space<vmem>> -> memref<1x120x64xf32, #tpu.memory_space<vmem>>
        %dma_start3A_373 = tpu.memref_squeeze %dma_start3A_372 : memref<1x120x64xf32, #tpu.memory_space<vmem>> -> memref<120x64xf32, #tpu.memory_space<vmem>>
        %dma_start3A_374 = arith.constant 0 : i32
        %dma_start3A_375 = tpu.memref_slice %arg6[%arg0, %multiple_of3A_366, %dma_start3A_374] : memref<2x10000x64xf32, #tpu.memory_space<hbm>> -> memref<1x120x64xf32, #tpu.memory_space<hbm>>
        %dma_start3A_376 = tpu.memref_squeeze %dma_start3A_375 : memref<1x120x64xf32, #tpu.memory_space<hbm>> -> memref<120x64xf32, #tpu.memory_space<hbm>>
        %dma_start3A_377 = arith.constant 0 : i32
        %dma_start3A_378 = tpu.memref_slice %arg6[%arg0, %multiple_of3A_366, %dma_start3A_377] : memref<2x10000x64xf32, #tpu.memory_space<hbm>> -> memref<1x120x64xf32, #tpu.memory_space<hbm>>
        %dma_start3A_379 = tpu.memref_squeeze %dma_start3A_378 : memref<1x120x64xf32, #tpu.memory_space<hbm>> -> memref<120x64xf32, #tpu.memory_space<hbm>>
        %dma_start3A_380 = arith.constant 0 : i32
        %dma_start3A_381 = arith.constant 0 : i32
        %dma_start3A_382 = tpu.memref_slice %arg10[%run_scoped3A_368, %dma_start3A_380, %dma_start3A_381] : memref<4x128x64xf32, #tpu.memory_space<vmem>> -> memref<1x120x64xf32, #tpu.memory_space<vmem>>
        %dma_start3A_383 = tpu.memref_squeeze %dma_start3A_382 : memref<1x120x64xf32, #tpu.memory_space<vmem>> -> memref<120x64xf32, #tpu.memory_space<vmem>>
        tpu.enqueue_dma source(%dma_start3A_383 : memref<120x64xf32, #tpu.memory_space<vmem>>) target(%dma_start3A_379 : memref<120x64xf32, #tpu.memory_space<hbm>>) target_semaphore(%run_scoped3A_369 : memref<!tpu.dma_semaphore, #tpu.memory_space<semaphore_mem>>)
        %dma_wait3A_384 = arith.constant 0 : i32
        %dma_wait3A_385 = arith.constant 0 : i32
        %dma_wait3A_386 = tpu.memref_slice %arg10[%run_scoped3A_368, %dma_wait3A_384, %dma_wait3A_385] : memref<4x128x64xf32, #tpu.memory_space<vmem>> -> memref<1x120x64xf32, #tpu.memory_space<vmem>>
        %dma_wait3A_387 = tpu.memref_squeeze %dma_wait3A_386 : memref<1x120x64xf32, #tpu.memory_space<vmem>> -> memref<120x64xf32, #tpu.memory_space<vmem>>
        %dma_wait3A_388 = arith.constant 0 : i32
        %dma_wait3A_389 = tpu.memref_slice %arg6[%arg0, %multiple_of3A_366, %dma_wait3A_388] : memref<2x10000x64xf32, #tpu.memory_space<hbm>> -> memref<1x120x64xf32, #tpu.memory_space<hbm>>
        %dma_wait3A_390 = tpu.memref_squeeze %dma_wait3A_389 : memref<1x120x64xf32, #tpu.memory_space<hbm>> -> memref<120x64xf32, #tpu.memory_space<hbm>>
        %dma_wait3A_391 = arith.constant 0 : i32
        %dma_wait3A_392 = tpu.memref_slice %arg6[%arg0, %multiple_of3A_366, %dma_wait3A_391] : memref<2x10000x64xf32, #tpu.memory_space<hbm>> -> memref<1x120x64xf32, #tpu.memory_space<hbm>>
        %dma_wait3A_393 = tpu.memref_squeeze %dma_wait3A_392 : memref<1x120x64xf32, #tpu.memory_space<hbm>> -> memref<120x64xf32, #tpu.memory_space<hbm>>
        %dma_wait3A_394 = arith.constant 0 : i32
        %dma_wait3A_395 = arith.constant 0 : i32
        %dma_wait3A_396 = tpu.memref_slice %arg10[%run_scoped3A_368, %dma_wait3A_394, %dma_wait3A_395] : memref<4x128x64xf32, #tpu.memory_space<vmem>> -> memref<1x120x64xf32, #tpu.memory_space<vmem>>
        %dma_wait3A_397 = tpu.memref_squeeze %dma_wait3A_396 : memref<1x120x64xf32, #tpu.memory_space<vmem>> -> memref<120x64xf32, #tpu.memory_space<vmem>>
        tpu.wait_dma2 semaphore(%run_scoped3A_369 : memref<!tpu.dma_semaphore, #tpu.memory_space<semaphore_mem>>) src(%dma_wait3A_397 : memref<120x64xf32, #tpu.memory_space<vmem>>) dst(%dma_wait3A_393 : memref<120x64xf32, #tpu.memory_space<hbm>>)
        tpu.yield
      }) : () -> ()
    } else {
    }
    %eq3A_340 = arith.constant 15 : i32
    %eq3A_341 = arith.cmpi eq, %arg1, %eq3A_340 : i32
    %convert_element_type3A_342 = arith.extui %eq3A_341 : i1 to i32
    %cond3A_343 = arith.constant 0 : i32
    %cond3A_344 = arith.cmpi ne, %convert_element_type3A_342, %cond3A_343 : i32
    scf.if %cond3A_344 {
      %add3A = arith.constant 0 : i32
      %add3A_345 = arith.addi %multiple_of3A, %add3A : i32
      %multiple_of3A_346 = tpu.assume_multiple %add3A_345, 8 : i32
      %run_scoped3A_347 = arith.constant 0 : i32
      "tpu.region"() ({
        %run_scoped3A_369 = tpu.sem_alloc : memref<!tpu.dma_semaphore, #tpu.memory_space<semaphore_mem>>
        %dma_start3A_370 = arith.constant 0 : i32
        %dma_start3A_371 = arith.constant 0 : i32
        %dma_start3A_372 = tpu.memref_slice %arg10[%run_scoped3A_347, %dma_start3A_370, %dma_start3A_371] : memref<4x128x64xf32, #tpu.memory_space<vmem>> -> memref<1x128x64xf32, #tpu.memory_space<vmem>>
        %dma_start3A_373 = tpu.memref_squeeze %dma_start3A_372 : memref<1x128x64xf32, #tpu.memory_space<vmem>> -> memref<128x64xf32, #tpu.memory_space<vmem>>
        %dma_start3A_374 = arith.constant 0 : i32
        %dma_start3A_375 = tpu.memref_slice %arg12[%multiple_of3A_346, %dma_start3A_374] : memref<10000x64xf32, #tpu.memory_space<vmem_shared>> -> memref<128x64xf32, #tpu.memory_space<vmem_shared>>
        %dma_start3A_376 = arith.constant 0 : i32
        %dma_start3A_377 = arith.constant 0 : i32
        %dma_start3A_378 = tpu.memref_slice %arg10[%run_scoped3A_347, %dma_start3A_376, %dma_start3A_377] : memref<4x128x64xf32, #tpu.memory_space<vmem>> -> memref<1x128x64xf32, #tpu.memory_space<vmem>>
        %dma_start3A_379 = tpu.memref_squeeze %dma_start3A_378 : memref<1x128x64xf32, #tpu.memory_space<vmem>> -> memref<128x64xf32, #tpu.memory_space<vmem>>
        %dma_start3A_380 = arith.constant 0 : i32
        %dma_start3A_381 = tpu.memref_slice %arg12[%multiple_of3A_346, %dma_start3A_380] : memref<10000x64xf32, #tpu.memory_space<vmem_shared>> -> memref<128x64xf32, #tpu.memory_space<vmem_shared>>
        tpu.enqueue_dma source(%dma_start3A_381 : memref<128x64xf32, #tpu.memory_space<vmem_shared>>) target(%dma_start3A_379 : memref<128x64xf32, #tpu.memory_space<vmem>>) target_semaphore(%run_scoped3A_369 : memref<!tpu.dma_semaphore, #tpu.memory_space<semaphore_mem>>)
        %dma_wait3A_382 = arith.constant 0 : i32
        %dma_wait3A_383 = arith.constant 0 : i32
        %dma_wait3A_384 = tpu.memref_slice %arg10[%run_scoped3A_347, %dma_wait3A_382, %dma_wait3A_383] : memref<4x128x64xf32, #tpu.memory_space<vmem>> -> memref<1x128x64xf32, #tpu.memory_space<vmem>>
        %dma_wait3A_385 = tpu.memref_squeeze %dma_wait3A_384 : memref<1x128x64xf32, #tpu.memory_space<vmem>> -> memref<128x64xf32, #tpu.memory_space<vmem>>
        %dma_wait3A_386 = arith.constant 0 : i32
        %dma_wait3A_387 = tpu.memref_slice %arg12[%multiple_of3A_346, %dma_wait3A_386] : memref<10000x64xf32, #tpu.memory_space<vmem_shared>> -> memref<128x64xf32, #tpu.memory_space<vmem_shared>>
        %dma_wait3A_388 = arith.constant 0 : i32
        %dma_wait3A_389 = arith.constant 0 : i32
        %dma_wait3A_390 = tpu.memref_slice %arg10[%run_scoped3A_347, %dma_wait3A_388, %dma_wait3A_389] : memref<4x128x64xf32, #tpu.memory_space<vmem>> -> memref<1x128x64xf32, #tpu.memory_space<vmem>>
        %dma_wait3A_391 = tpu.memref_squeeze %dma_wait3A_390 : memref<1x128x64xf32, #tpu.memory_space<vmem>> -> memref<128x64xf32, #tpu.memory_space<vmem>>
        %dma_wait3A_392 = arith.constant 0 : i32
        %dma_wait3A_393 = tpu.memref_slice %arg12[%multiple_of3A_346, %dma_wait3A_392] : memref<10000x64xf32, #tpu.memory_space<vmem_shared>> -> memref<128x64xf32, #tpu.memory_space<vmem_shared>>
        tpu.wait_dma2 semaphore(%run_scoped3A_369 : memref<!tpu.dma_semaphore, #tpu.memory_space<semaphore_mem>>) src(%dma_wait3A_393 : memref<128x64xf32, #tpu.memory_space<vmem_shared>>) dst(%dma_wait3A_391 : memref<128x64xf32, #tpu.memory_space<vmem>>)
        tpu.yield
      }) : () -> ()
      %run_scoped3A_348 = arith.constant 0 : i32
      "tpu.region"() ({
        %run_scoped3A_369 = tpu.sem_alloc : memref<!tpu.dma_semaphore, #tpu.memory_space<semaphore_mem>>
        %dma_start3A_370 = arith.constant 0 : i32
        %dma_start3A_371 = arith.constant 0 : i32
        %dma_start3A_372 = tpu.memref_slice %arg10[%run_scoped3A_348, %dma_start3A_370, %dma_start3A_371] : memref<4x128x64xf32, #tpu.memory_space<vmem>> -> memref<1x128x64xf32, #tpu.memory_space<vmem>>
        %dma_start3A_373 = tpu.memref_squeeze %dma_start3A_372 : memref<1x128x64xf32, #tpu.memory_space<vmem>> -> memref<128x64xf32, #tpu.memory_space<vmem>>
        %dma_start3A_374 = arith.constant 0 : i32
        %dma_start3A_375 = tpu.memref_slice %arg6[%arg0, %multiple_of3A_346, %dma_start3A_374] : memref<2x10000x64xf32, #tpu.memory_space<hbm>> -> memref<1x128x64xf32, #tpu.memory_space<hbm>>
        %dma_start3A_376 = tpu.memref_squeeze %dma_start3A_375 : memref<1x128x64xf32, #tpu.memory_space<hbm>> -> memref<128x64xf32, #tpu.memory_space<hbm>>
        %dma_start3A_377 = arith.constant 0 : i32
        %dma_start3A_378 = tpu.memref_slice %arg6[%arg0, %multiple_of3A_346, %dma_start3A_377] : memref<2x10000x64xf32, #tpu.memory_space<hbm>> -> memref<1x128x64xf32, #tpu.memory_space<hbm>>
        %dma_start3A_379 = tpu.memref_squeeze %dma_start3A_378 : memref<1x128x64xf32, #tpu.memory_space<hbm>> -> memref<128x64xf32, #tpu.memory_space<hbm>>
        %dma_start3A_380 = arith.constant 0 : i32
        %dma_start3A_381 = arith.constant 0 : i32
        %dma_start3A_382 = tpu.memref_slice %arg10[%run_scoped3A_348, %dma_start3A_380, %dma_start3A_381] : memref<4x128x64xf32, #tpu.memory_space<vmem>> -> memref<1x128x64xf32, #tpu.memory_space<vmem>>
        %dma_start3A_383 = tpu.memref_squeeze %dma_start3A_382 : memref<1x128x64xf32, #tpu.memory_space<vmem>> -> memref<128x64xf32, #tpu.memory_space<vmem>>
        tpu.enqueue_dma source(%dma_start3A_383 : memref<128x64xf32, #tpu.memory_space<vmem>>) target(%dma_start3A_379 : memref<128x64xf32, #tpu.memory_space<hbm>>) target_semaphore(%run_scoped3A_369 : memref<!tpu.dma_semaphore, #tpu.memory_space<semaphore_mem>>)
        %dma_wait3A_384 = arith.constant 0 : i32
        %dma_wait3A_385 = arith.constant 0 : i32
        %dma_wait3A_386 = tpu.memref_slice %arg10[%run_scoped3A_348, %dma_wait3A_384, %dma_wait3A_385] : memref<4x128x64xf32, #tpu.memory_space<vmem>> -> memref<1x128x64xf32, #tpu.memory_space<vmem>>
        %dma_wait3A_387 = tpu.memref_squeeze %dma_wait3A_386 : memref<1x128x64xf32, #tpu.memory_space<vmem>> -> memref<128x64xf32, #tpu.memory_space<vmem>>
        %dma_wait3A_388 = arith.constant 0 : i32
        %dma_wait3A_389 = tpu.memref_slice %arg6[%arg0, %multiple_of3A_346, %dma_wait3A_388] : memref<2x10000x64xf32, #tpu.memory_space<hbm>> -> memref<1x128x64xf32, #tpu.memory_space<hbm>>
        %dma_wait3A_390 = tpu.memref_squeeze %dma_wait3A_389 : memref<1x128x64xf32, #tpu.memory_space<hbm>> -> memref<128x64xf32, #tpu.memory_space<hbm>>
        %dma_wait3A_391 = arith.constant 0 : i32
        %dma_wait3A_392 = tpu.memref_slice %arg6[%arg0, %multiple_of3A_346, %dma_wait3A_391] : memref<2x10000x64xf32, #tpu.memory_space<hbm>> -> memref<1x128x64xf32, #tpu.memory_space<hbm>>
        %dma_wait3A_393 = tpu.memref_squeeze %dma_wait3A_392 : memref<1x128x64xf32, #tpu.memory_space<hbm>> -> memref<128x64xf32, #tpu.memory_space<hbm>>
        %dma_wait3A_394 = arith.constant 0 : i32
        %dma_wait3A_395 = arith.constant 0 : i32
        %dma_wait3A_396 = tpu.memref_slice %arg10[%run_scoped3A_348, %dma_wait3A_394, %dma_wait3A_395] : memref<4x128x64xf32, #tpu.memory_space<vmem>> -> memref<1x128x64xf32, #tpu.memory_space<vmem>>
        %dma_wait3A_397 = tpu.memref_squeeze %dma_wait3A_396 : memref<1x128x64xf32, #tpu.memory_space<vmem>> -> memref<128x64xf32, #tpu.memory_space<vmem>>
        tpu.wait_dma2 semaphore(%run_scoped3A_369 : memref<!tpu.dma_semaphore, #tpu.memory_space<semaphore_mem>>) src(%dma_wait3A_397 : memref<128x64xf32, #tpu.memory_space<vmem>>) dst(%dma_wait3A_393 : memref<128x64xf32, #tpu.memory_space<hbm>>)
        tpu.yield
      }) : () -> ()
      %add3A_349 = arith.constant 128 : i32
      %add3A_350 = arith.addi %multiple_of3A, %add3A_349 : i32
      %multiple_of3A_351 = tpu.assume_multiple %add3A_350, 8 : i32
      %run_scoped3A_352 = arith.constant 0 : i32
      "tpu.region"() ({
        %run_scoped3A_369 = tpu.sem_alloc : memref<!tpu.dma_semaphore, #tpu.memory_space<semaphore_mem>>
        %dma_start3A_370 = arith.constant 0 : i32
        %dma_start3A_371 = arith.constant 0 : i32
        %dma_start3A_372 = tpu.memref_slice %arg10[%run_scoped3A_352, %dma_start3A_370, %dma_start3A_371] : memref<4x128x64xf32, #tpu.memory_space<vmem>> -> memref<1x128x64xf32, #tpu.memory_space<vmem>>
        %dma_start3A_373 = tpu.memref_squeeze %dma_start3A_372 : memref<1x128x64xf32, #tpu.memory_space<vmem>> -> memref<128x64xf32, #tpu.memory_space<vmem>>
        %dma_start3A_374 = arith.constant 0 : i32
        %dma_start3A_375 = tpu.memref_slice %arg12[%multiple_of3A_351, %dma_start3A_374] : memref<10000x64xf32, #tpu.memory_space<vmem_shared>> -> memref<128x64xf32, #tpu.memory_space<vmem_shared>>
        %dma_start3A_376 = arith.constant 0 : i32
        %dma_start3A_377 = arith.constant 0 : i32
        %dma_start3A_378 = tpu.memref_slice %arg10[%run_scoped3A_352, %dma_start3A_376, %dma_start3A_377] : memref<4x128x64xf32, #tpu.memory_space<vmem>> -> memref<1x128x64xf32, #tpu.memory_space<vmem>>
        %dma_start3A_379 = tpu.memref_squeeze %dma_start3A_378 : memref<1x128x64xf32, #tpu.memory_space<vmem>> -> memref<128x64xf32, #tpu.memory_space<vmem>>
        %dma_start3A_380 = arith.constant 0 : i32
        %dma_start3A_381 = tpu.memref_slice %arg12[%multiple_of3A_351, %dma_start3A_380] : memref<10000x64xf32, #tpu.memory_space<vmem_shared>> -> memref<128x64xf32, #tpu.memory_space<vmem_shared>>
        tpu.enqueue_dma source(%dma_start3A_381 : memref<128x64xf32, #tpu.memory_space<vmem_shared>>) target(%dma_start3A_379 : memref<128x64xf32, #tpu.memory_space<vmem>>) target_semaphore(%run_scoped3A_369 : memref<!tpu.dma_semaphore, #tpu.memory_space<semaphore_mem>>)
        %dma_wait3A_382 = arith.constant 0 : i32
        %dma_wait3A_383 = arith.constant 0 : i32
        %dma_wait3A_384 = tpu.memref_slice %arg10[%run_scoped3A_352, %dma_wait3A_382, %dma_wait3A_383] : memref<4x128x64xf32, #tpu.memory_space<vmem>> -> memref<1x128x64xf32, #tpu.memory_space<vmem>>
        %dma_wait3A_385 = tpu.memref_squeeze %dma_wait3A_384 : memref<1x128x64xf32, #tpu.memory_space<vmem>> -> memref<128x64xf32, #tpu.memory_space<vmem>>
        %dma_wait3A_386 = arith.constant 0 : i32
        %dma_wait3A_387 = tpu.memref_slice %arg12[%multiple_of3A_351, %dma_wait3A_386] : memref<10000x64xf32, #tpu.memory_space<vmem_shared>> -> memref<128x64xf32, #tpu.memory_space<vmem_shared>>
        %dma_wait3A_388 = arith.constant 0 : i32
        %dma_wait3A_389 = arith.constant 0 : i32
        %dma_wait3A_390 = tpu.memref_slice %arg10[%run_scoped3A_352, %dma_wait3A_388, %dma_wait3A_389] : memref<4x128x64xf32, #tpu.memory_space<vmem>> -> memref<1x128x64xf32, #tpu.memory_space<vmem>>
        %dma_wait3A_391 = tpu.memref_squeeze %dma_wait3A_390 : memref<1x128x64xf32, #tpu.memory_space<vmem>> -> memref<128x64xf32, #tpu.memory_space<vmem>>
        %dma_wait3A_392 = arith.constant 0 : i32
        %dma_wait3A_393 = tpu.memref_slice %arg12[%multiple_of3A_351, %dma_wait3A_392] : memref<10000x64xf32, #tpu.memory_space<vmem_shared>> -> memref<128x64xf32, #tpu.memory_space<vmem_shared>>
        tpu.wait_dma2 semaphore(%run_scoped3A_369 : memref<!tpu.dma_semaphore, #tpu.memory_space<semaphore_mem>>) src(%dma_wait3A_393 : memref<128x64xf32, #tpu.memory_space<vmem_shared>>) dst(%dma_wait3A_391 : memref<128x64xf32, #tpu.memory_space<vmem>>)
        tpu.yield
      }) : () -> ()
      %run_scoped3A_353 = arith.constant 0 : i32
      "tpu.region"() ({
        %run_scoped3A_369 = tpu.sem_alloc : memref<!tpu.dma_semaphore, #tpu.memory_space<semaphore_mem>>
        %dma_start3A_370 = arith.constant 0 : i32
        %dma_start3A_371 = arith.constant 0 : i32
        %dma_start3A_372 = tpu.memref_slice %arg10[%run_scoped3A_353, %dma_start3A_370, %dma_start3A_371] : memref<4x128x64xf32, #tpu.memory_space<vmem>> -> memref<1x128x64xf32, #tpu.memory_space<vmem>>
        %dma_start3A_373 = tpu.memref_squeeze %dma_start3A_372 : memref<1x128x64xf32, #tpu.memory_space<vmem>> -> memref<128x64xf32, #tpu.memory_space<vmem>>
        %dma_start3A_374 = arith.constant 0 : i32
        %dma_start3A_375 = tpu.memref_slice %arg6[%arg0, %multiple_of3A_351, %dma_start3A_374] : memref<2x10000x64xf32, #tpu.memory_space<hbm>> -> memref<1x128x64xf32, #tpu.memory_space<hbm>>
        %dma_start3A_376 = tpu.memref_squeeze %dma_start3A_375 : memref<1x128x64xf32, #tpu.memory_space<hbm>> -> memref<128x64xf32, #tpu.memory_space<hbm>>
        %dma_start3A_377 = arith.constant 0 : i32
        %dma_start3A_378 = tpu.memref_slice %arg6[%arg0, %multiple_of3A_351, %dma_start3A_377] : memref<2x10000x64xf32, #tpu.memory_space<hbm>> -> memref<1x128x64xf32, #tpu.memory_space<hbm>>
        %dma_start3A_379 = tpu.memref_squeeze %dma_start3A_378 : memref<1x128x64xf32, #tpu.memory_space<hbm>> -> memref<128x64xf32, #tpu.memory_space<hbm>>
        %dma_start3A_380 = arith.constant 0 : i32
        %dma_start3A_381 = arith.constant 0 : i32
        %dma_start3A_382 = tpu.memref_slice %arg10[%run_scoped3A_353, %dma_start3A_380, %dma_start3A_381] : memref<4x128x64xf32, #tpu.memory_space<vmem>> -> memref<1x128x64xf32, #tpu.memory_space<vmem>>
        %dma_start3A_383 = tpu.memref_squeeze %dma_start3A_382 : memref<1x128x64xf32, #tpu.memory_space<vmem>> -> memref<128x64xf32, #tpu.memory_space<vmem>>
        tpu.enqueue_dma source(%dma_start3A_383 : memref<128x64xf32, #tpu.memory_space<vmem>>) target(%dma_start3A_379 : memref<128x64xf32, #tpu.memory_space<hbm>>) target_semaphore(%run_scoped3A_369 : memref<!tpu.dma_semaphore, #tpu.memory_space<semaphore_mem>>)
        %dma_wait3A_384 = arith.constant 0 : i32
        %dma_wait3A_385 = arith.constant 0 : i32
        %dma_wait3A_386 = tpu.memref_slice %arg10[%run_scoped3A_353, %dma_wait3A_384, %dma_wait3A_385] : memref<4x128x64xf32, #tpu.memory_space<vmem>> -> memref<1x128x64xf32, #tpu.memory_space<vmem>>
        %dma_wait3A_387 = tpu.memref_squeeze %dma_wait3A_386 : memref<1x128x64xf32, #tpu.memory_space<vmem>> -> memref<128x64xf32, #tpu.memory_space<vmem>>
        %dma_wait3A_388 = arith.constant 0 : i32
        %dma_wait3A_389 = tpu.memref_slice %arg6[%arg0, %multiple_of3A_351, %dma_wait3A_388] : memref<2x10000x64xf32, #tpu.memory_space<hbm>> -> memref<1x128x64xf32, #tpu.memory_space<hbm>>
        %dma_wait3A_390 = tpu.memref_squeeze %dma_wait3A_389 : memref<1x128x64xf32, #tpu.memory_space<hbm>> -> memref<128x64xf32, #tpu.memory_space<hbm>>
        %dma_wait3A_391 = arith.constant 0 : i32
        %dma_wait3A_392 = tpu.memref_slice %arg6[%arg0, %multiple_of3A_351, %dma_wait3A_391] : memref<2x10000x64xf32, #tpu.memory_space<hbm>> -> memref<1x128x64xf32, #tpu.memory_space<hbm>>
        %dma_wait3A_393 = tpu.memref_squeeze %dma_wait3A_392 : memref<1x128x64xf32, #tpu.memory_space<hbm>> -> memref<128x64xf32, #tpu.memory_space<hbm>>
        %dma_wait3A_394 = arith.constant 0 : i32
        %dma_wait3A_395 = arith.constant 0 : i32
        %dma_wait3A_396 = tpu.memref_slice %arg10[%run_scoped3A_353, %dma_wait3A_394, %dma_wait3A_395] : memref<4x128x64xf32, #tpu.memory_space<vmem>> -> memref<1x128x64xf32, #tpu.memory_space<vmem>>
        %dma_wait3A_397 = tpu.memref_squeeze %dma_wait3A_396 : memref<1x128x64xf32, #tpu.memory_space<vmem>> -> memref<128x64xf32, #tpu.memory_space<vmem>>
        tpu.wait_dma2 semaphore(%run_scoped3A_369 : memref<!tpu.dma_semaphore, #tpu.memory_space<semaphore_mem>>) src(%dma_wait3A_397 : memref<128x64xf32, #tpu.memory_space<vmem>>) dst(%dma_wait3A_393 : memref<128x64xf32, #tpu.memory_space<hbm>>)
        tpu.yield
      }) : () -> ()
      %add3A_354 = arith.constant 256 : i32
      %add3A_355 = arith.addi %multiple_of3A, %add3A_354 : i32
      %multiple_of3A_356 = tpu.assume_multiple %add3A_355, 8 : i32
      %run_scoped3A_357 = arith.constant 0 : i32
      "tpu.region"() ({
        %run_scoped3A_369 = tpu.sem_alloc : memref<!tpu.dma_semaphore, #tpu.memory_space<semaphore_mem>>
        %dma_start3A_370 = arith.constant 0 : i32
        %dma_start3A_371 = arith.constant 0 : i32
        %dma_start3A_372 = tpu.memref_slice %arg10[%run_scoped3A_357, %dma_start3A_370, %dma_start3A_371] : memref<4x128x64xf32, #tpu.memory_space<vmem>> -> memref<1x128x64xf32, #tpu.memory_space<vmem>>
        %dma_start3A_373 = tpu.memref_squeeze %dma_start3A_372 : memref<1x128x64xf32, #tpu.memory_space<vmem>> -> memref<128x64xf32, #tpu.memory_space<vmem>>
        %dma_start3A_374 = arith.constant 0 : i32
        %dma_start3A_375 = tpu.memref_slice %arg12[%multiple_of3A_356, %dma_start3A_374] : memref<10000x64xf32, #tpu.memory_space<vmem_shared>> -> memref<128x64xf32, #tpu.memory_space<vmem_shared>>
        %dma_start3A_376 = arith.constant 0 : i32
        %dma_start3A_377 = arith.constant 0 : i32
        %dma_start3A_378 = tpu.memref_slice %arg10[%run_scoped3A_357, %dma_start3A_376, %dma_start3A_377] : memref<4x128x64xf32, #tpu.memory_space<vmem>> -> memref<1x128x64xf32, #tpu.memory_space<vmem>>
        %dma_start3A_379 = tpu.memref_squeeze %dma_start3A_378 : memref<1x128x64xf32, #tpu.memory_space<vmem>> -> memref<128x64xf32, #tpu.memory_space<vmem>>
        %dma_start3A_380 = arith.constant 0 : i32
        %dma_start3A_381 = tpu.memref_slice %arg12[%multiple_of3A_356, %dma_start3A_380] : memref<10000x64xf32, #tpu.memory_space<vmem_shared>> -> memref<128x64xf32, #tpu.memory_space<vmem_shared>>
        tpu.enqueue_dma source(%dma_start3A_381 : memref<128x64xf32, #tpu.memory_space<vmem_shared>>) target(%dma_start3A_379 : memref<128x64xf32, #tpu.memory_space<vmem>>) target_semaphore(%run_scoped3A_369 : memref<!tpu.dma_semaphore, #tpu.memory_space<semaphore_mem>>)
        %dma_wait3A_382 = arith.constant 0 : i32
        %dma_wait3A_383 = arith.constant 0 : i32
        %dma_wait3A_384 = tpu.memref_slice %arg10[%run_scoped3A_357, %dma_wait3A_382, %dma_wait3A_383] : memref<4x128x64xf32, #tpu.memory_space<vmem>> -> memref<1x128x64xf32, #tpu.memory_space<vmem>>
        %dma_wait3A_385 = tpu.memref_squeeze %dma_wait3A_384 : memref<1x128x64xf32, #tpu.memory_space<vmem>> -> memref<128x64xf32, #tpu.memory_space<vmem>>
        %dma_wait3A_386 = arith.constant 0 : i32
        %dma_wait3A_387 = tpu.memref_slice %arg12[%multiple_of3A_356, %dma_wait3A_386] : memref<10000x64xf32, #tpu.memory_space<vmem_shared>> -> memref<128x64xf32, #tpu.memory_space<vmem_shared>>
        %dma_wait3A_388 = arith.constant 0 : i32
        %dma_wait3A_389 = arith.constant 0 : i32
        %dma_wait3A_390 = tpu.memref_slice %arg10[%run_scoped3A_357, %dma_wait3A_388, %dma_wait3A_389] : memref<4x128x64xf32, #tpu.memory_space<vmem>> -> memref<1x128x64xf32, #tpu.memory_space<vmem>>
        %dma_wait3A_391 = tpu.memref_squeeze %dma_wait3A_390 : memref<1x128x64xf32, #tpu.memory_space<vmem>> -> memref<128x64xf32, #tpu.memory_space<vmem>>
        %dma_wait3A_392 = arith.constant 0 : i32
        %dma_wait3A_393 = tpu.memref_slice %arg12[%multiple_of3A_356, %dma_wait3A_392] : memref<10000x64xf32, #tpu.memory_space<vmem_shared>> -> memref<128x64xf32, #tpu.memory_space<vmem_shared>>
        tpu.wait_dma2 semaphore(%run_scoped3A_369 : memref<!tpu.dma_semaphore, #tpu.memory_space<semaphore_mem>>) src(%dma_wait3A_393 : memref<128x64xf32, #tpu.memory_space<vmem_shared>>) dst(%dma_wait3A_391 : memref<128x64xf32, #tpu.memory_space<vmem>>)
        tpu.yield
      }) : () -> ()
      %run_scoped3A_358 = arith.constant 0 : i32
      "tpu.region"() ({
        %run_scoped3A_369 = tpu.sem_alloc : memref<!tpu.dma_semaphore, #tpu.memory_space<semaphore_mem>>
        %dma_start3A_370 = arith.constant 0 : i32
        %dma_start3A_371 = arith.constant 0 : i32
        %dma_start3A_372 = tpu.memref_slice %arg10[%run_scoped3A_358, %dma_start3A_370, %dma_start3A_371] : memref<4x128x64xf32, #tpu.memory_space<vmem>> -> memref<1x128x64xf32, #tpu.memory_space<vmem>>
        %dma_start3A_373 = tpu.memref_squeeze %dma_start3A_372 : memref<1x128x64xf32, #tpu.memory_space<vmem>> -> memref<128x64xf32, #tpu.memory_space<vmem>>
        %dma_start3A_374 = arith.constant 0 : i32
        %dma_start3A_375 = tpu.memref_slice %arg6[%arg0, %multiple_of3A_356, %dma_start3A_374] : memref<2x10000x64xf32, #tpu.memory_space<hbm>> -> memref<1x128x64xf32, #tpu.memory_space<hbm>>
        %dma_start3A_376 = tpu.memref_squeeze %dma_start3A_375 : memref<1x128x64xf32, #tpu.memory_space<hbm>> -> memref<128x64xf32, #tpu.memory_space<hbm>>
        %dma_start3A_377 = arith.constant 0 : i32
        %dma_start3A_378 = tpu.memref_slice %arg6[%arg0, %multiple_of3A_356, %dma_start3A_377] : memref<2x10000x64xf32, #tpu.memory_space<hbm>> -> memref<1x128x64xf32, #tpu.memory_space<hbm>>
        %dma_start3A_379 = tpu.memref_squeeze %dma_start3A_378 : memref<1x128x64xf32, #tpu.memory_space<hbm>> -> memref<128x64xf32, #tpu.memory_space<hbm>>
        %dma_start3A_380 = arith.constant 0 : i32
        %dma_start3A_381 = arith.constant 0 : i32
        %dma_start3A_382 = tpu.memref_slice %arg10[%run_scoped3A_358, %dma_start3A_380, %dma_start3A_381] : memref<4x128x64xf32, #tpu.memory_space<vmem>> -> memref<1x128x64xf32, #tpu.memory_space<vmem>>
        %dma_start3A_383 = tpu.memref_squeeze %dma_start3A_382 : memref<1x128x64xf32, #tpu.memory_space<vmem>> -> memref<128x64xf32, #tpu.memory_space<vmem>>
        tpu.enqueue_dma source(%dma_start3A_383 : memref<128x64xf32, #tpu.memory_space<vmem>>) target(%dma_start3A_379 : memref<128x64xf32, #tpu.memory_space<hbm>>) target_semaphore(%run_scoped3A_369 : memref<!tpu.dma_semaphore, #tpu.memory_space<semaphore_mem>>)
        %dma_wait3A_384 = arith.constant 0 : i32
        %dma_wait3A_385 = arith.constant 0 : i32
        %dma_wait3A_386 = tpu.memref_slice %arg10[%run_scoped3A_358, %dma_wait3A_384, %dma_wait3A_385] : memref<4x128x64xf32, #tpu.memory_space<vmem>> -> memref<1x128x64xf32, #tpu.memory_space<vmem>>
        %dma_wait3A_387 = tpu.memref_squeeze %dma_wait3A_386 : memref<1x128x64xf32, #tpu.memory_space<vmem>> -> memref<128x64xf32, #tpu.memory_space<vmem>>
        %dma_wait3A_388 = arith.constant 0 : i32
        %dma_wait3A_389 = tpu.memref_slice %arg6[%arg0, %multiple_of3A_356, %dma_wait3A_388] : memref<2x10000x64xf32, #tpu.memory_space<hbm>> -> memref<1x128x64xf32, #tpu.memory_space<hbm>>
        %dma_wait3A_390 = tpu.memref_squeeze %dma_wait3A_389 : memref<1x128x64xf32, #tpu.memory_space<hbm>> -> memref<128x64xf32, #tpu.memory_space<hbm>>
        %dma_wait3A_391 = arith.constant 0 : i32
        %dma_wait3A_392 = tpu.memref_slice %arg6[%arg0, %multiple_of3A_356, %dma_wait3A_391] : memref<2x10000x64xf32, #tpu.memory_space<hbm>> -> memref<1x128x64xf32, #tpu.memory_space<hbm>>
        %dma_wait3A_393 = tpu.memref_squeeze %dma_wait3A_392 : memref<1x128x64xf32, #tpu.memory_space<hbm>> -> memref<128x64xf32, #tpu.memory_space<hbm>>
        %dma_wait3A_394 = arith.constant 0 : i32
        %dma_wait3A_395 = arith.constant 0 : i32
        %dma_wait3A_396 = tpu.memref_slice %arg10[%run_scoped3A_358, %dma_wait3A_394, %dma_wait3A_395] : memref<4x128x64xf32, #tpu.memory_space<vmem>> -> memref<1x128x64xf32, #tpu.memory_space<vmem>>
        %dma_wait3A_397 = tpu.memref_squeeze %dma_wait3A_396 : memref<1x128x64xf32, #tpu.memory_space<vmem>> -> memref<128x64xf32, #tpu.memory_space<vmem>>
        tpu.wait_dma2 semaphore(%run_scoped3A_369 : memref<!tpu.dma_semaphore, #tpu.memory_space<semaphore_mem>>) src(%dma_wait3A_397 : memref<128x64xf32, #tpu.memory_space<vmem>>) dst(%dma_wait3A_393 : memref<128x64xf32, #tpu.memory_space<hbm>>)
        tpu.yield
      }) : () -> ()
      %add3A_359 = arith.constant 384 : i32
      %add3A_360 = arith.addi %multiple_of3A, %add3A_359 : i32
      %multiple_of3A_361 = tpu.assume_multiple %add3A_360, 8 : i32
      %run_scoped3A_362 = arith.constant 0 : i32
      "tpu.region"() ({
        %run_scoped3A_369 = tpu.sem_alloc : memref<!tpu.dma_semaphore, #tpu.memory_space<semaphore_mem>>
        %dma_start3A_370 = arith.constant 0 : i32
        %dma_start3A_371 = arith.constant 0 : i32
        %dma_start3A_372 = tpu.memref_slice %arg10[%run_scoped3A_362, %dma_start3A_370, %dma_start3A_371] : memref<4x128x64xf32, #tpu.memory_space<vmem>> -> memref<1x128x64xf32, #tpu.memory_space<vmem>>
        %dma_start3A_373 = tpu.memref_squeeze %dma_start3A_372 : memref<1x128x64xf32, #tpu.memory_space<vmem>> -> memref<128x64xf32, #tpu.memory_space<vmem>>
        %dma_start3A_374 = arith.constant 0 : i32
        %dma_start3A_375 = tpu.memref_slice %arg12[%multiple_of3A_361, %dma_start3A_374] : memref<10000x64xf32, #tpu.memory_space<vmem_shared>> -> memref<128x64xf32, #tpu.memory_space<vmem_shared>>
        %dma_start3A_376 = arith.constant 0 : i32
        %dma_start3A_377 = arith.constant 0 : i32
        %dma_start3A_378 = tpu.memref_slice %arg10[%run_scoped3A_362, %dma_start3A_376, %dma_start3A_377] : memref<4x128x64xf32, #tpu.memory_space<vmem>> -> memref<1x128x64xf32, #tpu.memory_space<vmem>>
        %dma_start3A_379 = tpu.memref_squeeze %dma_start3A_378 : memref<1x128x64xf32, #tpu.memory_space<vmem>> -> memref<128x64xf32, #tpu.memory_space<vmem>>
        %dma_start3A_380 = arith.constant 0 : i32
        %dma_start3A_381 = tpu.memref_slice %arg12[%multiple_of3A_361, %dma_start3A_380] : memref<10000x64xf32, #tpu.memory_space<vmem_shared>> -> memref<128x64xf32, #tpu.memory_space<vmem_shared>>
        tpu.enqueue_dma source(%dma_start3A_381 : memref<128x64xf32, #tpu.memory_space<vmem_shared>>) target(%dma_start3A_379 : memref<128x64xf32, #tpu.memory_space<vmem>>) target_semaphore(%run_scoped3A_369 : memref<!tpu.dma_semaphore, #tpu.memory_space<semaphore_mem>>)
        %dma_wait3A_382 = arith.constant 0 : i32
        %dma_wait3A_383 = arith.constant 0 : i32
        %dma_wait3A_384 = tpu.memref_slice %arg10[%run_scoped3A_362, %dma_wait3A_382, %dma_wait3A_383] : memref<4x128x64xf32, #tpu.memory_space<vmem>> -> memref<1x128x64xf32, #tpu.memory_space<vmem>>
        %dma_wait3A_385 = tpu.memref_squeeze %dma_wait3A_384 : memref<1x128x64xf32, #tpu.memory_space<vmem>> -> memref<128x64xf32, #tpu.memory_space<vmem>>
        %dma_wait3A_386 = arith.constant 0 : i32
        %dma_wait3A_387 = tpu.memref_slice %arg12[%multiple_of3A_361, %dma_wait3A_386] : memref<10000x64xf32, #tpu.memory_space<vmem_shared>> -> memref<128x64xf32, #tpu.memory_space<vmem_shared>>
        %dma_wait3A_388 = arith.constant 0 : i32
        %dma_wait3A_389 = arith.constant 0 : i32
        %dma_wait3A_390 = tpu.memref_slice %arg10[%run_scoped3A_362, %dma_wait3A_388, %dma_wait3A_389] : memref<4x128x64xf32, #tpu.memory_space<vmem>> -> memref<1x128x64xf32, #tpu.memory_space<vmem>>
        %dma_wait3A_391 = tpu.memref_squeeze %dma_wait3A_390 : memref<1x128x64xf32, #tpu.memory_space<vmem>> -> memref<128x64xf32, #tpu.memory_space<vmem>>
        %dma_wait3A_392 = arith.constant 0 : i32
        %dma_wait3A_393 = tpu.memref_slice %arg12[%multiple_of3A_361, %dma_wait3A_392] : memref<10000x64xf32, #tpu.memory_space<vmem_shared>> -> memref<128x64xf32, #tpu.memory_space<vmem_shared>>
        tpu.wait_dma2 semaphore(%run_scoped3A_369 : memref<!tpu.dma_semaphore, #tpu.memory_space<semaphore_mem>>) src(%dma_wait3A_393 : memref<128x64xf32, #tpu.memory_space<vmem_shared>>) dst(%dma_wait3A_391 : memref<128x64xf32, #tpu.memory_space<vmem>>)
        tpu.yield
      }) : () -> ()
      %run_scoped3A_363 = arith.constant 0 : i32
      "tpu.region"() ({
        %run_scoped3A_369 = tpu.sem_alloc : memref<!tpu.dma_semaphore, #tpu.memory_space<semaphore_mem>>
        %dma_start3A_370 = arith.constant 0 : i32
        %dma_start3A_371 = arith.constant 0 : i32
        %dma_start3A_372 = tpu.memref_slice %arg10[%run_scoped3A_363, %dma_start3A_370, %dma_start3A_371] : memref<4x128x64xf32, #tpu.memory_space<vmem>> -> memref<1x128x64xf32, #tpu.memory_space<vmem>>
        %dma_start3A_373 = tpu.memref_squeeze %dma_start3A_372 : memref<1x128x64xf32, #tpu.memory_space<vmem>> -> memref<128x64xf32, #tpu.memory_space<vmem>>
        %dma_start3A_374 = arith.constant 0 : i32
        %dma_start3A_375 = tpu.memref_slice %arg6[%arg0, %multiple_of3A_361, %dma_start3A_374] : memref<2x10000x64xf32, #tpu.memory_space<hbm>> -> memref<1x128x64xf32, #tpu.memory_space<hbm>>
        %dma_start3A_376 = tpu.memref_squeeze %dma_start3A_375 : memref<1x128x64xf32, #tpu.memory_space<hbm>> -> memref<128x64xf32, #tpu.memory_space<hbm>>
        %dma_start3A_377 = arith.constant 0 : i32
        %dma_start3A_378 = tpu.memref_slice %arg6[%arg0, %multiple_of3A_361, %dma_start3A_377] : memref<2x10000x64xf32, #tpu.memory_space<hbm>> -> memref<1x128x64xf32, #tpu.memory_space<hbm>>
        %dma_start3A_379 = tpu.memref_squeeze %dma_start3A_378 : memref<1x128x64xf32, #tpu.memory_space<hbm>> -> memref<128x64xf32, #tpu.memory_space<hbm>>
        %dma_start3A_380 = arith.constant 0 : i32
        %dma_start3A_381 = arith.constant 0 : i32
        %dma_start3A_382 = tpu.memref_slice %arg10[%run_scoped3A_363, %dma_start3A_380, %dma_start3A_381] : memref<4x128x64xf32, #tpu.memory_space<vmem>> -> memref<1x128x64xf32, #tpu.memory_space<vmem>>
        %dma_start3A_383 = tpu.memref_squeeze %dma_start3A_382 : memref<1x128x64xf32, #tpu.memory_space<vmem>> -> memref<128x64xf32, #tpu.memory_space<vmem>>
        tpu.enqueue_dma source(%dma_start3A_383 : memref<128x64xf32, #tpu.memory_space<vmem>>) target(%dma_start3A_379 : memref<128x64xf32, #tpu.memory_space<hbm>>) target_semaphore(%run_scoped3A_369 : memref<!tpu.dma_semaphore, #tpu.memory_space<semaphore_mem>>)
        %dma_wait3A_384 = arith.constant 0 : i32
        %dma_wait3A_385 = arith.constant 0 : i32
        %dma_wait3A_386 = tpu.memref_slice %arg10[%run_scoped3A_363, %dma_wait3A_384, %dma_wait3A_385] : memref<4x128x64xf32, #tpu.memory_space<vmem>> -> memref<1x128x64xf32, #tpu.memory_space<vmem>>
        %dma_wait3A_387 = tpu.memref_squeeze %dma_wait3A_386 : memref<1x128x64xf32, #tpu.memory_space<vmem>> -> memref<128x64xf32, #tpu.memory_space<vmem>>
        %dma_wait3A_388 = arith.constant 0 : i32
        %dma_wait3A_389 = tpu.memref_slice %arg6[%arg0, %multiple_of3A_361, %dma_wait3A_388] : memref<2x10000x64xf32, #tpu.memory_space<hbm>> -> memref<1x128x64xf32, #tpu.memory_space<hbm>>
        %dma_wait3A_390 = tpu.memref_squeeze %dma_wait3A_389 : memref<1x128x64xf32, #tpu.memory_space<hbm>> -> memref<128x64xf32, #tpu.memory_space<hbm>>
        %dma_wait3A_391 = arith.constant 0 : i32
        %dma_wait3A_392 = tpu.memref_slice %arg6[%arg0, %multiple_of3A_361, %dma_wait3A_391] : memref<2x10000x64xf32, #tpu.memory_space<hbm>> -> memref<1x128x64xf32, #tpu.memory_space<hbm>>
        %dma_wait3A_393 = tpu.memref_squeeze %dma_wait3A_392 : memref<1x128x64xf32, #tpu.memory_space<hbm>> -> memref<128x64xf32, #tpu.memory_space<hbm>>
        %dma_wait3A_394 = arith.constant 0 : i32
        %dma_wait3A_395 = arith.constant 0 : i32
        %dma_wait3A_396 = tpu.memref_slice %arg10[%run_scoped3A_363, %dma_wait3A_394, %dma_wait3A_395] : memref<4x128x64xf32, #tpu.memory_space<vmem>> -> memref<1x128x64xf32, #tpu.memory_space<vmem>>
        %dma_wait3A_397 = tpu.memref_squeeze %dma_wait3A_396 : memref<1x128x64xf32, #tpu.memory_space<vmem>> -> memref<128x64xf32, #tpu.memory_space<vmem>>
        tpu.wait_dma2 semaphore(%run_scoped3A_369 : memref<!tpu.dma_semaphore, #tpu.memory_space<semaphore_mem>>) src(%dma_wait3A_397 : memref<128x64xf32, #tpu.memory_space<vmem>>) dst(%dma_wait3A_393 : memref<128x64xf32, #tpu.memory_space<hbm>>)
        tpu.yield
      }) : () -> ()
      %add3A_364 = arith.constant 512 : i32
      %add3A_365 = arith.addi %multiple_of3A, %add3A_364 : i32
      %multiple_of3A_366 = tpu.assume_multiple %add3A_365, 8 : i32
      %run_scoped3A_367 = arith.constant 0 : i32
      "tpu.region"() ({
        %run_scoped3A_369 = tpu.sem_alloc : memref<!tpu.dma_semaphore, #tpu.memory_space<semaphore_mem>>
        %dma_start3A_370 = arith.constant 0 : i32
        %dma_start3A_371 = arith.constant 0 : i32
        %dma_start3A_372 = tpu.memref_slice %arg10[%run_scoped3A_367, %dma_start3A_370, %dma_start3A_371] : memref<4x128x64xf32, #tpu.memory_space<vmem>> -> memref<1x8x64xf32, #tpu.memory_space<vmem>>
        %dma_start3A_373 = tpu.memref_squeeze %dma_start3A_372 : memref<1x8x64xf32, #tpu.memory_space<vmem>> -> memref<8x64xf32, #tpu.memory_space<vmem>>
        %dma_start3A_374 = arith.constant 0 : i32
        %dma_start3A_375 = tpu.memref_slice %arg12[%multiple_of3A_366, %dma_start3A_374] : memref<10000x64xf32, #tpu.memory_space<vmem_shared>> -> memref<8x64xf32, #tpu.memory_space<vmem_shared>>
        %dma_start3A_376 = arith.constant 0 : i32
        %dma_start3A_377 = arith.constant 0 : i32
        %dma_start3A_378 = tpu.memref_slice %arg10[%run_scoped3A_367, %dma_start3A_376, %dma_start3A_377] : memref<4x128x64xf32, #tpu.memory_space<vmem>> -> memref<1x8x64xf32, #tpu.memory_space<vmem>>
        %dma_start3A_379 = tpu.memref_squeeze %dma_start3A_378 : memref<1x8x64xf32, #tpu.memory_space<vmem>> -> memref<8x64xf32, #tpu.memory_space<vmem>>
        %dma_start3A_380 = arith.constant 0 : i32
        %dma_start3A_381 = tpu.memref_slice %arg12[%multiple_of3A_366, %dma_start3A_380] : memref<10000x64xf32, #tpu.memory_space<vmem_shared>> -> memref<8x64xf32, #tpu.memory_space<vmem_shared>>
        tpu.enqueue_dma source(%dma_start3A_381 : memref<8x64xf32, #tpu.memory_space<vmem_shared>>) target(%dma_start3A_379 : memref<8x64xf32, #tpu.memory_space<vmem>>) target_semaphore(%run_scoped3A_369 : memref<!tpu.dma_semaphore, #tpu.memory_space<semaphore_mem>>)
        %dma_wait3A_382 = arith.constant 0 : i32
        %dma_wait3A_383 = arith.constant 0 : i32
        %dma_wait3A_384 = tpu.memref_slice %arg10[%run_scoped3A_367, %dma_wait3A_382, %dma_wait3A_383] : memref<4x128x64xf32, #tpu.memory_space<vmem>> -> memref<1x8x64xf32, #tpu.memory_space<vmem>>
        %dma_wait3A_385 = tpu.memref_squeeze %dma_wait3A_384 : memref<1x8x64xf32, #tpu.memory_space<vmem>> -> memref<8x64xf32, #tpu.memory_space<vmem>>
        %dma_wait3A_386 = arith.constant 0 : i32
        %dma_wait3A_387 = tpu.memref_slice %arg12[%multiple_of3A_366, %dma_wait3A_386] : memref<10000x64xf32, #tpu.memory_space<vmem_shared>> -> memref<8x64xf32, #tpu.memory_space<vmem_shared>>
        %dma_wait3A_388 = arith.constant 0 : i32
        %dma_wait3A_389 = arith.constant 0 : i32
        %dma_wait3A_390 = tpu.memref_slice %arg10[%run_scoped3A_367, %dma_wait3A_388, %dma_wait3A_389] : memref<4x128x64xf32, #tpu.memory_space<vmem>> -> memref<1x8x64xf32, #tpu.memory_space<vmem>>
        %dma_wait3A_391 = tpu.memref_squeeze %dma_wait3A_390 : memref<1x8x64xf32, #tpu.memory_space<vmem>> -> memref<8x64xf32, #tpu.memory_space<vmem>>
        %dma_wait3A_392 = arith.constant 0 : i32
        %dma_wait3A_393 = tpu.memref_slice %arg12[%multiple_of3A_366, %dma_wait3A_392] : memref<10000x64xf32, #tpu.memory_space<vmem_shared>> -> memref<8x64xf32, #tpu.memory_space<vmem_shared>>
        tpu.wait_dma2 semaphore(%run_scoped3A_369 : memref<!tpu.dma_semaphore, #tpu.memory_space<semaphore_mem>>) src(%dma_wait3A_393 : memref<8x64xf32, #tpu.memory_space<vmem_shared>>) dst(%dma_wait3A_391 : memref<8x64xf32, #tpu.memory_space<vmem>>)
        tpu.yield
      }) : () -> ()
      %run_scoped3A_368 = arith.constant 0 : i32
      "tpu.region"() ({
        %run_scoped3A_369 = tpu.sem_alloc : memref<!tpu.dma_semaphore, #tpu.memory_space<semaphore_mem>>
        %dma_start3A_370 = arith.constant 0 : i32
        %dma_start3A_371 = arith.constant 0 : i32
        %dma_start3A_372 = tpu.memref_slice %arg10[%run_scoped3A_368, %dma_start3A_370, %dma_start3A_371] : memref<4x128x64xf32, #tpu.memory_space<vmem>> -> memref<1x8x64xf32, #tpu.memory_space<vmem>>
        %dma_start3A_373 = tpu.memref_squeeze %dma_start3A_372 : memref<1x8x64xf32, #tpu.memory_space<vmem>> -> memref<8x64xf32, #tpu.memory_space<vmem>>
        %dma_start3A_374 = arith.constant 0 : i32
        %dma_start3A_375 = tpu.memref_slice %arg6[%arg0, %multiple_of3A_366, %dma_start3A_374] : memref<2x10000x64xf32, #tpu.memory_space<hbm>> -> memref<1x8x64xf32, #tpu.memory_space<hbm>>
        %dma_start3A_376 = tpu.memref_squeeze %dma_start3A_375 : memref<1x8x64xf32, #tpu.memory_space<hbm>> -> memref<8x64xf32, #tpu.memory_space<hbm>>
        %dma_start3A_377 = arith.constant 0 : i32
        %dma_start3A_378 = tpu.memref_slice %arg6[%arg0, %multiple_of3A_366, %dma_start3A_377] : memref<2x10000x64xf32, #tpu.memory_space<hbm>> -> memref<1x8x64xf32, #tpu.memory_space<hbm>>
        %dma_start3A_379 = tpu.memref_squeeze %dma_start3A_378 : memref<1x8x64xf32, #tpu.memory_space<hbm>> -> memref<8x64xf32, #tpu.memory_space<hbm>>
        %dma_start3A_380 = arith.constant 0 : i32
        %dma_start3A_381 = arith.constant 0 : i32
        %dma_start3A_382 = tpu.memref_slice %arg10[%run_scoped3A_368, %dma_start3A_380, %dma_start3A_381] : memref<4x128x64xf32, #tpu.memory_space<vmem>> -> memref<1x8x64xf32, #tpu.memory_space<vmem>>
        %dma_start3A_383 = tpu.memref_squeeze %dma_start3A_382 : memref<1x8x64xf32, #tpu.memory_space<vmem>> -> memref<8x64xf32, #tpu.memory_space<vmem>>
        tpu.enqueue_dma source(%dma_start3A_383 : memref<8x64xf32, #tpu.memory_space<vmem>>) target(%dma_start3A_379 : memref<8x64xf32, #tpu.memory_space<hbm>>) target_semaphore(%run_scoped3A_369 : memref<!tpu.dma_semaphore, #tpu.memory_space<semaphore_mem>>)
        %dma_wait3A_384 = arith.constant 0 : i32
        %dma_wait3A_385 = arith.constant 0 : i32
        %dma_wait3A_386 = tpu.memref_slice %arg10[%run_scoped3A_368, %dma_wait3A_384, %dma_wait3A_385] : memref<4x128x64xf32, #tpu.memory_space<vmem>> -> memref<1x8x64xf32, #tpu.memory_space<vmem>>
        %dma_wait3A_387 = tpu.memref_squeeze %dma_wait3A_386 : memref<1x8x64xf32, #tpu.memory_space<vmem>> -> memref<8x64xf32, #tpu.memory_space<vmem>>
        %dma_wait3A_388 = arith.constant 0 : i32
        %dma_wait3A_389 = tpu.memref_slice %arg6[%arg0, %multiple_of3A_366, %dma_wait3A_388] : memref<2x10000x64xf32, #tpu.memory_space<hbm>> -> memref<1x8x64xf32, #tpu.memory_space<hbm>>
        %dma_wait3A_390 = tpu.memref_squeeze %dma_wait3A_389 : memref<1x8x64xf32, #tpu.memory_space<hbm>> -> memref<8x64xf32, #tpu.memory_space<hbm>>
        %dma_wait3A_391 = arith.constant 0 : i32
        %dma_wait3A_392 = tpu.memref_slice %arg6[%arg0, %multiple_of3A_366, %dma_wait3A_391] : memref<2x10000x64xf32, #tpu.memory_space<hbm>> -> memref<1x8x64xf32, #tpu.memory_space<hbm>>
        %dma_wait3A_393 = tpu.memref_squeeze %dma_wait3A_392 : memref<1x8x64xf32, #tpu.memory_space<hbm>> -> memref<8x64xf32, #tpu.memory_space<hbm>>
        %dma_wait3A_394 = arith.constant 0 : i32
        %dma_wait3A_395 = arith.constant 0 : i32
        %dma_wait3A_396 = tpu.memref_slice %arg10[%run_scoped3A_368, %dma_wait3A_394, %dma_wait3A_395] : memref<4x128x64xf32, #tpu.memory_space<vmem>> -> memref<1x8x64xf32, #tpu.memory_space<vmem>>
        %dma_wait3A_397 = tpu.memref_squeeze %dma_wait3A_396 : memref<1x8x64xf32, #tpu.memory_space<vmem>> -> memref<8x64xf32, #tpu.memory_space<vmem>>
        tpu.wait_dma2 semaphore(%run_scoped3A_369 : memref<!tpu.dma_semaphore, #tpu.memory_space<semaphore_mem>>) src(%dma_wait3A_397 : memref<8x64xf32, #tpu.memory_space<vmem>>) dst(%dma_wait3A_393 : memref<8x64xf32, #tpu.memory_space<hbm>>)
        tpu.yield
      }) : () -> ()
    } else {
    }
    return
  }
}

#map = affine_map<(d0, d1) -> (0, 0)>
#map1 = affine_map<(d0, d1) -> (0)>
module attributes {stable_mosaic.version = 14 : i64} {
  func.func @deg_kernel(%arg0: i32, %arg1: i32, %arg2: memref<2x320000xi32, #tpu.memory_space<hbm>>, %arg3: memref<20000xf32, #tpu.memory_space<hbm>>, %arg4: memref<10000xi32, #tpu.memory_space<vmem>>, %arg5: memref<80xf32, #tpu.memory_space<vmem>>, %arg6: memref<10000xf32, #tpu.memory_space<vmem>>, %arg7: memref<10000xf32, #tpu.memory_space<vmem_shared>>, %arg8: memref<!tpu.dma_semaphore, #tpu.memory_space<semaphore_mem>>) attributes {dimension_semantics = [#tpu.dimension_semantics<core_parallel>, #tpu.dimension_semantics<subcore_parallel>], iteration_bounds = array<i64: 2, 16>, scalar_prefetch = 0 : i64, scratch_operands = 5 : i64, tpu.core_type = #tpu.core_type<sc_vector_subcore>, window_params = [{transform_indices = #map}, {transform_indices = #map1}]} {
    %mul3A = arith.constant 2 : i32
    %mul3A_0 = arith.muli %arg1, %mul3A : i32
    %add3A = arith.addi %mul3A_0, %arg0 : i32
    %eq3A = arith.constant 0 : i32
    %eq3A_1 = arith.cmpi eq, %arg1, %eq3A : i32
    %convert_element_type3A = arith.extui %eq3A_1 : i1 to i32
    %cond3A = arith.constant 0 : i32
    %cond3A_2 = arith.cmpi ne, %convert_element_type3A, %cond3A : i32
    scf.if %cond3A_2 {
      %scan3A_22 = arith.constant 0 : i32
      %scan3A_23 = arith.constant 0 : i32
      %scan3A_24 = arith.constant 625 : i32
      %scan3A_25 = arith.addi %scan3A_23, %scan3A_24 : i32
      %scan3A_26 = arith.constant 1 : i32
      scf.for %scan3A_28 = %scan3A_23 to %scan3A_25 step %scan3A_26  : i32 {
        %broadcast_in_dim3A = arith.constant 0.000000e+00 : f32
        %broadcast_in_dim3A_29 = vector.broadcast %broadcast_in_dim3A : f32 to vector<16xf32>
        %mul3A_30 = arith.constant 16 : i32
        %mul3A_31 = arith.muli %scan3A_28, %mul3A_30 : i32
        %swap3A = arith.index_cast %mul3A_31 : i32 to index
        %swap3A_32 = tpu.vector_load %arg6[%swap3A] {strides = array<i32>} : memref<10000xf32, #tpu.memory_space<vmem>>, vector<16xf32>,
        %swap3A_33 = vector.shape_cast %swap3A_32 : vector<16xf32> to vector<16xf32>
        %swap3A_34 = vector.shape_cast %broadcast_in_dim3A_29 : vector<16xf32> to vector<16xf32>
        tpu.vector_store %arg6[%swap3A], %swap3A_34 {strides = array<i32>} : memref<10000xf32, #tpu.memory_space<vmem>>, vector<16xf32>,
      }
      %scan3A_27 = arith.constant 625 : i32
      "tpu.region"() ({
        %run_scoped3A_28 = tpu.sem_alloc : memref<!tpu.dma_semaphore, #tpu.memory_space<semaphore_mem>>
        tpu.enqueue_dma source(%arg6 : memref<10000xf32, #tpu.memory_space<vmem>>) target(%arg7 : memref<10000xf32, #tpu.memory_space<vmem_shared>>) target_semaphore(%run_scoped3A_28 : memref<!tpu.dma_semaphore, #tpu.memory_space<semaphore_mem>>)
        tpu.wait_dma2 semaphore(%run_scoped3A_28 : memref<!tpu.dma_semaphore, #tpu.memory_space<semaphore_mem>>) src(%arg6 : memref<10000xf32, #tpu.memory_space<vmem>>) dst(%arg7 : memref<10000xf32, #tpu.memory_space<vmem_shared>>)
        tpu.yield
      }) : () -> ()
    } else {
    }
    %scan3A = arith.constant 0 : i32
    %scan3A_3 = arith.constant 0 : i32
    %scan3A_4 = arith.constant 5 : i32
    %scan3A_5 = arith.addi %scan3A_3, %scan3A_4 : i32
    %scan3A_6 = arith.constant 1 : i32
    scf.for %scan3A_22 = %scan3A_3 to %scan3A_5 step %scan3A_6  : i32 {
      %broadcast_in_dim3A = arith.constant 1.000000e+00 : f32
      %broadcast_in_dim3A_23 = vector.broadcast %broadcast_in_dim3A : f32 to vector<16xf32>
      %mul3A_24 = arith.constant 16 : i32
      %mul3A_25 = arith.muli %scan3A_22, %mul3A_24 : i32
      %swap3A = arith.index_cast %mul3A_25 : i32 to index
      %swap3A_26 = tpu.vector_load %arg5[%swap3A] {strides = array<i32>} : memref<80xf32, #tpu.memory_space<vmem>>, vector<16xf32>,
      %swap3A_27 = vector.shape_cast %swap3A_26 : vector<16xf32> to vector<16xf32>
      %swap3A_28 = vector.shape_cast %broadcast_in_dim3A_23 : vector<16xf32> to vector<16xf32>
      tpu.vector_store %arg5[%swap3A], %swap3A_28 {strides = array<i32>} : memref<80xf32, #tpu.memory_space<vmem>>, vector<16xf32>,
    }
    %scan3A_7 = arith.constant 5 : i32
    %mul3A_8 = arith.constant 10000 : i32
    %mul3A_9 = arith.muli %add3A, %mul3A_8 : i32
    %multiple_of3A = tpu.assume_multiple %mul3A_9, 8 : i32
    %run_scoped3A = arith.constant 1 : i32
    "tpu.region"() ({
      %run_scoped3A_22 = tpu.sem_alloc : memref<!tpu.dma_semaphore, #tpu.memory_space<semaphore_mem>>
      %dma_start3A = tpu.memref_slice %arg2[%run_scoped3A, %multiple_of3A] : memref<2x320000xi32, #tpu.memory_space<hbm>> -> memref<1x10000xi32, #tpu.memory_space<hbm>>
      %dma_start3A_23 = tpu.memref_squeeze %dma_start3A : memref<1x10000xi32, #tpu.memory_space<hbm>> -> memref<10000xi32, #tpu.memory_space<hbm>>
      %dma_start3A_24 = tpu.memref_slice %arg2[%run_scoped3A, %multiple_of3A] : memref<2x320000xi32, #tpu.memory_space<hbm>> -> memref<1x10000xi32, #tpu.memory_space<hbm>>
      %dma_start3A_25 = tpu.memref_squeeze %dma_start3A_24 : memref<1x10000xi32, #tpu.memory_space<hbm>> -> memref<10000xi32, #tpu.memory_space<hbm>>
      tpu.enqueue_dma source(%dma_start3A_25 : memref<10000xi32, #tpu.memory_space<hbm>>) target(%arg4 : memref<10000xi32, #tpu.memory_space<vmem>>) target_semaphore(%run_scoped3A_22 : memref<!tpu.dma_semaphore, #tpu.memory_space<semaphore_mem>>)
      %dma_wait3A = tpu.memref_slice %arg2[%run_scoped3A, %multiple_of3A] : memref<2x320000xi32, #tpu.memory_space<hbm>> -> memref<1x10000xi32, #tpu.memory_space<hbm>>
      %dma_wait3A_26 = tpu.memref_squeeze %dma_wait3A : memref<1x10000xi32, #tpu.memory_space<hbm>> -> memref<10000xi32, #tpu.memory_space<hbm>>
      %dma_wait3A_27 = tpu.memref_slice %arg2[%run_scoped3A, %multiple_of3A] : memref<2x320000xi32, #tpu.memory_space<hbm>> -> memref<1x10000xi32, #tpu.memory_space<hbm>>
      %dma_wait3A_28 = tpu.memref_squeeze %dma_wait3A_27 : memref<1x10000xi32, #tpu.memory_space<hbm>> -> memref<10000xi32, #tpu.memory_space<hbm>>
      tpu.wait_dma2 semaphore(%run_scoped3A_22 : memref<!tpu.dma_semaphore, #tpu.memory_space<semaphore_mem>>) src(%dma_wait3A_28 : memref<10000xi32, #tpu.memory_space<hbm>>) dst(%arg4 : memref<10000xi32, #tpu.memory_space<vmem>>)
      tpu.yield
    }) : () -> ()
    %barrier3A = arith.constant 0 : index
    tpu.barrier barrier_id(%barrier3A)
    %scan3A_10 = arith.constant 0 : i32
    %scan3A_11 = arith.constant 0 : i32
    %scan3A_12 = arith.constant 5 : i32
    %scan3A_13 = arith.addi %scan3A_11, %scan3A_12 : i32
    %scan3A_14 = arith.constant 1 : i32
    scf.for %scan3A_22 = %scan3A_11 to %scan3A_13 step %scan3A_14  : i32 {
      %scan3A_23 = arith.constant 0 : i32
      %scan3A_24 = arith.constant 0 : i32
      %scan3A_25 = arith.constant 25 : i32
      %scan3A_26 = arith.addi %scan3A_24, %scan3A_25 : i32
      %scan3A_27 = arith.constant 1 : i32
      scf.for %scan3A_35 = %scan3A_24 to %scan3A_26 step %scan3A_27  : i32 {
        %mul3A_36 = arith.constant 25 : i32
        %mul3A_37 = arith.muli %scan3A_22, %mul3A_36 : i32
        %add3A_38 = arith.addi %mul3A_37, %scan3A_35 : i32
        %mul3A_39 = arith.constant 80 : i32
        %mul3A_40 = arith.muli %add3A_38, %mul3A_39 : i32
        %dma_start3A = tpu.memref_slice %arg4[%mul3A_40] : memref<10000xi32, #tpu.memory_space<vmem>> -> memref<80xi32, #tpu.memory_space<vmem>>
        %dma_start3A_41 = arith.constant 0 : i32
        %dma_start3A_42 = tpu.memref_slice %arg7[%dma_start3A_41] : memref<10000xf32, #tpu.memory_space<vmem_shared>> -> memref<10000xf32, #tpu.memory_space<vmem_shared>>
        tpu.enqueue_indirect_dma source(%arg5 : memref<80xf32, #tpu.memory_space<vmem>>) target(%dma_start3A_42 : memref<10000xf32, #tpu.memory_space<vmem_shared>>) offsets(%dma_start3A : memref<80xi32, #tpu.memory_space<vmem>>) semaphore(%arg8 : memref<!tpu.dma_semaphore, #tpu.memory_space<semaphore_mem>>) {add = true}
      }
      %scan3A_28 = arith.constant 25 : i32
      %scan3A_29 = arith.constant 0 : i32
      %scan3A_30 = arith.constant 0 : i32
      %scan3A_31 = arith.constant 25 : i32
      %scan3A_32 = arith.addi %scan3A_30, %scan3A_31 : i32
      %scan3A_33 = arith.constant 1 : i32
      scf.for %scan3A_35 = %scan3A_30 to %scan3A_32 step %scan3A_33  : i32 {
        %dma_wait3A = arith.constant 0 : i32
        %dma_wait3A_36 = tpu.memref_slice %arg4[%dma_wait3A] : memref<10000xi32, #tpu.memory_space<vmem>> -> memref<80xi32, #tpu.memory_space<vmem>>
        %dma_wait3A_37 = arith.constant 0 : i32
        %dma_wait3A_38 = tpu.memref_slice %arg7[%dma_wait3A_37] : memref<10000xf32, #tpu.memory_space<vmem_shared>> -> memref<10000xf32, #tpu.memory_space<vmem_shared>>
        tpu.wait_indirect_dma semaphore(%arg8 : memref<!tpu.dma_semaphore, #tpu.memory_space<semaphore_mem>>) src(%arg5 : memref<80xf32, #tpu.memory_space<vmem>>) dst(%dma_wait3A_38 : memref<10000xf32, #tpu.memory_space<vmem_shared>>)
      }
      %scan3A_34 = arith.constant 25 : i32
    }
    %scan3A_15 = arith.constant 5 : i32
    %barrier3A_16 = arith.constant 0 : index
    tpu.barrier barrier_id(%barrier3A_16)
    %eq3A_17 = arith.constant 0 : i32
    %eq3A_18 = arith.cmpi eq, %arg1, %eq3A_17 : i32
    %convert_element_type3A_19 = arith.extui %eq3A_18 : i1 to i32
    %cond3A_20 = arith.constant 0 : i32
    %cond3A_21 = arith.cmpi ne, %convert_element_type3A_19, %cond3A_20 : i32
    scf.if %cond3A_21 {
      "tpu.region"() ({
        %run_scoped3A_25 = tpu.sem_alloc : memref<!tpu.dma_semaphore, #tpu.memory_space<semaphore_mem>>
        tpu.enqueue_dma source(%arg7 : memref<10000xf32, #tpu.memory_space<vmem_shared>>) target(%arg6 : memref<10000xf32, #tpu.memory_space<vmem>>) target_semaphore(%run_scoped3A_25 : memref<!tpu.dma_semaphore, #tpu.memory_space<semaphore_mem>>)
        tpu.wait_dma2 semaphore(%run_scoped3A_25 : memref<!tpu.dma_semaphore, #tpu.memory_space<semaphore_mem>>) src(%arg7 : memref<10000xf32, #tpu.memory_space<vmem_shared>>) dst(%arg6 : memref<10000xf32, #tpu.memory_space<vmem>>)
        tpu.yield
      }) : () -> ()
      %mul3A_22 = arith.constant 10000 : i32
      %mul3A_23 = arith.muli %arg0, %mul3A_22 : i32
      %multiple_of3A_24 = tpu.assume_multiple %mul3A_23, 8 : i32
      "tpu.region"() ({
        %run_scoped3A_25 = tpu.sem_alloc : memref<!tpu.dma_semaphore, #tpu.memory_space<semaphore_mem>>
        %dma_start3A = tpu.memref_slice %arg3[%multiple_of3A_24] : memref<20000xf32, #tpu.memory_space<hbm>> -> memref<10000xf32, #tpu.memory_space<hbm>>
        %dma_start3A_26 = tpu.memref_slice %arg3[%multiple_of3A_24] : memref<20000xf32, #tpu.memory_space<hbm>> -> memref<10000xf32, #tpu.memory_space<hbm>>
        tpu.enqueue_dma source(%arg6 : memref<10000xf32, #tpu.memory_space<vmem>>) target(%dma_start3A_26 : memref<10000xf32, #tpu.memory_space<hbm>>) target_semaphore(%run_scoped3A_25 : memref<!tpu.dma_semaphore, #tpu.memory_space<semaphore_mem>>)
        %dma_wait3A = tpu.memref_slice %arg3[%multiple_of3A_24] : memref<20000xf32, #tpu.memory_space<hbm>> -> memref<10000xf32, #tpu.memory_space<hbm>>
        %dma_wait3A_27 = tpu.memref_slice %arg3[%multiple_of3A_24] : memref<20000xf32, #tpu.memory_space<hbm>> -> memref<10000xf32, #tpu.memory_space<hbm>>
        tpu.wait_dma2 semaphore(%run_scoped3A_25 : memref<!tpu.dma_semaphore, #tpu.memory_space<semaphore_mem>>) src(%arg6 : memref<10000xf32, #tpu.memory_space<vmem>>) dst(%dma_wait3A_27 : memref<10000xf32, #tpu.memory_space<hbm>>)
        tpu.yield
      }) : () -> ()
    } else {
    }
    return
  }
}

module attributes {stable_mosaic.version = 14 : i64} {
  func.func @body(%arg0: i32, %arg1: memref<2000x128xf32, #tpu.memory_space<vmem>>, %arg2: memref<2000x1xf32, #tpu.memory_space<vmem>>, %arg3: memref<2000x1xf32, #tpu.memory_space<vmem>>, %arg4: memref<128x128xf32, #tpu.memory_space<vmem>>, %arg5: memref<1x128xf32, #tpu.memory_space<vmem>>, %arg6: memref<2x2000x64xf32, #tpu.memory_space<vmem>>, %arg7: memref<2000x1xf32, #tpu.memory_space<vmem>>, %arg8: memref<2000x1xf32, #tpu.memory_space<vmem>>) attributes {dimension_semantics = [#tpu.dimension_semantics<arbitrary>], iteration_bounds = array<i64: 5>, scalar_prefetch = 0 : i64, scratch_operands = 0 : i64, tpu.core_type = #tpu.core_type<tc>, window_params = [{transform_indices = @transform_0, window_bounds = array<i64: 2000, 128>}, {transform_indices = @transform_1, window_bounds = array<i64: 2000, 1>}, {transform_indices = @transform_2, window_bounds = array<i64: 2000, 1>}, {pipeline_mode = #tpu.pipeline_mode<synchronous>, transform_indices = @transform_3, window_bounds = array<i64: 128, 128>}, {pipeline_mode = #tpu.pipeline_mode<synchronous>, transform_indices = @transform_4, window_bounds = array<i64: 1, 128>}, {transform_indices = @transform_5, window_bounds = array<i64: 2, 2000, 64>}, {transform_indices = @transform_6, window_bounds = array<i64: 2000, 1>}, {transform_indices = @transform_7, window_bounds = array<i64: 2000, 1>}]} {
    %get3A = arith.constant 0 : index
    %get3A_0 = arith.constant 0 : index
    %get3A_1 = vector.load %arg2[%get3A, %get3A_0] : memref<2000x1xf32, #tpu.memory_space<vmem>>, vector<2000x1xf32>
    %get3A_2 = arith.constant 0 : index
    %get3A_3 = arith.constant 0 : index
    %get3A_4 = vector.load %arg3[%get3A_2, %get3A_3] : memref<2000x1xf32, #tpu.memory_space<vmem>>, vector<2000x1xf32>
    %add3A = arith.addf %get3A_1, %get3A_4 : vector<2000x1xf32>
    %max3A = arith.constant 1.000000e+00 : f32
    %max3A_5 = vector.broadcast %max3A : f32 to vector<2000x1xf32>
    %max3A_6 = arith.maximumf %add3A, %max3A_5 : vector<2000x1xf32>
    %rsqrt3A = math.rsqrt %max3A_6 : vector<2000x1xf32>
    %get3A_7 = arith.constant 0 : index
    %get3A_8 = arith.constant 0 : index
    %get3A_9 = vector.load %arg1[%get3A_7, %get3A_8] : memref<2000x128xf32, #tpu.memory_space<vmem>>, vector<2000x128xf32>
    %get3A_10 = arith.constant 0 : index
    %get3A_11 = arith.constant 0 : index
    %get3A_12 = vector.load %arg4[%get3A_10, %get3A_11] : memref<128x128xf32, #tpu.memory_space<vmem>>, vector<128x128xf32>
    %dot_general3A = arith.constant dense<0.000000e+00> : vector<2000x128xf32>
    %dot_general3A_13 = tpu.matmul %get3A_9, %get3A_12, %dot_general3A {dimension_numbers = #tpu.dot_dimension_numbers<[1], [0], [0], [1], [0, 0, 1, 1], [], []>, transpose_lhs_hint = false} : vector<2000x128xf32>, vector<128x128xf32>, vector<2000x128xf32> -> vector<2000x128xf32>
    %get3A_14 = arith.constant 0 : index
    %get3A_15 = arith.constant 0 : index
    %get3A_16 = vector.load %arg5[%get3A_14, %get3A_15] : memref<1x128xf32, #tpu.memory_space<vmem>>, vector<1x128xf32>
    %add3A_17 = vector.broadcast %get3A_16 : vector<1x128xf32> to vector<2000x128xf32>
    %add3A_18 = arith.addf %dot_general3A_13, %add3A_17 : vector<2000x128xf32>
    %max3A_19 = arith.constant 0.000000e+00 : f32
    %max3A_20 = vector.broadcast %max3A_19 : f32 to vector<2000x128xf32>
    %max3A_21 = arith.maximumf %add3A_18, %max3A_20 : vector<2000x128xf32>
    %mul3A = vector.broadcast %rsqrt3A : vector<2000x1xf32> to vector<2000x128xf32>
    %mul3A_22 = arith.mulf %max3A_21, %mul3A : vector<2000x128xf32>
    %slice3A = vector.extract_strided_slice %mul3A_22 {offsets = [0, 0], sizes = [2000, 64], strides = [1, 1]} : vector<2000x128xf32> to vector<2000x64xf32>
    %swap3A = arith.constant 0 : index
    %swap3A_23 = arith.constant 0 : index
    %swap3A_24 = arith.constant 0 : index
    %swap3A_25 = vector.load %arg6[%swap3A, %swap3A_23, %swap3A_24] : memref<2x2000x64xf32, #tpu.memory_space<vmem>>, vector<1x2000x64xf32>
    %swap3A_26 = vector.shape_cast %swap3A_25 : vector<1x2000x64xf32> to vector<2000x64xf32>
    %swap3A_27 = vector.shape_cast %slice3A : vector<2000x64xf32> to vector<1x2000x64xf32>
    tpu.vector_store %arg6[%swap3A, %swap3A_23, %swap3A_24], %swap3A_27 {strides = array<i32>} : memref<2x2000x64xf32, #tpu.memory_space<vmem>>, vector<1x2000x64xf32>,
    %slice3A_28 = vector.extract_strided_slice %mul3A_22 {offsets = [0, 64], sizes = [2000, 64], strides = [1, 1]} : vector<2000x128xf32> to vector<2000x64xf32>
    %swap3A_29 = arith.constant 1 : index
    %swap3A_30 = arith.constant 0 : index
    %swap3A_31 = arith.constant 0 : index
    %swap3A_32 = vector.load %arg6[%swap3A_29, %swap3A_30, %swap3A_31] : memref<2x2000x64xf32, #tpu.memory_space<vmem>>, vector<1x2000x64xf32>
    %swap3A_33 = vector.shape_cast %swap3A_32 : vector<1x2000x64xf32> to vector<2000x64xf32>
    %swap3A_34 = vector.shape_cast %slice3A_28 : vector<2000x64xf32> to vector<1x2000x64xf32>
    tpu.vector_store %arg6[%swap3A_29, %swap3A_30, %swap3A_31], %swap3A_34 {strides = array<i32>} : memref<2x2000x64xf32, #tpu.memory_space<vmem>>, vector<1x2000x64xf32>,
    %swap3A_35 = arith.constant 0 : index
    %swap3A_36 = arith.constant 0 : index
    %swap3A_37 = vector.load %arg7[%swap3A_35, %swap3A_36] : memref<2000x1xf32, #tpu.memory_space<vmem>>, vector<2000x1xf32>
    tpu.vector_store %arg7[%swap3A_35, %swap3A_36], %rsqrt3A {strides = array<i32>} : memref<2000x1xf32, #tpu.memory_space<vmem>>, vector<2000x1xf32>,
    %mul3A_38 = arith.mulf %rsqrt3A, %rsqrt3A : vector<2000x1xf32>
    %swap3A_39 = arith.constant 0 : index
    %swap3A_40 = arith.constant 0 : index
    %swap3A_41 = vector.load %arg8[%swap3A_39, %swap3A_40] : memref<2000x1xf32, #tpu.memory_space<vmem>>, vector<2000x1xf32>
    tpu.vector_store %arg8[%swap3A_39, %swap3A_40], %mul3A_38 {strides = array<i32>} : memref<2000x1xf32, #tpu.memory_space<vmem>>, vector<2000x1xf32>,
    return
  }
  func.func @transform_0(%arg0: i32) -> (i32, i32) {
    %c0_i32 = arith.constant 0 : i32
    %c0_i32_0 = arith.constant 0 : i32
    return %arg0, %c0_i32 : i32, i32
  }
  func.func @transform_1(%arg0: i32) -> (i32, i32) {
    %c0_i32 = arith.constant 0 : i32
    %c0_i32_0 = arith.constant 0 : i32
    return %arg0, %c0_i32 : i32, i32
  }
  func.func @transform_2(%arg0: i32) -> (i32, i32) {
    %c0_i32 = arith.constant 0 : i32
    %c0_i32_0 = arith.constant 0 : i32
    return %arg0, %c0_i32 : i32, i32
  }
  func.func @transform_3(%arg0: i32) -> (i32, i32) {
    %c0_i32 = arith.constant 0 : i32
    %c0_i32_0 = arith.constant 0 : i32
    %c0_i32_1 = arith.constant 0 : i32
    return %c0_i32, %c0_i32_0 : i32, i32
  }
  func.func @transform_4(%arg0: i32) -> (i32, i32) {
    %c0_i32 = arith.constant 0 : i32
    %c0_i32_0 = arith.constant 0 : i32
    %c0_i32_1 = arith.constant 0 : i32
    return %c0_i32, %c0_i32_0 : i32, i32
  }
  func.func @transform_5(%arg0: i32) -> (i32, i32, i32) {
    %c0_i32 = arith.constant 0 : i32
    %c0_i32_0 = arith.constant 0 : i32
    %c0_i32_1 = arith.constant 0 : i32
    return %c0_i32, %arg0, %c0_i32_0 : i32, i32, i32
  }
  func.func @transform_6(%arg0: i32) -> (i32, i32) {
    %c0_i32 = arith.constant 0 : i32
    %c0_i32_0 = arith.constant 0 : i32
    return %arg0, %c0_i32 : i32, i32
  }
  func.func @transform_7(%arg0: i32) -> (i32, i32) {
    %c0_i32 = arith.constant 0 : i32
    %c0_i32_0 = arith.constant 0 : i32
    return %arg0, %c0_i32 : i32, i32
  }
}

module attributes {stable_mosaic.version = 14 : i64} {
  func.func @body(%arg0: i32, %arg1: memref<2x2000x64xf32, #tpu.memory_space<vmem>>, %arg2: memref<2000x1xf32, #tpu.memory_space<vmem>>, %arg3: memref<128x128xf32, #tpu.memory_space<vmem>>, %arg4: memref<1x128xf32, #tpu.memory_space<vmem>>, %arg5: memref<128x64xf32, #tpu.memory_space<vmem>>, %arg6: memref<1x64xf32, #tpu.memory_space<vmem>>, %arg7: memref<2000x64xf32, #tpu.memory_space<vmem>>) attributes {dimension_semantics = [#tpu.dimension_semantics<arbitrary>], iteration_bounds = array<i64: 5>, scalar_prefetch = 0 : i64, scratch_operands = 0 : i64, tpu.core_type = #tpu.core_type<tc>, window_params = [{transform_indices = @transform_0, window_bounds = array<i64: 2, 2000, 64>}, {transform_indices = @transform_1, window_bounds = array<i64: 2000, 1>}, {pipeline_mode = #tpu.pipeline_mode<synchronous>, transform_indices = @transform_2, window_bounds = array<i64: 128, 128>}, {pipeline_mode = #tpu.pipeline_mode<synchronous>, transform_indices = @transform_3, window_bounds = array<i64: 1, 128>}, {pipeline_mode = #tpu.pipeline_mode<synchronous>, transform_indices = @transform_4, window_bounds = array<i64: 128, 64>}, {pipeline_mode = #tpu.pipeline_mode<synchronous>, transform_indices = @transform_5, window_bounds = array<i64: 1, 64>}, {transform_indices = @transform_6, window_bounds = array<i64: 2000, 64>}]} {
    %get3A = arith.constant 0 : index
    %get3A_0 = arith.constant 0 : index
    %get3A_1 = vector.load %arg2[%get3A, %get3A_0] : memref<2000x1xf32, #tpu.memory_space<vmem>>, vector<2000x1xf32>
    %get3A_2 = arith.constant 0 : index
    %get3A_3 = arith.constant 0 : index
    %get3A_4 = arith.constant 0 : index
    %get3A_5 = vector.load %arg1[%get3A_2, %get3A_3, %get3A_4] : memref<2x2000x64xf32, #tpu.memory_space<vmem>>, vector<1x2000x64xf32>
    %get3A_6 = vector.shape_cast %get3A_5 : vector<1x2000x64xf32> to vector<2000x64xf32>
    %mul3A = vector.broadcast %get3A_1 : vector<2000x1xf32> to vector<2000x64xf32>
    %mul3A_7 = arith.mulf %get3A_6, %mul3A : vector<2000x64xf32>
    %get3A_8 = arith.constant 1 : index
    %get3A_9 = arith.constant 0 : index
    %get3A_10 = arith.constant 0 : index
    %get3A_11 = vector.load %arg1[%get3A_8, %get3A_9, %get3A_10] : memref<2x2000x64xf32, #tpu.memory_space<vmem>>, vector<1x2000x64xf32>
    %get3A_12 = vector.shape_cast %get3A_11 : vector<1x2000x64xf32> to vector<2000x64xf32>
    %mul3A_13 = vector.broadcast %get3A_1 : vector<2000x1xf32> to vector<2000x64xf32>
    %mul3A_14 = arith.mulf %get3A_12, %mul3A_13 : vector<2000x64xf32>
    %get3A_15 = arith.constant 0 : index
    %get3A_16 = arith.constant 0 : index
    %get3A_17 = vector.load %arg3[%get3A_15, %get3A_16] : memref<128x128xf32, #tpu.memory_space<vmem>>, vector<64x128xf32>
    %dot_general3A = arith.constant dense<0.000000e+00> : vector<2000x128xf32>
    %dot_general3A_18 = tpu.matmul %mul3A_7, %get3A_17, %dot_general3A {dimension_numbers = #tpu.dot_dimension_numbers<[1], [0], [0], [1], [0, 0, 1, 1], [], []>, transpose_lhs_hint = false} : vector<2000x64xf32>, vector<64x128xf32>, vector<2000x128xf32> -> vector<2000x128xf32>
    %get3A_19 = arith.constant 64 : index
    %get3A_20 = arith.constant 0 : index
    %get3A_21 = vector.load %arg3[%get3A_19, %get3A_20] : memref<128x128xf32, #tpu.memory_space<vmem>>, vector<64x128xf32>
    %dot_general3A_22 = arith.constant dense<0.000000e+00> : vector<2000x128xf32>
    %dot_general3A_23 = tpu.matmul %mul3A_14, %get3A_21, %dot_general3A_22 {dimension_numbers = #tpu.dot_dimension_numbers<[1], [0], [0], [1], [0, 0, 1, 1], [], []>, transpose_lhs_hint = false} : vector<2000x64xf32>, vector<64x128xf32>, vector<2000x128xf32> -> vector<2000x128xf32>
    %add3A = arith.addf %dot_general3A_18, %dot_general3A_23 : vector<2000x128xf32>
    %get3A_24 = arith.constant 0 : index
    %get3A_25 = arith.constant 0 : index
    %get3A_26 = vector.load %arg4[%get3A_24, %get3A_25] : memref<1x128xf32, #tpu.memory_space<vmem>>, vector<1x128xf32>
    %add3A_27 = vector.broadcast %get3A_26 : vector<1x128xf32> to vector<2000x128xf32>
    %add3A_28 = arith.addf %add3A, %add3A_27 : vector<2000x128xf32>
    %get3A_29 = arith.constant 0 : index
    %get3A_30 = arith.constant 0 : index
    %get3A_31 = vector.load %arg5[%get3A_29, %get3A_30] : memref<128x64xf32, #tpu.memory_space<vmem>>, vector<128x64xf32>
    %dot_general3A_32 = arith.constant dense<0.000000e+00> : vector<2000x64xf32>
    %dot_general3A_33 = tpu.matmul %add3A_28, %get3A_31, %dot_general3A_32 {dimension_numbers = #tpu.dot_dimension_numbers<[1], [0], [0], [1], [0, 0, 1, 1], [], []>, transpose_lhs_hint = false} : vector<2000x128xf32>, vector<128x64xf32>, vector<2000x64xf32> -> vector<2000x64xf32>
    %get3A_34 = arith.constant 0 : index
    %get3A_35 = arith.constant 0 : index
    %get3A_36 = vector.load %arg6[%get3A_34, %get3A_35] : memref<1x64xf32, #tpu.memory_space<vmem>>, vector<1x64xf32>
    %add3A_37 = vector.broadcast %get3A_36 : vector<1x64xf32> to vector<2000x64xf32>
    %add3A_38 = arith.addf %dot_general3A_33, %add3A_37 : vector<2000x64xf32>
    %reduce_max3A = arith.constant dense<0xFF800000> : vector<2000xf32>
    %reduce_max3A_39 = vector.multi_reduction <maximumf>, %add3A_38, %reduce_max3A [1] : vector<2000x64xf32> to vector<2000xf32>
    %broadcast_in_dim3A = vector.shape_cast %reduce_max3A_39 : vector<2000xf32> to vector<2000x1xf32>
    %sub3A = vector.broadcast %broadcast_in_dim3A : vector<2000x1xf32> to vector<2000x64xf32>
    %sub3A_40 = arith.subf %add3A_38, %sub3A : vector<2000x64xf32>
    %exp3A = math.exp %sub3A_40 : vector<2000x64xf32>
    %reduce_sum3A = arith.constant dense<0.000000e+00> : vector<2000xf32>
    %reduce_sum3A_41 = vector.multi_reduction <add>, %exp3A, %reduce_sum3A [1] : vector<2000x64xf32> to vector<2000xf32>
    %broadcast_in_dim3A_42 = vector.shape_cast %reduce_sum3A_41 : vector<2000xf32> to vector<2000x1xf32>
    %log3A = math.log %broadcast_in_dim3A_42 : vector<2000x1xf32>
    %add3A_43 = arith.addf %log3A, %broadcast_in_dim3A : vector<2000x1xf32>
    %sub3A_44 = vector.broadcast %add3A_43 : vector<2000x1xf32> to vector<2000x64xf32>
    %sub3A_45 = arith.subf %add3A_38, %sub3A_44 : vector<2000x64xf32>
    %swap3A = arith.constant 0 : index
    %swap3A_46 = arith.constant 0 : index
    %swap3A_47 = vector.load %arg7[%swap3A, %swap3A_46] : memref<2000x64xf32, #tpu.memory_space<vmem>>, vector<2000x64xf32>
    tpu.vector_store %arg7[%swap3A, %swap3A_46], %sub3A_45 {strides = array<i32>} : memref<2000x64xf32, #tpu.memory_space<vmem>>, vector<2000x64xf32>,
    return
  }
  func.func @transform_0(%arg0: i32) -> (i32, i32, i32) {
    %c0_i32 = arith.constant 0 : i32
    %c0_i32_0 = arith.constant 0 : i32
    %c0_i32_1 = arith.constant 0 : i32
    return %c0_i32, %arg0, %c0_i32_0 : i32, i32, i32
  }
  func.func @transform_1(%arg0: i32) -> (i32, i32) {
    %c0_i32 = arith.constant 0 : i32
    %c0_i32_0 = arith.constant 0 : i32
    return %arg0, %c0_i32 : i32, i32
  }
  func.func @transform_2(%arg0: i32) -> (i32, i32) {
    %c0_i32 = arith.constant 0 : i32
    %c0_i32_0 = arith.constant 0 : i32
    %c0_i32_1 = arith.constant 0 : i32
    return %c0_i32, %c0_i32_0 : i32, i32
  }
  func.func @transform_3(%arg0: i32) -> (i32, i32) {
    %c0_i32 = arith.constant 0 : i32
    %c0_i32_0 = arith.constant 0 : i32
    %c0_i32_1 = arith.constant 0 : i32
    return %c0_i32, %c0_i32_0 : i32, i32
  }
  func.func @transform_4(%arg0: i32) -> (i32, i32) {
    %c0_i32 = arith.constant 0 : i32
    %c0_i32_0 = arith.constant 0 : i32
    %c0_i32_1 = arith.constant 0 : i32
    return %c0_i32, %c0_i32_0 : i32, i32
  }
  func.func @transform_5(%arg0: i32) -> (i32, i32) {
    %c0_i32 = arith.constant 0 : i32
    %c0_i32_0 = arith.constant 0 : i32
    %c0_i32_1 = arith.constant 0 : i32
    return %c0_i32, %c0_i32_0 : i32, i32
  }
  func.func @transform_6(%arg0: i32) -> (i32, i32) {
    %c0_i32 = arith.constant 0 : i32
    %c0_i32_0 = arith.constant 0 : i32
    return %arg0, %c0_i32 : i32, i32
  }
}

</mosaic_0001>

<sc_bundles>
// kernel: kernel.6.cloned.1.call-start
scs
__scs_entry_jumppad:
0x0: {  	(pc) =	sbr.rel $0x88, $3  }
0x1: {  	(tag) =	ssettag $0x0;
	lr =	simm.s32 $0x1  }
0x2: {  	[smem:$0x3F99] =	sst lr;
	_ =	strace $0xD0000000  }
0x3: {  	_ = 	snop  }
0x4: {  	_ = 	snop  }
0x5: {  	_ = 	snop  }
0x6: {  	_ = 	snop  }
0x7: {  	_ = 	snop  }
__scs_overlays_trampoline_lowered:
0x8: {  	[smem:$0x3FA8] =	sst s0  }
0x9: {  	[smem:$0x3FA9] =	sst s1  }
0xa: {  	[smem:$0x3FAA] =	sst s2  }
0xb: {  	[smem:$0x3FAB] =	sst s3  }
0xc: {  	[smem:$0x3FAC] =	sst s4  }
0xd: {  	[smem:$0x3FAD] =	sst s5  }
0xe: {  	[smem:$0x3FAE] =	sst s6  }
0xf: {  	[smem:$0x3FAF] =	sst s7  }
0x10: {  	[smem:$0x3FB0] =	sst s8  }
0x11: {  	[smem:$0x3FB1] =	sst s9;
	s0 =	simm.s32 @!p0 $0x0  }
0x12: {  	s1 =	sld [smem:$0x3F97];
	s0 =	simm.s32 @p0 $0x1  }
0x13: {  	[smem:$0x3FB2] =	sst s0;
	s0 =	simm.s32 @!p1 $0x0  }
0x14: {  	s2 =	sld [smem:$0x3F96];
	s0 =	simm.s32 @p1 $0x1  }
0x15: {  	[smem:$0x3FB3] =	sst s0;
	s0 =	simm.s32 @!p2 $0x0  }
0x16: {  	s3 =	sld [smem:$0x3FDB];
	s0 =	simm.s32 @p2 $0x1  }
0x17: {  	s4 =	simm.s32 $0x1BF5;
	[smem:$0x3FB5] =	sst s0  }
0x18: {  	s0 =	sld [smem:$0x3F98];
	_ =	swait.ge [sflag:s4], $0x0  }
0x19: {  	s7 =	sld [smem:$0x3F99]  }
0x1a: {  	s8 =	sadd.s32 $0xFFFFE003, lr  }
0x1b: {  	s9 =	sadd.s32 $0xFFFFFEF7, lr;
	s5 =	simm.s32 $0xFFFFFFFF;
	p2 =	slt.u32 s8, $0xFFFFF086  }
0x1c: {  	p1 =	slt.u32 s9, $0xF7A;
	s5 =	simm.s32 @!p2 $0x0  }
0x1d: {  	s5 =	simm.s32 @p1 $0x1;
	p0 =	seq.s32 s7, s2  }
0x1e: {  	s7 =	smul.u32 @!p0 $0xF7A, s2;
	p2 =	seq.s32 @!p0 s5, $0x0  }
0x1f: {  	s9 =	smul.u32 $0xF7A, s1;
	s8 =	simm.s32 @!p0 $0x1BF5;
	p2 =	por !p2, p0  }
0x20: {  	[sflag:s8] =	ssyncset.s32 @!p0 $0xFFFFF086;
	s6 =	sadd.s32 @!p0 s3, s7;
	s7 =	simm.s32 @!p0 $0x108  }
0x21: {  	s3 =	sadd.s32 s3, s9;
	s6 =	sadd.s32 @!p0 $0x88, s6;
	s7 =	simm.s32 @p2 $0x1082  }
0x22: {  	[simem:s7], [sflag:s8] =	dma.local @!p0 [hbm:s6], $0xF7A  }
0x23: {  	s9 =	sor.u32 $0xD0000000, s2;
	s6 =	simm.s32 $0x108;
	_ =	swait.ge @!p0 [sflag:s8], $0x0  }
0x24: {  	s3 =	sadd.s32 $0x88, s3;
	s6 =	simm.s32 @!p1 $0x1082;
	[sflag:s4] =	ssyncset.s32 $0xFFFFF086  }
0x25: {  	[simem:s6], [sflag:s4] =	dma.local [hbm:s3], $0xF7A  }
0x26: {  	[smem:$0x3F99] =	sst s1;
	(tag) =	ssettag s2;
	_ =	strace s9  }
0x27: {  	s1 =	sld [smem:$0x3FA9]  }
0x28: {  	s2 =	sld [smem:$0x3FAA]  }
0x29: {  	s4 =	sld [smem:$0x3FAC]  }
0x2a: {  	p0 =	seq.s32 s5, $0x0;
	s5 =	sld [smem:$0x3FAD]  }
0x2b: {  	s6 =	sld [smem:$0x3FAE]  }
0x2c: {  	s7 =	sld [smem:$0x3FAF]  }
0x2d: {  	s3 =	simm.s32 $0x108;
	s8 =	sld [smem:$0x3FB0]  }
0x2e: {  	s3 =	simm.s32 @!p0 $0x1082;
	s9 =	sld [smem:$0x3FB1]  }
0x2f: {  	lr =	sadd.s32 s0, s3;
	s0 =	sld [smem:$0x3FA8]  }
0x30: {  	s3 =	sld [smem:$0x3FAB]  }
0x31: {  	[smem:$0x3FB4] =	sst s10  }
0x32: {  	s10 =	sld [smem:$0x3FB2];
	_ =	sdelay $0x3  }
0x33: {  	p0 =	seq.s32 s10, $0x1;
	s10 =	sld [smem:$0x3FB4];
	_ =	sdelay $0x3  }
0x34: {  	[smem:$0x3FB4] =	sst s10  }
0x35: {  	s10 =	sld [smem:$0x3FB3];
	_ =	sdelay $0x3  }
0x36: {  	p1 =	seq.s32 s10, $0x1;
	s10 =	sld [smem:$0x3FB4];
	_ =	sdelay $0x3  }
0x37: {  	[smem:$0x3FB4] =	sst s10  }
0x38: {  	s10 =	sld [smem:$0x3FB5]  }
0x39: {  	_ = 	snop;
	(pc) =	sbr.ind lr, $3  }
0x3a: {  	_ = 	snop  }
0x3b: {  	_ = 	snop  }
0x3c: {  	p2 =	seq.s32 s10, $0x1;
	s10 =	sld [smem:$0x3FB4]  }
0x3d: {  	_ =	shalt  }
0x3e: {  	_ =	shalt  }
0x3f: {  	_ =	shalt  }
0x40: {  	_ =	shalt  }
0x41: {  	_ =	shalt  }
0x42: {  	_ =	shalt  }
0x43: {  	_ =	shalt  }
0x44: {  	_ =	shalt  }
0x45: {  	_ =	shalt  }
0x46: {  	_ =	shalt  }
0x47: {  	_ =	shalt  }
0x48: {  	_ =	shalt  }
0x49: {  	_ =	shalt  }
0x4a: {  	_ =	shalt  }
0x4b: {  	_ =	shalt  }
0x4c: {  	_ =	shalt  }
0x4d: {  	_ =	shalt  }
0x4e: {  	_ =	shalt  }
0x4f: {  	_ =	shalt  }
0x50: {  	_ =	shalt  }
0x51: {  	_ =	shalt  }
0x52: {  	_ =	shalt  }
0x53: {  	_ =	shalt  }
0x54: {  	_ =	shalt  }
0x55: {  	_ =	shalt  }
0x56: {  	_ =	shalt  }
0x57: {  	_ =	shalt  }
0x58: {  	_ =	shalt  }
0x59: {  	_ =	shalt  }
0x5a: {  	_ =	shalt  }
0x5b: {  	_ =	shalt  }
0x5c: {  	_ =	shalt  }
0x5d: {  	_ =	shalt  }
0x5e: {  	_ =	shalt  }
0x5f: {  	_ =	shalt  }
0x60: {  	_ =	shalt  }
0x61: {  	_ =	shalt  }
0x62: {  	_ =	shalt  }
0x63: {  	_ =	shalt  }
0x64: {  	_ =	shalt  }
0x65: {  	_ =	shalt  }
0x66: {  	_ =	shalt  }
0x67: {  	_ =	shalt  }
0x68: {  	_ =	shalt  }
0x69: {  	_ =	shalt  }
0x6a: {  	_ =	shalt  }
0x6b: {  	_ =	shalt  }
0x6c: {  	_ =	shalt  }
0x6d: {  	_ =	shalt  }
0x6e: {  	_ =	shalt  }
0x6f: {  	_ =	shalt  }
0x70: {  	_ =	shalt  }
0x71: {  	_ =	shalt  }
0x72: {  	_ =	shalt  }
0x73: {  	_ =	shalt  }
0x74: {  	_ =	shalt  }
0x75: {  	_ =	shalt  }
0x76: {  	_ =	shalt  }
0x77: {  	_ =	shalt  }
0x78: {  	_ =	shalt  }
0x79: {  	_ =	shalt  }
0x7a: {  	_ =	shalt  }
0x7b: {  	_ =	shalt  }
0x7c: {  	_ =	shalt  }
0x7d: {  	_ =	shalt  }
0x7e: {  	_ =	shalt  }
0x7f: {  	_ =	shalt  }
0x80: {  	_ =	shalt  }
0x81: {  	_ =	shalt  }
0x82: {  	_ =	shalt  }
0x83: {  	_ =	shalt  }
0x84: {  	_ =	shalt  }
0x85: {  	_ =	shalt  }
0x86: {  	_ =	shalt  }
0x87: {  	_ =	shalt  }
.Lfunc_end0:
.L_simem_size_0:
called_computation_lowered:
.L_overlay_start_0:
0x88: {  	s2 =	sld [smem:$0x3FD9]  }
0x89: {  	s3 =	sld [smem:$0x3FFE];
	_ =	sdelay $0x1  }
0x8a: {  	s1 =	srdreg.scid  }
0x8b: {  	s0 =	sand.u32 $0x1, s1  }
0x8c: {  	s17 =	sshll.u32 s0, $0xA;
	s2 =	sadd.s32 s3, s2  }
0x8d: {  	s2 =	sadd.s32 s2, s17  }
0x8e: {  	[smem:$0x3FC0] =	sst s2  }
0x8f: {  	_ = 	snop  }
0x90: {  	s2 =	sld [smem:$0x3FD0];
	(tm) =	ssettm $0x1  }
0x91: {  	s18 =	sld [smem:$0x3FFB];
	_ =	sdelay $0x3  }
0x92: {  	_ =	strace s18  }
0x93: {  	s3 =	sld [smem:$0x3FFC];
	_ =	sdelay $0x3  }
0x94: {  	_ =	strace s3  }
0x95: {  	s3 =	sld [smem:$0x3FFD];
	_ =	sdelay $0x3  }
0x96: {  	_ =	strace s3  }
0x97: {  	_ =	strace $0x8FFFFFFF  }
0x98: {  	s19 =	sld [smem:$0x3FDB];
	_ =	sdelay $0x1  }
0x99: {  	s4 =	simm.s32 $_scs_section_size  }
0x9a: {  	s5 =	simm.s32 $_size__tile_overlayer_lowered;
	s6 =	simm.s32 $_tile_overlayer_lowered  }
0x9b: {  	s22 =	simm.s32 $0x1BFF;
	s21 =	sshll.u32 s6, $0x1;
	s3 =	sadd.s32 s4, s19  }
0x9c: {  	s7 =	simm.s32 $0x0;
	s20 =	sshll.u32 s5, $0x1;
	s5 =	sadd.s32 s21, s3  }
0x9d: {  	[timem:s7], [sflag:s22] =	dma.local [hbm:s5], s20  }
0x9e: {  	_ =	swait.ge [sflag:s22], s20  }
0x9f: {  	s4 =	ssub.s32 $0x0, s20;
	[sflag:s22] =	ssyncset.done $0x0  }
0xa0: {  	[sflag:s22] =	ssyncadd.s32 s4;
	_ =	sdelay $0x1  }
0xa1: {  	s23 =	simm.s32 $0x1B8B  }
0xa2: {  	_ =	swait.ge [sflag:s23], $0x1  }
0xa3: {  	[sflag:s23] =	ssyncset.done $0x0  }
0xa4: {  	s25 =	simm.s32 $0x1B8E;
	s24 =	sld [smem:$0x3FFE];
	[sflag:s23] =	ssyncadd.s32 $0xFFFFFFFF  }
0xa5: {  	s26 =	simm.s32 $execute0_lowered;
	[smem:$0x3FD2] =	sst s25  }
0xa6: {  	s5 =	sshll.u32 s26, $0x1;
	_ =	strace $0x80000046;
	[dreg:$0x1] =	wrdreg $0xFFFFFFFF  }
0xa7: {  	s28 =	simm.s32 $_size_execute0_lowered;
	s3 =	sadd.s32 s3, s5;
	[dreg:$0x0] =	wrdreg $0x0  }
0xa8: {  	s5 =	sshll.u32 s28, $0x1;
	[dreg:$0x2] =	wrdreg s3  }
0xa9: {  	[dreg:$0x3] =	wrdreg s5  }
0xaa: {  	[dreg:$0x4] =	wrdreg $0xC0  }
0xab: {  	_ =	task [dreg:s7], $0x5FFFF  }
0xac: {  	[dreg:$0x1] =	wrdreg $0xFFFFFFFF  }
0xad: {  	[dreg:$0x0] =	wrdreg $0x60  }
0xae: {  	[dreg:$0x2] =	wrdreg s2  }
0xaf: {  	[dreg:$0x3] =	wrdreg s24  }
0xb0: {  	[dreg:$0x4] =	wrdreg $0x4E700  }
0xb1: {  	[dreg:$0x5] =	wrdreg $0x9  }
0xb2: {  	_ =	task.clear_ibuf [dreg:s7], $0x6FFFF;
	_ =	strace $0x90000046  }
0xb3: {  	s29 =	simm.s32 $0x9;
	_ =	strace $0x80000048  }
0xb4: {  	_ =	swait.ge [sflag:s29], $0x1  }
0xb5: {  	[sflag:s29] =	ssyncadd.s32 $0xFFFFFFFF  }
0xb6: {  	_ =	strace $0x90000048  }
0xb7: {  	_ =	sfence  }
0xb8: {  	s30 =	sld [smem:$0x0];
	_ =	sdelay $0x2  }
0xb9: {  	s31 =	sshll.u32 s1, $0xD;
	s1 =	sshrl.u32 s1, $0x2  }
0xba: {  	s3 =	sand.u32 $0x4000, s31;
	s1 =	sadd.s32 s1, s30  }
0xbb: {  	s0 =	sor.u32 s3, s0;
	s1 =	sshll.u32 s1, $0x11  }
0xbc: {  	s0 =	sor.u32 s1, s0  }
0xbd: {  	s0 =	sadd.s32 $0x8F2B, s0  }
0xbe: {  	[sflag:s0] =	ssyncadd.remote.s32 $0x1  }
0xbf: {  	_ =	sfence.sel $0xFFFF  }
0xc0: {  	[dreg:$0x0] =	wrdreg $0xFFFFFFFF;
	(pc) =	sbr.abs _section_cstart, $3  }
0xc1: {  	[dreg:$0x1] =	wrdreg $0xFFFFFFFF  }
0xc2: {  	_ =	task.clear_ibuf [dreg:s7], $0x2FFFF;
	_ =	strace $0x9FFFFFFF  }
0xc3: {  	(tm) =	ssettm $0x7FFFFFFF  }
tec
execute0_lowered:
.L_overlay_start_1:
0x0: {  	(tag) =	ssettag $0x1  }
0x1: {  	s3 =	rddreg [dreg:$0x0]  }
0x2: {  	s0 =	srdreg.scid;
	s4 =	rddreg [dreg:$0x1]  }
0x3: {  	s6 =	stileid.u32;
	s1 =	rddreg [dreg:$0x2]  }
0x4: {  	s2 =	simm.s32 $0x0;
	s5 =	sand.u32 $0x1, s0;
	s0 =	rddreg [dreg:$0x3]  }
0x5: {  	s10 =	simm.s32 $0x1;
	s31 =	sshll.u32 s6, $0x1;
	[smem:$0x7FF] =	sst s2  }
0x6: {  	p0 =	sne.s32 s6, $0x0;
	s7 =	sor.u32 s5, s31;
	s8 =	smul.u32 $0x4E2, s5  }
0x7: {  	s6 =	simm.s32 $0x2760;
	s5 =	ssub.s32 $0x2, s5;
	s7 =	smul.u32 $0x2710, s7  }
0x8: {  	_ =	strace $0x80000047;
	s9 =	sshrl.u32 s5, $0x1;
	s4 =	sadd.s32 s8, s4  }
0x9: {  	s5 =	ssub.s32 s5, s9;
	s8 =	simm.s32 $0x50;
	s7 =	sshrl.u32 s7, $0x3  }
0xa: {  	s9 =	simm.s32 $0x2710;
	s4 =	sadd.s32 $0x2000, s4;
	s3 =	sadd.s32 s3, s7  }
0xb: {  	v0 =	vimm.f32 $0.0e+00;
	v1 =	vimm.f32 $1.000000000e+00;
	s5 =	smax.u32 s5, $0x1;
	s7 =	simm.s32 $0x2;
	s3 =	sadd.s32 $0x9C40, s3  }
.LBB2_1:
.Ltmp0:
0xc: {  	(pc) =	sbr.rel @p0 .LBB2_5-.Ltmp0, $1  }
0xd: {  	_ =	sdelay $0x3  }
0xe: {  	s11 =	simm.s32 $0x40;
	s12 =	simm.s32 $0x0  }
.LBB2_3:
0xf: {  	p1 =	sne.s32 s11, $0x9C00;
	[tilespmem:s12+$0x2760] =	vst v0;
	s12 =	smov.u32 s11;
	s11 =	sadd.s32 $0x40, s11  }
.Ltmp1:
0x10: {  	(pc) =	sbr.rel @p1 .LBB2_3-.Ltmp1, $2  }
0x11: {  	_ =	sdelay $0x2  }
0x12: {  	s12 =	sshra.s32 s12, $0x2  }
0x13: {  	[tilespmem:s12+$0x2760] =	vst v0  }
0x14: {  	[spmem:s1] =	stream.linear.scatter [tilespmem:s6], [sflag:$0x2], $0x2710, $0x38;
	[tilespmem:$0x50E8] =	vst v63  }
0x15: {  	_ =	swait.ge [sflag:s7], $0x2710  }
0x16: {  	[sflag:s7] =	ssyncset.done $0x0  }
0x17: {  	[sflag:s7] =	ssyncadd.s32 $0xFFFFD8F0  }
.LBB2_5:
0x18: {  	[tilespmem:$0x2710] =	vst v1  }
0x19: {  	[tilespmem:$0x2720] =	vst v1  }
0x1a: {  	[tilespmem:$0x2730] =	vst v1  }
0x1b: {  	[tilespmem:$0x2740] =	vst v1  }
0x1c: {  	[tilespmem:$0x2750] =	vst v1;
	s11 =	simm.s32 $0x0  }
0x1d: {  	[tilespmem:s11], [sflag:$0x2] =	stream.linear.gather [hbm4b:s3+s11], $0x2710, $0x38;
	[tilespmem:$0x50E8] =	vst v63  }
0x1e: {  	_ =	swait.ge [sflag:s7], $0x2710  }
0x1f: {  	[sflag:s7] =	ssyncset.done $0x0  }
0x20: {  	[sflag:s7] =	ssyncadd.s32 $0xFFFFD8F0  }
0x21: {  	s25 =	simm.s32 $0x0;
	[bflag:$0x0] =	sbarrier.arrive $0xFFFF  }
0x22: {  	[spmem:s1] =	stream.indirect.scatter.add.f32 [tilespmem:s9], [sflag:$0x1], $0x1, s25, s8, $0xb8;
	[tilespmem:$0x50E8] =	vst v63  }
0x23: {  	s26 =	simm.s32 $0x50  }
0x24: {  	[spmem:s1] =	stream.indirect.scatter.add.f32 [tilespmem:s9], [sflag:$0x1], $0x1, s26, s8, $0xb8;
	[tilespmem:$0x50E8] =	vst v63  }
0x25: {  	s28 =	simm.s32 $0xA0  }
0x26: {  	[spmem:s1] =	stream.indirect.scatter.add.f32 [tilespmem:s9], [sflag:$0x1], $0x1, s28, s8, $0xb8;
	[tilespmem:$0x50E8] =	vst v63  }
0x27: {  	s29 =	simm.s32 $0xF0  }
0x28: {  	[spmem:s1] =	stream.indirect.scatter.add.f32 [tilespmem:s9], [sflag:$0x1], $0x1, s29, s8, $0xb8;
	[tilespmem:$0x50E8] =	vst v63  }
0x29: {  	s30 =	simm.s32 $0x140  }
0x2a: {  	[spmem:s1] =	stream.indirect.scatter.add.f32 [tilespmem:s9], [sflag:$0x1], $0x1, s30, s8, $0xb8;
	[tilespmem:$0x50E8] =	vst v63  }
0x2b: {  	s31 =	simm.s32 $0x190  }
0x2c: {  	[spmem:s1] =	stream.indirect.scatter.add.f32 [tilespmem:s9], [sflag:$0x1], $0x1, s31, s8, $0xb8;
	[tilespmem:$0x50E8] =	vst v63  }
0x2d: {  	s12 =	simm.s32 $0x1E0  }
0x2e: {  	[spmem:s1] =	stream.indirect.scatter.add.f32 [tilespmem:s9], [sflag:$0x1], $0x1, s12, s8, $0xb8;
	[tilespmem:$0x50E8] =	vst v63  }
0x2f: {  	s13 =	simm.s32 $0x230  }
0x30: {  	[spmem:s1] =	stream.indirect.scatter.add.f32 [tilespmem:s9], [sflag:$0x1], $0x1, s13, s8, $0xb8;
	[tilespmem:$0x50E8] =	vst v63  }
0x31: {  	s14 =	simm.s32 $0x280  }
0x32: {  	[spmem:s1] =	stream.indirect.scatter.add.f32 [tilespmem:s9], [sflag:$0x1], $0x1, s14, s8, $0xb8;
	[tilespmem:$0x50E8] =	vst v63  }
0x33: {  	s15 =	simm.s32 $0x2D0  }
0x34: {  	[spmem:s1] =	stream.indirect.scatter.add.f32 [tilespmem:s9], [sflag:$0x1], $0x1, s15, s8, $0xb8;
	[tilespmem:$0x50E8] =	vst v63  }
0x35: {  	s16 =	simm.s32 $0x320  }
0x36: {  	[spmem:s1] =	stream.indirect.scatter.add.f32 [tilespmem:s9], [sflag:$0x1], $0x1, s16, s8, $0xb8;
	[tilespmem:$0x50E8] =	vst v63  }
0x37: {  	s17 =	simm.s32 $0x370  }
0x38: {  	[spmem:s1] =	stream.indirect.scatter.add.f32 [tilespmem:s9], [sflag:$0x1], $0x1, s17, s8, $0xb8;
	[tilespmem:$0x50E8] =	vst v63  }
0x39: {  	s18 =	simm.s32 $0x3C0  }
0x3a: {  	[spmem:s1] =	stream.indirect.scatter.add.f32 [tilespmem:s9], [sflag:$0x1], $0x1, s18, s8, $0xb8;
	[tilespmem:$0x50E8] =	vst v63  }
0x3b: {  	s19 =	simm.s32 $0x410  }
0x3c: {  	[spmem:s1] =	stream.indirect.scatter.add.f32 [tilespmem:s9], [sflag:$0x1], $0x1, s19, s8, $0xb8;
	[tilespmem:$0x50E8] =	vst v63  }
0x3d: {  	s20 =	simm.s32 $0x460  }
0x3e: {  	[spmem:s1] =	stream.indirect.scatter.add.f32 [tilespmem:s9], [sflag:$0x1], $0x1, s20, s8, $0xb8;
	[tilespmem:$0x50E8] =	vst v63  }
0x3f: {  	s21 =	simm.s32 $0x4B0  }
0x40: {  	[spmem:s1] =	stream.indirect.scatter.add.f32 [tilespmem:s9], [sflag:$0x1], $0x1, s21, s8, $0xb8;
	[tilespmem:$0x50E8] =	vst v63  }
0x41: {  	s22 =	simm.s32 $0x500  }
0x42: {  	[spmem:s1] =	stream.indirect.scatter.add.f32 [tilespmem:s9], [sflag:$0x1], $0x1, s22, s8, $0xb8;
	[tilespmem:$0x50E8] =	vst v63  }
0x43: {  	s23 =	simm.s32 $0x550  }
0x44: {  	[spmem:s1] =	stream.indirect.scatter.add.f32 [tilespmem:s9], [sflag:$0x1], $0x1, s23, s8, $0xb8;
	[tilespmem:$0x50E8] =	vst v63  }
0x45: {  	s24 =	simm.s32 $0x5A0  }
0x46: {  	[spmem:s1] =	stream.indirect.scatter.add.f32 [tilespmem:s9], [sflag:$0x1], $0x1, s24, s8, $0xb8;
	[tilespmem:$0x50E8] =	vst v63  }
0x47: {  	s25 =	simm.s32 $0x5F0  }
0x48: {  	[spmem:s1] =	stream.indirect.scatter.add.f32 [tilespmem:s9], [sflag:$0x1], $0x1, s25, s8, $0xb8;
	[tilespmem:$0x50E8] =	vst v63  }
0x49: {  	s26 =	simm.s32 $0x640  }
0x4a: {  	[spmem:s1] =	stream.indirect.scatter.add.f32 [tilespmem:s9], [sflag:$0x1], $0x1, s26, s8, $0xb8;
	[tilespmem:$0x50E8] =	vst v63  }
0x4b: {  	s28 =	simm.s32 $0x690  }
0x4c: {  	[spmem:s1] =	stream.indirect.scatter.add.f32 [tilespmem:s9], [sflag:$0x1], $0x1, s28, s8, $0xb8;
	[tilespmem:$0x50E8] =	vst v63  }
0x4d: {  	s29 =	simm.s32 $0x6E0  }
0x4e: {  	[spmem:s1] =	stream.indirect.scatter.add.f32 [tilespmem:s9], [sflag:$0x1], $0x1, s29, s8, $0xb8;
	[tilespmem:$0x50E8] =	vst v63  }
0x4f: {  	s30 =	simm.s32 $0x730  }
0x50: {  	[spmem:s1] =	stream.indirect.scatter.add.f32 [tilespmem:s9], [sflag:$0x1], $0x1, s30, s8, $0xb8;
	[tilespmem:$0x50E8] =	vst v63  }
0x51: {  	s31 =	simm.s32 $0x780  }
0x52: {  	[spmem:s1] =	stream.indirect.scatter.add.f32 [tilespmem:s9], [sflag:$0x1], $0x1, s31, s8, $0xb8;
	[tilespmem:$0x50E8] =	vst v63  }
0x53: {  	_ =	swait.ge [sflag:s10], $0x50  }
0x54: {  	[sflag:s10] =	ssyncset.done $0x0  }
0x55: {  	[sflag:s10] =	ssyncadd.s32 $0xFFFFFFB0  }
0x56: {  	_ =	swait.ge [sflag:s10], $0x50  }
0x57: {  	[sflag:s10] =	ssyncset.done $0x0  }
0x58: {  	[sflag:s10] =	ssyncadd.s32 $0xFFFFFFB0  }
0x59: {  	_ =	swait.ge [sflag:s10], $0x50  }
0x5a: {  	[sflag:s10] =	ssyncset.done $0x0  }
0x5b: {  	[sflag:s10] =	ssyncadd.s32 $0xFFFFFFB0  }
0x5c: {  	_ =	swait.ge [sflag:s10], $0x50  }
0x5d: {  	[sflag:s10] =	ssyncset.done $0x0  }
0x5e: {  	[sflag:s10] =	ssyncadd.s32 $0xFFFFFFB0  }
0x5f: {  	_ =	swait.ge [sflag:s10], $0x50  }
0x60: {  	[sflag:s10] =	ssyncset.done $0x0  }
0x61: {  	[sflag:s10] =	ssyncadd.s32 $0xFFFFFFB0  }
0x62: {  	_ =	swait.ge [sflag:s10], $0x50  }
0x63: {  	[sflag:s10] =	ssyncset.done $0x0  }
0x64: {  	[sflag:s10] =	ssyncadd.s32 $0xFFFFFFB0  }
0x65: {  	_ =	swait.ge [sflag:s10], $0x50  }
0x66: {  	[sflag:s10] =	ssyncset.done $0x0  }
0x67: {  	[sflag:s10] =	ssyncadd.s32 $0xFFFFFFB0  }
0x68: {  	_ =	swait.ge [sflag:s10], $0x50  }
0x69: {  	[sflag:s10] =	ssyncset.done $0x0  }
0x6a: {  	[sflag:s10] =	ssyncadd.s32 $0xFFFFFFB0  }
0x6b: {  	_ =	swait.ge [sflag:s10], $0x50  }
0x6c: {  	[sflag:s10] =	ssyncset.done $0x0  }
0x6d: {  	[sflag:s10] =	ssyncadd.s32 $0xFFFFFFB0  }
0x6e: {  	_ =	swait.ge [sflag:s10], $0x50  }
0x6f: {  	[sflag:s10] =	ssyncset.done $0x0  }
0x70: {  	[sflag:s10] =	ssyncadd.s32 $0xFFFFFFB0  }
0x71: {  	_ =	swait.ge [sflag:s10], $0x50  }
0x72: {  	[sflag:s10] =	ssyncset.done $0x0  }
0x73: {  	[sflag:s10] =	ssyncadd.s32 $0xFFFFFFB0  }
0x74: {  	_ =	swait.ge [sflag:s10], $0x50  }
0x75: {  	[sflag:s10] =	ssyncset.done $0x0  }
0x76: {  	[sflag:s10] =	ssyncadd.s32 $0xFFFFFFB0  }
0x77: {  	_ =	swait.ge [sflag:s10], $0x50  }
0x78: {  	[sflag:s10] =	ssyncset.done $0x0  }
0x79: {  	[sflag:s10] =	ssyncadd.s32 $0xFFFFFFB0  }
0x7a: {  	_ =	swait.ge [sflag:s10], $0x50  }
0x7b: {  	[sflag:s10] =	ssyncset.done $0x0  }
0x7c: {  	[sflag:s10] =	ssyncadd.s32 $0xFFFFFFB0  }
0x7d: {  	_ =	swait.ge [sflag:s10], $0x50  }
0x7e: {  	[sflag:s10] =	ssyncset.done $0x0  }
0x7f: {  	[sflag:s10] =	ssyncadd.s32 $0xFFFFFFB0  }
0x80: {  	_ =	swait.ge [sflag:s10], $0x50  }
0x81: {  	[sflag:s10] =	ssyncset.done $0x0  }
0x82: {  	[sflag:s10] =	ssyncadd.s32 $0xFFFFFFB0  }
0x83: {  	_ =	swait.ge [sflag:s10], $0x50  }
0x84: {  	[sflag:s10] =	ssyncset.done $0x0  }
0x85: {  	[sflag:s10] =	ssyncadd.s32 $0xFFFFFFB0  }
0x86: {  	_ =	swait.ge [sflag:s10], $0x50  }
0x87: {  	[sflag:s10] =	ssyncset.done $0x0  }
0x88: {  	[sflag:s10] =	ssyncadd.s32 $0xFFFFFFB0  }
0x89: {  	_ =	swait.ge [sflag:s10], $0x50  }
0x8a: {  	[sflag:s10] =	ssyncset.done $0x0  }
0x8b: {  	[sflag:s10] =	ssyncadd.s32 $0xFFFFFFB0  }
0x8c: {  	_ =	swait.ge [sflag:s10], $0x50  }
0x8d: {  	[sflag:s10] =	ssyncset.done $0x0  }
0x8e: {  	[sflag:s10] =	ssyncadd.s32 $0xFFFFFFB0  }
0x8f: {  	_ =	swait.ge [sflag:s10], $0x50  }
0x90: {  	[sflag:s10] =	ssyncset.done $0x0  }
0x91: {  	[sflag:s10] =	ssyncadd.s32 $0xFFFFFFB0  }
0x92: {  	_ =	swait.ge [sflag:s10], $0x50  }
0x93: {  	[sflag:s10] =	ssyncset.done $0x0  }
0x94: {  	[sflag:s10] =	ssyncadd.s32 $0xFFFFFFB0  }
0x95: {  	_ =	swait.ge [sflag:s10], $0x50  }
0x96: {  	[sflag:s10] =	ssyncset.done $0x0  }
0x97: {  	[sflag:s10] =	ssyncadd.s32 $0xFFFFFFB0  }
0x98: {  	_ =	swait.ge [sflag:s10], $0x50  }
0x99: {  	[sflag:s10] =	ssyncset.done $0x0  }
0x9a: {  	[sflag:s10] =	ssyncadd.s32 $0xFFFFFFB0  }
0x9b: {  	_ =	swait.ge [sflag:s10], $0x50  }
0x9c: {  	s11 =	simm.s32 $0x1F40;
	s14 =	simm.s32 $0x3E80;
	[sflag:s10] =	ssyncset.done $0x0  }
.LBB2_6:
0x9d: {  	s13 =	sshra.s32 s11, $0x2  }
0x9e: {  	[sflag:s10] =	ssyncadd.s32 $0xFFFFFFB0;
	s11 =	smov.u32 s14;
	s12 =	sadd.s32 $0x1F40, s14  }
0x9f: {  	[spmem:s1] =	stream.indirect.scatter.add.f32 [tilespmem:s9], [sflag:$0x1], $0x1, s13, s8, $0xb8;
	[tilespmem:$0x50E8] =	vst v63  }
0xa0: {  	p1 =	sne.s32 s14, $0x7D00;
	s14 =	sadd.s32 $0x50, s13  }
0xa1: {  	[spmem:s1] =	stream.indirect.scatter.add.f32 [tilespmem:s9], [sflag:$0x1], $0x1, s14, s8, $0xb8;
	[tilespmem:$0x50E8] =	vst v63  }
0xa2: {  	s14 =	sadd.s32 $0xA0, s13  }
0xa3: {  	[spmem:s1] =	stream.indirect.scatter.add.f32 [tilespmem:s9], [sflag:$0x1], $0x1, s14, s8, $0xb8;
	[tilespmem:$0x50E8] =	vst v63  }
0xa4: {  	s14 =	sadd.s32 $0xF0, s13  }
0xa5: {  	[spmem:s1] =	stream.indirect.scatter.add.f32 [tilespmem:s9], [sflag:$0x1], $0x1, s14, s8, $0xb8;
	[tilespmem:$0x50E8] =	vst v63  }
0xa6: {  	s14 =	sadd.s32 $0x140, s13  }
0xa7: {  	[spmem:s1] =	stream.indirect.scatter.add.f32 [tilespmem:s9], [sflag:$0x1], $0x1, s14, s8, $0xb8;
	[tilespmem:$0x50E8] =	vst v63  }
0xa8: {  	s14 =	sadd.s32 $0x190, s13  }
0xa9: {  	[spmem:s1] =	stream.indirect.scatter.add.f32 [tilespmem:s9], [sflag:$0x1], $0x1, s14, s8, $0xb8;
	[tilespmem:$0x50E8] =	vst v63  }
0xaa: {  	s14 =	sadd.s32 $0x1E0, s13  }
0xab: {  	[spmem:s1] =	stream.indirect.scatter.add.f32 [tilespmem:s9], [sflag:$0x1], $0x1, s14, s8, $0xb8;
	[tilespmem:$0x50E8] =	vst v63  }
0xac: {  	s14 =	sadd.s32 $0x230, s13  }
0xad: {  	[spmem:s1] =	stream.indirect.scatter.add.f32 [tilespmem:s9], [sflag:$0x1], $0x1, s14, s8, $0xb8;
	[tilespmem:$0x50E8] =	vst v63  }
0xae: {  	s14 =	sadd.s32 $0x280, s13  }
0xaf: {  	[spmem:s1] =	stream.indirect.scatter.add.f32 [tilespmem:s9], [sflag:$0x1], $0x1, s14, s8, $0xb8;
	[tilespmem:$0x50E8] =	vst v63  }
0xb0: {  	s14 =	sadd.s32 $0x2D0, s13  }
0xb1: {  	[spmem:s1] =	stream.indirect.scatter.add.f32 [tilespmem:s9], [sflag:$0x1], $0x1, s14, s8, $0xb8;
	[tilespmem:$0x50E8] =	vst v63  }
0xb2: {  	s14 =	sadd.s32 $0x320, s13  }
0xb3: {  	[spmem:s1] =	stream.indirect.scatter.add.f32 [tilespmem:s9], [sflag:$0x1], $0x1, s14, s8, $0xb8;
	[tilespmem:$0x50E8] =	vst v63  }
0xb4: {  	s14 =	sadd.s32 $0x370, s13  }
0xb5: {  	[spmem:s1] =	stream.indirect.scatter.add.f32 [tilespmem:s9], [sflag:$0x1], $0x1, s14, s8, $0xb8;
	[tilespmem:$0x50E8] =	vst v63  }
0xb6: {  	s14 =	sadd.s32 $0x3C0, s13  }
0xb7: {  	[spmem:s1] =	stream.indirect.scatter.add.f32 [tilespmem:s9], [sflag:$0x1], $0x1, s14, s8, $0xb8;
	[tilespmem:$0x50E8] =	vst v63  }
0xb8: {  	s14 =	sadd.s32 $0x410, s13  }
0xb9: {  	[spmem:s1] =	stream.indirect.scatter.add.f32 [tilespmem:s9], [sflag:$0x1], $0x1, s14, s8, $0xb8;
	[tilespmem:$0x50E8] =	vst v63  }
0xba: {  	s14 =	sadd.s32 $0x460, s13  }
0xbb: {  	[spmem:s1] =	stream.indirect.scatter.add.f32 [tilespmem:s9], [sflag:$0x1], $0x1, s14, s8, $0xb8;
	[tilespmem:$0x50E8] =	vst v63  }
0xbc: {  	s14 =	sadd.s32 $0x4B0, s13  }
0xbd: {  	[spmem:s1] =	stream.indirect.scatter.add.f32 [tilespmem:s9], [sflag:$0x1], $0x1, s14, s8, $0xb8;
	[tilespmem:$0x50E8] =	vst v63  }
0xbe: {  	s14 =	sadd.s32 $0x500, s13  }
0xbf: {  	[spmem:s1] =	stream.indirect.scatter.add.f32 [tilespmem:s9], [sflag:$0x1], $0x1, s14, s8, $0xb8;
	[tilespmem:$0x50E8] =	vst v63  }
0xc0: {  	s14 =	sadd.s32 $0x550, s13  }
0xc1: {  	[spmem:s1] =	stream.indirect.scatter.add.f32 [tilespmem:s9], [sflag:$0x1], $0x1, s14, s8, $0xb8;
	[tilespmem:$0x50E8] =	vst v63  }
0xc2: {  	s14 =	sadd.s32 $0x5A0, s13  }
0xc3: {  	[spmem:s1] =	stream.indirect.scatter.add.f32 [tilespmem:s9], [sflag:$0x1], $0x1, s14, s8, $0xb8;
	[tilespmem:$0x50E8] =	vst v63  }
0xc4: {  	s14 =	sadd.s32 $0x5F0, s13  }
0xc5: {  	[spmem:s1] =	stream.indirect.scatter.add.f32 [tilespmem:s9], [sflag:$0x1], $0x1, s14, s8, $0xb8;
	[tilespmem:$0x50E8] =	vst v63  }
0xc6: {  	s14 =	sadd.s32 $0x640, s13  }
0xc7: {  	[spmem:s1] =	stream.indirect.scatter.add.f32 [tilespmem:s9], [sflag:$0x1], $0x1, s14, s8, $0xb8;
	[tilespmem:$0x50E8] =	vst v63  }
0xc8: {  	s14 =	sadd.s32 $0x690, s13  }
0xc9: {  	[spmem:s1] =	stream.indirect.scatter.add.f32 [tilespmem:s9], [sflag:$0x1], $0x1, s14, s8, $0xb8;
	[tilespmem:$0x50E8] =	vst v63  }
0xca: {  	s14 =	sadd.s32 $0x6E0, s13  }
0xcb: {  	[spmem:s1] =	stream.indirect.scatter.add.f32 [tilespmem:s9], [sflag:$0x1], $0x1, s14, s8, $0xb8;
	[tilespmem:$0x50E8] =	vst v63  }
0xcc: {  	s14 =	sadd.s32 $0x730, s13  }
0xcd: {  	[spmem:s1] =	stream.indirect.scatter.add.f32 [tilespmem:s9], [sflag:$0x1], $0x1, s14, s8, $0xb8;
	[tilespmem:$0x50E8] =	vst v63  }
0xce: {  	s13 =	sadd.s32 $0x780, s13  }
0xcf: {  	[spmem:s1] =	stream.indirect.scatter.add.f32 [tilespmem:s9], [sflag:$0x1], $0x1, s13, s8, $0xb8;
	[tilespmem:$0x50E8] =	vst v63  }
0xd0: {  	_ =	swait.ge [sflag:s10], $0x50  }
0xd1: {  	[sflag:s10] =	ssyncset.done $0x0  }
0xd2: {  	[sflag:s10] =	ssyncadd.s32 $0xFFFFFFB0  }
0xd3: {  	_ =	swait.ge [sflag:s10], $0x50  }
0xd4: {  	[sflag:s10] =	ssyncset.done $0x0  }
0xd5: {  	[sflag:s10] =	ssyncadd.s32 $0xFFFFFFB0  }
0xd6: {  	_ =	swait.ge [sflag:s10], $0x50  }
0xd7: {  	[sflag:s10] =	ssyncset.done $0x0  }
0xd8: {  	[sflag:s10] =	ssyncadd.s32 $0xFFFFFFB0  }
0xd9: {  	_ =	swait.ge [sflag:s10], $0x50  }
0xda: {  	[sflag:s10] =	ssyncset.done $0x0  }
0xdb: {  	[sflag:s10] =	ssyncadd.s32 $0xFFFFFFB0  }
0xdc: {  	_ =	swait.ge [sflag:s10], $0x50  }
0xdd: {  	[sflag:s10] =	ssyncset.done $0x0  }
0xde: {  	[sflag:s10] =	ssyncadd.s32 $0xFFFFFFB0  }
0xdf: {  	_ =	swait.ge [sflag:s10], $0x50  }
0xe0: {  	[sflag:s10] =	ssyncset.done $0x0  }
0xe1: {  	[sflag:s10] =	ssyncadd.s32 $0xFFFFFFB0  }
0xe2: {  	_ =	swait.ge [sflag:s10], $0x50  }
0xe3: {  	[sflag:s10] =	ssyncset.done $0x0  }
0xe4: {  	[sflag:s10] =	ssyncadd.s32 $0xFFFFFFB0  }
0xe5: {  	_ =	swait.ge [sflag:s10], $0x50  }
0xe6: {  	[sflag:s10] =	ssyncset.done $0x0  }
0xe7: {  	[sflag:s10] =	ssyncadd.s32 $0xFFFFFFB0  }
0xe8: {  	_ =	swait.ge [sflag:s10], $0x50  }
0xe9: {  	[sflag:s10] =	ssyncset.done $0x0  }
0xea: {  	[sflag:s10] =	ssyncadd.s32 $0xFFFFFFB0  }
0xeb: {  	_ =	swait.ge [sflag:s10], $0x50  }
0xec: {  	[sflag:s10] =	ssyncset.done $0x0  }
0xed: {  	[sflag:s10] =	ssyncadd.s32 $0xFFFFFFB0  }
0xee: {  	_ =	swait.ge [sflag:s10], $0x50  }
0xef: {  	[sflag:s10] =	ssyncset.done $0x0  }
0xf0: {  	[sflag:s10] =	ssyncadd.s32 $0xFFFFFFB0  }
0xf1: {  	_ =	swait.ge [sflag:s10], $0x50  }
0xf2: {  	[sflag:s10] =	ssyncset.done $0x0  }
0xf3: {  	[sflag:s10] =	ssyncadd.s32 $0xFFFFFFB0  }
0xf4: {  	_ =	swait.ge [sflag:s10], $0x50  }
0xf5: {  	[sflag:s10] =	ssyncset.done $0x0  }
0xf6: {  	[sflag:s10] =	ssyncadd.s32 $0xFFFFFFB0  }
0xf7: {  	_ =	swait.ge [sflag:s10], $0x50  }
0xf8: {  	[sflag:s10] =	ssyncset.done $0x0  }
0xf9: {  	[sflag:s10] =	ssyncadd.s32 $0xFFFFFFB0  }
0xfa: {  	_ =	swait.ge [sflag:s10], $0x50  }
0xfb: {  	[sflag:s10] =	ssyncset.done $0x0  }
0xfc: {  	[sflag:s10] =	ssyncadd.s32 $0xFFFFFFB0  }
0xfd: {  	_ =	swait.ge [sflag:s10], $0x50  }
0xfe: {  	[sflag:s10] =	ssyncset.done $0x0  }
0xff: {  	[sflag:s10] =	ssyncadd.s32 $0xFFFFFFB0  }
0x100: {  	_ =	swait.ge [sflag:s10], $0x50  }
0x101: {  	[sflag:s10] =	ssyncset.done $0x0  }
0x102: {  	[sflag:s10] =	ssyncadd.s32 $0xFFFFFFB0  }
0x103: {  	_ =	swait.ge [sflag:s10], $0x50  }
0x104: {  	[sflag:s10] =	ssyncset.done $0x0  }
0x105: {  	[sflag:s10] =	ssyncadd.s32 $0xFFFFFFB0  }
0x106: {  	_ =	swait.ge [sflag:s10], $0x50  }
0x107: {  	[sflag:s10] =	ssyncset.done $0x0  }
0x108: {  	[sflag:s10] =	ssyncadd.s32 $0xFFFFFFB0  }
0x109: {  	_ =	swait.ge [sflag:s10], $0x50  }
0x10a: {  	[sflag:s10] =	ssyncset.done $0x0  }
0x10b: {  	[sflag:s10] =	ssyncadd.s32 $0xFFFFFFB0  }
0x10c: {  	_ =	swait.ge [sflag:s10], $0x50  }
0x10d: {  	[sflag:s10] =	ssyncset.done $0x0  }
0x10e: {  	[sflag:s10] =	ssyncadd.s32 $0xFFFFFFB0  }
0x10f: {  	_ =	swait.ge [sflag:s10], $0x50  }
0x110: {  	[sflag:s10] =	ssyncset.done $0x0  }
0x111: {  	[sflag:s10] =	ssyncadd.s32 $0xFFFFFFB0  }
0x112: {  	_ =	swait.ge [sflag:s10], $0x50  }
0x113: {  	[sflag:s10] =	ssyncset.done $0x0  }
0x114: {  	[sflag:s10] =	ssyncadd.s32 $0xFFFFFFB0  }
.Ltmp2:
0x115: {  	_ =	swait.ge [sflag:s10], $0x50;
	(pc) =	sbr.rel @p1 .LBB2_6-.Ltmp2, $4  }
0x116: {  	[sflag:s10] =	ssyncset.done $0x0  }
0x117: {  	[sflag:s10] =	ssyncadd.s32 $0xFFFFFFB0  }
0x118: {  	_ =	swait.ge [sflag:s10], $0x50  }
0x119: {  	s14 =	smov.u32 s12;
	[sflag:s10] =	ssyncset.done $0x0  }
0x11a: {  	s11 =	sshra.s32 s11, $0x2;
	[sflag:s10] =	ssyncadd.s32 $0xFFFFFFB0  }
0x11b: {  	[spmem:s1] =	stream.indirect.scatter.add.f32 [tilespmem:s9], [sflag:$0x1], $0x1, s11, s8, $0xb8;
	[tilespmem:$0x50E8] =	vst v63  }
0x11c: {  	s12 =	sadd.s32 $0x50, s11  }
0x11d: {  	[spmem:s1] =	stream.indirect.scatter.add.f32 [tilespmem:s9], [sflag:$0x1], $0x1, s12, s8, $0xb8;
	[tilespmem:$0x50E8] =	vst v63  }
0x11e: {  	s28 =	sadd.s32 $0xA0, s11  }
0x11f: {  	[spmem:s1] =	stream.indirect.scatter.add.f32 [tilespmem:s9], [sflag:$0x1], $0x1, s28, s8, $0xb8;
	[tilespmem:$0x50E8] =	vst v63  }
0x120: {  	s29 =	sadd.s32 $0xF0, s11  }
0x121: {  	[spmem:s1] =	stream.indirect.scatter.add.f32 [tilespmem:s9], [sflag:$0x1], $0x1, s29, s8, $0xb8;
	[tilespmem:$0x50E8] =	vst v63  }
0x122: {  	s30 =	sadd.s32 $0x140, s11  }
0x123: {  	[spmem:s1] =	stream.indirect.scatter.add.f32 [tilespmem:s9], [sflag:$0x1], $0x1, s30, s8, $0xb8;
	[tilespmem:$0x50E8] =	vst v63  }
0x124: {  	s31 =	sadd.s32 $0x190, s11  }
0x125: {  	[spmem:s1] =	stream.indirect.scatter.add.f32 [tilespmem:s9], [sflag:$0x1], $0x1, s31, s8, $0xb8;
	[tilespmem:$0x50E8] =	vst v63  }
0x126: {  	s13 =	sadd.s32 $0x1E0, s11  }
0x127: {  	[spmem:s1] =	stream.indirect.scatter.add.f32 [tilespmem:s9], [sflag:$0x1], $0x1, s13, s8, $0xb8;
	[tilespmem:$0x50E8] =	vst v63  }
0x128: {  	s14 =	sadd.s32 $0x230, s11  }
0x129: {  	[spmem:s1] =	stream.indirect.scatter.add.f32 [tilespmem:s9], [sflag:$0x1], $0x1, s14, s8, $0xb8;
	[tilespmem:$0x50E8] =	vst v63  }
0x12a: {  	s15 =	sadd.s32 $0x280, s11  }
0x12b: {  	[spmem:s1] =	stream.indirect.scatter.add.f32 [tilespmem:s9], [sflag:$0x1], $0x1, s15, s8, $0xb8;
	[tilespmem:$0x50E8] =	vst v63  }
0x12c: {  	s16 =	sadd.s32 $0x2D0, s11  }
0x12d: {  	[spmem:s1] =	stream.indirect.scatter.add.f32 [tilespmem:s9], [sflag:$0x1], $0x1, s16, s8, $0xb8;
	[tilespmem:$0x50E8] =	vst v63  }
0x12e: {  	s17 =	sadd.s32 $0x320, s11  }
0x12f: {  	[spmem:s1] =	stream.indirect.scatter.add.f32 [tilespmem:s9], [sflag:$0x1], $0x1, s17, s8, $0xb8;
	[tilespmem:$0x50E8] =	vst v63  }
0x130: {  	s18 =	sadd.s32 $0x370, s11  }
0x131: {  	[spmem:s1] =	stream.indirect.scatter.add.f32 [tilespmem:s9], [sflag:$0x1], $0x1, s18, s8, $0xb8;
	[tilespmem:$0x50E8] =	vst v63  }
0x132: {  	s19 =	sadd.s32 $0x3C0, s11  }
0x133: {  	[spmem:s1] =	stream.indirect.scatter.add.f32 [tilespmem:s9], [sflag:$0x1], $0x1, s19, s8, $0xb8;
	[tilespmem:$0x50E8] =	vst v63  }
0x134: {  	s20 =	sadd.s32 $0x410, s11  }
0x135: {  	[spmem:s1] =	stream.indirect.scatter.add.f32 [tilespmem:s9], [sflag:$0x1], $0x1, s20, s8, $0xb8;
	[tilespmem:$0x50E8] =	vst v63  }
0x136: {  	s21 =	sadd.s32 $0x460, s11  }
0x137: {  	[spmem:s1] =	stream.indirect.scatter.add.f32 [tilespmem:s9], [sflag:$0x1], $0x1, s21, s8, $0xb8;
	[tilespmem:$0x50E8] =	vst v63  }
0x138: {  	s22 =	sadd.s32 $0x4B0, s11  }
0x139: {  	[spmem:s1] =	stream.indirect.scatter.add.f32 [tilespmem:s9], [sflag:$0x1], $0x1, s22, s8, $0xb8;
	[tilespmem:$0x50E8] =	vst v63  }
0x13a: {  	s23 =	sadd.s32 $0x500, s11  }
0x13b: {  	[spmem:s1] =	stream.indirect.scatter.add.f32 [tilespmem:s9], [sflag:$0x1], $0x1, s23, s8, $0xb8;
	[tilespmem:$0x50E8] =	vst v63  }
0x13c: {  	s24 =	sadd.s32 $0x550, s11  }
0x13d: {  	[spmem:s1] =	stream.indirect.scatter.add.f32 [tilespmem:s9], [sflag:$0x1], $0x1, s24, s8, $0xb8;
	[tilespmem:$0x50E8] =	vst v63  }
0x13e: {  	s25 =	sadd.s32 $0x5A0, s11  }
0x13f: {  	[spmem:s1] =	stream.indirect.scatter.add.f32 [tilespmem:s9], [sflag:$0x1], $0x1, s25, s8, $0xb8;
	[tilespmem:$0x50E8] =	vst v63  }
0x140: {  	s26 =	sadd.s32 $0x5F0, s11  }
0x141: {  	[spmem:s1] =	stream.indirect.scatter.add.f32 [tilespmem:s9], [sflag:$0x1], $0x1, s26, s8, $0xb8;
	[tilespmem:$0x50E8] =	vst v63  }
0x142: {  	s28 =	sadd.s32 $0x640, s11  }
0x143: {  	[spmem:s1] =	stream.indirect.scatter.add.f32 [tilespmem:s9], [sflag:$0x1], $0x1, s28, s8, $0xb8;
	[tilespmem:$0x50E8] =	vst v63  }
0x144: {  	s29 =	sadd.s32 $0x690, s11  }
0x145: {  	[spmem:s1] =	stream.indirect.scatter.add.f32 [tilespmem:s9], [sflag:$0x1], $0x1, s29, s8, $0xb8;
	[tilespmem:$0x50E8] =	vst v63  }
0x146: {  	s30 =	sadd.s32 $0x6E0, s11  }
0x147: {  	[spmem:s1] =	stream.indirect.scatter.add.f32 [tilespmem:s9], [sflag:$0x1], $0x1, s30, s8, $0xb8;
	[tilespmem:$0x50E8] =	vst v63  }
0x148: {  	s31 =	sadd.s32 $0x730, s11  }
0x149: {  	[spmem:s1] =	stream.indirect.scatter.add.f32 [tilespmem:s9], [sflag:$0x1], $0x1, s31, s8, $0xb8;
	[tilespmem:$0x50E8] =	vst v63  }
0x14a: {  	s11 =	sadd.s32 $0x780, s11  }
0x14b: {  	[spmem:s1] =	stream.indirect.scatter.add.f32 [tilespmem:s9], [sflag:$0x1], $0x1, s11, s8, $0xb8;
	[tilespmem:$0x50E8] =	vst v63  }
0x14c: {  	_ =	swait.ge [sflag:s10], $0x50  }
0x14d: {  	[sflag:s10] =	ssyncset.done $0x0  }
0x14e: {  	[sflag:s10] =	ssyncadd.s32 $0xFFFFFFB0  }
0x14f: {  	_ =	swait.ge [sflag:s10], $0x50  }
0x150: {  	[sflag:s10] =	ssyncset.done $0x0  }
0x151: {  	[sflag:s10] =	ssyncadd.s32 $0xFFFFFFB0  }
0x152: {  	_ =	swait.ge [sflag:s10], $0x50  }
0x153: {  	[sflag:s10] =	ssyncset.done $0x0  }
0x154: {  	[sflag:s10] =	ssyncadd.s32 $0xFFFFFFB0  }
0x155: {  	_ =	swait.ge [sflag:s10], $0x50  }
0x156: {  	[sflag:s10] =	ssyncset.done $0x0  }
0x157: {  	[sflag:s10] =	ssyncadd.s32 $0xFFFFFFB0  }
0x158: {  	_ =	swait.ge [sflag:s10], $0x50  }
0x159: {  	[sflag:s10] =	ssyncset.done $0x0  }
0x15a: {  	[sflag:s10] =	ssyncadd.s32 $0xFFFFFFB0  }
0x15b: {  	_ =	swait.ge [sflag:s10], $0x50  }
0x15c: {  	[sflag:s10] =	ssyncset.done $0x0  }
0x15d: {  	[sflag:s10] =	ssyncadd.s32 $0xFFFFFFB0  }
0x15e: {  	_ =	swait.ge [sflag:s10], $0x50  }
0x15f: {  	[sflag:s10] =	ssyncset.done $0x0  }
0x160: {  	[sflag:s10] =	ssyncadd.s32 $0xFFFFFFB0  }
0x161: {  	_ =	swait.ge [sflag:s10], $0x50  }
0x162: {  	[sflag:s10] =	ssyncset.done $0x0  }
0x163: {  	[sflag:s10] =	ssyncadd.s32 $0xFFFFFFB0  }
0x164: {  	_ =	swait.ge [sflag:s10], $0x50  }
0x165: {  	[sflag:s10] =	ssyncset.done $0x0  }
0x166: {  	[sflag:s10] =	ssyncadd.s32 $0xFFFFFFB0  }
0x167: {  	_ =	swait.ge [sflag:s10], $0x50  }
0x168: {  	[sflag:s10] =	ssyncset.done $0x0  }
0x169: {  	[sflag:s10] =	ssyncadd.s32 $0xFFFFFFB0  }
0x16a: {  	_ =	swait.ge [sflag:s10], $0x50  }
0x16b: {  	[sflag:s10] =	ssyncset.done $0x0  }
0x16c: {  	[sflag:s10] =	ssyncadd.s32 $0xFFFFFFB0  }
0x16d: {  	_ =	swait.ge [sflag:s10], $0x50  }
0x16e: {  	[sflag:s10] =	ssyncset.done $0x0  }
0x16f: {  	[sflag:s10] =	ssyncadd.s32 $0xFFFFFFB0  }
0x170: {  	_ =	swait.ge [sflag:s10], $0x50  }
0x171: {  	[sflag:s10] =	ssyncset.done $0x0  }
0x172: {  	[sflag:s10] =	ssyncadd.s32 $0xFFFFFFB0  }
0x173: {  	_ =	swait.ge [sflag:s10], $0x50  }
0x174: {  	[sflag:s10] =	ssyncset.done $0x0  }
0x175: {  	[sflag:s10] =	ssyncadd.s32 $0xFFFFFFB0  }
0x176: {  	_ =	swait.ge [sflag:s10], $0x50  }
0x177: {  	[sflag:s10] =	ssyncset.done $0x0  }
0x178: {  	[sflag:s10] =	ssyncadd.s32 $0xFFFFFFB0  }
0x179: {  	_ =	swait.ge [sflag:s10], $0x50  }
0x17a: {  	[sflag:s10] =	ssyncset.done $0x0  }
0x17b: {  	[sflag:s10] =	ssyncadd.s32 $0xFFFFFFB0  }
0x17c: {  	_ =	swait.ge [sflag:s10], $0x50  }
0x17d: {  	[sflag:s10] =	ssyncset.done $0x0  }
0x17e: {  	[sflag:s10] =	ssyncadd.s32 $0xFFFFFFB0  }
0x17f: {  	_ =	swait.ge [sflag:s10], $0x50  }
0x180: {  	[sflag:s10] =	ssyncset.done $0x0  }
0x181: {  	[sflag:s10] =	ssyncadd.s32 $0xFFFFFFB0  }
0x182: {  	_ =	swait.ge [sflag:s10], $0x50  }
0x183: {  	[sflag:s10] =	ssyncset.done $0x0  }
0x184: {  	[sflag:s10] =	ssyncadd.s32 $0xFFFFFFB0  }
0x185: {  	_ =	swait.ge [sflag:s10], $0x50  }
0x186: {  	[sflag:s10] =	ssyncset.done $0x0  }
0x187: {  	[sflag:s10] =	ssyncadd.s32 $0xFFFFFFB0  }
0x188: {  	_ =	swait.ge [sflag:s10], $0x50  }
0x189: {  	[sflag:s10] =	ssyncset.done $0x0  }
0x18a: {  	[sflag:s10] =	ssyncadd.s32 $0xFFFFFFB0  }
0x18b: {  	_ =	swait.ge [sflag:s10], $0x50  }
0x18c: {  	[sflag:s10] =	ssyncset.done $0x0  }
0x18d: {  	[sflag:s10] =	ssyncadd.s32 $0xFFFFFFB0  }
0x18e: {  	_ =	swait.ge [sflag:s10], $0x50  }
0x18f: {  	[sflag:s10] =	ssyncset.done $0x0  }
0x190: {  	[sflag:s10] =	ssyncadd.s32 $0xFFFFFFB0  }
0x191: {  	_ =	swait.ge [sflag:s10], $0x50  }
0x192: {  	[sflag:s10] =	ssyncset.done $0x0  }
0x193: {  	[sflag:s10] =	ssyncadd.s32 $0xFFFFFFB0  }
0x194: {  	_ =	swait.ge [sflag:s10], $0x50  }
0x195: {  	[sflag:s10] =	ssyncset.done $0x0  }
0x196: {  	[sflag:s10] =	ssyncadd.s32 $0xFFFFFFB0  }
0x197: {  	s12 =	simm.s32 @!p0 $0x2;
	s11 =	simm.s32 @!p0 $0x2760;
	[bflag:$0x0] =	sbarrier.arrive $0xFFFF  }
0x198: {  	[tilespmem:s11], [sflag:$0x2] =	stream.linear.gather @!p0 [spmem:s1], $0x2710, $0x38;
	[tilespmem:$0x50E8] =	vst v63  }
0x199: {  	s2 =	sadd.s32 $0x1, s2;
	_ =	swait.ge @!p0 [sflag:s12], $0x2710  }
0x19a: {  	p1 =	sne.s32 s2, s5;
	[sflag:s12] =	ssyncset.done @!p0 $0x0  }
.Ltmp3:
0x19b: {  	s13 =	simm.s32 @!p0 $0x0;
	[sflag:s12] =	ssyncadd.s32 @!p0 $0xFFFFD8F0;
	(pc) =	sbr.rel @p1 .LBB2_1-.Ltmp3, $4  }
0x19c: {  	[hbm4b:s4+s13] =	stream.linear.scatter @!p0 [tilespmem:s11], [sflag:$0x2], $0x2710, $0x38;
	[tilespmem:$0x50E8] =	vst v63  }
0x19d: {  	_ =	swait.ge @!p0 [sflag:s12], $0x2710  }
0x19e: {  	[sflag:s12] =	ssyncset.done @!p0 $0x0  }
0x19f: {  	[sflag:s12] =	ssyncadd.s32 @!p0 $0xFFFFD8F0  }
0x1a0: {  	_ =	sfence.sel $0x180000  }
0x1a1: {  	[bflag:$0x0] =	sbarrier.arrive $0xFFFF  }
0x1a2: {  	_ =	strace $0x90000047  }
0x1a3: {  	s0 =	sadd.s32 @!p0 $0x100000, s0;
	[bflag:$0x2] =	sbarrier.arrive $0xFFFF  }
0x1a4: {  	[sflag:s0] =	ssyncadd.tile.s32 @!p0 $0x1;
	_ =	shalt  }
.Lfunc_end2:
_tile_overlayer_lowered:
.L_overlay_start_2:
0x1a5: {  	(tag) =	ssettag $0x2  }
0x1a6: {  	s0 =	rddreg [dreg:$0x0];
	s2 =	stileid.u32  }
0x1a7: {  	s1 =	rddreg [dreg:$0x1];
	p0 =	sne.s32 s2, $0x0  }
0x1a8: {  	s3 =	rddreg [dreg:$0x2];
	[bflag:$0x3] =	sbarrier.arrive $0xFFFF;
	s2 =	simm.s32 @!p0 $0x1C02  }
0x1a9: {  	[timem:s3], [sflag:s2] =	dma.local @!p0 [hbm:s0], s1  }
0x1aa: {  	s0 =	simm.s32 @!p0 $0x2  }
0x1ab: {  	_ =	swait.ge @!p0 [sflag:s0], s1  }
0x1ac: {  	s1 =	ssub.s32 @!p0 $0x0, s1;
	[sflag:s0] =	ssyncset.done @!p0 $0x0  }
0x1ad: {  	[sflag:s0] =	ssyncadd.s32 @!p0 s1  }
0x1ae: {  	[bflag:$0x3] =	sbarrier.arrive $0xFFFF  }
0x1af: {  	_ =	shalt  }

// kernel: kernel.9.cloned.1.call-start
scs
__scs_entry_jumppad:
0x0: {  	(pc) =	sbr.rel $0x88, $3  }
0x1: {  	(tag) =	ssettag $0x0;
	lr =	simm.s32 $0x1  }
0x2: {  	[smem:$0x3F99] =	sst lr;
	_ =	strace $0xD0000000  }
0x3: {  	_ = 	snop  }
0x4: {  	_ = 	snop  }
0x5: {  	_ = 	snop  }
0x6: {  	_ = 	snop  }
0x7: {  	_ = 	snop  }
__scs_overlays_trampoline_lowered:
0x8: {  	[smem:$0x3FA8] =	sst s0  }
0x9: {  	[smem:$0x3FA9] =	sst s1  }
0xa: {  	[smem:$0x3FAA] =	sst s2  }
0xb: {  	[smem:$0x3FAB] =	sst s3  }
0xc: {  	[smem:$0x3FAC] =	sst s4  }
0xd: {  	[smem:$0x3FAD] =	sst s5  }
0xe: {  	[smem:$0x3FAE] =	sst s6  }
0xf: {  	[smem:$0x3FAF] =	sst s7  }
0x10: {  	[smem:$0x3FB0] =	sst s8  }
0x11: {  	[smem:$0x3FB1] =	sst s9;
	s0 =	simm.s32 @!p0 $0x0  }
0x12: {  	s1 =	sld [smem:$0x3F97];
	s0 =	simm.s32 @p0 $0x1  }
0x13: {  	[smem:$0x3FB2] =	sst s0;
	s0 =	simm.s32 @!p1 $0x0  }
0x14: {  	s2 =	sld [smem:$0x3F96];
	s0 =	simm.s32 @p1 $0x1  }
0x15: {  	[smem:$0x3FB3] =	sst s0;
	s0 =	simm.s32 @!p2 $0x0  }
0x16: {  	s3 =	sld [smem:$0x3FDB];
	s0 =	simm.s32 @p2 $0x1  }
0x17: {  	s4 =	simm.s32 $0x1BF5;
	[smem:$0x3FB5] =	sst s0  }
0x18: {  	s0 =	sld [smem:$0x3F98];
	_ =	swait.ge [sflag:s4], $0x0  }
0x19: {  	s7 =	sld [smem:$0x3F99]  }
0x1a: {  	s8 =	sadd.s32 $0xFFFFE003, lr  }
0x1b: {  	s9 =	sadd.s32 $0xFFFFFEF7, lr;
	s5 =	simm.s32 $0xFFFFFFFF;
	p2 =	slt.u32 s8, $0xFFFFF086  }
0x1c: {  	p1 =	slt.u32 s9, $0xF7A;
	s5 =	simm.s32 @!p2 $0x0  }
0x1d: {  	s5 =	simm.s32 @p1 $0x1;
	p0 =	seq.s32 s7, s2  }
0x1e: {  	s7 =	smul.u32 @!p0 $0xF7A, s2;
	p2 =	seq.s32 @!p0 s5, $0x0  }
0x1f: {  	s9 =	smul.u32 $0xF7A, s1;
	s8 =	simm.s32 @!p0 $0x1BF5;
	p2 =	por !p2, p0  }
0x20: {  	[sflag:s8] =	ssyncset.s32 @!p0 $0xFFFFF086;
	s6 =	sadd.s32 @!p0 s3, s7;
	s7 =	simm.s32 @!p0 $0x108  }
0x21: {  	s3 =	sadd.s32 s3, s9;
	s6 =	sadd.s32 @!p0 $0x88, s6;
	s7 =	simm.s32 @p2 $0x1082  }
0x22: {  	[simem:s7], [sflag:s8] =	dma.local @!p0 [hbm:s6], $0xF7A  }
0x23: {  	s9 =	sor.u32 $0xD0000000, s2;
	s6 =	simm.s32 $0x108;
	_ =	swait.ge @!p0 [sflag:s8], $0x0  }
0x24: {  	s3 =	sadd.s32 $0x88, s3;
	s6 =	simm.s32 @!p1 $0x1082;
	[sflag:s4] =	ssyncset.s32 $0xFFFFF086  }
0x25: {  	[simem:s6], [sflag:s4] =	dma.local [hbm:s3], $0xF7A  }
0x26: {  	[smem:$0x3F99] =	sst s1;
	(tag) =	ssettag s2;
	_ =	strace s9  }
0x27: {  	s1 =	sld [smem:$0x3FA9]  }
0x28: {  	s2 =	sld [smem:$0x3FAA]  }
0x29: {  	s4 =	sld [smem:$0x3FAC]  }
0x2a: {  	p0 =	seq.s32 s5, $0x0;
	s5 =	sld [smem:$0x3FAD]  }
0x2b: {  	s6 =	sld [smem:$0x3FAE]  }
0x2c: {  	s7 =	sld [smem:$0x3FAF]  }
0x2d: {  	s3 =	simm.s32 $0x108;
	s8 =	sld [smem:$0x3FB0]  }
0x2e: {  	s3 =	simm.s32 @!p0 $0x1082;
	s9 =	sld [smem:$0x3FB1]  }
0x2f: {  	lr =	sadd.s32 s0, s3;
	s0 =	sld [smem:$0x3FA8]  }
0x30: {  	s3 =	sld [smem:$0x3FAB]  }
0x31: {  	[smem:$0x3FB4] =	sst s10  }
0x32: {  	s10 =	sld [smem:$0x3FB2];
	_ =	sdelay $0x3  }
0x33: {  	p0 =	seq.s32 s10, $0x1;
	s10 =	sld [smem:$0x3FB4];
	_ =	sdelay $0x3  }
0x34: {  	[smem:$0x3FB4] =	sst s10  }
0x35: {  	s10 =	sld [smem:$0x3FB3];
	_ =	sdelay $0x3  }
0x36: {  	p1 =	seq.s32 s10, $0x1;
	s10 =	sld [smem:$0x3FB4];
	_ =	sdelay $0x3  }
0x37: {  	[smem:$0x3FB4] =	sst s10  }
0x38: {  	s10 =	sld [smem:$0x3FB5]  }
0x39: {  	_ = 	snop;
	(pc) =	sbr.ind lr, $3  }
0x3a: {  	_ = 	snop  }
0x3b: {  	_ = 	snop  }
0x3c: {  	p2 =	seq.s32 s10, $0x1;
	s10 =	sld [smem:$0x3FB4]  }
0x3d: {  	_ =	shalt  }
0x3e: {  	_ =	shalt  }
0x3f: {  	_ =	shalt  }
0x40: {  	_ =	shalt  }
0x41: {  	_ =	shalt  }
0x42: {  	_ =	shalt  }
0x43: {  	_ =	shalt  }
0x44: {  	_ =	shalt  }
0x45: {  	_ =	shalt  }
0x46: {  	_ =	shalt  }
0x47: {  	_ =	shalt  }
0x48: {  	_ =	shalt  }
0x49: {  	_ =	shalt  }
0x4a: {  	_ =	shalt  }
0x4b: {  	_ =	shalt  }
0x4c: {  	_ =	shalt  }
0x4d: {  	_ =	shalt  }
0x4e: {  	_ =	shalt  }
0x4f: {  	_ =	shalt  }
0x50: {  	_ =	shalt  }
0x51: {  	_ =	shalt  }
0x52: {  	_ =	shalt  }
0x53: {  	_ =	shalt  }
0x54: {  	_ =	shalt  }
0x55: {  	_ =	shalt  }
0x56: {  	_ =	shalt  }
0x57: {  	_ =	shalt  }
0x58: {  	_ =	shalt  }
0x59: {  	_ =	shalt  }
0x5a: {  	_ =	shalt  }
0x5b: {  	_ =	shalt  }
0x5c: {  	_ =	shalt  }
0x5d: {  	_ =	shalt  }
0x5e: {  	_ =	shalt  }
0x5f: {  	_ =	shalt  }
0x60: {  	_ =	shalt  }
0x61: {  	_ =	shalt  }
0x62: {  	_ =	shalt  }
0x63: {  	_ =	shalt  }
0x64: {  	_ =	shalt  }
0x65: {  	_ =	shalt  }
0x66: {  	_ =	shalt  }
0x67: {  	_ =	shalt  }
0x68: {  	_ =	shalt  }
0x69: {  	_ =	shalt  }
0x6a: {  	_ =	shalt  }
0x6b: {  	_ =	shalt  }
0x6c: {  	_ =	shalt  }
0x6d: {  	_ =	shalt  }
0x6e: {  	_ =	shalt  }
0x6f: {  	_ =	shalt  }
0x70: {  	_ =	shalt  }
0x71: {  	_ =	shalt  }
0x72: {  	_ =	shalt  }
0x73: {  	_ =	shalt  }
0x74: {  	_ =	shalt  }
0x75: {  	_ =	shalt  }
0x76: {  	_ =	shalt  }
0x77: {  	_ =	shalt  }
0x78: {  	_ =	shalt  }
0x79: {  	_ =	shalt  }
0x7a: {  	_ =	shalt  }
0x7b: {  	_ =	shalt  }
0x7c: {  	_ =	shalt  }
0x7d: {  	_ =	shalt  }
0x7e: {  	_ =	shalt  }
0x7f: {  	_ =	shalt  }
0x80: {  	_ =	shalt  }
0x81: {  	_ =	shalt  }
0x82: {  	_ =	shalt  }
0x83: {  	_ =	shalt  }
0x84: {  	_ =	shalt  }
0x85: {  	_ =	shalt  }
0x86: {  	_ =	shalt  }
0x87: {  	_ =	shalt  }
.Lfunc_end0:
.L_simem_size_0:
called_computation.1_lowered:
.L_overlay_start_0:
0x88: {  	s2 =	sld [smem:$0x3FD9]  }
0x89: {  	s3 =	sld [smem:$0x3FFE];
	_ =	sdelay $0x1  }
0x8a: {  	s1 =	srdreg.scid  }
0x8b: {  	s0 =	sand.u32 $0x1, s1  }
0x8c: {  	s17 =	sshll.u32 s0, $0xA;
	s2 =	sadd.s32 s3, s2  }
0x8d: {  	s2 =	sadd.s32 s2, s17  }
0x8e: {  	[smem:$0x3FC0] =	sst s2  }
0x8f: {  	_ = 	snop  }
0x90: {  	s2 =	sld [smem:$0x3FD0];
	(tm) =	ssettm $0x1  }
0x91: {  	s18 =	sld [smem:$0x3FFB];
	_ =	sdelay $0x3  }
0x92: {  	_ =	strace s18  }
0x93: {  	s3 =	sld [smem:$0x3FFC];
	_ =	sdelay $0x3  }
0x94: {  	_ =	strace s3  }
0x95: {  	s3 =	sld [smem:$0x3FFD];
	_ =	sdelay $0x3  }
0x96: {  	_ =	strace s3  }
0x97: {  	_ =	strace $0x8FFFFFFF  }
0x98: {  	s19 =	sld [smem:$0x3FDB];
	_ =	sdelay $0x1  }
0x99: {  	s4 =	simm.s32 $_scs_section_size  }
0x9a: {  	s5 =	simm.s32 $_size__tile_overlayer_lowered;
	s6 =	simm.s32 $_tile_overlayer_lowered  }
0x9b: {  	s22 =	simm.s32 $0x1BFF;
	s21 =	sshll.u32 s6, $0x1;
	s3 =	sadd.s32 s4, s19  }
0x9c: {  	s7 =	simm.s32 $0x0;
	s20 =	sshll.u32 s5, $0x1;
	s5 =	sadd.s32 s21, s3  }
0x9d: {  	[timem:s7], [sflag:s22] =	dma.local [hbm:s5], s20  }
0x9e: {  	_ =	swait.ge [sflag:s22], s20  }
0x9f: {  	s4 =	ssub.s32 $0x0, s20;
	[sflag:s22] =	ssyncset.done $0x0  }
0xa0: {  	[sflag:s22] =	ssyncadd.s32 s4;
	_ =	sdelay $0x1  }
0xa1: {  	s23 =	simm.s32 $0x1B8B  }
0xa2: {  	_ =	swait.ge [sflag:s23], $0x1  }
0xa3: {  	[sflag:s23] =	ssyncset.done $0x0  }
0xa4: {  	s25 =	simm.s32 $0x1B8E;
	s24 =	sld [smem:$0x3FFE];
	[sflag:s23] =	ssyncadd.s32 $0xFFFFFFFF  }
0xa5: {  	s26 =	simm.s32 $execute0_lowered;
	[smem:$0x3FD2] =	sst s25  }
0xa6: {  	s5 =	sshll.u32 s26, $0x1;
	_ =	strace $0x80000049;
	[dreg:$0x1] =	wrdreg $0xFFFFFFFF  }
0xa7: {  	s28 =	simm.s32 $_size_execute0_lowered;
	s3 =	sadd.s32 s3, s5;
	[dreg:$0x0] =	wrdreg $0x0  }
0xa8: {  	s5 =	sshll.u32 s28, $0x1;
	[dreg:$0x2] =	wrdreg s3  }
0xa9: {  	[dreg:$0x3] =	wrdreg s5  }
0xaa: {  	[dreg:$0x4] =	wrdreg $0xC0  }
0xab: {  	_ =	task [dreg:s7], $0x5FFFF  }
0xac: {  	[dreg:$0x1] =	wrdreg $0xFFFFFFFF  }
0xad: {  	[dreg:$0x0] =	wrdreg $0x60  }
0xae: {  	[dreg:$0x2] =	wrdreg s24  }
0xaf: {  	[dreg:$0x3] =	wrdreg s2  }
0xb0: {  	[dreg:$0x4] =	wrdreg $0x11EC80  }
0xb1: {  	[dreg:$0x5] =	wrdreg $0x9  }
0xb2: {  	_ =	task.clear_ibuf [dreg:s7], $0x6FFFF;
	_ =	strace $0x90000049  }
0xb3: {  	s29 =	simm.s32 $0x9;
	_ =	strace $0x8000004B  }
0xb4: {  	_ =	swait.ge [sflag:s29], $0x1  }
0xb5: {  	[sflag:s29] =	ssyncadd.s32 $0xFFFFFFFF  }
0xb6: {  	_ =	strace $0x9000004B  }
0xb7: {  	_ =	sfence  }
0xb8: {  	s30 =	sld [smem:$0x0];
	_ =	sdelay $0x2  }
0xb9: {  	s31 =	sshll.u32 s1, $0xD;
	s1 =	sshrl.u32 s1, $0x2  }
0xba: {  	s3 =	sand.u32 $0x4000, s31;
	s1 =	sadd.s32 s1, s30  }
0xbb: {  	s0 =	sor.u32 s3, s0;
	s1 =	sshll.u32 s1, $0x11  }
0xbc: {  	s0 =	sor.u32 s1, s0  }
0xbd: {  	s0 =	sadd.s32 $0x8F2B, s0  }
0xbe: {  	[sflag:s0] =	ssyncadd.remote.s32 $0x1  }
0xbf: {  	_ =	sfence.sel $0xFFFF  }
0xc0: {  	[dreg:$0x0] =	wrdreg $0xFFFFFFFF;
	(pc) =	sbr.abs _section_cstart, $3  }
0xc1: {  	[dreg:$0x1] =	wrdreg $0xFFFFFFFF  }
0xc2: {  	_ =	task.clear_ibuf [dreg:s7], $0x2FFFF;
	_ =	strace $0x9FFFFFFF  }
0xc3: {  	(tm) =	ssettm $0x7FFFFFFF  }
tec
execute0_lowered:
.L_overlay_start_1:
0x0: {  	(tag) =	ssettag $0x1  }
0x1: {  	s0 =	rddreg [dreg:$0x0]  }
0x2: {  	s5 =	rddreg [dreg:$0x1];
	s2 =	srdreg.scid  }
0x3: {  	s1 =	rddreg [dreg:$0x2];
	s20 =	stileid.u32  }
0x4: {  	s29 =	simm.s32 $0x1;
	s3 =	sand.u32 $0x1, s2;
	s2 =	simm.s32 $0x0  }
0x5: {  	s7 =	sadd.s32 $0x29800, s0;
	s8 =	smul.u32 $0x4E20, s20;
	s9 =	sadd.s32 $0x64400, s0  }
0x6: {  	s11 =	smul.u32 $0x9E00, s20;
	s12 =	sadd.s32 $0x3D200, s0;
	p0 =	seq.s32 s20, $0xF  }
0x7: {  	s6 =	smul.u32 $0x9C400, s3;
	[smem:$0x7FF] =	sst s2;
	s3 =	ssub.s32 $0x2, s3  }
0x8: {  	_ =	strace $0x8000004A;
	s10 =	sshrl.u32 s3, $0x1;
	s8 =	sshrl.u32 s8, $0x3  }
0x9: {  	s22 =	sshrl.u32 s11, $0x3;
	s14 =	sadd.s32 $0x4000, s11;
	s19 =	sadd.s32 $0x8000, s11  }
0xa: {  	s4 =	sshrl.u32 s6, $0x3;
	s3 =	ssub.s32 s3, s10;
	s21 =	sadd.s32 s5, s8  }
0xb: {  	s23 =	sadd.s32 s11, s6;
	s5 =	sadd.s32 s7, s22;
	s10 =	sadd.s32 $0x2000, s11  }
0xc: {  	s16 =	sadd.s32 s6, s14;
	s17 =	sshrl.u32 s14, $0x3;
	[dreg:$0x5] =	wrdreg s5  }
0xd: {  	s8 =	sshrl.u32 s23, $0x3;
	s13 =	sadd.s32 s6, s10;
	s15 =	sshrl.u32 s10, $0x3  }
0xe: {  	s26 =	sshrl.u32 s16, $0x3;
	s28 =	sadd.s32 s7, s17;
	[dreg:$0x4] =	wrdreg s21  }
0xf: {  	s16 =	sadd.s32 $0x6000, s11;
	s24 =	sadd.s32 s12, s8;
	[dreg:$0x8] =	wrdreg s28  }
0x10: {  	s25 =	sadd.s32 s7, s15;
	s18 =	sshrl.u32 s16, $0x3;
	[dreg:$0x6] =	wrdreg s24  }
0x11: {  	s5 =	sshrl.u32 s19, $0x3;
	[dreg:$0x7] =	wrdreg s25;
	s30 =	sadd.s32 s7, s18  }
0x12: {  	s31 =	sadd.s32 s12, s4;
	s7 =	sadd.s32 s7, s5;
	[dreg:$0x9] =	wrdreg s30  }
0x13: {  	s13 =	sshrl.u32 s13, $0x3;
	s18 =	sadd.s32 s9, s8;
	[dreg:$0xa] =	wrdreg s7  }
0x14: {  	s17 =	sadd.s32 s6, s16;
	s22 =	sadd.s32 s12, s13;
	[dreg:$0xb] =	wrdreg s18  }
0x15: {  	s6 =	sadd.s32 s6, s19;
	s23 =	sadd.s32 s9, s13;
	[dreg:$0xc] =	wrdreg s22  }
0x16: {  	s15 =	sadd.s32 $0x12C40, s4;
	s24 =	sadd.s32 s12, s26;
	[dreg:$0xd] =	wrdreg s23  }
0x17: {  	s6 =	sshrl.u32 s6, $0x3;
	s25 =	sadd.s32 s9, s26;
	[dreg:$0xe] =	wrdreg s24  }
0x18: {  	s7 =	sshrl.u32 s17, $0x3;
	[dreg:$0xf] =	wrdreg s25;
	s30 =	sadd.s32 s12, s6  }
0x19: {  	s6 =	sadd.s32 s9, s6;
	s17 =	sadd.s32 s12, s15;
	[dreg:$0x12] =	wrdreg s30  }
0x1a: {  	s18 =	sadd.s32 s9, s15;
	s22 =	sadd.s32 $0x13040, s4;
	[dreg:$0x13] =	wrdreg s6  }
0x1b: {  	s25 =	sadd.s32 $0x13440, s4;
	s26 =	sadd.s32 s12, s7;
	[dreg:$0x16] =	wrdreg s17  }
0x1c: {  	s28 =	sadd.s32 s9, s7;
	s7 =	sadd.s32 $0x12840, s4;
	[dreg:$0x17] =	wrdreg s18  }
0x1d: {  	s23 =	sadd.s32 s12, s22;
	s24 =	sadd.s32 s9, s22;
	[dreg:$0x10] =	wrdreg s26  }
0x1e: {  	s30 =	sadd.s32 $0x13840, s4;
	s4 =	sadd.s32 s4, s0;
	[dreg:$0x11] =	wrdreg s28  }
0x1f: {  	s6 =	sadd.s32 s11, s1;
	s11 =	simm.s32 $0x9;
	[dreg:$0x18] =	wrdreg s23  }
0x20: {  	s8 =	sadd.s32 s12, s7;
	s13 =	sadd.s32 s9, s7;
	[dreg:$0x19] =	wrdreg s24  }
0x21: {  	s26 =	smul.u32 $0x4F, s20;
	s28 =	sadd.s32 s12, s25;
	s15 =	sadd.s32 s9, s30  }
0x22: {  	s17 =	sadd.s32 s12, s30;
	s7 =	sadd.s32 $0x2000, s4;
	s12 =	sadd.s32 s19, s1  }
0x23: {  	s23 =	sadd.s32 $0x296A1, s0;
	s24 =	sadd.s32 $0x3C440, s0;
	[dreg:$0x14] =	wrdreg s8  }
0x24: {  	s30 =	sadd.s32 $0x9C40, s21;
	s20 =	sadd.s32 $0x96200, s1;
	[dreg:$0x15] =	wrdreg s13  }
0x25: {  	s19 =	simm.s32 $0x6;
	s21 =	simm.s32 $0x7;
	[dreg:$0x1a] =	wrdreg s28  }
0x26: {  	s4 =	simm.s32 $0x0;
	s13 =	sadd.s32 s9, s25;
	[dreg:$0x1c] =	wrdreg s15  }
0x27: {  	[dreg:$0x1d] =	wrdreg s17;
	s8 =	sadd.s32 s10, s1;
	s9 =	sadd.s32 s14, s1  }
0x28: {  	s10 =	sadd.s32 s16, s1;
	[dreg:$0x1f] =	wrdreg s23;
	s16 =	sadd.s32 $0x3C040, s0  }
0x29: {  	[smem:$0x7F8] =	sst s24;
	s25 =	sadd.s32 $0x3C840, s0;
	s28 =	smax.u32 s3, $0x1  }
0x2a: {  	[smem:$0x7FD] =	sst s30;
	s24 =	sadd.s32 $0x9A200, s1;
	s3 =	sadd.s32 $0x9C200, s1  }
0x2b: {  	s15 =	simm.s32 $0x9C40;
	s17 =	simm.s32 $0x5;
	[dreg:$0x1b] =	wrdreg s13  }
.Ltmp0:
0x2c: {  	s23 =	simm.s32 $0x8;
	[smem:$0x7F9] =	sst s25;
	(pc) =	sbr.rel .LBB2_1-.Ltmp0, $4  }
0x2d: {  	s18 =	sadd.s32 s26, s0;
	s26 =	sadd.s32 $0x3CC40, s0;
	[smem:$0x7FC] =	sst s28  }
0x2e: {  	s0 =	sadd.s32 $0x3D040, s0;
	s13 =	simm.s32 $0x80;
	[smem:$0x7FA] =	sst s26  }
0x2f: {  	s25 =	simm.s32 $0x20;
	s22 =	sadd.s32 $0x29200, s18;
	[smem:$0x7FB] =	sst s0  }
0x30: {  	s18 =	sadd.s32 $0x94200, s1;
	[dreg:$0x1e] =	wrdreg s22;
	s22 =	sadd.s32 $0x98200, s1  }
.LBB2_36:
0x31: {  	_ =	swait.ge [sflag:s17], $0x2000  }
0x32: {  	[sflag:s17] =	ssyncset.done $0x0  }
0x33: {  	[sflag:s17] =	ssyncadd.s32 $0xFFFFE000  }
0x34: {  	_ =	swait.ge [sflag:s19], $0x2000  }
0x35: {  	[sflag:s19] =	ssyncset.done $0x0  }
0x36: {  	[sflag:s19] =	ssyncadd.s32 $0xFFFFE000  }
0x37: {  	_ =	swait.ge [sflag:s21], $0x2000  }
0x38: {  	[sflag:s21] =	ssyncset.done $0x0  }
0x39: {  	[sflag:s21] =	ssyncadd.s32 $0xFFFFE000  }
0x3a: {  	_ =	swait.ge [sflag:s23], $0x2000  }
0x3b: {  	[sflag:s23] =	ssyncset.done $0x0  }
0x3c: {  	s0 =	simm.s32 $0x4E00;
	[sflag:s23] =	ssyncadd.s32 $0xFFFFE000  }
0x3d: {  	[tilespmem:s15], [sflag:$0x1] =	stream.indirect.gather [hbm4b:s31+s25], $0x40, s0, s25, $0xb8;
	[tilespmem:$0x1BB08] =	vst v63  }
0x3e: {  	_ =	swait.ge [sflag:s29], $0x800  }
0x3f: {  	[sflag:s29] =	ssyncset.done $0x0  }
0x40: {  	s28 =	simm.s32 $0x9C20;
	[sflag:s29] =	ssyncadd.s32 $0xFFFFF800  }
0x41: {  	[spmem:s1] =	stream.indirect.scatter.add.f32 [tilespmem:s15], [sflag:$0x5], $0x40, s28, s25, $0xb8;
	[tilespmem:$0x1BB08] =	vst v63  }
0x42: {  	_ =	swait.ge [sflag:s17], $0x800  }
0x43: {  	[sflag:s17] =	ssyncset.done $0x0  }
0x44: {  	[sflag:s17] =	ssyncadd.s32 $0xFFFFF800  }
0x45: {  	s5 =	simm.s32 @p0 $0x9;
	s0 =	simm.s32 @p0 $0x9C40;
	[bflag:$0x0] =	sbarrier.arrive $0xFFFF  }
0x46: {  	[tilespmem:s0], [sflag:$0x9] =	stream.linear.gather @p0 [spmem:s18], $0x2000, $0x38;
	[tilespmem:$0x1BB08] =	vst v63  }
0x47: {  	_ =	swait.ge @p0 [sflag:s5], $0x2000  }
0x48: {  	[sflag:s5] =	ssyncset.done @p0 $0x0  }
0x49: {  	s14 =	simm.s32 @p0 $0x0;
	s26 =	rddreg [dreg:$0x15];
	[sflag:s5] =	ssyncadd.s32 @p0 $0xFFFFE000  }
0x4a: {  	[hbm4b:s26+s14] =	stream.linear.scatter @p0 [tilespmem:s0], [sflag:$0x9], $0x2000, $0x38;
	[tilespmem:$0x1BB08] =	vst v63  }
0x4b: {  	_ =	swait.ge @p0 [sflag:s5], $0x2000  }
0x4c: {  	[sflag:s5] =	ssyncset.done @p0 $0x0  }
0x4d: {  	[sflag:s5] =	ssyncadd.s32 @p0 $0xFFFFE000  }
0x4e: {  	[tilespmem:s0], [sflag:$0x9] =	stream.linear.gather @p0 [spmem:s20], $0x2000, $0x38;
	[tilespmem:$0x1BB08] =	vst v63  }
0x4f: {  	_ =	swait.ge @p0 [sflag:s5], $0x2000  }
0x50: {  	[sflag:s5] =	ssyncset.done @p0 $0x0  }
0x51: {  	s26 =	rddreg [dreg:$0x17];
	[sflag:s5] =	ssyncadd.s32 @p0 $0xFFFFE000  }
0x52: {  	[hbm4b:s26+s14] =	stream.linear.scatter @p0 [tilespmem:s0], [sflag:$0x9], $0x2000, $0x38;
	[tilespmem:$0x1BB08] =	vst v63  }
0x53: {  	_ =	swait.ge @p0 [sflag:s5], $0x2000  }
0x54: {  	[sflag:s5] =	ssyncset.done @p0 $0x0  }
0x55: {  	[sflag:s5] =	ssyncadd.s32 @p0 $0xFFFFE000  }
0x56: {  	[tilespmem:s0], [sflag:$0x9] =	stream.linear.gather @p0 [spmem:s22], $0x2000, $0x38;
	[tilespmem:$0x1BB08] =	vst v63  }
0x57: {  	_ =	swait.ge @p0 [sflag:s5], $0x2000  }
0x58: {  	[sflag:s5] =	ssyncset.done @p0 $0x0  }
0x59: {  	s26 =	rddreg [dreg:$0x19];
	[sflag:s5] =	ssyncadd.s32 @p0 $0xFFFFE000  }
0x5a: {  	[hbm4b:s26+s14] =	stream.linear.scatter @p0 [tilespmem:s0], [sflag:$0x9], $0x2000, $0x38;
	[tilespmem:$0x1BB08] =	vst v63  }
0x5b: {  	_ =	swait.ge @p0 [sflag:s5], $0x2000  }
0x5c: {  	[sflag:s5] =	ssyncset.done @p0 $0x0  }
0x5d: {  	[sflag:s5] =	ssyncadd.s32 @p0 $0xFFFFE000  }
0x5e: {  	[tilespmem:s0], [sflag:$0x9] =	stream.linear.gather @p0 [spmem:s24], $0x2000, $0x38;
	[tilespmem:$0x1BB08] =	vst v63  }
0x5f: {  	_ =	swait.ge @p0 [sflag:s5], $0x2000  }
0x60: {  	[sflag:s5] =	ssyncset.done @p0 $0x0  }
0x61: {  	s26 =	rddreg [dreg:$0x1b];
	[sflag:s5] =	ssyncadd.s32 @p0 $0xFFFFE000  }
0x62: {  	[hbm4b:s26+s14] =	stream.linear.scatter @p0 [tilespmem:s0], [sflag:$0x9], $0x2000, $0x38;
	[tilespmem:$0x1BB08] =	vst v63  }
0x63: {  	_ =	swait.ge @p0 [sflag:s5], $0x2000  }
0x64: {  	[sflag:s5] =	ssyncset.done @p0 $0x0  }
0x65: {  	[sflag:s5] =	ssyncadd.s32 @p0 $0xFFFFE000  }
0x66: {  	[tilespmem:s0], [sflag:$0x9] =	stream.linear.gather @p0 [spmem:s3], $0x200, $0x38;
	[tilespmem:$0x1BB08] =	vst v63  }
0x67: {  	_ =	swait.ge @p0 [sflag:s5], $0x200  }
0x68: {  	[sflag:s5] =	ssyncset.done @p0 $0x0  }
0x69: {  	s26 =	rddreg [dreg:$0x1c];
	[sflag:s5] =	ssyncadd.s32 @p0 $0xFFFFFE00  }
0x6a: {  	[hbm4b:s26+s14] =	stream.linear.scatter @p0 [tilespmem:s0], [sflag:$0x9], $0x200, $0x38;
	[tilespmem:$0x1BB08] =	vst v63  }
0x6b: {  	_ =	swait.ge @p0 [sflag:s5], $0x200  }
0x6c: {  	[sflag:s5] =	ssyncset.done @p0 $0x0  }
0x6d: {  	s0 =	simm.s32 @!p0 $0x9C40;
	[sflag:s5] =	ssyncadd.s32 @p0 $0xFFFFFE00;
	s5 =	simm.s32 @!p0 $0x9  }
0x6e: {  	[tilespmem:s0], [sflag:$0x9] =	stream.linear.gather @!p0 [spmem:s6], $0x2000, $0x38;
	[tilespmem:$0x1BB08] =	vst v63  }
0x6f: {  	_ =	swait.ge @!p0 [sflag:s5], $0x2000  }
0x70: {  	[sflag:s5] =	ssyncset.done @!p0 $0x0  }
0x71: {  	s14 =	simm.s32 @!p0 $0x0;
	s26 =	rddreg [dreg:$0xb];
	[sflag:s5] =	ssyncadd.s32 @!p0 $0xFFFFE000  }
0x72: {  	[hbm4b:s26+s14] =	stream.linear.scatter @!p0 [tilespmem:s0], [sflag:$0x9], $0x2000, $0x38;
	[tilespmem:$0x1BB08] =	vst v63  }
0x73: {  	_ =	swait.ge @!p0 [sflag:s5], $0x2000  }
0x74: {  	[sflag:s5] =	ssyncset.done @!p0 $0x0  }
0x75: {  	[sflag:s5] =	ssyncadd.s32 @!p0 $0xFFFFE000  }
0x76: {  	[tilespmem:s0], [sflag:$0x9] =	stream.linear.gather @!p0 [spmem:s8], $0x2000, $0x38;
	[tilespmem:$0x1BB08] =	vst v63  }
0x77: {  	_ =	swait.ge @!p0 [sflag:s5], $0x2000  }
0x78: {  	[sflag:s5] =	ssyncset.done @!p0 $0x0  }
0x79: {  	s26 =	rddreg [dreg:$0xd];
	[sflag:s5] =	ssyncadd.s32 @!p0 $0xFFFFE000  }
0x7a: {  	[hbm4b:s26+s14] =	stream.linear.scatter @!p0 [tilespmem:s0], [sflag:$0x9], $0x2000, $0x38;
	[tilespmem:$0x1BB08] =	vst v63  }
0x7b: {  	_ =	swait.ge @!p0 [sflag:s5], $0x2000  }
0x7c: {  	[sflag:s5] =	ssyncset.done @!p0 $0x0  }
0x7d: {  	[sflag:s5] =	ssyncadd.s32 @!p0 $0xFFFFE000  }
0x7e: {  	[tilespmem:s0], [sflag:$0x9] =	stream.linear.gather @!p0 [spmem:s9], $0x2000, $0x38;
	[tilespmem:$0x1BB08] =	vst v63  }
0x7f: {  	_ =	swait.ge @!p0 [sflag:s5], $0x2000  }
0x80: {  	[sflag:s5] =	ssyncset.done @!p0 $0x0  }
0x81: {  	s26 =	rddreg [dreg:$0xf];
	[sflag:s5] =	ssyncadd.s32 @!p0 $0xFFFFE000  }
0x82: {  	[hbm4b:s26+s14] =	stream.linear.scatter @!p0 [tilespmem:s0], [sflag:$0x9], $0x2000, $0x38;
	[tilespmem:$0x1BB08] =	vst v63  }
0x83: {  	_ =	swait.ge @!p0 [sflag:s5], $0x2000  }
0x84: {  	[sflag:s5] =	ssyncset.done @!p0 $0x0  }
0x85: {  	[sflag:s5] =	ssyncadd.s32 @!p0 $0xFFFFE000  }
0x86: {  	[tilespmem:s0], [sflag:$0x9] =	stream.linear.gather @!p0 [spmem:s10], $0x2000, $0x38;
	[tilespmem:$0x1BB08] =	vst v63  }
0x87: {  	_ =	swait.ge @!p0 [sflag:s5], $0x2000  }
0x88: {  	[sflag:s5] =	ssyncset.done @!p0 $0x0  }
0x89: {  	s26 =	rddreg [dreg:$0x11];
	[sflag:s5] =	ssyncadd.s32 @!p0 $0xFFFFE000  }
0x8a: {  	[hbm4b:s26+s14] =	stream.linear.scatter @!p0 [tilespmem:s0], [sflag:$0x9], $0x2000, $0x38;
	[tilespmem:$0x1BB08] =	vst v63  }
0x8b: {  	_ =	swait.ge @!p0 [sflag:s5], $0x2000  }
0x8c: {  	[sflag:s5] =	ssyncset.done @!p0 $0x0  }
0x8d: {  	[sflag:s5] =	ssyncadd.s32 @!p0 $0xFFFFE000  }
0x8e: {  	[tilespmem:s0], [sflag:$0x9] =	stream.linear.gather @!p0 [spmem:s12], $0x1E00, $0x38;
	[tilespmem:$0x1BB08] =	vst v63  }
0x8f: {  	_ =	swait.ge @!p0 [sflag:s5], $0x1E00  }
0x90: {  	[sflag:s5] =	ssyncset.done @!p0 $0x0  }
0x91: {  	s26 =	rddreg [dreg:$0x13];
	[sflag:s5] =	ssyncadd.s32 @!p0 $0xFFFFE200  }
0x92: {  	[hbm4b:s26+s14] =	stream.linear.scatter @!p0 [tilespmem:s0], [sflag:$0x9], $0x1E00, $0x38;
	[tilespmem:$0x1BB08] =	vst v63  }
0x93: {  	_ =	swait.ge @!p0 [sflag:s5], $0x1E00  }
0x94: {  	s30 =	sld [smem:$0x7FC];
	_ =	sdelay $0x1  }
0x95: {  	s4 =	sadd.s32 $0x1, s4  }
0x96: {  	p1 =	sne.s32 s4, s30  }
.Ltmp1:
0x97: {  	_ = 	snop;
	(pc) =	sbr.rel @!p1 .LBB2_37-.Ltmp1, $3  }
0x98: {  	_ =	sdelay $0x1  }
0x99: {  	[sflag:s5] =	ssyncset.done @!p0 $0x0  }
0x9a: {  	[sflag:s5] =	ssyncadd.s32 @!p0 $0xFFFFE200  }
.LBB2_1:
0x9b: {  	s0 =	rddreg [dreg:$0x4]  }
0x9c: {  	[tilespmem:s2], [sflag:$0x9] =	stream.linear.gather [hbm4b:s0+s2], $0x4E20, $0x38;
	[tilespmem:$0x1BB08] =	vst v63  }
0x9d: {  	_ =	swait.ge [sflag:s11], $0x4E20  }
0x9e: {  	s14 =	sld [smem:$0x7FD]  }
0x9f: {  	[sflag:s11] =	ssyncset.done $0x0  }
0xa0: {  	s5 =	simm.s32 $0x4E20;
	[sflag:s11] =	ssyncadd.s32 $0xFFFFB1E0  }
0xa1: {  	[tilespmem:s5], [sflag:$0x9] =	stream.linear.gather [hbm4b:s14+s2], $0x4E20, $0x38;
	[tilespmem:$0x1BB08] =	vst v63  }
0xa2: {  	_ =	swait.ge [sflag:s11], $0x4E20  }
0xa3: {  	s0 =	simm.s32 @p0 $0x0;
	[sflag:s11] =	ssyncset.done $0x0  }
0xa4: {  	s14 =	simm.s32 @p0 $0x11C40;
	s5 =	rddreg [dreg:$0x1f];
	[sflag:s11] =	ssyncadd.s32 $0xFFFFB1E0  }
0xa5: {  	[tilespmem:s14], [sflag:$0x9] =	stream.linear.gather @p0 [hbm4b:s5+s0], $0x208, $0x38;
	[tilespmem:$0x1BB08] =	vst v63  }
0xa6: {  	s0 =	simm.s32 @p0 $0x9  }
0xa7: {  	_ =	swait.ge @p0 [sflag:s0], $0x208  }
0xa8: {  	[sflag:s0] =	ssyncset.done @p0 $0x0  }
0xa9: {  	s26 =	simm.s32 @p0 $0x1FC9;
	s14 =	sshrl.u32 @p0 s18, $0x3;
	[sflag:s0] =	ssyncadd.s32 @p0 $0xFFFFFDF8  }
0xaa: {  	[spmem:s14], [sflag:s26] =	dma.local @p0 [hbm:s16], $0x1040  }
0xab: {  	_ =	swait.ge @p0 [sflag:s0], $0x1040  }
0xac: {  	s14 =	simm.s32 @!p0 $0x11C40;
	[sflag:s0] =	ssyncset.done @p0 $0x0  }
0xad: {  	s5 =	rddreg [dreg:$0x1e];
	[sflag:s0] =	ssyncadd.s32 @p0 $0xFFFFEFC0;
	s0 =	simm.s32 @!p0 $0x0  }
0xae: {  	[tilespmem:s14], [sflag:$0x9] =	stream.linear.gather @!p0 [hbm4b:s5+s0], $0x278, $0x38;
	[tilespmem:$0x1BB08] =	vst v63  }
0xaf: {  	s0 =	simm.s32 @!p0 $0x9  }
0xb0: {  	s5 =	stileid.u32;
	_ =	swait.ge @!p0 [sflag:s0], $0x278  }
0xb1: {  	s26 =	sshrl.u32 @!p0 s6, $0x3;
	s14 =	sshll.u32 @!p0 s5, $0x6;
	[sflag:s0] =	ssyncset.done @!p0 $0x0  }
0xb2: {  	s14 =	sor.u32 @!p0 $0x1C09, s14;
	s5 =	rddreg [dreg:$0x5];
	[sflag:s0] =	ssyncadd.s32 @!p0 $0xFFFFFD88  }
0xb3: {  	[spmem:s26], [sflag:s14] =	dma.local @!p0 [hbm:s5], $0x13C0  }
0xb4: {  	_ =	swait.ge @!p0 [sflag:s0], $0x13C0  }
0xb5: {  	[sflag:s0] =	ssyncset.done @!p0 $0x0  }
0xb6: {  	[sflag:s0] =	ssyncadd.s32 @!p0 $0xFFFFEC40  }
.Ltmp2:
0xb7: {  	[bflag:$0x0] =	sbarrier.arrive $0xFFFF;
	(pc) =	sbr.rel .LBB2_2-.Ltmp2, $4  }
0xb8: {  	[tilespmem:s15], [sflag:$0x1] =	stream.indirect.gather [hbm4b:s7+s13], $0x40, s2, s13, $0xb8;
	[tilespmem:$0x1BB08] =	vst v63  }
0xb9: {  	s26 =	simm.s32 $0xBC40  }
0xba: {  	[tilespmem:s26], [sflag:$0x2] =	stream.indirect.gather [hbm4b:s7+s13], $0x40, s13, s13, $0xb8;
	[tilespmem:$0x1BB08] =	vst v63  }
0xbb: {  	s30 =	simm.s32 $0x100;
	s28 =	simm.s32 $0x4E20;
	s26 =	simm.s32 $0xFFFFFFFE  }
.LBB2_3:
0xbc: {  	s5 =	sadd.s32 $0x5, s14  }
0xbd: {  	_ =	swait.ge [sflag:s5], $0x2000  }
0xbe: {  	[sflag:s5] =	ssyncset.done $0x0  }
0xbf: {  	[sflag:s5] =	ssyncadd.s32 $0xFFFFE000  }
.LBB2_5:
0xc0: {  	s5 =	sshll.u32 s14, $0xD  }
0xc1: {  	s14 =	sadd.s32 $0x1, s14;
	s5 =	sor.u32 $0x9C40, s5  }
0xc2: {  	[tilespmem:s5], [sflag:s14] =	stream.indirect.gather [hbm4b:s7+s13], $0x40, s30, s13, $0xb8;
	[tilespmem:$0x1BB08] =	vst v63  }
.LBB2_6:
0xc3: {  	s0 =	sand.u32 $0x3, s0;
	s26 =	sadd.s32 $0x1, s26  }
0xc4: {  	s5 =	sadd.s32 $0x1, s0;
	p1 =	sne.s32 s26, $0x9A  }
.Ltmp3:
0xc5: {  	_ =	swait.ge [sflag:s5], $0x2000;
	(pc) =	sbr.rel @!p1 .LBB2_7-.Ltmp3, $4  }
0xc6: {  	s14 =	sshll.u32 s0, $0xD;
	[sflag:s5] =	ssyncset.done $0x0  }
0xc7: {  	s0 =	sadd.s32 $0x5, s0;
	s14 =	sor.u32 $0x9C40, s14;
	[sflag:s5] =	ssyncadd.s32 $0xFFFFE000  }
0xc8: {  	[spmem:s1] =	stream.indirect.scatter.add.f32 [tilespmem:s14], [sflag:s0], $0x40, s28, s13, $0xb8;
	[tilespmem:$0x1BB08] =	vst v63  }
0xc9: {  	s30 =	sadd.s32 $0x80, s30;
	s28 =	sadd.s32 $0x80, s28  }
.LBB2_2:
0xca: {  	p1 =	sgt.u32 s26, $0x97  }
.Ltmp4:
0xcb: {  	_ = 	snop;
	(pc) =	sbr.rel @!p1 .LBB2_3-.Ltmp4, $3  }
0xcc: {  	_ =	sdelay $0x1  }
0xcd: {  	s14 =	sadd.s32 $0x4, s26  }
0xce: {  	s0 =	sadd.s32 $0x2, s26;
	s14 =	sand.u32 $0x3, s14  }
0xcf: {  	p1 =	sgt.u32 s0, $0x99  }
.Ltmp5:
0xd0: {  	_ = 	snop;
	(pc) =	sbr.rel @p1 .LBB2_6-.Ltmp5, $4  }
.Ltmp6:
0xd1: {  	_ = 	snop;
	(pc) =	sbr.rel @!p1 .LBB2_5-.Ltmp6, $4  }
0xd2: {  	_ = 	snop  }
0xd3: {  	_ = 	snop  }
0xd4: {  	_ = 	snop  }
0xd5: {  	_ = 	snop  }
.LBB2_7:
0xd6: {  	_ =	swait.ge [sflag:s17], $0x2000  }
0xd7: {  	[sflag:s17] =	ssyncset.done $0x0  }
0xd8: {  	[sflag:s17] =	ssyncadd.s32 $0xFFFFE000  }
0xd9: {  	_ =	swait.ge [sflag:s19], $0x2000  }
0xda: {  	[sflag:s19] =	ssyncset.done $0x0  }
0xdb: {  	[sflag:s19] =	ssyncadd.s32 $0xFFFFE000  }
0xdc: {  	_ =	swait.ge [sflag:s21], $0x2000  }
0xdd: {  	[sflag:s21] =	ssyncset.done $0x0  }
0xde: {  	[sflag:s21] =	ssyncadd.s32 $0xFFFFE000  }
0xdf: {  	_ =	swait.ge [sflag:s23], $0x2000  }
0xe0: {  	[sflag:s23] =	ssyncset.done $0x0  }
0xe1: {  	s0 =	simm.s32 $0x4E00;
	[sflag:s23] =	ssyncadd.s32 $0xFFFFE000  }
0xe2: {  	[tilespmem:s15], [sflag:$0x1] =	stream.indirect.gather [hbm4b:s7+s25], $0x40, s0, s25, $0xb8;
	[tilespmem:$0x1BB08] =	vst v63  }
0xe3: {  	_ =	swait.ge [sflag:s29], $0x800  }
0xe4: {  	[sflag:s29] =	ssyncset.done $0x0  }
0xe5: {  	s30 =	simm.s32 $0x9C20;
	[sflag:s29] =	ssyncadd.s32 $0xFFFFF800  }
0xe6: {  	[spmem:s1] =	stream.indirect.scatter.add.f32 [tilespmem:s15], [sflag:$0x5], $0x40, s30, s25, $0xb8;
	[tilespmem:$0x1BB08] =	vst v63  }
.Ltmp7:
0xe7: {  	_ =	swait.ge [sflag:s17], $0x800;
	(pc) =	sbr.rel @!p0 .LBB2_8-.Ltmp7, $3  }
0xe8: {  	[sflag:s17] =	ssyncset.done $0x0  }
0xe9: {  	[sflag:s17] =	ssyncadd.s32 $0xFFFFF800  }
0xea: {  	[bflag:$0x0] =	sbarrier.arrive $0xFFFF;
	_ =	sdelay $0x1  }
0xeb: {  	[tilespmem:s15], [sflag:$0x9] =	stream.linear.gather [spmem:s18], $0x2000, $0x38;
	[tilespmem:$0x1BB08] =	vst v63  }
0xec: {  	_ =	swait.ge [sflag:s11], $0x2000  }
0xed: {  	[sflag:s11] =	ssyncset.done $0x0  }
0xee: {  	s26 =	simm.s32 $0x9C60;
	[sflag:s11] =	ssyncadd.s32 $0xFFFFE000  }
0xef: {  	v0 =	vld [tilespmem:s26+$0xFFFFFFF0]  }
0xf0: {  	s0 =	simm.s32 $0x0;
	v2 =	vld [tilespmem:s26+$0x10]  }
0xf1: {  	v4 =	vld.msk [tilespmem:s0+$0x11C40 ss:$0x0], $0xffff  }
0xf2: {  	v1 =	vld [tilespmem:s26+$0xFFFFFFE0]  }
0xf3: {  	v5 =	vld [tilespmem:s26+$0x0];
	_ =	sdelay $0x3  }
0xf4: {  	v1 =	vmul.f32 v4, v1;
	v3 =	vmul.f32 v2, v4  }
0xf5: {  	s28 =	simm.s32 $0x4;
	s0 =	simm.s32 $0x9C60;
	v2 =	vmul.f32 v0, v4;
	v0 =	vmul.f32 v5, v4  }
.LBB2_20:
0xf6: {  	p1 =	sne.s32 s28, $0x1FC  }
0xf7: {  	[tilespmem:s26+$0x10] =	vst v3;
	s0 =	sadd.s32 $0x40, s0;
	s5 =	smov.u32 s28;
	s28 =	sadd.s32 $0x4, s28  }
0xf8: {  	[tilespmem:s26+$0xFFFFFFE0] =	vst v1  }
0xf9: {  	v4 =	vld [tilespmem:s0+$0xFFFFFFF0];
	[tilespmem:s26+$0xFFFFFFF0] =	vst v2  }
0xfa: {  	s5 =	sshra.s32 s5, $0x2;
	v2 =	vld [tilespmem:s0+$0x10];
	[tilespmem:s26+$0x0] =	vst v0;
	s26 =	smov.u32 s0  }
0xfb: {  	v0 =	vld.msk [tilespmem:s5+$0x11C40 ss:$0x0], $0xffff  }
0xfc: {  	v1 =	vld [tilespmem:s0+$0xFFFFFFE0]  }
0xfd: {  	v5 =	vld [tilespmem:s0+$0x0]  }
.Ltmp8:
0xfe: {  	(pc) =	sbr.rel @p1 .LBB2_20-.Ltmp8, $3  }
0xff: {  	_ =	sdelay $0x1  }
0x100: {  	v3 =	vmul.f32 v2, v0;
	v1 =	vmul.f32 v0, v1  }
0x101: {  	v2 =	vmul.f32 v4, v0;
	v0 =	vmul.f32 v5, v0  }
0x102: {  	[tilespmem:s26+$0x10] =	vst v3  }
0x103: {  	[tilespmem:s26+$0xFFFFFFE0] =	vst v1  }
0x104: {  	[tilespmem:s26+$0xFFFFFFF0] =	vst v2  }
0x105: {  	s0 =	simm.s32 $0x0;
	s5 =	rddreg [dreg:$0x14];
	[tilespmem:s26+$0x0] =	vst v0  }
0x106: {  	[hbm4b:s5+s0] =	stream.linear.scatter [tilespmem:s15], [sflag:$0x9], $0x2000, $0x38;
	[tilespmem:$0x1BB08] =	vst v63  }
0x107: {  	_ =	swait.ge [sflag:s11], $0x2000  }
0x108: {  	[sflag:s11] =	ssyncset.done $0x0  }
0x109: {  	s30 =	simm.s32 $0x1FC9;
	s26 =	sshrl.u32 s18, $0x3;
	[sflag:s11] =	ssyncadd.s32 $0xFFFFE000  }
0x10a: {  	[spmem:s26], [sflag:s30] =	dma.local [hbm:s16], $0x400  }
0x10b: {  	_ =	swait.ge [sflag:s11], $0x400  }
0x10c: {  	[sflag:s11] =	ssyncset.done $0x0  }
0x10d: {  	[sflag:s11] =	ssyncadd.s32 $0xFFFFFC00  }
0x10e: {  	[tilespmem:s15], [sflag:$0x9] =	stream.linear.gather [spmem:s20], $0x2000, $0x38;
	[tilespmem:$0x1BB08] =	vst v63  }
0x10f: {  	_ =	swait.ge [sflag:s11], $0x2000  }
0x110: {  	[sflag:s11] =	ssyncset.done $0x0  }
0x111: {  	s26 =	simm.s32 $0x9C60;
	[sflag:s11] =	ssyncadd.s32 $0xFFFFE000  }
0x112: {  	v0 =	vld [tilespmem:s26+$0xFFFFFFF0]  }
0x113: {  	s0 =	sand.u32 $0x7F, s0;
	v2 =	vld [tilespmem:s26+$0x10]  }
0x114: {  	v4 =	vld.msk [tilespmem:s0+$0x11CC0 ss:$0x0], $0xffff  }
0x115: {  	v1 =	vld [tilespmem:s26+$0xFFFFFFE0]  }
0x116: {  	v5 =	vld [tilespmem:s26+$0x0];
	_ =	sdelay $0x3  }
0x117: {  	v1 =	vmul.f32 v4, v1;
	v3 =	vmul.f32 v2, v4  }
0x118: {  	s28 =	simm.s32 $0x1;
	s0 =	simm.s32 $0x9C60;
	v2 =	vmul.f32 v0, v4;
	v0 =	vmul.f32 v5, v4  }
.LBB2_22:
0x119: {  	p1 =	sne.s32 s28, $0x7F  }
0x11a: {  	[tilespmem:s26+$0x10] =	vst v3;
	s0 =	sadd.s32 $0x40, s0;
	s5 =	smov.u32 s28;
	s28 =	sadd.s32 $0x1, s28  }
0x11b: {  	[tilespmem:s26+$0xFFFFFFE0] =	vst v1  }
0x11c: {  	v4 =	vld [tilespmem:s0+$0xFFFFFFF0];
	[tilespmem:s26+$0xFFFFFFF0] =	vst v2  }
0x11d: {  	s5 =	sand.u32 $0x7F, s5;
	v2 =	vld [tilespmem:s0+$0x10];
	[tilespmem:s26+$0x0] =	vst v0;
	s26 =	smov.u32 s0  }
0x11e: {  	v0 =	vld.msk [tilespmem:s5+$0x11CC0 ss:$0x0], $0xffff  }
0x11f: {  	v1 =	vld [tilespmem:s0+$0xFFFFFFE0]  }
0x120: {  	v5 =	vld [tilespmem:s0+$0x0]  }
.Ltmp9:
0x121: {  	(pc) =	sbr.rel @p1 .LBB2_22-.Ltmp9, $3  }
0x122: {  	_ =	sdelay $0x1  }
0x123: {  	v3 =	vmul.f32 v2, v0;
	v1 =	vmul.f32 v0, v1  }
0x124: {  	v2 =	vmul.f32 v4, v0;
	v0 =	vmul.f32 v5, v0  }
0x125: {  	[tilespmem:s26+$0x10] =	vst v3  }
0x126: {  	[tilespmem:s26+$0xFFFFFFE0] =	vst v1  }
0x127: {  	[tilespmem:s26+$0xFFFFFFF0] =	vst v2  }
0x128: {  	s0 =	simm.s32 $0x0;
	s5 =	rddreg [dreg:$0x16];
	[tilespmem:s26+$0x0] =	vst v0  }
0x129: {  	[hbm4b:s5+s0] =	stream.linear.scatter [tilespmem:s15], [sflag:$0x9], $0x2000, $0x38;
	[tilespmem:$0x1BB08] =	vst v63  }
0x12a: {  	_ =	swait.ge [sflag:s11], $0x2000  }
0x12b: {  	s14 =	sld [smem:$0x7F8]  }
0x12c: {  	[sflag:s11] =	ssyncset.done $0x0  }
0x12d: {  	s26 =	sshrl.u32 s20, $0x3;
	[sflag:s11] =	ssyncadd.s32 $0xFFFFE000  }
0x12e: {  	[spmem:s26], [sflag:s30] =	dma.local [hbm:s14], $0x400  }
0x12f: {  	_ =	swait.ge [sflag:s11], $0x400  }
0x130: {  	[sflag:s11] =	ssyncset.done $0x0  }
0x131: {  	[sflag:s11] =	ssyncadd.s32 $0xFFFFFC00  }
0x132: {  	[tilespmem:s15], [sflag:$0x9] =	stream.linear.gather [spmem:s22], $0x2000, $0x38;
	[tilespmem:$0x1BB08] =	vst v63  }
0x133: {  	_ =	swait.ge [sflag:s11], $0x2000  }
0x134: {  	[sflag:s11] =	ssyncset.done $0x0  }
0x135: {  	s26 =	simm.s32 $0x9C60;
	[sflag:s11] =	ssyncadd.s32 $0xFFFFE000  }
0x136: {  	v0 =	vld [tilespmem:s26+$0xFFFFFFF0]  }
0x137: {  	s0 =	sand.u32 $0x7F, s0;
	v2 =	vld [tilespmem:s26+$0x10]  }
0x138: {  	v4 =	vld.msk [tilespmem:s0+$0x11D40 ss:$0x0], $0xffff  }
0x139: {  	v1 =	vld [tilespmem:s26+$0xFFFFFFE0]  }
0x13a: {  	v5 =	vld [tilespmem:s26+$0x0];
	_ =	sdelay $0x3  }
0x13b: {  	v1 =	vmul.f32 v4, v1;
	v3 =	vmul.f32 v2, v4  }
0x13c: {  	s28 =	simm.s32 $0x1;
	s0 =	simm.s32 $0x9C60;
	v2 =	vmul.f32 v0, v4;
	v0 =	vmul.f32 v5, v4  }
.LBB2_24:
0x13d: {  	p1 =	sne.s32 s28, $0x7F  }
0x13e: {  	[tilespmem:s26+$0x10] =	vst v3;
	s0 =	sadd.s32 $0x40, s0;
	s5 =	smov.u32 s28;
	s28 =	sadd.s32 $0x1, s28  }
0x13f: {  	[tilespmem:s26+$0xFFFFFFE0] =	vst v1  }
0x140: {  	v4 =	vld [tilespmem:s0+$0xFFFFFFF0];
	[tilespmem:s26+$0xFFFFFFF0] =	vst v2  }
0x141: {  	s5 =	sand.u32 $0x7F, s5;
	v2 =	vld [tilespmem:s0+$0x10];
	[tilespmem:s26+$0x0] =	vst v0;
	s26 =	smov.u32 s0  }
0x142: {  	v0 =	vld.msk [tilespmem:s5+$0x11D40 ss:$0x0], $0xffff  }
0x143: {  	v1 =	vld [tilespmem:s0+$0xFFFFFFE0]  }
0x144: {  	v5 =	vld [tilespmem:s0+$0x0]  }
.Ltmp10:
0x145: {  	(pc) =	sbr.rel @p1 .LBB2_24-.Ltmp10, $3  }
0x146: {  	_ =	sdelay $0x1  }
0x147: {  	v3 =	vmul.f32 v2, v0;
	v1 =	vmul.f32 v0, v1  }
0x148: {  	v2 =	vmul.f32 v4, v0;
	v0 =	vmul.f32 v5, v0  }
0x149: {  	[tilespmem:s26+$0x10] =	vst v3  }
0x14a: {  	[tilespmem:s26+$0xFFFFFFE0] =	vst v1  }
0x14b: {  	[tilespmem:s26+$0xFFFFFFF0] =	vst v2  }
0x14c: {  	s0 =	simm.s32 $0x0;
	s5 =	rddreg [dreg:$0x18];
	[tilespmem:s26+$0x0] =	vst v0  }
0x14d: {  	[hbm4b:s5+s0] =	stream.linear.scatter [tilespmem:s15], [sflag:$0x9], $0x2000, $0x38;
	[tilespmem:$0x1BB08] =	vst v63  }
0x14e: {  	_ =	swait.ge [sflag:s11], $0x2000  }
0x14f: {  	s14 =	sld [smem:$0x7F9]  }
0x150: {  	[sflag:s11] =	ssyncset.done $0x0  }
0x151: {  	s26 =	sshrl.u32 s22, $0x3;
	[sflag:s11] =	ssyncadd.s32 $0xFFFFE000  }
0x152: {  	[spmem:s26], [sflag:s30] =	dma.local [hbm:s14], $0x400  }
0x153: {  	_ =	swait.ge [sflag:s11], $0x400  }
0x154: {  	[sflag:s11] =	ssyncset.done $0x0  }
0x155: {  	[sflag:s11] =	ssyncadd.s32 $0xFFFFFC00  }
0x156: {  	[tilespmem:s15], [sflag:$0x9] =	stream.linear.gather [spmem:s24], $0x2000, $0x38;
	[tilespmem:$0x1BB08] =	vst v63  }
0x157: {  	_ =	swait.ge [sflag:s11], $0x2000  }
0x158: {  	[sflag:s11] =	ssyncset.done $0x0  }
0x159: {  	s26 =	simm.s32 $0x9C60;
	[sflag:s11] =	ssyncadd.s32 $0xFFFFE000  }
0x15a: {  	v0 =	vld [tilespmem:s26+$0xFFFFFFF0]  }
0x15b: {  	s0 =	sand.u32 $0x7F, s0;
	v2 =	vld [tilespmem:s26+$0x10]  }
0x15c: {  	v4 =	vld.msk [tilespmem:s0+$0x11DC0 ss:$0x0], $0xffff  }
0x15d: {  	v1 =	vld [tilespmem:s26+$0xFFFFFFE0]  }
0x15e: {  	v5 =	vld [tilespmem:s26+$0x0];
	_ =	sdelay $0x3  }
0x15f: {  	v1 =	vmul.f32 v4, v1;
	v3 =	vmul.f32 v2, v4  }
0x160: {  	s28 =	simm.s32 $0x1;
	s0 =	simm.s32 $0x9C60;
	v2 =	vmul.f32 v0, v4;
	v0 =	vmul.f32 v5, v4  }
.LBB2_26:
0x161: {  	p1 =	sne.s32 s28, $0x7F  }
0x162: {  	[tilespmem:s26+$0x10] =	vst v3;
	s0 =	sadd.s32 $0x40, s0;
	s5 =	smov.u32 s28;
	s28 =	sadd.s32 $0x1, s28  }
0x163: {  	[tilespmem:s26+$0xFFFFFFE0] =	vst v1  }
0x164: {  	v4 =	vld [tilespmem:s0+$0xFFFFFFF0];
	[tilespmem:s26+$0xFFFFFFF0] =	vst v2  }
0x165: {  	s5 =	sand.u32 $0x7F, s5;
	v2 =	vld [tilespmem:s0+$0x10];
	[tilespmem:s26+$0x0] =	vst v0;
	s26 =	smov.u32 s0  }
0x166: {  	v0 =	vld.msk [tilespmem:s5+$0x11DC0 ss:$0x0], $0xffff  }
0x167: {  	v1 =	vld [tilespmem:s0+$0xFFFFFFE0]  }
0x168: {  	v5 =	vld [tilespmem:s0+$0x0]  }
.Ltmp11:
0x169: {  	(pc) =	sbr.rel @p1 .LBB2_26-.Ltmp11, $3  }
0x16a: {  	_ =	sdelay $0x1  }
0x16b: {  	v3 =	vmul.f32 v2, v0;
	v1 =	vmul.f32 v0, v1  }
0x16c: {  	v2 =	vmul.f32 v4, v0;
	v0 =	vmul.f32 v5, v0  }
0x16d: {  	[tilespmem:s26+$0x10] =	vst v3  }
0x16e: {  	[tilespmem:s26+$0xFFFFFFE0] =	vst v1  }
0x16f: {  	[tilespmem:s26+$0xFFFFFFF0] =	vst v2  }
0x170: {  	s0 =	simm.s32 $0x0;
	s5 =	rddreg [dreg:$0x1a];
	[tilespmem:s26+$0x0] =	vst v0  }
0x171: {  	[hbm4b:s5+s0] =	stream.linear.scatter [tilespmem:s15], [sflag:$0x9], $0x2000, $0x38;
	[tilespmem:$0x1BB08] =	vst v63  }
0x172: {  	_ =	swait.ge [sflag:s11], $0x2000  }
0x173: {  	s26 =	sld [smem:$0x7FA]  }
0x174: {  	[sflag:s11] =	ssyncset.done $0x0  }
0x175: {  	s14 =	sshrl.u32 s24, $0x3;
	[sflag:s11] =	ssyncadd.s32 $0xFFFFE000  }
0x176: {  	[spmem:s14], [sflag:s30] =	dma.local [hbm:s26], $0x400  }
0x177: {  	_ =	swait.ge [sflag:s11], $0x400  }
0x178: {  	[sflag:s11] =	ssyncset.done $0x0  }
0x179: {  	[sflag:s11] =	ssyncadd.s32 $0xFFFFFC00  }
0x17a: {  	[tilespmem:s15], [sflag:$0x9] =	stream.linear.gather [spmem:s3], $0x200, $0x38;
	[tilespmem:$0x1BB08] =	vst v63  }
0x17b: {  	_ =	swait.ge [sflag:s11], $0x200  }
0x17c: {  	[sflag:s11] =	ssyncset.done $0x0  }
0x17d: {  	s26 =	simm.s32 $0x9C60;
	[sflag:s11] =	ssyncadd.s32 $0xFFFFFE00  }
0x17e: {  	v0 =	vld [tilespmem:s26+$0xFFFFFFF0]  }
0x17f: {  	s14 =	simm.s32 $0x0;
	v2 =	vld [tilespmem:s26+$0x10]  }
0x180: {  	v4 =	vld.msk [tilespmem:s14+$0x11E40 ss:$0x0], $0xffff  }
0x181: {  	v1 =	vld [tilespmem:s26+$0xFFFFFFE0]  }
0x182: {  	v5 =	vld [tilespmem:s26+$0x0];
	_ =	sdelay $0x3  }
0x183: {  	v1 =	vmul.f32 v4, v1;
	v3 =	vmul.f32 v2, v4  }
0x184: {  	s28 =	simm.s32 $0x4;
	s0 =	simm.s32 $0x9C60;
	v2 =	vmul.f32 v0, v4;
	v0 =	vmul.f32 v5, v4  }
.LBB2_28:
0x185: {  	p1 =	sne.s32 s28, $0x1C  }
0x186: {  	[tilespmem:s26+$0x10] =	vst v3;
	s0 =	sadd.s32 $0x40, s0;
	s5 =	smov.u32 s28;
	s28 =	sadd.s32 $0x4, s28  }
0x187: {  	[tilespmem:s26+$0xFFFFFFE0] =	vst v1  }
0x188: {  	v4 =	vld [tilespmem:s0+$0xFFFFFFF0];
	[tilespmem:s26+$0xFFFFFFF0] =	vst v2  }
0x189: {  	s5 =	sshra.s32 s5, $0x2;
	v2 =	vld [tilespmem:s0+$0x10];
	[tilespmem:s26+$0x0] =	vst v0;
	s26 =	smov.u32 s0  }
0x18a: {  	v0 =	vld.msk [tilespmem:s5+$0x11E40 ss:$0x0], $0xffff  }
0x18b: {  	v1 =	vld [tilespmem:s0+$0xFFFFFFE0]  }
0x18c: {  	v5 =	vld [tilespmem:s0+$0x0]  }
.Ltmp12:
0x18d: {  	(pc) =	sbr.rel @p1 .LBB2_28-.Ltmp12, $3  }
0x18e: {  	_ =	sdelay $0x1  }
0x18f: {  	v3 =	vmul.f32 v2, v0;
	v1 =	vmul.f32 v0, v1  }
0x190: {  	v2 =	vmul.f32 v4, v0;
	v0 =	vmul.f32 v5, v0  }
0x191: {  	[tilespmem:s26+$0x10] =	vst v3  }
0x192: {  	[tilespmem:s26+$0xFFFFFFE0] =	vst v1  }
0x193: {  	[tilespmem:s26+$0xFFFFFFF0] =	vst v2  }
0x194: {  	s0 =	rddreg [dreg:$0x1d];
	[tilespmem:s26+$0x0] =	vst v0  }
0x195: {  	[hbm4b:s0+s2] =	stream.linear.scatter [tilespmem:s15], [sflag:$0x9], $0x200, $0x38;
	[tilespmem:$0x1BB08] =	vst v63  }
0x196: {  	_ =	swait.ge [sflag:s11], $0x200  }
0x197: {  	s5 =	sld [smem:$0x7FB]  }
0x198: {  	[sflag:s11] =	ssyncset.done $0x0  }
.Ltmp13:
0x199: {  	s28 =	sshrl.u32 s3, $0x3;
	[sflag:s11] =	ssyncadd.s32 $0xFFFFFE00;
	(pc) =	sbr.rel .LBB2_30-.Ltmp13, $4  }
0x19a: {  	[spmem:s28], [sflag:s30] =	dma.local [hbm:s5], $0x40  }
0x19b: {  	_ =	swait.ge [sflag:s11], $0x40  }
0x19c: {  	[sflag:s11] =	ssyncset.done $0x0  }
0x19d: {  	[sflag:s11] =	ssyncadd.s32 $0xFFFFFFC0  }
.LBB2_8:
0x19e: {  	[tilespmem:s15], [sflag:$0x9] =	stream.linear.gather [spmem:s6], $0x2000, $0x38;
	[tilespmem:$0x1BB08] =	vst v63  }
0x19f: {  	_ =	swait.ge [sflag:s11], $0x2000  }
0x1a0: {  	[sflag:s11] =	ssyncset.done $0x0  }
0x1a1: {  	s26 =	simm.s32 $0x9C60;
	[sflag:s11] =	ssyncadd.s32 $0xFFFFE000  }
0x1a2: {  	v0 =	vld [tilespmem:s26+$0xFFFFFFF0]  }
0x1a3: {  	s0 =	simm.s32 $0x0;
	v2 =	vld [tilespmem:s26+$0x10]  }
0x1a4: {  	v4 =	vld.msk [tilespmem:s0+$0x11C40 ss:$0x0], $0xffff  }
0x1a5: {  	v1 =	vld [tilespmem:s26+$0xFFFFFFE0]  }
0x1a6: {  	v5 =	vld [tilespmem:s26+$0x0];
	_ =	sdelay $0x3  }
0x1a7: {  	v1 =	vmul.f32 v4, v1;
	v3 =	vmul.f32 v2, v4  }
0x1a8: {  	s28 =	simm.s32 $0x4;
	s30 =	simm.s32 $0x9C60;
	v2 =	vmul.f32 v0, v4;
	v0 =	vmul.f32 v5, v4  }
.LBB2_9:
0x1a9: {  	p1 =	sne.s32 s28, $0x1FC  }
0x1aa: {  	[tilespmem:s26+$0x10] =	vst v3;
	s30 =	sadd.s32 $0x40, s30;
	s0 =	smov.u32 s28;
	s28 =	sadd.s32 $0x4, s28  }
0x1ab: {  	[tilespmem:s26+$0xFFFFFFE0] =	vst v1  }
0x1ac: {  	v4 =	vld [tilespmem:s30+$0xFFFFFFF0];
	[tilespmem:s26+$0xFFFFFFF0] =	vst v2  }
0x1ad: {  	s0 =	sshra.s32 s0, $0x2;
	v2 =	vld [tilespmem:s30+$0x10];
	[tilespmem:s26+$0x0] =	vst v0;
	s26 =	smov.u32 s30  }
0x1ae: {  	v0 =	vld.msk [tilespmem:s0+$0x11C40 ss:$0x0], $0xffff  }
0x1af: {  	v1 =	vld [tilespmem:s30+$0xFFFFFFE0]  }
0x1b0: {  	v5 =	vld [tilespmem:s30+$0x0]  }
.Ltmp14:
0x1b1: {  	(pc) =	sbr.rel @p1 .LBB2_9-.Ltmp14, $3  }
0x1b2: {  	_ =	sdelay $0x1  }
0x1b3: {  	v3 =	vmul.f32 v2, v0;
	v1 =	vmul.f32 v0, v1  }
0x1b4: {  	v2 =	vmul.f32 v4, v0;
	v0 =	vmul.f32 v5, v0  }
0x1b5: {  	[tilespmem:s26+$0x10] =	vst v3  }
0x1b6: {  	[tilespmem:s26+$0xFFFFFFE0] =	vst v1  }
0x1b7: {  	[tilespmem:s26+$0xFFFFFFF0] =	vst v2  }
0x1b8: {  	s0 =	simm.s32 $0x0;
	s5 =	rddreg [dreg:$0x6];
	[tilespmem:s26+$0x0] =	vst v0;
	s26 =	stileid.u32  }
0x1b9: {  	[hbm4b:s5+s0] =	stream.linear.scatter [tilespmem:s15], [sflag:$0x9], $0x2000, $0x38;
	[tilespmem:$0x1BB08] =	vst v63  }
0x1ba: {  	s5 =	sshll.u32 s26, $0x6;
	_ =	swait.ge [sflag:s11], $0x2000  }
0x1bb: {  	s26 =	sor.u32 $0x1C09, s5;
	[sflag:s11] =	ssyncset.done $0x0  }
0x1bc: {  	s5 =	sshrl.u32 s6, $0x3;
	s14 =	rddreg [dreg:$0x5];
	[sflag:s11] =	ssyncadd.s32 $0xFFFFE000  }
0x1bd: {  	[spmem:s5], [sflag:s26] =	dma.local [hbm:s14], $0x400  }
0x1be: {  	_ =	swait.ge [sflag:s11], $0x400  }
0x1bf: {  	[sflag:s11] =	ssyncset.done $0x0  }
0x1c0: {  	[sflag:s11] =	ssyncadd.s32 $0xFFFFFC00  }
0x1c1: {  	[tilespmem:s15], [sflag:$0x9] =	stream.linear.gather [spmem:s8], $0x2000, $0x38;
	[tilespmem:$0x1BB08] =	vst v63  }
0x1c2: {  	_ =	swait.ge [sflag:s11], $0x2000  }
0x1c3: {  	[sflag:s11] =	ssyncset.done $0x0  }
0x1c4: {  	s30 =	simm.s32 $0x9C60;
	[sflag:s11] =	ssyncadd.s32 $0xFFFFE000  }
0x1c5: {  	v0 =	vld [tilespmem:s30+$0xFFFFFFF0]  }
0x1c6: {  	s0 =	sand.u32 $0x7F, s0;
	v2 =	vld [tilespmem:s30+$0x10]  }
0x1c7: {  	v4 =	vld.msk [tilespmem:s0+$0x11CC0 ss:$0x0], $0xffff  }
0x1c8: {  	v1 =	vld [tilespmem:s30+$0xFFFFFFE0]  }
0x1c9: {  	v5 =	vld [tilespmem:s30+$0x0];
	_ =	sdelay $0x3  }
0x1ca: {  	v1 =	vmul.f32 v4, v1;
	v3 =	vmul.f32 v2, v4  }
0x1cb: {  	s28 =	simm.s32 $0x1;
	s0 =	simm.s32 $0x9C60;
	v2 =	vmul.f32 v0, v4;
	v0 =	vmul.f32 v5, v4  }
.LBB2_11:
0x1cc: {  	p1 =	sne.s32 s28, $0x7F  }
0x1cd: {  	[tilespmem:s30+$0x10] =	vst v3;
	s0 =	sadd.s32 $0x40, s0;
	s5 =	smov.u32 s28;
	s28 =	sadd.s32 $0x1, s28  }
0x1ce: {  	[tilespmem:s30+$0xFFFFFFE0] =	vst v1  }
0x1cf: {  	v4 =	vld [tilespmem:s0+$0xFFFFFFF0];
	[tilespmem:s30+$0xFFFFFFF0] =	vst v2  }
0x1d0: {  	s5 =	sand.u32 $0x7F, s5;
	v2 =	vld [tilespmem:s0+$0x10];
	[tilespmem:s30+$0x0] =	vst v0;
	s30 =	smov.u32 s0  }
0x1d1: {  	v0 =	vld.msk [tilespmem:s5+$0x11CC0 ss:$0x0], $0xffff  }
0x1d2: {  	v1 =	vld [tilespmem:s0+$0xFFFFFFE0]  }
0x1d3: {  	v5 =	vld [tilespmem:s0+$0x0]  }
.Ltmp15:
0x1d4: {  	(pc) =	sbr.rel @p1 .LBB2_11-.Ltmp15, $3  }
0x1d5: {  	_ =	sdelay $0x1  }
0x1d6: {  	v3 =	vmul.f32 v2, v0;
	v1 =	vmul.f32 v0, v1  }
0x1d7: {  	v2 =	vmul.f32 v4, v0;
	v0 =	vmul.f32 v5, v0  }
0x1d8: {  	[tilespmem:s30+$0x10] =	vst v3  }
0x1d9: {  	[tilespmem:s30+$0xFFFFFFE0] =	vst v1  }
0x1da: {  	[tilespmem:s30+$0xFFFFFFF0] =	vst v2  }
0x1db: {  	s0 =	simm.s32 $0x0;
	s5 =	rddreg [dreg:$0xc];
	[tilespmem:s30+$0x0] =	vst v0  }
0x1dc: {  	[hbm4b:s5+s0] =	stream.linear.scatter [tilespmem:s15], [sflag:$0x9], $0x2000, $0x38;
	[tilespmem:$0x1BB08] =	vst v63  }
0x1dd: {  	_ =	swait.ge [sflag:s11], $0x2000  }
0x1de: {  	[sflag:s11] =	ssyncset.done $0x0  }
0x1df: {  	s5 =	sshrl.u32 s8, $0x3;
	s14 =	rddreg [dreg:$0x7];
	[sflag:s11] =	ssyncadd.s32 $0xFFFFE000  }
0x1e0: {  	[spmem:s5], [sflag:s26] =	dma.local [hbm:s14], $0x400  }
0x1e1: {  	_ =	swait.ge [sflag:s11], $0x400  }
0x1e2: {  	[sflag:s11] =	ssyncset.done $0x0  }
0x1e3: {  	[sflag:s11] =	ssyncadd.s32 $0xFFFFFC00  }
0x1e4: {  	[tilespmem:s15], [sflag:$0x9] =	stream.linear.gather [spmem:s9], $0x2000, $0x38;
	[tilespmem:$0x1BB08] =	vst v63  }
0x1e5: {  	_ =	swait.ge [sflag:s11], $0x2000  }
0x1e6: {  	[sflag:s11] =	ssyncset.done $0x0  }
0x1e7: {  	s30 =	simm.s32 $0x9C60;
	[sflag:s11] =	ssyncadd.s32 $0xFFFFE000  }
0x1e8: {  	v0 =	vld [tilespmem:s30+$0xFFFFFFF0]  }
0x1e9: {  	s0 =	sand.u32 $0x7F, s0;
	v2 =	vld [tilespmem:s30+$0x10]  }
0x1ea: {  	v4 =	vld.msk [tilespmem:s0+$0x11D40 ss:$0x0], $0xffff  }
0x1eb: {  	v1 =	vld [tilespmem:s30+$0xFFFFFFE0]  }
0x1ec: {  	v5 =	vld [tilespmem:s30+$0x0];
	_ =	sdelay $0x3  }
0x1ed: {  	v1 =	vmul.f32 v4, v1;
	v3 =	vmul.f32 v2, v4  }
0x1ee: {  	s28 =	simm.s32 $0x1;
	s0 =	simm.s32 $0x9C60;
	v2 =	vmul.f32 v0, v4;
	v0 =	vmul.f32 v5, v4  }
.LBB2_13:
0x1ef: {  	p1 =	sne.s32 s28, $0x7F  }
0x1f0: {  	[tilespmem:s30+$0x10] =	vst v3;
	s0 =	sadd.s32 $0x40, s0;
	s5 =	smov.u32 s28;
	s28 =	sadd.s32 $0x1, s28  }
0x1f1: {  	[tilespmem:s30+$0xFFFFFFE0] =	vst v1  }
0x1f2: {  	v4 =	vld [tilespmem:s0+$0xFFFFFFF0];
	[tilespmem:s30+$0xFFFFFFF0] =	vst v2  }
0x1f3: {  	s5 =	sand.u32 $0x7F, s5;
	v2 =	vld [tilespmem:s0+$0x10];
	[tilespmem:s30+$0x0] =	vst v0;
	s30 =	smov.u32 s0  }
0x1f4: {  	v0 =	vld.msk [tilespmem:s5+$0x11D40 ss:$0x0], $0xffff  }
0x1f5: {  	v1 =	vld [tilespmem:s0+$0xFFFFFFE0]  }
0x1f6: {  	v5 =	vld [tilespmem:s0+$0x0]  }
.Ltmp16:
0x1f7: {  	(pc) =	sbr.rel @p1 .LBB2_13-.Ltmp16, $3  }
0x1f8: {  	_ =	sdelay $0x1  }
0x1f9: {  	v3 =	vmul.f32 v2, v0;
	v1 =	vmul.f32 v0, v1  }
0x1fa: {  	v2 =	vmul.f32 v4, v0;
	v0 =	vmul.f32 v5, v0  }
0x1fb: {  	[tilespmem:s30+$0x10] =	vst v3  }
0x1fc: {  	[tilespmem:s30+$0xFFFFFFE0] =	vst v1  }
0x1fd: {  	[tilespmem:s30+$0xFFFFFFF0] =	vst v2  }
0x1fe: {  	s0 =	simm.s32 $0x0;
	s5 =	rddreg [dreg:$0xe];
	[tilespmem:s30+$0x0] =	vst v0  }
0x1ff: {  	[hbm4b:s5+s0] =	stream.linear.scatter [tilespmem:s15], [sflag:$0x9], $0x2000, $0x38;
	[tilespmem:$0x1BB08] =	vst v63  }
0x200: {  	_ =	swait.ge [sflag:s11], $0x2000  }
0x201: {  	[sflag:s11] =	ssyncset.done $0x0  }
0x202: {  	s5 =	sshrl.u32 s9, $0x3;
	s14 =	rddreg [dreg:$0x8];
	[sflag:s11] =	ssyncadd.s32 $0xFFFFE000  }
0x203: {  	[spmem:s5], [sflag:s26] =	dma.local [hbm:s14], $0x400  }
0x204: {  	_ =	swait.ge [sflag:s11], $0x400  }
0x205: {  	[sflag:s11] =	ssyncset.done $0x0  }
0x206: {  	[sflag:s11] =	ssyncadd.s32 $0xFFFFFC00  }
0x207: {  	[tilespmem:s15], [sflag:$0x9] =	stream.linear.gather [spmem:s10], $0x2000, $0x38;
	[tilespmem:$0x1BB08] =	vst v63  }
0x208: {  	_ =	swait.ge [sflag:s11], $0x2000  }
0x209: {  	[sflag:s11] =	ssyncset.done $0x0  }
0x20a: {  	s30 =	simm.s32 $0x9C60;
	[sflag:s11] =	ssyncadd.s32 $0xFFFFE000  }
0x20b: {  	v0 =	vld [tilespmem:s30+$0xFFFFFFF0]  }
0x20c: {  	s0 =	sand.u32 $0x7F, s0;
	v2 =	vld [tilespmem:s30+$0x10]  }
0x20d: {  	v4 =	vld.msk [tilespmem:s0+$0x11DC0 ss:$0x0], $0xffff  }
0x20e: {  	v1 =	vld [tilespmem:s30+$0xFFFFFFE0]  }
0x20f: {  	v5 =	vld [tilespmem:s30+$0x0];
	_ =	sdelay $0x3  }
0x210: {  	v1 =	vmul.f32 v4, v1;
	v3 =	vmul.f32 v2, v4  }
0x211: {  	s28 =	simm.s32 $0x1;
	s0 =	simm.s32 $0x9C60;
	v2 =	vmul.f32 v0, v4;
	v0 =	vmul.f32 v5, v4  }
.LBB2_15:
0x212: {  	p1 =	sne.s32 s28, $0x7F  }
0x213: {  	[tilespmem:s30+$0x10] =	vst v3;
	s0 =	sadd.s32 $0x40, s0;
	s5 =	smov.u32 s28;
	s28 =	sadd.s32 $0x1, s28  }
0x214: {  	[tilespmem:s30+$0xFFFFFFE0] =	vst v1  }
0x215: {  	v4 =	vld [tilespmem:s0+$0xFFFFFFF0];
	[tilespmem:s30+$0xFFFFFFF0] =	vst v2  }
0x216: {  	s5 =	sand.u32 $0x7F, s5;
	v2 =	vld [tilespmem:s0+$0x10];
	[tilespmem:s30+$0x0] =	vst v0;
	s30 =	smov.u32 s0  }
0x217: {  	v0 =	vld.msk [tilespmem:s5+$0x11DC0 ss:$0x0], $0xffff  }
0x218: {  	v1 =	vld [tilespmem:s0+$0xFFFFFFE0]  }
0x219: {  	v5 =	vld [tilespmem:s0+$0x0]  }
.Ltmp17:
0x21a: {  	(pc) =	sbr.rel @p1 .LBB2_15-.Ltmp17, $3  }
0x21b: {  	_ =	sdelay $0x1  }
0x21c: {  	v3 =	vmul.f32 v2, v0;
	v1 =	vmul.f32 v0, v1  }
0x21d: {  	v2 =	vmul.f32 v4, v0;
	v0 =	vmul.f32 v5, v0  }
0x21e: {  	[tilespmem:s30+$0x10] =	vst v3  }
0x21f: {  	[tilespmem:s30+$0xFFFFFFE0] =	vst v1  }
0x220: {  	[tilespmem:s30+$0xFFFFFFF0] =	vst v2  }
0x221: {  	s0 =	simm.s32 $0x0;
	s5 =	rddreg [dreg:$0x10];
	[tilespmem:s30+$0x0] =	vst v0  }
0x222: {  	[hbm4b:s5+s0] =	stream.linear.scatter [tilespmem:s15], [sflag:$0x9], $0x2000, $0x38;
	[tilespmem:$0x1BB08] =	vst v63  }
0x223: {  	_ =	swait.ge [sflag:s11], $0x2000  }
0x224: {  	[sflag:s11] =	ssyncset.done $0x0  }
0x225: {  	s5 =	sshrl.u32 s10, $0x3;
	s14 =	rddreg [dreg:$0x9];
	[sflag:s11] =	ssyncadd.s32 $0xFFFFE000  }
0x226: {  	[spmem:s5], [sflag:s26] =	dma.local [hbm:s14], $0x400  }
0x227: {  	_ =	swait.ge [sflag:s11], $0x400  }
0x228: {  	[sflag:s11] =	ssyncset.done $0x0  }
0x229: {  	[sflag:s11] =	ssyncadd.s32 $0xFFFFFC00  }
0x22a: {  	[tilespmem:s15], [sflag:$0x9] =	stream.linear.gather [spmem:s12], $0x1E00, $0x38;
	[tilespmem:$0x1BB08] =	vst v63  }
0x22b: {  	_ =	swait.ge [sflag:s11], $0x1E00  }
0x22c: {  	[sflag:s11] =	ssyncset.done $0x0  }
0x22d: {  	s30 =	simm.s32 $0x9C60;
	[sflag:s11] =	ssyncadd.s32 $0xFFFFE200  }
0x22e: {  	v0 =	vld [tilespmem:s30+$0xFFFFFFF0]  }
0x22f: {  	s0 =	sand.u32 $0x7F, s0;
	v2 =	vld [tilespmem:s30+$0x10]  }
0x230: {  	v4 =	vld.msk [tilespmem:s0+$0x11E40 ss:$0x0], $0xffff  }
0x231: {  	v1 =	vld [tilespmem:s30+$0xFFFFFFE0]  }
0x232: {  	v5 =	vld [tilespmem:s30+$0x0];
	_ =	sdelay $0x3  }
0x233: {  	v1 =	vmul.f32 v4, v1;
	v3 =	vmul.f32 v2, v4  }
0x234: {  	s28 =	simm.s32 $0x1;
	s0 =	simm.s32 $0x9C60;
	v2 =	vmul.f32 v0, v4;
	v0 =	vmul.f32 v5, v4  }
.LBB2_17:
0x235: {  	p1 =	sne.s32 s28, $0x77  }
0x236: {  	[tilespmem:s30+$0x10] =	vst v3;
	s0 =	sadd.s32 $0x40, s0;
	s5 =	smov.u32 s28;
	s28 =	sadd.s32 $0x1, s28  }
0x237: {  	[tilespmem:s30+$0xFFFFFFE0] =	vst v1  }
0x238: {  	v4 =	vld [tilespmem:s0+$0xFFFFFFF0];
	[tilespmem:s30+$0xFFFFFFF0] =	vst v2  }
0x239: {  	s5 =	sand.u32 $0x7F, s5;
	v2 =	vld [tilespmem:s0+$0x10];
	[tilespmem:s30+$0x0] =	vst v0;
	s30 =	smov.u32 s0  }
0x23a: {  	v0 =	vld.msk [tilespmem:s5+$0x11E40 ss:$0x0], $0xffff  }
0x23b: {  	v1 =	vld [tilespmem:s0+$0xFFFFFFE0]  }
0x23c: {  	v5 =	vld [tilespmem:s0+$0x0]  }
.Ltmp18:
0x23d: {  	(pc) =	sbr.rel @p1 .LBB2_17-.Ltmp18, $3  }
0x23e: {  	_ =	sdelay $0x1  }
0x23f: {  	v3 =	vmul.f32 v2, v0;
	v1 =	vmul.f32 v0, v1  }
0x240: {  	v2 =	vmul.f32 v4, v0;
	v0 =	vmul.f32 v5, v0  }
0x241: {  	[tilespmem:s30+$0x10] =	vst v3  }
0x242: {  	[tilespmem:s30+$0xFFFFFFE0] =	vst v1  }
0x243: {  	[tilespmem:s30+$0xFFFFFFF0] =	vst v2  }
0x244: {  	s0 =	rddreg [dreg:$0x12];
	[tilespmem:s30+$0x0] =	vst v0  }
0x245: {  	[hbm4b:s0+s2] =	stream.linear.scatter [tilespmem:s15], [sflag:$0x9], $0x1E00, $0x38;
	[tilespmem:$0x1BB08] =	vst v63  }
0x246: {  	_ =	swait.ge [sflag:s11], $0x1E00  }
0x247: {  	[sflag:s11] =	ssyncset.done $0x0  }
0x248: {  	s30 =	sshrl.u32 s12, $0x3;
	s5 =	rddreg [dreg:$0xa];
	[sflag:s11] =	ssyncadd.s32 $0xFFFFE200  }
0x249: {  	[spmem:s30], [sflag:s26] =	dma.local [hbm:s5], $0x3C0  }
0x24a: {  	_ =	swait.ge [sflag:s11], $0x3C0  }
0x24b: {  	[sflag:s11] =	ssyncset.done $0x0  }
0x24c: {  	[sflag:s11] =	ssyncadd.s32 $0xFFFFFC40  }
.LBB2_30:
.Ltmp19:
0x24d: {  	(pc) =	sbr.rel .LBB2_31-.Ltmp19, $4  }
0x24e: {  	[bflag:$0x0] =	sbarrier.arrive $0xFFFF;
	s0 =	simm.s32 $0xBC40  }
0x24f: {  	[tilespmem:s15], [sflag:$0x1] =	stream.indirect.gather [hbm4b:s31+s13], $0x40, s2, s13, $0xb8;
	[tilespmem:$0x1BB08] =	vst v63  }
0x250: {  	s26 =	simm.s32 $0x4E20;
	s30 =	simm.s32 $0xFFFFFFFE;
	s28 =	simm.s32 $0x100  }
0x251: {  	[tilespmem:s0], [sflag:$0x2] =	stream.indirect.gather [hbm4b:s31+s13], $0x40, s13, s13, $0xb8;
	[tilespmem:$0x1BB08] =	vst v63  }
.LBB2_32:
0x252: {  	s5 =	sadd.s32 $0x5, s14  }
0x253: {  	_ =	swait.ge [sflag:s5], $0x2000  }
0x254: {  	[sflag:s5] =	ssyncset.done $0x0  }
0x255: {  	[sflag:s5] =	ssyncadd.s32 $0xFFFFE000  }
.LBB2_34:
0x256: {  	s5 =	sshll.u32 s14, $0xD  }
0x257: {  	s14 =	sadd.s32 $0x1, s14;
	s5 =	sor.u32 $0x9C40, s5  }
0x258: {  	[tilespmem:s5], [sflag:s14] =	stream.indirect.gather [hbm4b:s31+s13], $0x40, s28, s13, $0xb8;
	[tilespmem:$0x1BB08] =	vst v63  }
.LBB2_35:
0x259: {  	s0 =	sand.u32 $0x3, s0;
	s30 =	sadd.s32 $0x1, s30  }
0x25a: {  	s5 =	sadd.s32 $0x1, s0;
	p1 =	sne.s32 s30, $0x9A  }
.Ltmp20:
0x25b: {  	_ =	swait.ge [sflag:s5], $0x2000;
	(pc) =	sbr.rel @!p1 .LBB2_36-.Ltmp20, $4  }
0x25c: {  	s14 =	sshll.u32 s0, $0xD;
	[sflag:s5] =	ssyncset.done $0x0  }
0x25d: {  	s0 =	sadd.s32 $0x5, s0;
	s14 =	sor.u32 $0x9C40, s14;
	[sflag:s5] =	ssyncadd.s32 $0xFFFFE000  }
0x25e: {  	[spmem:s1] =	stream.indirect.scatter.add.f32 [tilespmem:s14], [sflag:s0], $0x40, s26, s13, $0xb8;
	[tilespmem:$0x1BB08] =	vst v63  }
0x25f: {  	s28 =	sadd.s32 $0x80, s28;
	s26 =	sadd.s32 $0x80, s26  }
.LBB2_31:
0x260: {  	p1 =	sgt.u32 s30, $0x97  }
.Ltmp21:
0x261: {  	_ = 	snop;
	(pc) =	sbr.rel @!p1 .LBB2_32-.Ltmp21, $3  }
0x262: {  	_ =	sdelay $0x1  }
0x263: {  	s5 =	sadd.s32 $0x4, s30  }
0x264: {  	s0 =	sadd.s32 $0x2, s30;
	s14 =	sand.u32 $0x3, s5  }
0x265: {  	p1 =	sgt.u32 s0, $0x99  }
.Ltmp22:
0x266: {  	_ = 	snop;
	(pc) =	sbr.rel @p1 .LBB2_35-.Ltmp22, $4  }
.Ltmp23:
0x267: {  	_ = 	snop;
	(pc) =	sbr.rel @!p1 .LBB2_34-.Ltmp23, $4  }
0x268: {  	_ = 	snop  }
0x269: {  	_ = 	snop  }
0x26a: {  	_ = 	snop  }
0x26b: {  	_ = 	snop  }
.LBB2_37:
0x26c: {  	_ =	sfence.sel $0x180000  }
0x26d: {  	[bflag:$0x0] =	sbarrier.arrive $0xFFFF  }
0x26e: {  	_ =	strace $0x9000004A  }
0x26f: {  	s0 =	stileid.u32;
	[bflag:$0x2] =	sbarrier.arrive $0xFFFF  }
0x270: {  	p0 =	sne.s32 s0, $0x0;
	s0 =	rddreg [dreg:$0x3]  }
0x271: {  	s0 =	sadd.s32 @!p0 $0x100000, s0  }
0x272: {  	[sflag:s0] =	ssyncadd.tile.s32 @!p0 $0x1;
	_ =	shalt  }
.Lfunc_end2:
_tile_overlayer_lowered:
.L_overlay_start_2:
0x273: {  	(tag) =	ssettag $0x2  }
0x274: {  	s0 =	rddreg [dreg:$0x0];
	s2 =	stileid.u32  }
0x275: {  	s1 =	rddreg [dreg:$0x1];
	p0 =	sne.s32 s2, $0x0  }
0x276: {  	s3 =	rddreg [dreg:$0x2];
	[bflag:$0x3] =	sbarrier.arrive $0xFFFF;
	s2 =	simm.s32 @!p0 $0x1C09  }
0x277: {  	[timem:s3], [sflag:s2] =	dma.local @!p0 [hbm:s0], s1  }
0x278: {  	s0 =	simm.s32 @!p0 $0x9  }
0x279: {  	_ =	swait.ge @!p0 [sflag:s0], s1  }
0x27a: {  	s1 =	ssub.s32 @!p0 $0x0, s1;
	[sflag:s0] =	ssyncset.done @!p0 $0x0  }
0x27b: {  	[sflag:s0] =	ssyncadd.s32 @!p0 s1  }
0x27c: {  	[bflag:$0x3] =	sbarrier.arrive $0xFFFF  }
0x27d: {  	_ =	shalt  }

</sc_bundles>
